<compile_context>
chip_gen: v7x
topology: tpu7x:2x2x1
jax: 0.10.2.dev20260603
libtpu: 0.0.44.dev20260713+nightly
codegen_flags: <defaults>
</compile_context>

<pallas_src>
import functools

import jax
import jax.numpy as jnp
from jax import lax
from jax.experimental import pallas as pl
from jax.experimental.pallas import tpu as pltpu
from jax.experimental.pallas import tpu_sc as plsc

B, N, P, S, C = 4, 8192, 2048, 32, 256
CT = C + 3
R_IN2 = 0.8 * 0.8
R_OUT2 = 1.6 * 1.6
NC, NS, L = 2, 16, 16
NW = NC * NS
WPB = NW // B
QPW = P // WPB
SSEG = 8
PH = P // 2
NPAIR = C // (WPB * 2)


def _fused_body(xyz2, newxyz2, feat2,
                idxT, cnt_out, out4,
                idxv, sA0, sA1, sB0, sB1, qrow,
                ob0a, ob0b, ob1a, ob1b, idx_st, cnt_st, buf,
                sema, semb, semsA, semsB):
    w = lax.axis_index("c") * NS + lax.axis_index("s")
    b = w // WPB
    wi = w % WPB
    q0 = wi * QPW
    NSEG = S // SSEG

    pltpu.sync_copy(xyz2.at[pl.ds(b * 3 + 0, 1), :], sA0)
    pltpu.sync_copy(xyz2.at[pl.ds(b * 3 + 1, 1), :], sA1)
    pltpu.sync_copy(xyz2.at[pl.ds(b * 3 + 2, 1), :], sB0)
    qxr = sB1.at[0, pl.ds(0 * QPW, QPW)]
    qyr = sB1.at[0, pl.ds(1 * QPW, QPW)]
    qzr = sB1.at[0, pl.ds(2 * QPW, QPW)]
    pltpu.sync_copy(newxyz2.at[pl.ds(b * 3 + 0, 1), pl.ds(q0, QPW)],
                    sB1.at[pl.ds(0, 1), pl.ds(0 * QPW, QPW)])
    pltpu.sync_copy(newxyz2.at[pl.ds(b * 3 + 1, 1), pl.ds(q0, QPW)],
                    sB1.at[pl.ds(0, 1), pl.ds(1 * QPW, QPW)])
    pltpu.sync_copy(newxyz2.at[pl.ds(b * 3 + 2, 1), pl.ds(q0, QPW)],
                    sB1.at[pl.ds(0, 1), pl.ds(2 * QPW, QPW)])

    iota = lax.iota(jnp.int32, L)
    lane0 = iota == 0

    def per_query(i, carry):
        fi = jnp.full((L,), i, jnp.int32)
        qxb = plsc.load_gather(qxr, [fi])
        qyb = plsc.load_gather(qyr, [fi])
        qzb = plsc.load_gather(qzr, [fi])

        def cond(st):
            n, cnt = st
            return jnp.logical_and(cnt < S, n < N)

        def body(st):
            n, cnt = st
            c = cnt
            for u in range(4):
                nn = n + u * L
                dx = sA0[0, pl.ds(nn, L)] - qxb
                dy = sA1[0, pl.ds(nn, L)] - qyb
                dz = sB0[0, pl.ds(nn, L)] - qzb
                d2 = dx * dx + dy * dy + dz * dz
                m = jnp.logical_and(d2 >= R_IN2, d2 < R_OUT2)
                mi = m.astype(jnp.int32)
                csum = plsc.cumsum(mi)
                pos = (c + csum) - mi
                plsc.store_scatter(buf, [pos], nn + iota, mask=m)
                c = c + plsc.all_reduce_population_count(m)[0]
            return n + 4 * L, c

        _, cnt_end = lax.while_loop(cond, body, (jnp.int32(0), jnp.int32(0)))
        cntc = jnp.minimum(cnt_end, S)
        cntv = jnp.full((L,), cntc, jnp.int32)
        sv0 = buf[pl.ds(0, L)]
        h0 = jnp.where(cntc > 0, sv0[0], 0)
        first = jnp.full((L,), h0, jnp.int32)
        for j in range(S // L):
            sv = sv0 if j == 0 else buf[pl.ds(j * L, L)]
            outv = jnp.where(iota + (j * L) < cntv, sv, first)
            plsc.store_scatter(idx_st, [iota + (j * L), fi], outv)
        plsc.store_scatter(cnt_st, [fi], cntv, mask=lane0)
        return carry

    lax.fori_loop(0, QPW, per_query, 0)
    pltpu.sync_copy(idx_st, idxT.at[pl.ds(b * S, S), pl.ds(q0, QPW)])
    pltpu.sync_copy(cnt_st, cnt_out.at[pl.ds(b * P + q0, QPW)])

    plsc.subcore_barrier()

    def frow(f):
        r = jnp.minimum(b * C + f, B * C - 1)
        return feat2.at[pl.ds(r, 1), :]

    def fill_pair(s0, s1, ob0, ob1, g):
        def per_srow(sl, c3):
            s = g * SSEG + sl

            @plsc.parallel_loop(0, PH, step=L, unroll=8)
            def _pl(off):
                iv = idxv[s, pl.ds(off, L)]
                v0 = plsc.load_gather(s0.at[0], [iv])
                v1 = plsc.load_gather(s1.at[0], [iv])
                ob0[0, 0, sl, pl.ds(off, L)] = v0
                ob1[0, 0, sl, pl.ds(off, L)] = v1
            return c3

        lax.fori_loop(0, SSEG, per_srow, 0)

    for half in range(2):
        p0 = half * PH
        pltpu.sync_copy(idxT.at[pl.ds(b * S, S), pl.ds(p0, PH)], idxv)
        pltpu.async_copy(frow(wi * 32 + 0), sA0, semsA)
        pltpu.async_copy(frow(wi * 32 + 1), sA1, semsA)

        @pl.when(wi < 3)
        def _(p0=p0):
            cc = wi
            pltpu.sync_copy(xyz2.at[pl.ds(b * 3 + cc, 1), :], sB0)
            pltpu.sync_copy(newxyz2.at[pl.ds(b * 3 + cc, 1), pl.ds(p0, PH)], qrow)

            def per_seg(g, c2):
                def per_srow(sl, c3):
                    s = g * SSEG + sl

                    @plsc.parallel_loop(0, PH, step=L, unroll=8)
                    def _pl(off):
                        iv = idxv[s, pl.ds(off, L)]
                        val = plsc.load_gather(sB0.at[0], [iv]) - qrow[0, pl.ds(off, L)]
                        ob0a[0, 0, sl, pl.ds(off, L)] = val
                    return c3

                lax.fori_loop(0, SSEG, per_srow, 0)
                pltpu.sync_copy(
                    ob0a, out4.at[pl.ds(b, 1), pl.ds(cc, 1),
                                  pl.ds(g * SSEG, SSEG), pl.ds(p0, PH)])
                return c2

            lax.fori_loop(0, NSEG, per_seg, 0)

        def compute_pair(c0, s0, s1, p0):
            hs = {}
            for g in range(NSEG):
                par = g & 1
                ob0, ob1 = (ob0a, ob1a) if par == 0 else (ob0b, ob1b)
                sem = sema if par == 0 else semb
                if g >= 2:
                    hs[par][0].wait()
                    hs[par][1].wait()
                fill_pair(s0, s1, ob0, ob1, g)
                h0 = pltpu.async_copy(
                    ob0, out4.at[pl.ds(b, 1), pl.ds(c0, 1),
                                 pl.ds(g * SSEG, SSEG), pl.ds(p0, PH)], sem)
                h1 = pltpu.async_copy(
                    ob1, out4.at[pl.ds(b, 1), pl.ds(c0 + 1, 1),
                                 pl.ds(g * SSEG, SSEG), pl.ds(p0, PH)], sem)
                hs[par] = (h0, h1)
            for par in range(2):
                hs[par][0].wait()
                hs[par][1].wait()

        def per_pp(pp, carry, p0=p0):
            f0 = wi * 32 + 4 * pp
            pltpu.make_async_copy(frow(f0), sA0, semsA).wait()
            pltpu.make_async_copy(frow(f0 + 1), sA1, semsA).wait()
            pltpu.async_copy(frow(f0 + 2), sB0, semsB)
            pltpu.async_copy(frow(f0 + 3), sB1, semsB)
            compute_pair(3 + f0, sA0, sA1, p0)
            pltpu.make_async_copy(frow(f0 + 2), sB0, semsB).wait()
            pltpu.make_async_copy(frow(f0 + 3), sB1, semsB).wait()
            pltpu.async_copy(frow(f0 + 4), sA0, semsA)
            pltpu.async_copy(frow(f0 + 5), sA1, semsA)
            compute_pair(3 + f0 + 2, sB0, sB1, p0)
            return carry

        lax.fori_loop(0, NPAIR // 2, per_pp, 0)
        pltpu.make_async_copy(frow(wi * 32 + 32), sA0, semsA).wait()
        pltpu.make_async_copy(frow(wi * 32 + 33), sA1, semsA).wait()


def kernel(xyz, new_xyz, features):
    xyz2 = jnp.transpose(xyz, (0, 2, 1)).reshape(B * 3, N)
    newxyz2 = jnp.transpose(new_xyz, (0, 2, 1)).reshape(B * 3, P)
    feat2 = features.reshape(B * C, N)

    mesh = plsc.VectorSubcoreMesh(
        core_axis_name="c", subcore_axis_name="s",
        num_cores=NC, num_subcores=NS)
    cparams = pltpu.CompilerParams(needs_layout_passes=False)

    fused = functools.partial(
        pl.kernel,
        compiler_params=cparams,
        out_type=(
            jax.ShapeDtypeStruct((B * S, P), jnp.int32),
            jax.ShapeDtypeStruct((B * P,), jnp.int32),
            jax.ShapeDtypeStruct((B, CT, S, P), jnp.float32),
        ),
        mesh=mesh,
        scratch_types=[
            pltpu.VMEM((S, PH), jnp.int32),
            pltpu.VMEM((1, N), jnp.float32),
            pltpu.VMEM((1, N), jnp.float32),
            pltpu.VMEM((1, N), jnp.float32),
            pltpu.VMEM((1, N), jnp.float32),
            pltpu.VMEM((1, PH), jnp.float32),
            pltpu.VMEM((1, 1, SSEG, PH), jnp.float32),
            pltpu.VMEM((1, 1, SSEG, PH), jnp.float32),
            pltpu.VMEM((1, 1, SSEG, PH), jnp.float32),
            pltpu.VMEM((1, 1, SSEG, PH), jnp.float32),
            pltpu.VMEM((S, QPW), jnp.int32),
            pltpu.VMEM((QPW,), jnp.int32),
            pltpu.VMEM((128,), jnp.int32),
            pltpu.SemaphoreType.DMA,
            pltpu.SemaphoreType.DMA,
            pltpu.SemaphoreType.DMA,
            pltpu.SemaphoreType.DMA,
        ],
    )(_fused_body)
    _, idx_cnt, grouped = fused(xyz2, newxyz2, feat2)

    return idx_cnt.reshape(B, P), jnp.transpose(grouped, (0, 1, 3, 2))

# --- scband reference (transcript-rebuilt; emitter-appended) ---
"""Pipeline reference for scband-query-and-group-dilated-31576599560762 (READ-ONLY COPY).

The authoritative reference and input builder live on the scoring server;
editing this copy changes nothing except your own understanding.
"""

import jax, jax.numpy as jnp
import numpy as np

RADIUS_IN = 0.8
RADIUS_OUT = 1.6
NSAMPLE = 32


def setup_inputs(seed: int = 0) -> dict:
    key = jax.random.key(seed)
    k1, k2, k3 = jax.random.split(key, 3)
    xyz = jax.random.normal(k1, (4, 8192, 3), dtype=jnp.float32)
    new_xyz = jax.random.normal(k2, (4, 2048, 3), dtype=jnp.float32)
    features = jax.random.normal(k3, (4, 256, 8192), dtype=jnp.float32)
    return {"xyz": xyz, "new_xyz": new_xyz, "features": features}


def _ball_query_dilated(radius_in, radius_out, nsample, xyz, new_xyz):
    # xyz: (B, N, 3), new_xyz: (B, P, 3)
    B, N, _ = xyz.shape
    P = new_xyz.shape[1]
    d2 = jnp.sum((new_xyz[:, :, None, :] - xyz[:, None, :, :]) ** 2, axis=-1)  # (B, P, N)
    mask = (d2 >= radius_in ** 2) & (d2 < radius_out ** 2)
    # first-come-first-served selection in index order (matches CUDA kernel loop order)
    keys = jnp.where(mask, jnp.arange(N, dtype=jnp.int32)[None, None, :], jnp.int32(N))
    neg_vals, _ = jax.lax.top_k(-keys, nsample)  # largest of -keys == smallest keys
    idx_sorted = -neg_vals  # (B, P, nsample), ascending valid indices, padded with N
    cnt_full = jnp.sum(mask, axis=-1)
    idx_cnt = jnp.minimum(cnt_full, nsample).astype(jnp.int32)
    valid = idx_sorted < N
    first = jnp.where(idx_cnt > 0, idx_sorted[..., 0], 0)
    idx = jnp.where(valid, idx_sorted, first[..., None]).astype(jnp.int32)
    return idx_cnt, idx


def _grouping_operation(features, idx):
    # features: (B, C, N), idx: (B, P, S) -> (B, C, P, S)
    return jax.vmap(lambda f, i: f[:, i])(features, idx)


def reference(xyz, new_xyz, features):
    idx_cnt, idx = _ball_query_dilated(RADIUS_IN, RADIUS_OUT, NSAMPLE, xyz, new_xyz)
    xyz_trans = jnp.transpose(xyz, (0, 2, 1))  # (B, 3, N)
    grouped_xyz = _grouping_operation(xyz_trans, idx)  # (B, 3, P, S)
    grouped_xyz = grouped_xyz - jnp.transpose(new_xyz, (0, 2, 1))[..., None]
    grouped_features = _grouping_operation(features, idx)  # (B, C, P, S)
    new_features = jnp.concatenate([grouped_xyz, grouped_features], axis=1)
    return idx_cnt, new_features

if __name__ == "__main__":
    import jax
    _d = setup_inputs()
    print(jax.jit(kernel)(*tuple(_d.values())))

</pallas_src>

<mosaic_0001>
#map = affine_map<(d0, d1) -> (0, 0)>
#map1 = affine_map<(d0, d1) -> (0)>
#map2 = affine_map<(d0, d1) -> (0, 0, 0, 0)>
module attributes {stable_mosaic.version = 14 : i64} {
  func.func @_fused_body(%arg0: i32, %arg1: i32, %arg2: memref<12x8192xf32, #tpu.memory_space<hbm>>, %arg3: memref<12x2048xf32, #tpu.memory_space<hbm>>, %arg4: memref<1024x8192xf32, #tpu.memory_space<hbm>>, %arg5: memref<128x2048xi32, #tpu.memory_space<hbm>>, %arg6: memref<8192xi32, #tpu.memory_space<hbm>>, %arg7: memref<4x259x32x2048xf32, #tpu.memory_space<hbm>>, %arg8: memref<32x1024xi32, #tpu.memory_space<vmem>>, %arg9: memref<1x8192xf32, #tpu.memory_space<vmem>>, %arg10: memref<1x8192xf32, #tpu.memory_space<vmem>>, %arg11: memref<1x8192xf32, #tpu.memory_space<vmem>>, %arg12: memref<1x8192xf32, #tpu.memory_space<vmem>>, %arg13: memref<1x1024xf32, #tpu.memory_space<vmem>>, %arg14: memref<1x1x8x1024xf32, #tpu.memory_space<vmem>>, %arg15: memref<1x1x8x1024xf32, #tpu.memory_space<vmem>>, %arg16: memref<1x1x8x1024xf32, #tpu.memory_space<vmem>>, %arg17: memref<1x1x8x1024xf32, #tpu.memory_space<vmem>>, %arg18: memref<32x256xi32, #tpu.memory_space<vmem>>, %arg19: memref<256xi32, #tpu.memory_space<vmem>>, %arg20: memref<128xi32, #tpu.memory_space<vmem>>, %arg21: memref<!tpu.dma_semaphore, #tpu.memory_space<semaphore_mem>>, %arg22: memref<!tpu.dma_semaphore, #tpu.memory_space<semaphore_mem>>, %arg23: memref<!tpu.dma_semaphore, #tpu.memory_space<semaphore_mem>>, %arg24: memref<!tpu.dma_semaphore, #tpu.memory_space<semaphore_mem>>) attributes {dimension_semantics = [#tpu.dimension_semantics<core_parallel>, #tpu.dimension_semantics<subcore_parallel>], iteration_bounds = array<i64: 2, 16>, scalar_prefetch = 0 : i64, scratch_operands = 17 : i64, tpu.core_type = #tpu.core_type<sc_vector_subcore>, window_params = [{transform_indices = #map}, {transform_indices = #map}, {transform_indices = #map}, {transform_indices = #map}, {transform_indices = #map1}, {transform_indices = #map2}]} {
    %mul3A = arith.constant 16 : i32
    %mul3A_0 = arith.muli %arg0, %mul3A : i32
    %add3A = arith.addi %mul3A_0, %arg1 : i32
    %jit3A = arith.constant 8 : i32
    %div3A = arith.divsi %add3A, %jit3A : i32
    %sign3A = arith.constant 0 : i32
    %sign3A_1 = arith.cmpi sgt, %add3A, %sign3A : i32
    %sign3A_2 = arith.extui %sign3A_1 : i1 to i32
    %sign3A_3 = arith.constant 0 : i32
    %sign3A_4 = arith.cmpi slt, %add3A, %sign3A_3 : i32
    %sign3A_5 = arith.extui %sign3A_4 : i1 to i32
    %sign3A_6 = arith.subi %sign3A_2, %sign3A_5 : i32
    %sign3A_7 = arith.constant 0 : i32
    %sign3A_8 = arith.cmpi sgt, %jit3A, %sign3A_7 : i32
    %sign3A_9 = arith.extui %sign3A_8 : i1 to i32
    %sign3A_10 = arith.constant 0 : i32
    %sign3A_11 = arith.cmpi slt, %jit3A, %sign3A_10 : i32
    %sign3A_12 = arith.extui %sign3A_11 : i1 to i32
    %sign3A_13 = arith.subi %sign3A_9, %sign3A_12 : i32
    %ne3A = arith.cmpi ne, %sign3A_6, %sign3A_13 : i32
    %rem3A = arith.remsi %add3A, %jit3A : i32
    %ne3A_14 = arith.constant 0 : i32
    %ne3A_15 = arith.cmpi ne, %rem3A, %ne3A_14 : i32
    %and3A = arith.andi %ne3A, %ne3A_15 : i1
    %sub3A = arith.constant 1 : i32
    %sub3A_16 = arith.subi %div3A, %sub3A : i32
    %select_n3A = arith.select %and3A, %sub3A_16, %div3A : i32
    %jit3A_17 = arith.constant 8 : i32
    %eq3A = arith.constant 0 : i32
    %eq3A_18 = arith.cmpi eq, %jit3A_17, %eq3A : i32
    %jit3A_19 = arith.constant 1 : i32
    %select_n3A_20 = arith.select %eq3A_18, %jit3A_19, %jit3A_17 : i32
    %rem3A_21 = arith.remsi %add3A, %select_n3A_20 : i32
    %ne3A_22 = arith.constant 0 : i32
    %ne3A_23 = arith.cmpi ne, %rem3A_21, %ne3A_22 : i32
    %lt3A = arith.constant 0 : i32
    %lt3A_24 = arith.cmpi slt, %rem3A_21, %lt3A : i32
    %lt3A_25 = arith.constant 0 : i32
    %lt3A_26 = arith.cmpi slt, %select_n3A_20, %lt3A_25 : i32
    %ne3A_27 = arith.xori %lt3A_24, %lt3A_26 : i1
    %and3A_28 = arith.andi %ne3A_27, %ne3A_23 : i1
    %add3A_29 = arith.addi %rem3A_21, %select_n3A_20 : i32
    %select_n3A_30 = arith.select %and3A_28, %add3A_29, %rem3A_21 : i32
    %mul3A_31 = arith.constant 256 : i32
    %mul3A_32 = arith.muli %select_n3A_30, %mul3A_31 : i32
    %mul3A_33 = arith.constant 3 : i32
    %mul3A_34 = arith.muli %select_n3A, %mul3A_33 : i32
    %add3A_35 = arith.constant 0 : i32
    %add3A_36 = arith.addi %mul3A_34, %add3A_35 : i32
    "tpu.region"() ({
      %run_scoped3A = tpu.sem_alloc : memref<!tpu.dma_semaphore, #tpu.memory_space<semaphore_mem>>
      %dma_start3A_198 = arith.constant 0 : i32
      %dma_start3A_199 = tpu.memref_slice %arg2[%add3A_36, %dma_start3A_198] : memref<12x8192xf32, #tpu.memory_space<hbm>> -> memref<1x8192xf32, #tpu.memory_space<hbm>>
      %dma_start3A_200 = arith.constant 0 : i32
      %dma_start3A_201 = tpu.memref_slice %arg2[%add3A_36, %dma_start3A_200] : memref<12x8192xf32, #tpu.memory_space<hbm>> -> memref<1x8192xf32, #tpu.memory_space<hbm>>
      tpu.enqueue_dma source(%dma_start3A_201 : memref<1x8192xf32, #tpu.memory_space<hbm>>) target(%arg9 : memref<1x8192xf32, #tpu.memory_space<vmem>>) target_semaphore(%run_scoped3A : memref<!tpu.dma_semaphore, #tpu.memory_space<semaphore_mem>>)
      %dma_wait3A_202 = arith.constant 0 : i32
      %dma_wait3A_203 = tpu.memref_slice %arg2[%add3A_36, %dma_wait3A_202] : memref<12x8192xf32, #tpu.memory_space<hbm>> -> memref<1x8192xf32, #tpu.memory_space<hbm>>
      %dma_wait3A_204 = arith.constant 0 : i32
      %dma_wait3A_205 = tpu.memref_slice %arg2[%add3A_36, %dma_wait3A_204] : memref<12x8192xf32, #tpu.memory_space<hbm>> -> memref<1x8192xf32, #tpu.memory_space<hbm>>
      tpu.wait_dma2 semaphore(%run_scoped3A : memref<!tpu.dma_semaphore, #tpu.memory_space<semaphore_mem>>) src(%dma_wait3A_205 : memref<1x8192xf32, #tpu.memory_space<hbm>>) dst(%arg9 : memref<1x8192xf32, #tpu.memory_space<vmem>>)
      tpu.yield
    }) : () -> ()
    %mul3A_37 = arith.constant 3 : i32
    %mul3A_38 = arith.muli %select_n3A, %mul3A_37 : i32
    %add3A_39 = arith.constant 1 : i32
    %add3A_40 = arith.addi %mul3A_38, %add3A_39 : i32
    "tpu.region"() ({
      %run_scoped3A = tpu.sem_alloc : memref<!tpu.dma_semaphore, #tpu.memory_space<semaphore_mem>>
      %dma_start3A_198 = arith.constant 0 : i32
      %dma_start3A_199 = tpu.memref_slice %arg2[%add3A_40, %dma_start3A_198] : memref<12x8192xf32, #tpu.memory_space<hbm>> -> memref<1x8192xf32, #tpu.memory_space<hbm>>
      %dma_start3A_200 = arith.constant 0 : i32
      %dma_start3A_201 = tpu.memref_slice %arg2[%add3A_40, %dma_start3A_200] : memref<12x8192xf32, #tpu.memory_space<hbm>> -> memref<1x8192xf32, #tpu.memory_space<hbm>>
      tpu.enqueue_dma source(%dma_start3A_201 : memref<1x8192xf32, #tpu.memory_space<hbm>>) target(%arg10 : memref<1x8192xf32, #tpu.memory_space<vmem>>) target_semaphore(%run_scoped3A : memref<!tpu.dma_semaphore, #tpu.memory_space<semaphore_mem>>)
      %dma_wait3A_202 = arith.constant 0 : i32
      %dma_wait3A_203 = tpu.memref_slice %arg2[%add3A_40, %dma_wait3A_202] : memref<12x8192xf32, #tpu.memory_space<hbm>> -> memref<1x8192xf32, #tpu.memory_space<hbm>>
      %dma_wait3A_204 = arith.constant 0 : i32
      %dma_wait3A_205 = tpu.memref_slice %arg2[%add3A_40, %dma_wait3A_204] : memref<12x8192xf32, #tpu.memory_space<hbm>> -> memref<1x8192xf32, #tpu.memory_space<hbm>>
      tpu.wait_dma2 semaphore(%run_scoped3A : memref<!tpu.dma_semaphore, #tpu.memory_space<semaphore_mem>>) src(%dma_wait3A_205 : memref<1x8192xf32, #tpu.memory_space<hbm>>) dst(%arg10 : memref<1x8192xf32, #tpu.memory_space<vmem>>)
      tpu.yield
    }) : () -> ()
    %mul3A_41 = arith.constant 3 : i32
    %mul3A_42 = arith.muli %select_n3A, %mul3A_41 : i32
    %add3A_43 = arith.constant 2 : i32
    %add3A_44 = arith.addi %mul3A_42, %add3A_43 : i32
    "tpu.region"() ({
      %run_scoped3A = tpu.sem_alloc : memref<!tpu.dma_semaphore, #tpu.memory_space<semaphore_mem>>
      %dma_start3A_198 = arith.constant 0 : i32
      %dma_start3A_199 = tpu.memref_slice %arg2[%add3A_44, %dma_start3A_198] : memref<12x8192xf32, #tpu.memory_space<hbm>> -> memref<1x8192xf32, #tpu.memory_space<hbm>>
      %dma_start3A_200 = arith.constant 0 : i32
      %dma_start3A_201 = tpu.memref_slice %arg2[%add3A_44, %dma_start3A_200] : memref<12x8192xf32, #tpu.memory_space<hbm>> -> memref<1x8192xf32, #tpu.memory_space<hbm>>
      tpu.enqueue_dma source(%dma_start3A_201 : memref<1x8192xf32, #tpu.memory_space<hbm>>) target(%arg11 : memref<1x8192xf32, #tpu.memory_space<vmem>>) target_semaphore(%run_scoped3A : memref<!tpu.dma_semaphore, #tpu.memory_space<semaphore_mem>>)
      %dma_wait3A_202 = arith.constant 0 : i32
      %dma_wait3A_203 = tpu.memref_slice %arg2[%add3A_44, %dma_wait3A_202] : memref<12x8192xf32, #tpu.memory_space<hbm>> -> memref<1x8192xf32, #tpu.memory_space<hbm>>
      %dma_wait3A_204 = arith.constant 0 : i32
      %dma_wait3A_205 = tpu.memref_slice %arg2[%add3A_44, %dma_wait3A_204] : memref<12x8192xf32, #tpu.memory_space<hbm>> -> memref<1x8192xf32, #tpu.memory_space<hbm>>
      tpu.wait_dma2 semaphore(%run_scoped3A : memref<!tpu.dma_semaphore, #tpu.memory_space<semaphore_mem>>) src(%dma_wait3A_205 : memref<1x8192xf32, #tpu.memory_space<hbm>>) dst(%arg11 : memref<1x8192xf32, #tpu.memory_space<vmem>>)
      tpu.yield
    }) : () -> ()
    %mul3A_45 = arith.constant 3 : i32
    %mul3A_46 = arith.muli %select_n3A, %mul3A_45 : i32
    %add3A_47 = arith.constant 0 : i32
    %add3A_48 = arith.addi %mul3A_46, %add3A_47 : i32
    "tpu.region"() ({
      %run_scoped3A = tpu.sem_alloc : memref<!tpu.dma_semaphore, #tpu.memory_space<semaphore_mem>>
      %dma_start3A_198 = arith.constant 0 : i32
      %dma_start3A_199 = arith.constant 0 : i32
      %dma_start3A_200 = tpu.memref_slice %arg12[%dma_start3A_198, %dma_start3A_199] : memref<1x8192xf32, #tpu.memory_space<vmem>> -> memref<1x256xf32, #tpu.memory_space<vmem>>
      %dma_start3A_201 = tpu.memref_slice %arg3[%add3A_48, %mul3A_32] : memref<12x2048xf32, #tpu.memory_space<hbm>> -> memref<1x256xf32, #tpu.memory_space<hbm>>
      %dma_start3A_202 = arith.constant 0 : i32
      %dma_start3A_203 = arith.constant 0 : i32
      %dma_start3A_204 = tpu.memref_slice %arg12[%dma_start3A_202, %dma_start3A_203] : memref<1x8192xf32, #tpu.memory_space<vmem>> -> memref<1x256xf32, #tpu.memory_space<vmem>>
      %dma_start3A_205 = tpu.memref_slice %arg3[%add3A_48, %mul3A_32] : memref<12x2048xf32, #tpu.memory_space<hbm>> -> memref<1x256xf32, #tpu.memory_space<hbm>>
      tpu.enqueue_dma source(%dma_start3A_205 : memref<1x256xf32, #tpu.memory_space<hbm>>) target(%dma_start3A_204 : memref<1x256xf32, #tpu.memory_space<vmem>>) target_semaphore(%run_scoped3A : memref<!tpu.dma_semaphore, #tpu.memory_space<semaphore_mem>>)
      %dma_wait3A_206 = arith.constant 0 : i32
      %dma_wait3A_207 = arith.constant 0 : i32
      %dma_wait3A_208 = tpu.memref_slice %arg12[%dma_wait3A_206, %dma_wait3A_207] : memref<1x8192xf32, #tpu.memory_space<vmem>> -> memref<1x256xf32, #tpu.memory_space<vmem>>
      %dma_wait3A_209 = tpu.memref_slice %arg3[%add3A_48, %mul3A_32] : memref<12x2048xf32, #tpu.memory_space<hbm>> -> memref<1x256xf32, #tpu.memory_space<hbm>>
      %dma_wait3A_210 = arith.constant 0 : i32
      %dma_wait3A_211 = arith.constant 0 : i32
      %dma_wait3A_212 = tpu.memref_slice %arg12[%dma_wait3A_210, %dma_wait3A_211] : memref<1x8192xf32, #tpu.memory_space<vmem>> -> memref<1x256xf32, #tpu.memory_space<vmem>>
      %dma_wait3A_213 = tpu.memref_slice %arg3[%add3A_48, %mul3A_32] : memref<12x2048xf32, #tpu.memory_space<hbm>> -> memref<1x256xf32, #tpu.memory_space<hbm>>
      tpu.wait_dma2 semaphore(%run_scoped3A : memref<!tpu.dma_semaphore, #tpu.memory_space<semaphore_mem>>) src(%dma_wait3A_213 : memref<1x256xf32, #tpu.memory_space<hbm>>) dst(%dma_wait3A_212 : memref<1x256xf32, #tpu.memory_space<vmem>>)
      tpu.yield
    }) : () -> ()
    %mul3A_49 = arith.constant 3 : i32
    %mul3A_50 = arith.muli %select_n3A, %mul3A_49 : i32
    %add3A_51 = arith.constant 1 : i32
    %add3A_52 = arith.addi %mul3A_50, %add3A_51 : i32
    "tpu.region"() ({
      %run_scoped3A = tpu.sem_alloc : memref<!tpu.dma_semaphore, #tpu.memory_space<semaphore_mem>>
      %dma_start3A_198 = arith.constant 0 : i32
      %dma_start3A_199 = arith.constant 256 : i32
      %dma_start3A_200 = tpu.memref_slice %arg12[%dma_start3A_198, %dma_start3A_199] : memref<1x8192xf32, #tpu.memory_space<vmem>> -> memref<1x256xf32, #tpu.memory_space<vmem>>
      %dma_start3A_201 = tpu.memref_slice %arg3[%add3A_52, %mul3A_32] : memref<12x2048xf32, #tpu.memory_space<hbm>> -> memref<1x256xf32, #tpu.memory_space<hbm>>
      %dma_start3A_202 = arith.constant 0 : i32
      %dma_start3A_203 = arith.constant 256 : i32
      %dma_start3A_204 = tpu.memref_slice %arg12[%dma_start3A_202, %dma_start3A_203] : memref<1x8192xf32, #tpu.memory_space<vmem>> -> memref<1x256xf32, #tpu.memory_space<vmem>>
      %dma_start3A_205 = tpu.memref_slice %arg3[%add3A_52, %mul3A_32] : memref<12x2048xf32, #tpu.memory_space<hbm>> -> memref<1x256xf32, #tpu.memory_space<hbm>>
      tpu.enqueue_dma source(%dma_start3A_205 : memref<1x256xf32, #tpu.memory_space<hbm>>) target(%dma_start3A_204 : memref<1x256xf32, #tpu.memory_space<vmem>>) target_semaphore(%run_scoped3A : memref<!tpu.dma_semaphore, #tpu.memory_space<semaphore_mem>>)
      %dma_wait3A_206 = arith.constant 0 : i32
      %dma_wait3A_207 = arith.constant 256 : i32
      %dma_wait3A_208 = tpu.memref_slice %arg12[%dma_wait3A_206, %dma_wait3A_207] : memref<1x8192xf32, #tpu.memory_space<vmem>> -> memref<1x256xf32, #tpu.memory_space<vmem>>
      %dma_wait3A_209 = tpu.memref_slice %arg3[%add3A_52, %mul3A_32] : memref<12x2048xf32, #tpu.memory_space<hbm>> -> memref<1x256xf32, #tpu.memory_space<hbm>>
      %dma_wait3A_210 = arith.constant 0 : i32
      %dma_wait3A_211 = arith.constant 256 : i32
      %dma_wait3A_212 = tpu.memref_slice %arg12[%dma_wait3A_210, %dma_wait3A_211] : memref<1x8192xf32, #tpu.memory_space<vmem>> -> memref<1x256xf32, #tpu.memory_space<vmem>>
      %dma_wait3A_213 = tpu.memref_slice %arg3[%add3A_52, %mul3A_32] : memref<12x2048xf32, #tpu.memory_space<hbm>> -> memref<1x256xf32, #tpu.memory_space<hbm>>
      tpu.wait_dma2 semaphore(%run_scoped3A : memref<!tpu.dma_semaphore, #tpu.memory_space<semaphore_mem>>) src(%dma_wait3A_213 : memref<1x256xf32, #tpu.memory_space<hbm>>) dst(%dma_wait3A_212 : memref<1x256xf32, #tpu.memory_space<vmem>>)
      tpu.yield
    }) : () -> ()
    %mul3A_53 = arith.constant 3 : i32
    %mul3A_54 = arith.muli %select_n3A, %mul3A_53 : i32
    %add3A_55 = arith.constant 2 : i32
    %add3A_56 = arith.addi %mul3A_54, %add3A_55 : i32
    "tpu.region"() ({
      %run_scoped3A = tpu.sem_alloc : memref<!tpu.dma_semaphore, #tpu.memory_space<semaphore_mem>>
      %dma_start3A_198 = arith.constant 0 : i32
      %dma_start3A_199 = arith.constant 512 : i32
      %dma_start3A_200 = tpu.memref_slice %arg12[%dma_start3A_198, %dma_start3A_199] : memref<1x8192xf32, #tpu.memory_space<vmem>> -> memref<1x256xf32, #tpu.memory_space<vmem>>
      %dma_start3A_201 = tpu.memref_slice %arg3[%add3A_56, %mul3A_32] : memref<12x2048xf32, #tpu.memory_space<hbm>> -> memref<1x256xf32, #tpu.memory_space<hbm>>
      %dma_start3A_202 = arith.constant 0 : i32
      %dma_start3A_203 = arith.constant 512 : i32
      %dma_start3A_204 = tpu.memref_slice %arg12[%dma_start3A_202, %dma_start3A_203] : memref<1x8192xf32, #tpu.memory_space<vmem>> -> memref<1x256xf32, #tpu.memory_space<vmem>>
      %dma_start3A_205 = tpu.memref_slice %arg3[%add3A_56, %mul3A_32] : memref<12x2048xf32, #tpu.memory_space<hbm>> -> memref<1x256xf32, #tpu.memory_space<hbm>>
      tpu.enqueue_dma source(%dma_start3A_205 : memref<1x256xf32, #tpu.memory_space<hbm>>) target(%dma_start3A_204 : memref<1x256xf32, #tpu.memory_space<vmem>>) target_semaphore(%run_scoped3A : memref<!tpu.dma_semaphore, #tpu.memory_space<semaphore_mem>>)
      %dma_wait3A_206 = arith.constant 0 : i32
      %dma_wait3A_207 = arith.constant 512 : i32
      %dma_wait3A_208 = tpu.memref_slice %arg12[%dma_wait3A_206, %dma_wait3A_207] : memref<1x8192xf32, #tpu.memory_space<vmem>> -> memref<1x256xf32, #tpu.memory_space<vmem>>
      %dma_wait3A_209 = tpu.memref_slice %arg3[%add3A_56, %mul3A_32] : memref<12x2048xf32, #tpu.memory_space<hbm>> -> memref<1x256xf32, #tpu.memory_space<hbm>>
      %dma_wait3A_210 = arith.constant 0 : i32
      %dma_wait3A_211 = arith.constant 512 : i32
      %dma_wait3A_212 = tpu.memref_slice %arg12[%dma_wait3A_210, %dma_wait3A_211] : memref<1x8192xf32, #tpu.memory_space<vmem>> -> memref<1x256xf32, #tpu.memory_space<vmem>>
      %dma_wait3A_213 = tpu.memref_slice %arg3[%add3A_56, %mul3A_32] : memref<12x2048xf32, #tpu.memory_space<hbm>> -> memref<1x256xf32, #tpu.memory_space<hbm>>
      tpu.wait_dma2 semaphore(%run_scoped3A : memref<!tpu.dma_semaphore, #tpu.memory_space<semaphore_mem>>) src(%dma_wait3A_213 : memref<1x256xf32, #tpu.memory_space<hbm>>) dst(%dma_wait3A_212 : memref<1x256xf32, #tpu.memory_space<vmem>>)
      tpu.yield
    }) : () -> ()
    %iota3A = tpu.iota {dimensions = array<i32: 0>} : vector<16xi32>
    %eq3A_57 = arith.constant 0 : i32
    %eq3A_58 = vector.broadcast %eq3A_57 : i32 to vector<16xi32>
    %eq3A_59 = arith.cmpi eq, %iota3A, %eq3A_58 : vector<16xi32>
    %scan3A = arith.constant 0 : i32
    %scan3A_60 = arith.constant 0 : i32
    %scan3A_61 = arith.constant 0 : i32
    %scan3A_62 = arith.constant 0 : i32
    %scan3A_63 = arith.constant 0 : i32
    %scan3A_64 = arith.constant 256 : i32
    %scan3A_65 = arith.addi %scan3A_63, %scan3A_64 : i32
    %scan3A_66 = arith.constant 1 : i32
    scf.for %scan3A_198 = %scan3A_63 to %scan3A_65 step %scan3A_66  : i32 {
      %broadcast_in_dim3A = vector.broadcast %scan3A_198 : i32 to vector<16xi32>
      %gather3A = arith.constant 0 : i32
      %gather3A_199 = tpu.memref_slice %arg12[%scan3A_60, %gather3A] : memref<1x8192xf32, #tpu.memory_space<vmem>> -> memref<1x256xf32, #tpu.memory_space<vmem>>
      %gather3A_200 = tpu.memref_squeeze %gather3A_199 : memref<1x256xf32, #tpu.memory_space<vmem>> -> memref<256xf32, #tpu.memory_space<vmem>>
      %gather3A_201 = tpu.vector_load_idx %gather3A_200[%broadcast_in_dim3A] : memref<256xf32, #tpu.memory_space<vmem>>[vector<16xi32>], vector<16xf32>,
      %gather3A_202 = arith.constant 256 : i32
      %gather3A_203 = tpu.memref_slice %arg12[%scan3A_61, %gather3A_202] : memref<1x8192xf32, #tpu.memory_space<vmem>> -> memref<1x256xf32, #tpu.memory_space<vmem>>
      %gather3A_204 = tpu.memref_squeeze %gather3A_203 : memref<1x256xf32, #tpu.memory_space<vmem>> -> memref<256xf32, #tpu.memory_space<vmem>>
      %gather3A_205 = tpu.vector_load_idx %gather3A_204[%broadcast_in_dim3A] : memref<256xf32, #tpu.memory_space<vmem>>[vector<16xi32>], vector<16xf32>,
      %gather3A_206 = arith.constant 512 : i32
      %gather3A_207 = tpu.memref_slice %arg12[%scan3A_62, %gather3A_206] : memref<1x8192xf32, #tpu.memory_space<vmem>> -> memref<1x256xf32, #tpu.memory_space<vmem>>
      %gather3A_208 = tpu.memref_squeeze %gather3A_207 : memref<1x256xf32, #tpu.memory_space<vmem>> -> memref<256xf32, #tpu.memory_space<vmem>>
      %gather3A_209 = tpu.vector_load_idx %gather3A_208[%broadcast_in_dim3A] : memref<256xf32, #tpu.memory_space<vmem>>[vector<16xi32>], vector<16xf32>,
      %while3A = arith.constant 0 : i32
      %while3A_210 = arith.constant 0 : i32
      %while3A_211:2 = scf.while (%while3A_238 = %while3A, %while3A_239 = %while3A_210) : (i32, i32) -> (i32, i32) {
        %lt3A_240 = arith.constant 32 : i32
        %lt3A_241 = arith.cmpi slt, %while3A_239, %lt3A_240 : i32
        %lt3A_242 = arith.constant 8192 : i32
        %lt3A_243 = arith.cmpi slt, %while3A_238, %lt3A_242 : i32
        %and3A_244 = arith.andi %lt3A_241, %lt3A_243 : i1
        scf.condition(%and3A_244) %while3A_238, %while3A_239 : i32, i32
      } do {
      ^bb0(%while3A_238: i32, %while3A_239: i32):
        %add3A_240 = arith.constant 0 : i32
        %add3A_241 = arith.addi %while3A_238, %add3A_240 : i32
        %get3A_242 = arith.constant 0 : i32
        %get3A_243 = arith.index_cast %get3A_242 : i32 to index
        %get3A_244 = arith.index_cast %add3A_241 : i32 to index
        %get3A_245 = tpu.vector_load %arg9[%get3A_243, %get3A_244] {strides = array<i32>} : memref<1x8192xf32, #tpu.memory_space<vmem>>, vector<16xf32>,
        %sub3A_246 = arith.subf %get3A_245, %gather3A_201 : vector<16xf32>
        %get3A_247 = arith.constant 0 : i32
        %get3A_248 = arith.index_cast %get3A_247 : i32 to index
        %get3A_249 = arith.index_cast %add3A_241 : i32 to index
        %get3A_250 = tpu.vector_load %arg10[%get3A_248, %get3A_249] {strides = array<i32>} : memref<1x8192xf32, #tpu.memory_space<vmem>>, vector<16xf32>,
        %sub3A_251 = arith.subf %get3A_250, %gather3A_205 : vector<16xf32>
        %get3A_252 = arith.constant 0 : i32
        %get3A_253 = arith.index_cast %get3A_252 : i32 to index
        %get3A_254 = arith.index_cast %add3A_241 : i32 to index
        %get3A_255 = tpu.vector_load %arg11[%get3A_253, %get3A_254] {strides = array<i32>} : memref<1x8192xf32, #tpu.memory_space<vmem>>, vector<16xf32>,
        %sub3A_256 = arith.subf %get3A_255, %gather3A_209 : vector<16xf32>
        %mul3A_257 = arith.mulf %sub3A_246, %sub3A_246 : vector<16xf32>
        %mul3A_258 = arith.mulf %sub3A_251, %sub3A_251 : vector<16xf32>
        %add3A_259 = arith.addf %mul3A_257, %mul3A_258 : vector<16xf32>
        %mul3A_260 = arith.mulf %sub3A_256, %sub3A_256 : vector<16xf32>
        %add3A_261 = arith.addf %add3A_259, %mul3A_260 : vector<16xf32>
        %ge3A = arith.constant 6.400000e-01 : f32
        %ge3A_262 = vector.broadcast %ge3A : f32 to vector<16xf32>
        %ge3A_263 = arith.cmpf oge, %add3A_261, %ge3A_262 : vector<16xf32>
        %lt3A_264 = arith.constant 2.560000e+00 : f32
        %lt3A_265 = vector.broadcast %lt3A_264 : f32 to vector<16xf32>
        %lt3A_266 = arith.cmpf olt, %add3A_261, %lt3A_265 : vector<16xf32>
        %and3A_267 = arith.andi %ge3A_263, %lt3A_266 : vector<16xi1>
        %convert_element_type3A_268 = arith.extui %and3A_267 : vector<16xi1> to vector<16xi32>
        %broadcast_in_dim3A_269 = arith.constant true
        %broadcast_in_dim3A_270 = vector.broadcast %broadcast_in_dim3A_269 : i1 to vector<16xi1>
        %masked_cumsum3A = tpu.scan <sum>, %convert_element_type3A_268 masked %broadcast_in_dim3A_270 : vector<16xi32>, vector<16xi1> -> vector<16xi32>
        %add3A_271 = vector.broadcast %while3A_239 : i32 to vector<16xi32>
        %add3A_272 = arith.addi %add3A_271, %masked_cumsum3A : vector<16xi32>
        %sub3A_273 = arith.subi %add3A_272, %convert_element_type3A_268 : vector<16xi32>
        %add3A_274 = vector.broadcast %add3A_241 : i32 to vector<16xi32>
        %add3A_275 = arith.addi %add3A_274, %iota3A : vector<16xi32>
        tpu.vector_store_idx %arg20[%sub3A_273], %add3A_275 masked %and3A_267 : memref<128xi32, #tpu.memory_space<vmem>>[vector<16xi32>], vector<16xi32>, vector<16xi1>
        %all_reduce_population_count3A = tpu.all_reduce %and3A_267 {dim = 0 : i64, kind = #tpu.reduction_kind<sum>} : vector<16xi1> -> vector<16xi32>
        %slice3A_276 = vector.extract_strided_slice %all_reduce_population_count3A {offsets = [0], sizes = [1], strides = [1]} : vector<16xi32> to vector<1xi32>
        %squeeze3A_277 = vector.extract %slice3A_276[0] : i32 from vector<1xi32>
        %add3A_278 = arith.addi %while3A_239, %squeeze3A_277 : i32
        %add3A_279 = arith.constant 16 : i32
        %add3A_280 = arith.addi %while3A_238, %add3A_279 : i32
        %get3A_281 = arith.constant 0 : i32
        %get3A_282 = arith.index_cast %get3A_281 : i32 to index
        %get3A_283 = arith.index_cast %add3A_280 : i32 to index
        %get3A_284 = tpu.vector_load %arg9[%get3A_282, %get3A_283] {strides = array<i32>} : memref<1x8192xf32, #tpu.memory_space<vmem>>, vector<16xf32>,
        %sub3A_285 = arith.subf %get3A_284, %gather3A_201 : vector<16xf32>
        %get3A_286 = arith.constant 0 : i32
        %get3A_287 = arith.index_cast %get3A_286 : i32 to index
        %get3A_288 = arith.index_cast %add3A_280 : i32 to index
        %get3A_289 = tpu.vector_load %arg10[%get3A_287, %get3A_288] {strides = array<i32>} : memref<1x8192xf32, #tpu.memory_space<vmem>>, vector<16xf32>,
        %sub3A_290 = arith.subf %get3A_289, %gather3A_205 : vector<16xf32>
        %get3A_291 = arith.constant 0 : i32
        %get3A_292 = arith.index_cast %get3A_291 : i32 to index
        %get3A_293 = arith.index_cast %add3A_280 : i32 to index
        %get3A_294 = tpu.vector_load %arg11[%get3A_292, %get3A_293] {strides = array<i32>} : memref<1x8192xf32, #tpu.memory_space<vmem>>, vector<16xf32>,
        %sub3A_295 = arith.subf %get3A_294, %gather3A_209 : vector<16xf32>
        %mul3A_296 = arith.mulf %sub3A_285, %sub3A_285 : vector<16xf32>
        %mul3A_297 = arith.mulf %sub3A_290, %sub3A_290 : vector<16xf32>
        %add3A_298 = arith.addf %mul3A_296, %mul3A_297 : vector<16xf32>
        %mul3A_299 = arith.mulf %sub3A_295, %sub3A_295 : vector<16xf32>
        %add3A_300 = arith.addf %add3A_298, %mul3A_299 : vector<16xf32>
        %ge3A_301 = arith.constant 6.400000e-01 : f32
        %ge3A_302 = vector.broadcast %ge3A_301 : f32 to vector<16xf32>
        %ge3A_303 = arith.cmpf oge, %add3A_300, %ge3A_302 : vector<16xf32>
        %lt3A_304 = arith.constant 2.560000e+00 : f32
        %lt3A_305 = vector.broadcast %lt3A_304 : f32 to vector<16xf32>
        %lt3A_306 = arith.cmpf olt, %add3A_300, %lt3A_305 : vector<16xf32>
        %and3A_307 = arith.andi %ge3A_303, %lt3A_306 : vector<16xi1>
        %convert_element_type3A_308 = arith.extui %and3A_307 : vector<16xi1> to vector<16xi32>
        %broadcast_in_dim3A_309 = arith.constant true
        %broadcast_in_dim3A_310 = vector.broadcast %broadcast_in_dim3A_309 : i1 to vector<16xi1>
        %masked_cumsum3A_311 = tpu.scan <sum>, %convert_element_type3A_308 masked %broadcast_in_dim3A_310 : vector<16xi32>, vector<16xi1> -> vector<16xi32>
        %add3A_312 = vector.broadcast %add3A_278 : i32 to vector<16xi32>
        %add3A_313 = arith.addi %add3A_312, %masked_cumsum3A_311 : vector<16xi32>
        %sub3A_314 = arith.subi %add3A_313, %convert_element_type3A_308 : vector<16xi32>
        %add3A_315 = vector.broadcast %add3A_280 : i32 to vector<16xi32>
        %add3A_316 = arith.addi %add3A_315, %iota3A : vector<16xi32>
        tpu.vector_store_idx %arg20[%sub3A_314], %add3A_316 masked %and3A_307 : memref<128xi32, #tpu.memory_space<vmem>>[vector<16xi32>], vector<16xi32>, vector<16xi1>
        %all_reduce_population_count3A_317 = tpu.all_reduce %and3A_307 {dim = 0 : i64, kind = #tpu.reduction_kind<sum>} : vector<16xi1> -> vector<16xi32>
        %slice3A_318 = vector.extract_strided_slice %all_reduce_population_count3A_317 {offsets = [0], sizes = [1], strides = [1]} : vector<16xi32> to vector<1xi32>
        %squeeze3A_319 = vector.extract %slice3A_318[0] : i32 from vector<1xi32>
        %add3A_320 = arith.addi %add3A_278, %squeeze3A_319 : i32
        %add3A_321 = arith.constant 32 : i32
        %add3A_322 = arith.addi %while3A_238, %add3A_321 : i32
        %get3A_323 = arith.constant 0 : i32
        %get3A_324 = arith.index_cast %get3A_323 : i32 to index
        %get3A_325 = arith.index_cast %add3A_322 : i32 to index
        %get3A_326 = tpu.vector_load %arg9[%get3A_324, %get3A_325] {strides = array<i32>} : memref<1x8192xf32, #tpu.memory_space<vmem>>, vector<16xf32>,
        %sub3A_327 = arith.subf %get3A_326, %gather3A_201 : vector<16xf32>
        %get3A_328 = arith.constant 0 : i32
        %get3A_329 = arith.index_cast %get3A_328 : i32 to index
        %get3A_330 = arith.index_cast %add3A_322 : i32 to index
        %get3A_331 = tpu.vector_load %arg10[%get3A_329, %get3A_330] {strides = array<i32>} : memref<1x8192xf32, #tpu.memory_space<vmem>>, vector<16xf32>,
        %sub3A_332 = arith.subf %get3A_331, %gather3A_205 : vector<16xf32>
        %get3A_333 = arith.constant 0 : i32
        %get3A_334 = arith.index_cast %get3A_333 : i32 to index
        %get3A_335 = arith.index_cast %add3A_322 : i32 to index
        %get3A_336 = tpu.vector_load %arg11[%get3A_334, %get3A_335] {strides = array<i32>} : memref<1x8192xf32, #tpu.memory_space<vmem>>, vector<16xf32>,
        %sub3A_337 = arith.subf %get3A_336, %gather3A_209 : vector<16xf32>
        %mul3A_338 = arith.mulf %sub3A_327, %sub3A_327 : vector<16xf32>
        %mul3A_339 = arith.mulf %sub3A_332, %sub3A_332 : vector<16xf32>
        %add3A_340 = arith.addf %mul3A_338, %mul3A_339 : vector<16xf32>
        %mul3A_341 = arith.mulf %sub3A_337, %sub3A_337 : vector<16xf32>
        %add3A_342 = arith.addf %add3A_340, %mul3A_341 : vector<16xf32>
        %ge3A_343 = arith.constant 6.400000e-01 : f32
        %ge3A_344 = vector.broadcast %ge3A_343 : f32 to vector<16xf32>
        %ge3A_345 = arith.cmpf oge, %add3A_342, %ge3A_344 : vector<16xf32>
        %lt3A_346 = arith.constant 2.560000e+00 : f32
        %lt3A_347 = vector.broadcast %lt3A_346 : f32 to vector<16xf32>
        %lt3A_348 = arith.cmpf olt, %add3A_342, %lt3A_347 : vector<16xf32>
        %and3A_349 = arith.andi %ge3A_345, %lt3A_348 : vector<16xi1>
        %convert_element_type3A_350 = arith.extui %and3A_349 : vector<16xi1> to vector<16xi32>
        %broadcast_in_dim3A_351 = arith.constant true
        %broadcast_in_dim3A_352 = vector.broadcast %broadcast_in_dim3A_351 : i1 to vector<16xi1>
        %masked_cumsum3A_353 = tpu.scan <sum>, %convert_element_type3A_350 masked %broadcast_in_dim3A_352 : vector<16xi32>, vector<16xi1> -> vector<16xi32>
        %add3A_354 = vector.broadcast %add3A_320 : i32 to vector<16xi32>
        %add3A_355 = arith.addi %add3A_354, %masked_cumsum3A_353 : vector<16xi32>
        %sub3A_356 = arith.subi %add3A_355, %convert_element_type3A_350 : vector<16xi32>
        %add3A_357 = vector.broadcast %add3A_322 : i32 to vector<16xi32>
        %add3A_358 = arith.addi %add3A_357, %iota3A : vector<16xi32>
        tpu.vector_store_idx %arg20[%sub3A_356], %add3A_358 masked %and3A_349 : memref<128xi32, #tpu.memory_space<vmem>>[vector<16xi32>], vector<16xi32>, vector<16xi1>
        %all_reduce_population_count3A_359 = tpu.all_reduce %and3A_349 {dim = 0 : i64, kind = #tpu.reduction_kind<sum>} : vector<16xi1> -> vector<16xi32>
        %slice3A_360 = vector.extract_strided_slice %all_reduce_population_count3A_359 {offsets = [0], sizes = [1], strides = [1]} : vector<16xi32> to vector<1xi32>
        %squeeze3A_361 = vector.extract %slice3A_360[0] : i32 from vector<1xi32>
        %add3A_362 = arith.addi %add3A_320, %squeeze3A_361 : i32
        %add3A_363 = arith.constant 48 : i32
        %add3A_364 = arith.addi %while3A_238, %add3A_363 : i32
        %get3A_365 = arith.constant 0 : i32
        %get3A_366 = arith.index_cast %get3A_365 : i32 to index
        %get3A_367 = arith.index_cast %add3A_364 : i32 to index
        %get3A_368 = tpu.vector_load %arg9[%get3A_366, %get3A_367] {strides = array<i32>} : memref<1x8192xf32, #tpu.memory_space<vmem>>, vector<16xf32>,
        %sub3A_369 = arith.subf %get3A_368, %gather3A_201 : vector<16xf32>
        %get3A_370 = arith.constant 0 : i32
        %get3A_371 = arith.index_cast %get3A_370 : i32 to index
        %get3A_372 = arith.index_cast %add3A_364 : i32 to index
        %get3A_373 = tpu.vector_load %arg10[%get3A_371, %get3A_372] {strides = array<i32>} : memref<1x8192xf32, #tpu.memory_space<vmem>>, vector<16xf32>,
        %sub3A_374 = arith.subf %get3A_373, %gather3A_205 : vector<16xf32>
        %get3A_375 = arith.constant 0 : i32
        %get3A_376 = arith.index_cast %get3A_375 : i32 to index
        %get3A_377 = arith.index_cast %add3A_364 : i32 to index
        %get3A_378 = tpu.vector_load %arg11[%get3A_376, %get3A_377] {strides = array<i32>} : memref<1x8192xf32, #tpu.memory_space<vmem>>, vector<16xf32>,
        %sub3A_379 = arith.subf %get3A_378, %gather3A_209 : vector<16xf32>
        %mul3A_380 = arith.mulf %sub3A_369, %sub3A_369 : vector<16xf32>
        %mul3A_381 = arith.mulf %sub3A_374, %sub3A_374 : vector<16xf32>
        %add3A_382 = arith.addf %mul3A_380, %mul3A_381 : vector<16xf32>
        %mul3A_383 = arith.mulf %sub3A_379, %sub3A_379 : vector<16xf32>
        %add3A_384 = arith.addf %add3A_382, %mul3A_383 : vector<16xf32>
        %ge3A_385 = arith.constant 6.400000e-01 : f32
        %ge3A_386 = vector.broadcast %ge3A_385 : f32 to vector<16xf32>
        %ge3A_387 = arith.cmpf oge, %add3A_384, %ge3A_386 : vector<16xf32>
        %lt3A_388 = arith.constant 2.560000e+00 : f32
        %lt3A_389 = vector.broadcast %lt3A_388 : f32 to vector<16xf32>
        %lt3A_390 = arith.cmpf olt, %add3A_384, %lt3A_389 : vector<16xf32>
        %and3A_391 = arith.andi %ge3A_387, %lt3A_390 : vector<16xi1>
        %convert_element_type3A_392 = arith.extui %and3A_391 : vector<16xi1> to vector<16xi32>
        %broadcast_in_dim3A_393 = arith.constant true
        %broadcast_in_dim3A_394 = vector.broadcast %broadcast_in_dim3A_393 : i1 to vector<16xi1>
        %masked_cumsum3A_395 = tpu.scan <sum>, %convert_element_type3A_392 masked %broadcast_in_dim3A_394 : vector<16xi32>, vector<16xi1> -> vector<16xi32>
        %add3A_396 = vector.broadcast %add3A_362 : i32 to vector<16xi32>
        %add3A_397 = arith.addi %add3A_396, %masked_cumsum3A_395 : vector<16xi32>
        %sub3A_398 = arith.subi %add3A_397, %convert_element_type3A_392 : vector<16xi32>
        %add3A_399 = vector.broadcast %add3A_364 : i32 to vector<16xi32>
        %add3A_400 = arith.addi %add3A_399, %iota3A : vector<16xi32>
        tpu.vector_store_idx %arg20[%sub3A_398], %add3A_400 masked %and3A_391 : memref<128xi32, #tpu.memory_space<vmem>>[vector<16xi32>], vector<16xi32>, vector<16xi1>
        %all_reduce_population_count3A_401 = tpu.all_reduce %and3A_391 {dim = 0 : i64, kind = #tpu.reduction_kind<sum>} : vector<16xi1> -> vector<16xi32>
        %slice3A_402 = vector.extract_strided_slice %all_reduce_population_count3A_401 {offsets = [0], sizes = [1], strides = [1]} : vector<16xi32> to vector<1xi32>
        %squeeze3A_403 = vector.extract %slice3A_402[0] : i32 from vector<1xi32>
        %add3A_404 = arith.addi %add3A_362, %squeeze3A_403 : i32
        %add3A_405 = arith.constant 64 : i32
        %add3A_406 = arith.addi %while3A_238, %add3A_405 : i32
        scf.yield %add3A_406, %add3A_404 : i32, i32
      }
      %min3A_212 = arith.constant 32 : i32
      %min3A_213 = arith.minsi %while3A_211#1, %min3A_212 : i32
      %broadcast_in_dim3A_214 = vector.broadcast %min3A_213 : i32 to vector<16xi32>
      %get3A = arith.constant 0 : index
      %get3A_215 = tpu.vector_load %arg20[%get3A] {strides = array<i32>} : memref<128xi32, #tpu.memory_space<vmem>>, vector<16xi32>,
      %gt3A = arith.constant 0 : i32
      %gt3A_216 = arith.cmpi sgt, %min3A_213, %gt3A : i32
      %slice3A = vector.extract_strided_slice %get3A_215 {offsets = [0], sizes = [1], strides = [1]} : vector<16xi32> to vector<1xi32>
      %squeeze3A = vector.extract %slice3A[0] : i32 from vector<1xi32>
      %jit3A_217 = arith.constant 0 : i32
      %select_n3A_218 = arith.select %gt3A_216, %squeeze3A, %jit3A_217 : i32
      %broadcast_in_dim3A_219 = vector.broadcast %select_n3A_218 : i32 to vector<16xi32>
      %add3A_220 = arith.constant 0 : i32
      %add3A_221 = vector.broadcast %add3A_220 : i32 to vector<16xi32>
      %add3A_222 = arith.addi %iota3A, %add3A_221 : vector<16xi32>
      %lt3A_223 = arith.cmpi slt, %add3A_222, %broadcast_in_dim3A_214 : vector<16xi32>
      %select_n3A_224 = arith.select %lt3A_223, %get3A_215, %broadcast_in_dim3A_219 : vector<16xi1>, vector<16xi32>
      %add3A_225 = arith.constant 0 : i32
      %add3A_226 = vector.broadcast %add3A_225 : i32 to vector<16xi32>
      %add3A_227 = arith.addi %iota3A, %add3A_226 : vector<16xi32>
      tpu.vector_store_idx %arg18[%add3A_227, %broadcast_in_dim3A], %select_n3A_224 : memref<32x256xi32, #tpu.memory_space<vmem>>[vector<16xi32>, vector<16xi32>], vector<16xi32>,
      %get3A_228 = arith.constant 16 : index
      %get3A_229 = tpu.vector_load %arg20[%get3A_228] {strides = array<i32>} : memref<128xi32, #tpu.memory_space<vmem>>, vector<16xi32>,
      %add3A_230 = arith.constant 16 : i32
      %add3A_231 = vector.broadcast %add3A_230 : i32 to vector<16xi32>
      %add3A_232 = arith.addi %iota3A, %add3A_231 : vector<16xi32>
      %lt3A_233 = arith.cmpi slt, %add3A_232, %broadcast_in_dim3A_214 : vector<16xi32>
      %select_n3A_234 = arith.select %lt3A_233, %get3A_229, %broadcast_in_dim3A_219 : vector<16xi1>, vector<16xi32>
      %add3A_235 = arith.constant 16 : i32
      %add3A_236 = vector.broadcast %add3A_235 : i32 to vector<16xi32>
      %add3A_237 = arith.addi %iota3A, %add3A_236 : vector<16xi32>
      tpu.vector_store_idx %arg18[%add3A_237, %broadcast_in_dim3A], %select_n3A_234 : memref<32x256xi32, #tpu.memory_space<vmem>>[vector<16xi32>, vector<16xi32>], vector<16xi32>,
      tpu.vector_store_idx %arg19[%broadcast_in_dim3A], %broadcast_in_dim3A_214 masked %eq3A_59 : memref<256xi32, #tpu.memory_space<vmem>>[vector<16xi32>], vector<16xi32>, vector<16xi1>
    }
    %scan3A_67 = arith.constant 256 : i32
    %mul3A_68 = arith.constant 32 : i32
    %mul3A_69 = arith.muli %select_n3A, %mul3A_68 : i32
    "tpu.region"() ({
      %run_scoped3A = tpu.sem_alloc : memref<!tpu.dma_semaphore, #tpu.memory_space<semaphore_mem>>
      %dma_start3A_198 = tpu.memref_slice %arg5[%mul3A_69, %mul3A_32] : memref<128x2048xi32, #tpu.memory_space<hbm>> -> memref<32x256xi32, #tpu.memory_space<hbm>>
      %dma_start3A_199 = tpu.memref_slice %arg5[%mul3A_69, %mul3A_32] : memref<128x2048xi32, #tpu.memory_space<hbm>> -> memref<32x256xi32, #tpu.memory_space<hbm>>
      tpu.enqueue_dma source(%arg18 : memref<32x256xi32, #tpu.memory_space<vmem>>) target(%dma_start3A_199 : memref<32x256xi32, #tpu.memory_space<hbm>>) target_semaphore(%run_scoped3A : memref<!tpu.dma_semaphore, #tpu.memory_space<semaphore_mem>>)
      %dma_wait3A_200 = tpu.memref_slice %arg5[%mul3A_69, %mul3A_32] : memref<128x2048xi32, #tpu.memory_space<hbm>> -> memref<32x256xi32, #tpu.memory_space<hbm>>
      %dma_wait3A_201 = tpu.memref_slice %arg5[%mul3A_69, %mul3A_32] : memref<128x2048xi32, #tpu.memory_space<hbm>> -> memref<32x256xi32, #tpu.memory_space<hbm>>
      tpu.wait_dma2 semaphore(%run_scoped3A : memref<!tpu.dma_semaphore, #tpu.memory_space<semaphore_mem>>) src(%arg18 : memref<32x256xi32, #tpu.memory_space<vmem>>) dst(%dma_wait3A_201 : memref<32x256xi32, #tpu.memory_space<hbm>>)
      tpu.yield
    }) : () -> ()
    %mul3A_70 = arith.constant 2048 : i32
    %mul3A_71 = arith.muli %select_n3A, %mul3A_70 : i32
    %add3A_72 = arith.addi %mul3A_71, %mul3A_32 : i32
    "tpu.region"() ({
      %run_scoped3A = tpu.sem_alloc : memref<!tpu.dma_semaphore, #tpu.memory_space<semaphore_mem>>
      %dma_start3A_198 = tpu.memref_slice %arg6[%add3A_72] : memref<8192xi32, #tpu.memory_space<hbm>> -> memref<256xi32, #tpu.memory_space<hbm>>
      %dma_start3A_199 = tpu.memref_slice %arg6[%add3A_72] : memref<8192xi32, #tpu.memory_space<hbm>> -> memref<256xi32, #tpu.memory_space<hbm>>
      tpu.enqueue_dma source(%arg19 : memref<256xi32, #tpu.memory_space<vmem>>) target(%dma_start3A_199 : memref<256xi32, #tpu.memory_space<hbm>>) target_semaphore(%run_scoped3A : memref<!tpu.dma_semaphore, #tpu.memory_space<semaphore_mem>>)
      %dma_wait3A_200 = tpu.memref_slice %arg6[%add3A_72] : memref<8192xi32, #tpu.memory_space<hbm>> -> memref<256xi32, #tpu.memory_space<hbm>>
      %dma_wait3A_201 = tpu.memref_slice %arg6[%add3A_72] : memref<8192xi32, #tpu.memory_space<hbm>> -> memref<256xi32, #tpu.memory_space<hbm>>
      tpu.wait_dma2 semaphore(%run_scoped3A : memref<!tpu.dma_semaphore, #tpu.memory_space<semaphore_mem>>) src(%arg19 : memref<256xi32, #tpu.memory_space<vmem>>) dst(%dma_wait3A_201 : memref<256xi32, #tpu.memory_space<hbm>>)
      tpu.yield
    }) : () -> ()
    %barrier3A = arith.constant 0 : index
    tpu.barrier barrier_id(%barrier3A)
    %mul3A_73 = arith.constant 32 : i32
    %mul3A_74 = arith.muli %select_n3A, %mul3A_73 : i32
    "tpu.region"() ({
      %run_scoped3A = tpu.sem_alloc : memref<!tpu.dma_semaphore, #tpu.memory_space<semaphore_mem>>
      %dma_start3A_198 = arith.constant 0 : i32
      %dma_start3A_199 = tpu.memref_slice %arg5[%mul3A_74, %dma_start3A_198] : memref<128x2048xi32, #tpu.memory_space<hbm>> -> memref<32x1024xi32, #tpu.memory_space<hbm>>
      %dma_start3A_200 = arith.constant 0 : i32
      %dma_start3A_201 = tpu.memref_slice %arg5[%mul3A_74, %dma_start3A_200] : memref<128x2048xi32, #tpu.memory_space<hbm>> -> memref<32x1024xi32, #tpu.memory_space<hbm>>
      tpu.enqueue_dma source(%dma_start3A_201 : memref<32x1024xi32, #tpu.memory_space<hbm>>) target(%arg8 : memref<32x1024xi32, #tpu.memory_space<vmem>>) target_semaphore(%run_scoped3A : memref<!tpu.dma_semaphore, #tpu.memory_space<semaphore_mem>>)
      %dma_wait3A_202 = arith.constant 0 : i32
      %dma_wait3A_203 = tpu.memref_slice %arg5[%mul3A_74, %dma_wait3A_202] : memref<128x2048xi32, #tpu.memory_space<hbm>> -> memref<32x1024xi32, #tpu.memory_space<hbm>>
      %dma_wait3A_204 = arith.constant 0 : i32
      %dma_wait3A_205 = tpu.memref_slice %arg5[%mul3A_74, %dma_wait3A_204] : memref<128x2048xi32, #tpu.memory_space<hbm>> -> memref<32x1024xi32, #tpu.memory_space<hbm>>
      tpu.wait_dma2 semaphore(%run_scoped3A : memref<!tpu.dma_semaphore, #tpu.memory_space<semaphore_mem>>) src(%dma_wait3A_205 : memref<32x1024xi32, #tpu.memory_space<hbm>>) dst(%arg8 : memref<32x1024xi32, #tpu.memory_space<vmem>>)
      tpu.yield
    }) : () -> ()
    %mul3A_75 = arith.constant 32 : i32
    %mul3A_76 = arith.muli %select_n3A_30, %mul3A_75 : i32
    %add3A_77 = arith.constant 0 : i32
    %add3A_78 = arith.addi %mul3A_76, %add3A_77 : i32
    %mul3A_79 = arith.constant 256 : i32
    %mul3A_80 = arith.muli %select_n3A, %mul3A_79 : i32
    %add3A_81 = arith.addi %mul3A_80, %add3A_78 : i32
    %min3A = arith.constant 1023 : i32
    %min3A_82 = arith.minsi %add3A_81, %min3A : i32
    %dma_start3A = arith.constant 0 : i32
    %dma_start3A_83 = tpu.memref_slice %arg4[%min3A_82, %dma_start3A] : memref<1024x8192xf32, #tpu.memory_space<hbm>> -> memref<1x8192xf32, #tpu.memory_space<hbm>>
    %dma_start3A_84 = arith.constant 0 : i32
    %dma_start3A_85 = tpu.memref_slice %arg4[%min3A_82, %dma_start3A_84] : memref<1024x8192xf32, #tpu.memory_space<hbm>> -> memref<1x8192xf32, #tpu.memory_space<hbm>>
    tpu.enqueue_dma source(%dma_start3A_85 : memref<1x8192xf32, #tpu.memory_space<hbm>>) target(%arg9 : memref<1x8192xf32, #tpu.memory_space<vmem>>) target_semaphore(%arg23 : memref<!tpu.dma_semaphore, #tpu.memory_space<semaphore_mem>>)
    %mul3A_86 = arith.constant 32 : i32
    %mul3A_87 = arith.muli %select_n3A_30, %mul3A_86 : i32
    %add3A_88 = arith.constant 1 : i32
    %add3A_89 = arith.addi %mul3A_87, %add3A_88 : i32
    %mul3A_90 = arith.constant 256 : i32
    %mul3A_91 = arith.muli %select_n3A, %mul3A_90 : i32
    %add3A_92 = arith.addi %mul3A_91, %add3A_89 : i32
    %min3A_93 = arith.constant 1023 : i32
    %min3A_94 = arith.minsi %add3A_92, %min3A_93 : i32
    %dma_start3A_95 = arith.constant 0 : i32
    %dma_start3A_96 = tpu.memref_slice %arg4[%min3A_94, %dma_start3A_95] : memref<1024x8192xf32, #tpu.memory_space<hbm>> -> memref<1x8192xf32, #tpu.memory_space<hbm>>
    %dma_start3A_97 = arith.constant 0 : i32
    %dma_start3A_98 = tpu.memref_slice %arg4[%min3A_94, %dma_start3A_97] : memref<1024x8192xf32, #tpu.memory_space<hbm>> -> memref<1x8192xf32, #tpu.memory_space<hbm>>
    tpu.enqueue_dma source(%dma_start3A_98 : memref<1x8192xf32, #tpu.memory_space<hbm>>) target(%arg10 : memref<1x8192xf32, #tpu.memory_space<vmem>>) target_semaphore(%arg23 : memref<!tpu.dma_semaphore, #tpu.memory_space<semaphore_mem>>)
    %lt3A_99 = arith.constant 3 : i32
    %lt3A_100 = arith.cmpi slt, %select_n3A_30, %lt3A_99 : i32
    %convert_element_type3A = arith.extui %lt3A_100 : i1 to i32
    %cond3A = arith.constant 0 : i32
    %cond3A_101 = arith.cmpi ne, %convert_element_type3A, %cond3A : i32
    scf.if %cond3A_101 {
      %mul3A_198 = arith.constant 3 : i32
      %mul3A_199 = arith.muli %select_n3A, %mul3A_198 : i32
      %add3A_200 = arith.addi %mul3A_199, %select_n3A_30 : i32
      "tpu.region"() ({
        %run_scoped3A = tpu.sem_alloc : memref<!tpu.dma_semaphore, #tpu.memory_space<semaphore_mem>>
        %dma_start3A_210 = arith.constant 0 : i32
        %dma_start3A_211 = tpu.memref_slice %arg2[%add3A_200, %dma_start3A_210] : memref<12x8192xf32, #tpu.memory_space<hbm>> -> memref<1x8192xf32, #tpu.memory_space<hbm>>
        %dma_start3A_212 = arith.constant 0 : i32
        %dma_start3A_213 = tpu.memref_slice %arg2[%add3A_200, %dma_start3A_212] : memref<12x8192xf32, #tpu.memory_space<hbm>> -> memref<1x8192xf32, #tpu.memory_space<hbm>>
        tpu.enqueue_dma source(%dma_start3A_213 : memref<1x8192xf32, #tpu.memory_space<hbm>>) target(%arg11 : memref<1x8192xf32, #tpu.memory_space<vmem>>) target_semaphore(%run_scoped3A : memref<!tpu.dma_semaphore, #tpu.memory_space<semaphore_mem>>)
        %dma_wait3A_214 = arith.constant 0 : i32
        %dma_wait3A_215 = tpu.memref_slice %arg2[%add3A_200, %dma_wait3A_214] : memref<12x8192xf32, #tpu.memory_space<hbm>> -> memref<1x8192xf32, #tpu.memory_space<hbm>>
        %dma_wait3A_216 = arith.constant 0 : i32
        %dma_wait3A_217 = tpu.memref_slice %arg2[%add3A_200, %dma_wait3A_216] : memref<12x8192xf32, #tpu.memory_space<hbm>> -> memref<1x8192xf32, #tpu.memory_space<hbm>>
        tpu.wait_dma2 semaphore(%run_scoped3A : memref<!tpu.dma_semaphore, #tpu.memory_space<semaphore_mem>>) src(%dma_wait3A_217 : memref<1x8192xf32, #tpu.memory_space<hbm>>) dst(%arg11 : memref<1x8192xf32, #tpu.memory_space<vmem>>)
        tpu.yield
      }) : () -> ()
      %mul3A_201 = arith.constant 3 : i32
      %mul3A_202 = arith.muli %select_n3A, %mul3A_201 : i32
      %add3A_203 = arith.addi %mul3A_202, %select_n3A_30 : i32
      "tpu.region"() ({
        %run_scoped3A = tpu.sem_alloc : memref<!tpu.dma_semaphore, #tpu.memory_space<semaphore_mem>>
        %dma_start3A_210 = arith.constant 0 : i32
        %dma_start3A_211 = tpu.memref_slice %arg3[%add3A_203, %dma_start3A_210] : memref<12x2048xf32, #tpu.memory_space<hbm>> -> memref<1x1024xf32, #tpu.memory_space<hbm>>
        %dma_start3A_212 = arith.constant 0 : i32
        %dma_start3A_213 = tpu.memref_slice %arg3[%add3A_203, %dma_start3A_212] : memref<12x2048xf32, #tpu.memory_space<hbm>> -> memref<1x1024xf32, #tpu.memory_space<hbm>>
        tpu.enqueue_dma source(%dma_start3A_213 : memref<1x1024xf32, #tpu.memory_space<hbm>>) target(%arg13 : memref<1x1024xf32, #tpu.memory_space<vmem>>) target_semaphore(%run_scoped3A : memref<!tpu.dma_semaphore, #tpu.memory_space<semaphore_mem>>)
        %dma_wait3A_214 = arith.constant 0 : i32
        %dma_wait3A_215 = tpu.memref_slice %arg3[%add3A_203, %dma_wait3A_214] : memref<12x2048xf32, #tpu.memory_space<hbm>> -> memref<1x1024xf32, #tpu.memory_space<hbm>>
        %dma_wait3A_216 = arith.constant 0 : i32
        %dma_wait3A_217 = tpu.memref_slice %arg3[%add3A_203, %dma_wait3A_216] : memref<12x2048xf32, #tpu.memory_space<hbm>> -> memref<1x1024xf32, #tpu.memory_space<hbm>>
        tpu.wait_dma2 semaphore(%run_scoped3A : memref<!tpu.dma_semaphore, #tpu.memory_space<semaphore_mem>>) src(%dma_wait3A_217 : memref<1x1024xf32, #tpu.memory_space<hbm>>) dst(%arg13 : memref<1x1024xf32, #tpu.memory_space<vmem>>)
        tpu.yield
      }) : () -> ()
      %scan3A_204 = arith.constant 0 : i32
      %scan3A_205 = arith.constant 0 : i32
      %scan3A_206 = arith.constant 4 : i32
      %scan3A_207 = arith.addi %scan3A_205, %scan3A_206 : i32
      %scan3A_208 = arith.constant 1 : i32
      scf.for %scan3A_210 = %scan3A_205 to %scan3A_207 step %scan3A_208  : i32 {
        %scan3A_211 = arith.constant 0 : i32
        %scan3A_212 = arith.constant 0 : i32
        %scan3A_213 = arith.constant 8 : i32
        %scan3A_214 = arith.addi %scan3A_212, %scan3A_213 : i32
        %scan3A_215 = arith.constant 1 : i32
        scf.for %scan3A_219 = %scan3A_212 to %scan3A_214 step %scan3A_215  : i32 {
          %mul3A_220 = arith.constant 8 : i32
          %mul3A_221 = arith.muli %scan3A_210, %mul3A_220 : i32
          %add3A_222 = arith.addi %mul3A_221, %scan3A_219 : i32
          %parallel_loop3A = arith.constant 0 : i32
          %parallel_loop3A_223 = arith.constant 1024 : i32
          %parallel_loop3A_224 = arith.constant 16 : i32
          scf.for %parallel_loop3A_225 = %parallel_loop3A to %parallel_loop3A_223 step %parallel_loop3A_224  : i32 {
            %parallel_loop3A_226 = arith.index_cast %add3A_222 : i32 to index
            %parallel_loop3A_227 = arith.index_cast %parallel_loop3A_225 : i32 to index
            %parallel_loop3A_228 = tpu.vector_load %arg8[%parallel_loop3A_226, %parallel_loop3A_227] {strides = array<i32>} : memref<32x1024xi32, #tpu.memory_space<vmem>>, vector<16xi32>,
            %parallel_loop3A_229 = arith.constant 0 : i32
            %parallel_loop3A_230 = arith.constant 0 : i32
            %parallel_loop3A_231 = tpu.memref_slice %arg11[%parallel_loop3A_229, %parallel_loop3A_230] : memref<1x8192xf32, #tpu.memory_space<vmem>> -> memref<1x8192xf32, #tpu.memory_space<vmem>>
            %parallel_loop3A_232 = tpu.memref_squeeze %parallel_loop3A_231 : memref<1x8192xf32, #tpu.memory_space<vmem>> -> memref<8192xf32, #tpu.memory_space<vmem>>
            %parallel_loop3A_233 = tpu.vector_load_idx %parallel_loop3A_232[%parallel_loop3A_228] : memref<8192xf32, #tpu.memory_space<vmem>>[vector<16xi32>], vector<16xf32>,
            %parallel_loop3A_234 = arith.constant 0 : i32
            %parallel_loop3A_235 = arith.index_cast %parallel_loop3A_234 : i32 to index
            %parallel_loop3A_236 = arith.index_cast %parallel_loop3A_225 : i32 to index
            %parallel_loop3A_237 = tpu.vector_load %arg13[%parallel_loop3A_235, %parallel_loop3A_236] {strides = array<i32>} : memref<1x1024xf32, #tpu.memory_space<vmem>>, vector<16xf32>,
            %parallel_loop3A_238 = arith.subf %parallel_loop3A_233, %parallel_loop3A_237 : vector<16xf32>
            %parallel_loop3A_239 = arith.constant 0 : i32
            %parallel_loop3A_240 = arith.constant 0 : i32
            %parallel_loop3A_241 = arith.index_cast %parallel_loop3A_239 : i32 to index
            %parallel_loop3A_242 = arith.index_cast %parallel_loop3A_240 : i32 to index
            %parallel_loop3A_243 = arith.index_cast %scan3A_219 : i32 to index
            %parallel_loop3A_244 = arith.index_cast %parallel_loop3A_225 : i32 to index
            %parallel_loop3A_245 = tpu.vector_load %arg14[%parallel_loop3A_241, %parallel_loop3A_242, %parallel_loop3A_243, %parallel_loop3A_244] {strides = array<i32>} : memref<1x1x8x1024xf32, #tpu.memory_space<vmem>>, vector<16xf32>,
            tpu.vector_store %arg14[%parallel_loop3A_241, %parallel_loop3A_242, %parallel_loop3A_243, %parallel_loop3A_244], %parallel_loop3A_238 {strides = array<i32>} : memref<1x1x8x1024xf32, #tpu.memory_space<vmem>>, vector<16xf32>,
          } {sc.loop_unroll_factor = 8 : i64, sc.parallel_access}
        }
        %scan3A_216 = arith.constant 8 : i32
        %mul3A_217 = arith.constant 8 : i32
        %mul3A_218 = arith.muli %scan3A_210, %mul3A_217 : i32
        "tpu.region"() ({
          %run_scoped3A = tpu.sem_alloc : memref<!tpu.dma_semaphore, #tpu.memory_space<semaphore_mem>>
          %dma_start3A_219 = arith.constant 0 : i32
          %dma_start3A_220 = tpu.memref_slice %arg7[%select_n3A, %select_n3A_30, %mul3A_218, %dma_start3A_219] : memref<4x259x32x2048xf32, #tpu.memory_space<hbm>> -> memref<1x1x8x1024xf32, #tpu.memory_space<hbm>>
          %dma_start3A_221 = arith.constant 0 : i32
          %dma_start3A_222 = tpu.memref_slice %arg7[%select_n3A, %select_n3A_30, %mul3A_218, %dma_start3A_221] : memref<4x259x32x2048xf32, #tpu.memory_space<hbm>> -> memref<1x1x8x1024xf32, #tpu.memory_space<hbm>>
          tpu.enqueue_dma source(%arg14 : memref<1x1x8x1024xf32, #tpu.memory_space<vmem>>) target(%dma_start3A_222 : memref<1x1x8x1024xf32, #tpu.memory_space<hbm>>) target_semaphore(%run_scoped3A : memref<!tpu.dma_semaphore, #tpu.memory_space<semaphore_mem>>)
          %dma_wait3A_223 = arith.constant 0 : i32
          %dma_wait3A_224 = tpu.memref_slice %arg7[%select_n3A, %select_n3A_30, %mul3A_218, %dma_wait3A_223] : memref<4x259x32x2048xf32, #tpu.memory_space<hbm>> -> memref<1x1x8x1024xf32, #tpu.memory_space<hbm>>
          %dma_wait3A_225 = arith.constant 0 : i32
          %dma_wait3A_226 = tpu.memref_slice %arg7[%select_n3A, %select_n3A_30, %mul3A_218, %dma_wait3A_225] : memref<4x259x32x2048xf32, #tpu.memory_space<hbm>> -> memref<1x1x8x1024xf32, #tpu.memory_space<hbm>>
          tpu.wait_dma2 semaphore(%run_scoped3A : memref<!tpu.dma_semaphore, #tpu.memory_space<semaphore_mem>>) src(%arg14 : memref<1x1x8x1024xf32, #tpu.memory_space<vmem>>) dst(%dma_wait3A_226 : memref<1x1x8x1024xf32, #tpu.memory_space<hbm>>)
          tpu.yield
        }) : () -> ()
      }
      %scan3A_209 = arith.constant 4 : i32
    } else {
    }
    %scan3A_102 = arith.constant 0 : i32
    %scan3A_103 = arith.constant 0 : i32
    %scan3A_104 = arith.constant 8 : i32
    %scan3A_105 = arith.addi %scan3A_103, %scan3A_104 : i32
    %scan3A_106 = arith.constant 1 : i32
    scf.for %scan3A_198 = %scan3A_103 to %scan3A_105 step %scan3A_106  : i32 {
      %mul3A_199 = arith.constant 32 : i32
      %mul3A_200 = arith.muli %select_n3A_30, %mul3A_199 : i32
      %mul3A_201 = arith.constant 4 : i32
      %mul3A_202 = arith.muli %mul3A_201, %scan3A_198 : i32
      %add3A_203 = arith.addi %mul3A_200, %mul3A_202 : i32
      %mul3A_204 = arith.constant 256 : i32
      %mul3A_205 = arith.muli %select_n3A, %mul3A_204 : i32
      %add3A_206 = arith.addi %mul3A_205, %add3A_203 : i32
      %min3A_207 = arith.constant 1023 : i32
      %min3A_208 = arith.minsi %add3A_206, %min3A_207 : i32
      %dma_wait3A_209 = arith.constant 0 : i32
      %dma_wait3A_210 = tpu.memref_slice %arg4[%min3A_208, %dma_wait3A_209] : memref<1024x8192xf32, #tpu.memory_space<hbm>> -> memref<1x8192xf32, #tpu.memory_space<hbm>>
      %dma_wait3A_211 = arith.constant 0 : i32
      %dma_wait3A_212 = tpu.memref_slice %arg4[%min3A_208, %dma_wait3A_211] : memref<1024x8192xf32, #tpu.memory_space<hbm>> -> memref<1x8192xf32, #tpu.memory_space<hbm>>
      tpu.wait_dma2 semaphore(%arg23 : memref<!tpu.dma_semaphore, #tpu.memory_space<semaphore_mem>>) src(%dma_wait3A_212 : memref<1x8192xf32, #tpu.memory_space<hbm>>) dst(%arg9 : memref<1x8192xf32, #tpu.memory_space<vmem>>)
      %add3A_213 = arith.constant 1 : i32
      %add3A_214 = arith.addi %add3A_203, %add3A_213 : i32
      %mul3A_215 = arith.constant 256 : i32
      %mul3A_216 = arith.muli %select_n3A, %mul3A_215 : i32
      %add3A_217 = arith.addi %mul3A_216, %add3A_214 : i32
      %min3A_218 = arith.constant 1023 : i32
      %min3A_219 = arith.minsi %add3A_217, %min3A_218 : i32
      %dma_wait3A_220 = arith.constant 0 : i32
      %dma_wait3A_221 = tpu.memref_slice %arg4[%min3A_219, %dma_wait3A_220] : memref<1024x8192xf32, #tpu.memory_space<hbm>> -> memref<1x8192xf32, #tpu.memory_space<hbm>>
      %dma_wait3A_222 = arith.constant 0 : i32
      %dma_wait3A_223 = tpu.memref_slice %arg4[%min3A_219, %dma_wait3A_222] : memref<1024x8192xf32, #tpu.memory_space<hbm>> -> memref<1x8192xf32, #tpu.memory_space<hbm>>
      tpu.wait_dma2 semaphore(%arg23 : memref<!tpu.dma_semaphore, #tpu.memory_space<semaphore_mem>>) src(%dma_wait3A_223 : memref<1x8192xf32, #tpu.memory_space<hbm>>) dst(%arg10 : memref<1x8192xf32, #tpu.memory_space<vmem>>)
      %add3A_224 = arith.constant 2 : i32
      %add3A_225 = arith.addi %add3A_203, %add3A_224 : i32
      %mul3A_226 = arith.constant 256 : i32
      %mul3A_227 = arith.muli %select_n3A, %mul3A_226 : i32
      %add3A_228 = arith.addi %mul3A_227, %add3A_225 : i32
      %min3A_229 = arith.constant 1023 : i32
      %min3A_230 = arith.minsi %add3A_228, %min3A_229 : i32
      %dma_start3A_231 = arith.constant 0 : i32
      %dma_start3A_232 = tpu.memref_slice %arg4[%min3A_230, %dma_start3A_231] : memref<1024x8192xf32, #tpu.memory_space<hbm>> -> memref<1x8192xf32, #tpu.memory_space<hbm>>
      %dma_start3A_233 = arith.constant 0 : i32
      %dma_start3A_234 = tpu.memref_slice %arg4[%min3A_230, %dma_start3A_233] : memref<1024x8192xf32, #tpu.memory_space<hbm>> -> memref<1x8192xf32, #tpu.memory_space<hbm>>
      tpu.enqueue_dma source(%dma_start3A_234 : memref<1x8192xf32, #tpu.memory_space<hbm>>) target(%arg11 : memref<1x8192xf32, #tpu.memory_space<vmem>>) target_semaphore(%arg24 : memref<!tpu.dma_semaphore, #tpu.memory_space<semaphore_mem>>)
      %add3A_235 = arith.constant 3 : i32
      %add3A_236 = arith.addi %add3A_203, %add3A_235 : i32
      %mul3A_237 = arith.constant 256 : i32
      %mul3A_238 = arith.muli %select_n3A, %mul3A_237 : i32
      %add3A_239 = arith.addi %mul3A_238, %add3A_236 : i32
      %min3A_240 = arith.constant 1023 : i32
      %min3A_241 = arith.minsi %add3A_239, %min3A_240 : i32
      %dma_start3A_242 = arith.constant 0 : i32
      %dma_start3A_243 = tpu.memref_slice %arg4[%min3A_241, %dma_start3A_242] : memref<1024x8192xf32, #tpu.memory_space<hbm>> -> memref<1x8192xf32, #tpu.memory_space<hbm>>
      %dma_start3A_244 = arith.constant 0 : i32
      %dma_start3A_245 = tpu.memref_slice %arg4[%min3A_241, %dma_start3A_244] : memref<1024x8192xf32, #tpu.memory_space<hbm>> -> memref<1x8192xf32, #tpu.memory_space<hbm>>
      tpu.enqueue_dma source(%dma_start3A_245 : memref<1x8192xf32, #tpu.memory_space<hbm>>) target(%arg12 : memref<1x8192xf32, #tpu.memory_space<vmem>>) target_semaphore(%arg24 : memref<!tpu.dma_semaphore, #tpu.memory_space<semaphore_mem>>)
      %add3A_246 = arith.constant 3 : i32
      %add3A_247 = arith.addi %add3A_246, %add3A_203 : i32
      %scan3A_248 = arith.constant 0 : i32
      %scan3A_249 = arith.constant 0 : i32
      %scan3A_250 = arith.constant 8 : i32
      %scan3A_251 = arith.addi %scan3A_249, %scan3A_250 : i32
      %scan3A_252 = arith.constant 1 : i32
      scf.for %scan3A_552 = %scan3A_249 to %scan3A_251 step %scan3A_252  : i32 {
        %add3A_553 = arith.constant 0 : i32
        %add3A_554 = arith.addi %add3A_553, %scan3A_552 : i32
        %parallel_loop3A = arith.constant 0 : i32
        %parallel_loop3A_555 = arith.constant 1024 : i32
        %parallel_loop3A_556 = arith.constant 16 : i32
        scf.for %parallel_loop3A_557 = %parallel_loop3A to %parallel_loop3A_555 step %parallel_loop3A_556  : i32 {
          %parallel_loop3A_558 = arith.index_cast %add3A_554 : i32 to index
          %parallel_loop3A_559 = arith.index_cast %parallel_loop3A_557 : i32 to index
          %parallel_loop3A_560 = tpu.vector_load %arg8[%parallel_loop3A_558, %parallel_loop3A_559] {strides = array<i32>} : memref<32x1024xi32, #tpu.memory_space<vmem>>, vector<16xi32>,
          %parallel_loop3A_561 = arith.constant 0 : i32
          %parallel_loop3A_562 = arith.constant 0 : i32
          %parallel_loop3A_563 = tpu.memref_slice %arg9[%parallel_loop3A_561, %parallel_loop3A_562] : memref<1x8192xf32, #tpu.memory_space<vmem>> -> memref<1x8192xf32, #tpu.memory_space<vmem>>
          %parallel_loop3A_564 = tpu.memref_squeeze %parallel_loop3A_563 : memref<1x8192xf32, #tpu.memory_space<vmem>> -> memref<8192xf32, #tpu.memory_space<vmem>>
          %parallel_loop3A_565 = tpu.vector_load_idx %parallel_loop3A_564[%parallel_loop3A_560] : memref<8192xf32, #tpu.memory_space<vmem>>[vector<16xi32>], vector<16xf32>,
          %parallel_loop3A_566 = arith.constant 0 : i32
          %parallel_loop3A_567 = arith.constant 0 : i32
          %parallel_loop3A_568 = tpu.memref_slice %arg10[%parallel_loop3A_566, %parallel_loop3A_567] : memref<1x8192xf32, #tpu.memory_space<vmem>> -> memref<1x8192xf32, #tpu.memory_space<vmem>>
          %parallel_loop3A_569 = tpu.memref_squeeze %parallel_loop3A_568 : memref<1x8192xf32, #tpu.memory_space<vmem>> -> memref<8192xf32, #tpu.memory_space<vmem>>
          %parallel_loop3A_570 = tpu.vector_load_idx %parallel_loop3A_569[%parallel_loop3A_560] : memref<8192xf32, #tpu.memory_space<vmem>>[vector<16xi32>], vector<16xf32>,
          %parallel_loop3A_571 = arith.constant 0 : i32
          %parallel_loop3A_572 = arith.constant 0 : i32
          %parallel_loop3A_573 = arith.index_cast %parallel_loop3A_571 : i32 to index
          %parallel_loop3A_574 = arith.index_cast %parallel_loop3A_572 : i32 to index
          %parallel_loop3A_575 = arith.index_cast %scan3A_552 : i32 to index
          %parallel_loop3A_576 = arith.index_cast %parallel_loop3A_557 : i32 to index
          %parallel_loop3A_577 = tpu.vector_load %arg14[%parallel_loop3A_573, %parallel_loop3A_574, %parallel_loop3A_575, %parallel_loop3A_576] {strides = array<i32>} : memref<1x1x8x1024xf32, #tpu.memory_space<vmem>>, vector<16xf32>,
          tpu.vector_store %arg14[%parallel_loop3A_573, %parallel_loop3A_574, %parallel_loop3A_575, %parallel_loop3A_576], %parallel_loop3A_565 {strides = array<i32>} : memref<1x1x8x1024xf32, #tpu.memory_space<vmem>>, vector<16xf32>,
          %parallel_loop3A_578 = arith.constant 0 : i32
          %parallel_loop3A_579 = arith.constant 0 : i32
          %parallel_loop3A_580 = arith.index_cast %parallel_loop3A_578 : i32 to index
          %parallel_loop3A_581 = arith.index_cast %parallel_loop3A_579 : i32 to index
          %parallel_loop3A_582 = arith.index_cast %scan3A_552 : i32 to index
          %parallel_loop3A_583 = arith.index_cast %parallel_loop3A_557 : i32 to index
          %parallel_loop3A_584 = tpu.vector_load %arg16[%parallel_loop3A_580, %parallel_loop3A_581, %parallel_loop3A_582, %parallel_loop3A_583] {strides = array<i32>} : memref<1x1x8x1024xf32, #tpu.memory_space<vmem>>, vector<16xf32>,
          tpu.vector_store %arg16[%parallel_loop3A_580, %parallel_loop3A_581, %parallel_loop3A_582, %parallel_loop3A_583], %parallel_loop3A_570 {strides = array<i32>} : memref<1x1x8x1024xf32, #tpu.memory_space<vmem>>, vector<16xf32>,
        } {sc.loop_unroll_factor = 8 : i64, sc.parallel_access}
      }
      %scan3A_253 = arith.constant 8 : i32
      %dma_start3A_254 = arith.constant 0 : i32
      %dma_start3A_255 = arith.constant 0 : i32
      %dma_start3A_256 = tpu.memref_slice %arg7[%select_n3A, %add3A_247, %dma_start3A_254, %dma_start3A_255] : memref<4x259x32x2048xf32, #tpu.memory_space<hbm>> -> memref<1x1x8x1024xf32, #tpu.memory_space<hbm>>
      %dma_start3A_257 = arith.constant 0 : i32
      %dma_start3A_258 = arith.constant 0 : i32
      %dma_start3A_259 = tpu.memref_slice %arg7[%select_n3A, %add3A_247, %dma_start3A_257, %dma_start3A_258] : memref<4x259x32x2048xf32, #tpu.memory_space<hbm>> -> memref<1x1x8x1024xf32, #tpu.memory_space<hbm>>
      tpu.enqueue_dma source(%arg14 : memref<1x1x8x1024xf32, #tpu.memory_space<vmem>>) target(%dma_start3A_259 : memref<1x1x8x1024xf32, #tpu.memory_space<hbm>>) target_semaphore(%arg21 : memref<!tpu.dma_semaphore, #tpu.memory_space<semaphore_mem>>)
      %add3A_260 = arith.constant 1 : i32
      %add3A_261 = arith.addi %add3A_247, %add3A_260 : i32
      %dma_start3A_262 = arith.constant 0 : i32
      %dma_start3A_263 = arith.constant 0 : i32
      %dma_start3A_264 = tpu.memref_slice %arg7[%select_n3A, %add3A_261, %dma_start3A_262, %dma_start3A_263] : memref<4x259x32x2048xf32, #tpu.memory_space<hbm>> -> memref<1x1x8x1024xf32, #tpu.memory_space<hbm>>
      %dma_start3A_265 = arith.constant 0 : i32
      %dma_start3A_266 = arith.constant 0 : i32
      %dma_start3A_267 = tpu.memref_slice %arg7[%select_n3A, %add3A_261, %dma_start3A_265, %dma_start3A_266] : memref<4x259x32x2048xf32, #tpu.memory_space<hbm>> -> memref<1x1x8x1024xf32, #tpu.memory_space<hbm>>
      tpu.enqueue_dma source(%arg16 : memref<1x1x8x1024xf32, #tpu.memory_space<vmem>>) target(%dma_start3A_267 : memref<1x1x8x1024xf32, #tpu.memory_space<hbm>>) target_semaphore(%arg21 : memref<!tpu.dma_semaphore, #tpu.memory_space<semaphore_mem>>)
      %scan3A_268 = arith.constant 0 : i32
      %scan3A_269 = arith.constant 0 : i32
      %scan3A_270 = arith.constant 8 : i32
      %scan3A_271 = arith.addi %scan3A_269, %scan3A_270 : i32
      %scan3A_272 = arith.constant 1 : i32
      scf.for %scan3A_552 = %scan3A_269 to %scan3A_271 step %scan3A_272  : i32 {
        %add3A_553 = arith.constant 8 : i32
        %add3A_554 = arith.addi %add3A_553, %scan3A_552 : i32
        %parallel_loop3A = arith.constant 0 : i32
        %parallel_loop3A_555 = arith.constant 1024 : i32
        %parallel_loop3A_556 = arith.constant 16 : i32
        scf.for %parallel_loop3A_557 = %parallel_loop3A to %parallel_loop3A_555 step %parallel_loop3A_556  : i32 {
          %parallel_loop3A_558 = arith.index_cast %add3A_554 : i32 to index
          %parallel_loop3A_559 = arith.index_cast %parallel_loop3A_557 : i32 to index
          %parallel_loop3A_560 = tpu.vector_load %arg8[%parallel_loop3A_558, %parallel_loop3A_559] {strides = array<i32>} : memref<32x1024xi32, #tpu.memory_space<vmem>>, vector<16xi32>,
          %parallel_loop3A_561 = arith.constant 0 : i32
          %parallel_loop3A_562 = arith.constant 0 : i32
          %parallel_loop3A_563 = tpu.memref_slice %arg9[%parallel_loop3A_561, %parallel_loop3A_562] : memref<1x8192xf32, #tpu.memory_space<vmem>> -> memref<1x8192xf32, #tpu.memory_space<vmem>>
          %parallel_loop3A_564 = tpu.memref_squeeze %parallel_loop3A_563 : memref<1x8192xf32, #tpu.memory_space<vmem>> -> memref<8192xf32, #tpu.memory_space<vmem>>
          %parallel_loop3A_565 = tpu.vector_load_idx %parallel_loop3A_564[%parallel_loop3A_560] : memref<8192xf32, #tpu.memory_space<vmem>>[vector<16xi32>], vector<16xf32>,
          %parallel_loop3A_566 = arith.constant 0 : i32
          %parallel_loop3A_567 = arith.constant 0 : i32
          %parallel_loop3A_568 = tpu.memref_slice %arg10[%parallel_loop3A_566, %parallel_loop3A_567] : memref<1x8192xf32, #tpu.memory_space<vmem>> -> memref<1x8192xf32, #tpu.memory_space<vmem>>
          %parallel_loop3A_569 = tpu.memref_squeeze %parallel_loop3A_568 : memref<1x8192xf32, #tpu.memory_space<vmem>> -> memref<8192xf32, #tpu.memory_space<vmem>>
          %parallel_loop3A_570 = tpu.vector_load_idx %parallel_loop3A_569[%parallel_loop3A_560] : memref<8192xf32, #tpu.memory_space<vmem>>[vector<16xi32>], vector<16xf32>,
          %parallel_loop3A_571 = arith.constant 0 : i32
          %parallel_loop3A_572 = arith.constant 0 : i32
          %parallel_loop3A_573 = arith.index_cast %parallel_loop3A_571 : i32 to index
          %parallel_loop3A_574 = arith.index_cast %parallel_loop3A_572 : i32 to index
          %parallel_loop3A_575 = arith.index_cast %scan3A_552 : i32 to index
          %parallel_loop3A_576 = arith.index_cast %parallel_loop3A_557 : i32 to index
          %parallel_loop3A_577 = tpu.vector_load %arg15[%parallel_loop3A_573, %parallel_loop3A_574, %parallel_loop3A_575, %parallel_loop3A_576] {strides = array<i32>} : memref<1x1x8x1024xf32, #tpu.memory_space<vmem>>, vector<16xf32>,
          tpu.vector_store %arg15[%parallel_loop3A_573, %parallel_loop3A_574, %parallel_loop3A_575, %parallel_loop3A_576], %parallel_loop3A_565 {strides = array<i32>} : memref<1x1x8x1024xf32, #tpu.memory_space<vmem>>, vector<16xf32>,
          %parallel_loop3A_578 = arith.constant 0 : i32
          %parallel_loop3A_579 = arith.constant 0 : i32
          %parallel_loop3A_580 = arith.index_cast %parallel_loop3A_578 : i32 to index
          %parallel_loop3A_581 = arith.index_cast %parallel_loop3A_579 : i32 to index
          %parallel_loop3A_582 = arith.index_cast %scan3A_552 : i32 to index
          %parallel_loop3A_583 = arith.index_cast %parallel_loop3A_557 : i32 to index
          %parallel_loop3A_584 = tpu.vector_load %arg17[%parallel_loop3A_580, %parallel_loop3A_581, %parallel_loop3A_582, %parallel_loop3A_583] {strides = array<i32>} : memref<1x1x8x1024xf32, #tpu.memory_space<vmem>>, vector<16xf32>,
          tpu.vector_store %arg17[%parallel_loop3A_580, %parallel_loop3A_581, %parallel_loop3A_582, %parallel_loop3A_583], %parallel_loop3A_570 {strides = array<i32>} : memref<1x1x8x1024xf32, #tpu.memory_space<vmem>>, vector<16xf32>,
        } {sc.loop_unroll_factor = 8 : i64, sc.parallel_access}
      }
      %scan3A_273 = arith.constant 8 : i32
      %dma_start3A_274 = arith.constant 8 : i32
      %dma_start3A_275 = arith.constant 0 : i32
      %dma_start3A_276 = tpu.memref_slice %arg7[%select_n3A, %add3A_247, %dma_start3A_274, %dma_start3A_275] : memref<4x259x32x2048xf32, #tpu.memory_space<hbm>> -> memref<1x1x8x1024xf32, #tpu.memory_space<hbm>>
      %dma_start3A_277 = arith.constant 8 : i32
      %dma_start3A_278 = arith.constant 0 : i32
      %dma_start3A_279 = tpu.memref_slice %arg7[%select_n3A, %add3A_247, %dma_start3A_277, %dma_start3A_278] : memref<4x259x32x2048xf32, #tpu.memory_space<hbm>> -> memref<1x1x8x1024xf32, #tpu.memory_space<hbm>>
      tpu.enqueue_dma source(%arg15 : memref<1x1x8x1024xf32, #tpu.memory_space<vmem>>) target(%dma_start3A_279 : memref<1x1x8x1024xf32, #tpu.memory_space<hbm>>) target_semaphore(%arg22 : memref<!tpu.dma_semaphore, #tpu.memory_space<semaphore_mem>>)
      %add3A_280 = arith.constant 1 : i32
      %add3A_281 = arith.addi %add3A_247, %add3A_280 : i32
      %dma_start3A_282 = arith.constant 8 : i32
      %dma_start3A_283 = arith.constant 0 : i32
      %dma_start3A_284 = tpu.memref_slice %arg7[%select_n3A, %add3A_281, %dma_start3A_282, %dma_start3A_283] : memref<4x259x32x2048xf32, #tpu.memory_space<hbm>> -> memref<1x1x8x1024xf32, #tpu.memory_space<hbm>>
      %dma_start3A_285 = arith.constant 8 : i32
      %dma_start3A_286 = arith.constant 0 : i32
      %dma_start3A_287 = tpu.memref_slice %arg7[%select_n3A, %add3A_281, %dma_start3A_285, %dma_start3A_286] : memref<4x259x32x2048xf32, #tpu.memory_space<hbm>> -> memref<1x1x8x1024xf32, #tpu.memory_space<hbm>>
      tpu.enqueue_dma source(%arg17 : memref<1x1x8x1024xf32, #tpu.memory_space<vmem>>) target(%dma_start3A_287 : memref<1x1x8x1024xf32, #tpu.memory_space<hbm>>) target_semaphore(%arg22 : memref<!tpu.dma_semaphore, #tpu.memory_space<semaphore_mem>>)
      %dma_wait3A_288 = arith.constant 0 : i32
      %dma_wait3A_289 = arith.constant 0 : i32
      %dma_wait3A_290 = tpu.memref_slice %arg7[%select_n3A, %add3A_247, %dma_wait3A_288, %dma_wait3A_289] : memref<4x259x32x2048xf32, #tpu.memory_space<hbm>> -> memref<1x1x8x1024xf32, #tpu.memory_space<hbm>>
      %dma_wait3A_291 = arith.constant 0 : i32
      %dma_wait3A_292 = arith.constant 0 : i32
      %dma_wait3A_293 = tpu.memref_slice %arg7[%select_n3A, %add3A_247, %dma_wait3A_291, %dma_wait3A_292] : memref<4x259x32x2048xf32, #tpu.memory_space<hbm>> -> memref<1x1x8x1024xf32, #tpu.memory_space<hbm>>
      tpu.wait_dma2 semaphore(%arg21 : memref<!tpu.dma_semaphore, #tpu.memory_space<semaphore_mem>>) src(%arg14 : memref<1x1x8x1024xf32, #tpu.memory_space<vmem>>) dst(%dma_wait3A_293 : memref<1x1x8x1024xf32, #tpu.memory_space<hbm>>)
      %dma_wait3A_294 = arith.constant 0 : i32
      %dma_wait3A_295 = arith.constant 0 : i32
      %dma_wait3A_296 = tpu.memref_slice %arg7[%select_n3A, %add3A_261, %dma_wait3A_294, %dma_wait3A_295] : memref<4x259x32x2048xf32, #tpu.memory_space<hbm>> -> memref<1x1x8x1024xf32, #tpu.memory_space<hbm>>
      %dma_wait3A_297 = arith.constant 0 : i32
      %dma_wait3A_298 = arith.constant 0 : i32
      %dma_wait3A_299 = tpu.memref_slice %arg7[%select_n3A, %add3A_261, %dma_wait3A_297, %dma_wait3A_298] : memref<4x259x32x2048xf32, #tpu.memory_space<hbm>> -> memref<1x1x8x1024xf32, #tpu.memory_space<hbm>>
      tpu.wait_dma2 semaphore(%arg21 : memref<!tpu.dma_semaphore, #tpu.memory_space<semaphore_mem>>) src(%arg16 : memref<1x1x8x1024xf32, #tpu.memory_space<vmem>>) dst(%dma_wait3A_299 : memref<1x1x8x1024xf32, #tpu.memory_space<hbm>>)
      %scan3A_300 = arith.constant 0 : i32
      %scan3A_301 = arith.constant 0 : i32
      %scan3A_302 = arith.constant 8 : i32
      %scan3A_303 = arith.addi %scan3A_301, %scan3A_302 : i32
      %scan3A_304 = arith.constant 1 : i32
      scf.for %scan3A_552 = %scan3A_301 to %scan3A_303 step %scan3A_304  : i32 {
        %add3A_553 = arith.constant 16 : i32
        %add3A_554 = arith.addi %add3A_553, %scan3A_552 : i32
        %parallel_loop3A = arith.constant 0 : i32
        %parallel_loop3A_555 = arith.constant 1024 : i32
        %parallel_loop3A_556 = arith.constant 16 : i32
        scf.for %parallel_loop3A_557 = %parallel_loop3A to %parallel_loop3A_555 step %parallel_loop3A_556  : i32 {
          %parallel_loop3A_558 = arith.index_cast %add3A_554 : i32 to index
          %parallel_loop3A_559 = arith.index_cast %parallel_loop3A_557 : i32 to index
          %parallel_loop3A_560 = tpu.vector_load %arg8[%parallel_loop3A_558, %parallel_loop3A_559] {strides = array<i32>} : memref<32x1024xi32, #tpu.memory_space<vmem>>, vector<16xi32>,
          %parallel_loop3A_561 = arith.constant 0 : i32
          %parallel_loop3A_562 = arith.constant 0 : i32
          %parallel_loop3A_563 = tpu.memref_slice %arg9[%parallel_loop3A_561, %parallel_loop3A_562] : memref<1x8192xf32, #tpu.memory_space<vmem>> -> memref<1x8192xf32, #tpu.memory_space<vmem>>
          %parallel_loop3A_564 = tpu.memref_squeeze %parallel_loop3A_563 : memref<1x8192xf32, #tpu.memory_space<vmem>> -> memref<8192xf32, #tpu.memory_space<vmem>>
          %parallel_loop3A_565 = tpu.vector_load_idx %parallel_loop3A_564[%parallel_loop3A_560] : memref<8192xf32, #tpu.memory_space<vmem>>[vector<16xi32>], vector<16xf32>,
          %parallel_loop3A_566 = arith.constant 0 : i32
          %parallel_loop3A_567 = arith.constant 0 : i32
          %parallel_loop3A_568 = tpu.memref_slice %arg10[%parallel_loop3A_566, %parallel_loop3A_567] : memref<1x8192xf32, #tpu.memory_space<vmem>> -> memref<1x8192xf32, #tpu.memory_space<vmem>>
          %parallel_loop3A_569 = tpu.memref_squeeze %parallel_loop3A_568 : memref<1x8192xf32, #tpu.memory_space<vmem>> -> memref<8192xf32, #tpu.memory_space<vmem>>
          %parallel_loop3A_570 = tpu.vector_load_idx %parallel_loop3A_569[%parallel_loop3A_560] : memref<8192xf32, #tpu.memory_space<vmem>>[vector<16xi32>], vector<16xf32>,
          %parallel_loop3A_571 = arith.constant 0 : i32
          %parallel_loop3A_572 = arith.constant 0 : i32
          %parallel_loop3A_573 = arith.index_cast %parallel_loop3A_571 : i32 to index
          %parallel_loop3A_574 = arith.index_cast %parallel_loop3A_572 : i32 to index
          %parallel_loop3A_575 = arith.index_cast %scan3A_552 : i32 to index
          %parallel_loop3A_576 = arith.index_cast %parallel_loop3A_557 : i32 to index
          %parallel_loop3A_577 = tpu.vector_load %arg14[%parallel_loop3A_573, %parallel_loop3A_574, %parallel_loop3A_575, %parallel_loop3A_576] {strides = array<i32>} : memref<1x1x8x1024xf32, #tpu.memory_space<vmem>>, vector<16xf32>,
          tpu.vector_store %arg14[%parallel_loop3A_573, %parallel_loop3A_574, %parallel_loop3A_575, %parallel_loop3A_576], %parallel_loop3A_565 {strides = array<i32>} : memref<1x1x8x1024xf32, #tpu.memory_space<vmem>>, vector<16xf32>,
          %parallel_loop3A_578 = arith.constant 0 : i32
          %parallel_loop3A_579 = arith.constant 0 : i32
          %parallel_loop3A_580 = arith.index_cast %parallel_loop3A_578 : i32 to index
          %parallel_loop3A_581 = arith.index_cast %parallel_loop3A_579 : i32 to index
          %parallel_loop3A_582 = arith.index_cast %scan3A_552 : i32 to index
          %parallel_loop3A_583 = arith.index_cast %parallel_loop3A_557 : i32 to index
          %parallel_loop3A_584 = tpu.vector_load %arg16[%parallel_loop3A_580, %parallel_loop3A_581, %parallel_loop3A_582, %parallel_loop3A_583] {strides = array<i32>} : memref<1x1x8x1024xf32, #tpu.memory_space<vmem>>, vector<16xf32>,
          tpu.vector_store %arg16[%parallel_loop3A_580, %parallel_loop3A_581, %parallel_loop3A_582, %parallel_loop3A_583], %parallel_loop3A_570 {strides = array<i32>} : memref<1x1x8x1024xf32, #tpu.memory_space<vmem>>, vector<16xf32>,
        } {sc.loop_unroll_factor = 8 : i64, sc.parallel_access}
      }
      %scan3A_305 = arith.constant 8 : i32
      %dma_start3A_306 = arith.constant 16 : i32
      %dma_start3A_307 = arith.constant 0 : i32
      %dma_start3A_308 = tpu.memref_slice %arg7[%select_n3A, %add3A_247, %dma_start3A_306, %dma_start3A_307] : memref<4x259x32x2048xf32, #tpu.memory_space<hbm>> -> memref<1x1x8x1024xf32, #tpu.memory_space<hbm>>
      %dma_start3A_309 = arith.constant 16 : i32
      %dma_start3A_310 = arith.constant 0 : i32
      %dma_start3A_311 = tpu.memref_slice %arg7[%select_n3A, %add3A_247, %dma_start3A_309, %dma_start3A_310] : memref<4x259x32x2048xf32, #tpu.memory_space<hbm>> -> memref<1x1x8x1024xf32, #tpu.memory_space<hbm>>
      tpu.enqueue_dma source(%arg14 : memref<1x1x8x1024xf32, #tpu.memory_space<vmem>>) target(%dma_start3A_311 : memref<1x1x8x1024xf32, #tpu.memory_space<hbm>>) target_semaphore(%arg21 : memref<!tpu.dma_semaphore, #tpu.memory_space<semaphore_mem>>)
      %add3A_312 = arith.constant 1 : i32
      %add3A_313 = arith.addi %add3A_247, %add3A_312 : i32
      %dma_start3A_314 = arith.constant 16 : i32
      %dma_start3A_315 = arith.constant 0 : i32
      %dma_start3A_316 = tpu.memref_slice %arg7[%select_n3A, %add3A_313, %dma_start3A_314, %dma_start3A_315] : memref<4x259x32x2048xf32, #tpu.memory_space<hbm>> -> memref<1x1x8x1024xf32, #tpu.memory_space<hbm>>
      %dma_start3A_317 = arith.constant 16 : i32
      %dma_start3A_318 = arith.constant 0 : i32
      %dma_start3A_319 = tpu.memref_slice %arg7[%select_n3A, %add3A_313, %dma_start3A_317, %dma_start3A_318] : memref<4x259x32x2048xf32, #tpu.memory_space<hbm>> -> memref<1x1x8x1024xf32, #tpu.memory_space<hbm>>
      tpu.enqueue_dma source(%arg16 : memref<1x1x8x1024xf32, #tpu.memory_space<vmem>>) target(%dma_start3A_319 : memref<1x1x8x1024xf32, #tpu.memory_space<hbm>>) target_semaphore(%arg21 : memref<!tpu.dma_semaphore, #tpu.memory_space<semaphore_mem>>)
      %dma_wait3A_320 = arith.constant 8 : i32
      %dma_wait3A_321 = arith.constant 0 : i32
      %dma_wait3A_322 = tpu.memref_slice %arg7[%select_n3A, %add3A_247, %dma_wait3A_320, %dma_wait3A_321] : memref<4x259x32x2048xf32, #tpu.memory_space<hbm>> -> memref<1x1x8x1024xf32, #tpu.memory_space<hbm>>
      %dma_wait3A_323 = arith.constant 8 : i32
      %dma_wait3A_324 = arith.constant 0 : i32
      %dma_wait3A_325 = tpu.memref_slice %arg7[%select_n3A, %add3A_247, %dma_wait3A_323, %dma_wait3A_324] : memref<4x259x32x2048xf32, #tpu.memory_space<hbm>> -> memref<1x1x8x1024xf32, #tpu.memory_space<hbm>>
      tpu.wait_dma2 semaphore(%arg22 : memref<!tpu.dma_semaphore, #tpu.memory_space<semaphore_mem>>) src(%arg15 : memref<1x1x8x1024xf32, #tpu.memory_space<vmem>>) dst(%dma_wait3A_325 : memref<1x1x8x1024xf32, #tpu.memory_space<hbm>>)
      %dma_wait3A_326 = arith.constant 8 : i32
      %dma_wait3A_327 = arith.constant 0 : i32
      %dma_wait3A_328 = tpu.memref_slice %arg7[%select_n3A, %add3A_281, %dma_wait3A_326, %dma_wait3A_327] : memref<4x259x32x2048xf32, #tpu.memory_space<hbm>> -> memref<1x1x8x1024xf32, #tpu.memory_space<hbm>>
      %dma_wait3A_329 = arith.constant 8 : i32
      %dma_wait3A_330 = arith.constant 0 : i32
      %dma_wait3A_331 = tpu.memref_slice %arg7[%select_n3A, %add3A_281, %dma_wait3A_329, %dma_wait3A_330] : memref<4x259x32x2048xf32, #tpu.memory_space<hbm>> -> memref<1x1x8x1024xf32, #tpu.memory_space<hbm>>
      tpu.wait_dma2 semaphore(%arg22 : memref<!tpu.dma_semaphore, #tpu.memory_space<semaphore_mem>>) src(%arg17 : memref<1x1x8x1024xf32, #tpu.memory_space<vmem>>) dst(%dma_wait3A_331 : memref<1x1x8x1024xf32, #tpu.memory_space<hbm>>)
      %scan3A_332 = arith.constant 0 : i32
      %scan3A_333 = arith.constant 0 : i32
      %scan3A_334 = arith.constant 8 : i32
      %scan3A_335 = arith.addi %scan3A_333, %scan3A_334 : i32
      %scan3A_336 = arith.constant 1 : i32
      scf.for %scan3A_552 = %scan3A_333 to %scan3A_335 step %scan3A_336  : i32 {
        %add3A_553 = arith.constant 24 : i32
        %add3A_554 = arith.addi %add3A_553, %scan3A_552 : i32
        %parallel_loop3A = arith.constant 0 : i32
        %parallel_loop3A_555 = arith.constant 1024 : i32
        %parallel_loop3A_556 = arith.constant 16 : i32
        scf.for %parallel_loop3A_557 = %parallel_loop3A to %parallel_loop3A_555 step %parallel_loop3A_556  : i32 {
          %parallel_loop3A_558 = arith.index_cast %add3A_554 : i32 to index
          %parallel_loop3A_559 = arith.index_cast %parallel_loop3A_557 : i32 to index
          %parallel_loop3A_560 = tpu.vector_load %arg8[%parallel_loop3A_558, %parallel_loop3A_559] {strides = array<i32>} : memref<32x1024xi32, #tpu.memory_space<vmem>>, vector<16xi32>,
          %parallel_loop3A_561 = arith.constant 0 : i32
          %parallel_loop3A_562 = arith.constant 0 : i32
          %parallel_loop3A_563 = tpu.memref_slice %arg9[%parallel_loop3A_561, %parallel_loop3A_562] : memref<1x8192xf32, #tpu.memory_space<vmem>> -> memref<1x8192xf32, #tpu.memory_space<vmem>>
          %parallel_loop3A_564 = tpu.memref_squeeze %parallel_loop3A_563 : memref<1x8192xf32, #tpu.memory_space<vmem>> -> memref<8192xf32, #tpu.memory_space<vmem>>
          %parallel_loop3A_565 = tpu.vector_load_idx %parallel_loop3A_564[%parallel_loop3A_560] : memref<8192xf32, #tpu.memory_space<vmem>>[vector<16xi32>], vector<16xf32>,
          %parallel_loop3A_566 = arith.constant 0 : i32
          %parallel_loop3A_567 = arith.constant 0 : i32
          %parallel_loop3A_568 = tpu.memref_slice %arg10[%parallel_loop3A_566, %parallel_loop3A_567] : memref<1x8192xf32, #tpu.memory_space<vmem>> -> memref<1x8192xf32, #tpu.memory_space<vmem>>
          %parallel_loop3A_569 = tpu.memref_squeeze %parallel_loop3A_568 : memref<1x8192xf32, #tpu.memory_space<vmem>> -> memref<8192xf32, #tpu.memory_space<vmem>>
          %parallel_loop3A_570 = tpu.vector_load_idx %parallel_loop3A_569[%parallel_loop3A_560] : memref<8192xf32, #tpu.memory_space<vmem>>[vector<16xi32>], vector<16xf32>,
          %parallel_loop3A_571 = arith.constant 0 : i32
          %parallel_loop3A_572 = arith.constant 0 : i32
          %parallel_loop3A_573 = arith.index_cast %parallel_loop3A_571 : i32 to index
          %parallel_loop3A_574 = arith.index_cast %parallel_loop3A_572 : i32 to index
          %parallel_loop3A_575 = arith.index_cast %scan3A_552 : i32 to index
          %parallel_loop3A_576 = arith.index_cast %parallel_loop3A_557 : i32 to index
          %parallel_loop3A_577 = tpu.vector_load %arg15[%parallel_loop3A_573, %parallel_loop3A_574, %parallel_loop3A_575, %parallel_loop3A_576] {strides = array<i32>} : memref<1x1x8x1024xf32, #tpu.memory_space<vmem>>, vector<16xf32>,
          tpu.vector_store %arg15[%parallel_loop3A_573, %parallel_loop3A_574, %parallel_loop3A_575, %parallel_loop3A_576], %parallel_loop3A_565 {strides = array<i32>} : memref<1x1x8x1024xf32, #tpu.memory_space<vmem>>, vector<16xf32>,
          %parallel_loop3A_578 = arith.constant 0 : i32
          %parallel_loop3A_579 = arith.constant 0 : i32
          %parallel_loop3A_580 = arith.index_cast %parallel_loop3A_578 : i32 to index
          %parallel_loop3A_581 = arith.index_cast %parallel_loop3A_579 : i32 to index
          %parallel_loop3A_582 = arith.index_cast %scan3A_552 : i32 to index
          %parallel_loop3A_583 = arith.index_cast %parallel_loop3A_557 : i32 to index
          %parallel_loop3A_584 = tpu.vector_load %arg17[%parallel_loop3A_580, %parallel_loop3A_581, %parallel_loop3A_582, %parallel_loop3A_583] {strides = array<i32>} : memref<1x1x8x1024xf32, #tpu.memory_space<vmem>>, vector<16xf32>,
          tpu.vector_store %arg17[%parallel_loop3A_580, %parallel_loop3A_581, %parallel_loop3A_582, %parallel_loop3A_583], %parallel_loop3A_570 {strides = array<i32>} : memref<1x1x8x1024xf32, #tpu.memory_space<vmem>>, vector<16xf32>,
        } {sc.loop_unroll_factor = 8 : i64, sc.parallel_access}
      }
      %scan3A_337 = arith.constant 8 : i32
      %dma_start3A_338 = arith.constant 24 : i32
      %dma_start3A_339 = arith.constant 0 : i32
      %dma_start3A_340 = tpu.memref_slice %arg7[%select_n3A, %add3A_247, %dma_start3A_338, %dma_start3A_339] : memref<4x259x32x2048xf32, #tpu.memory_space<hbm>> -> memref<1x1x8x1024xf32, #tpu.memory_space<hbm>>
      %dma_start3A_341 = arith.constant 24 : i32
      %dma_start3A_342 = arith.constant 0 : i32
      %dma_start3A_343 = tpu.memref_slice %arg7[%select_n3A, %add3A_247, %dma_start3A_341, %dma_start3A_342] : memref<4x259x32x2048xf32, #tpu.memory_space<hbm>> -> memref<1x1x8x1024xf32, #tpu.memory_space<hbm>>
      tpu.enqueue_dma source(%arg15 : memref<1x1x8x1024xf32, #tpu.memory_space<vmem>>) target(%dma_start3A_343 : memref<1x1x8x1024xf32, #tpu.memory_space<hbm>>) target_semaphore(%arg22 : memref<!tpu.dma_semaphore, #tpu.memory_space<semaphore_mem>>)
      %add3A_344 = arith.constant 1 : i32
      %add3A_345 = arith.addi %add3A_247, %add3A_344 : i32
      %dma_start3A_346 = arith.constant 24 : i32
      %dma_start3A_347 = arith.constant 0 : i32
      %dma_start3A_348 = tpu.memref_slice %arg7[%select_n3A, %add3A_345, %dma_start3A_346, %dma_start3A_347] : memref<4x259x32x2048xf32, #tpu.memory_space<hbm>> -> memref<1x1x8x1024xf32, #tpu.memory_space<hbm>>
      %dma_start3A_349 = arith.constant 24 : i32
      %dma_start3A_350 = arith.constant 0 : i32
      %dma_start3A_351 = tpu.memref_slice %arg7[%select_n3A, %add3A_345, %dma_start3A_349, %dma_start3A_350] : memref<4x259x32x2048xf32, #tpu.memory_space<hbm>> -> memref<1x1x8x1024xf32, #tpu.memory_space<hbm>>
      tpu.enqueue_dma source(%arg17 : memref<1x1x8x1024xf32, #tpu.memory_space<vmem>>) target(%dma_start3A_351 : memref<1x1x8x1024xf32, #tpu.memory_space<hbm>>) target_semaphore(%arg22 : memref<!tpu.dma_semaphore, #tpu.memory_space<semaphore_mem>>)
      %dma_wait3A_352 = arith.constant 16 : i32
      %dma_wait3A_353 = arith.constant 0 : i32
      %dma_wait3A_354 = tpu.memref_slice %arg7[%select_n3A, %add3A_247, %dma_wait3A_352, %dma_wait3A_353] : memref<4x259x32x2048xf32, #tpu.memory_space<hbm>> -> memref<1x1x8x1024xf32, #tpu.memory_space<hbm>>
      %dma_wait3A_355 = arith.constant 16 : i32
      %dma_wait3A_356 = arith.constant 0 : i32
      %dma_wait3A_357 = tpu.memref_slice %arg7[%select_n3A, %add3A_247, %dma_wait3A_355, %dma_wait3A_356] : memref<4x259x32x2048xf32, #tpu.memory_space<hbm>> -> memref<1x1x8x1024xf32, #tpu.memory_space<hbm>>
      tpu.wait_dma2 semaphore(%arg21 : memref<!tpu.dma_semaphore, #tpu.memory_space<semaphore_mem>>) src(%arg14 : memref<1x1x8x1024xf32, #tpu.memory_space<vmem>>) dst(%dma_wait3A_357 : memref<1x1x8x1024xf32, #tpu.memory_space<hbm>>)
      %dma_wait3A_358 = arith.constant 16 : i32
      %dma_wait3A_359 = arith.constant 0 : i32
      %dma_wait3A_360 = tpu.memref_slice %arg7[%select_n3A, %add3A_313, %dma_wait3A_358, %dma_wait3A_359] : memref<4x259x32x2048xf32, #tpu.memory_space<hbm>> -> memref<1x1x8x1024xf32, #tpu.memory_space<hbm>>
      %dma_wait3A_361 = arith.constant 16 : i32
      %dma_wait3A_362 = arith.constant 0 : i32
      %dma_wait3A_363 = tpu.memref_slice %arg7[%select_n3A, %add3A_313, %dma_wait3A_361, %dma_wait3A_362] : memref<4x259x32x2048xf32, #tpu.memory_space<hbm>> -> memref<1x1x8x1024xf32, #tpu.memory_space<hbm>>
      tpu.wait_dma2 semaphore(%arg21 : memref<!tpu.dma_semaphore, #tpu.memory_space<semaphore_mem>>) src(%arg16 : memref<1x1x8x1024xf32, #tpu.memory_space<vmem>>) dst(%dma_wait3A_363 : memref<1x1x8x1024xf32, #tpu.memory_space<hbm>>)
      %dma_wait3A_364 = arith.constant 24 : i32
      %dma_wait3A_365 = arith.constant 0 : i32
      %dma_wait3A_366 = tpu.memref_slice %arg7[%select_n3A, %add3A_247, %dma_wait3A_364, %dma_wait3A_365] : memref<4x259x32x2048xf32, #tpu.memory_space<hbm>> -> memref<1x1x8x1024xf32, #tpu.memory_space<hbm>>
      %dma_wait3A_367 = arith.constant 24 : i32
      %dma_wait3A_368 = arith.constant 0 : i32
      %dma_wait3A_369 = tpu.memref_slice %arg7[%select_n3A, %add3A_247, %dma_wait3A_367, %dma_wait3A_368] : memref<4x259x32x2048xf32, #tpu.memory_space<hbm>> -> memref<1x1x8x1024xf32, #tpu.memory_space<hbm>>
      tpu.wait_dma2 semaphore(%arg22 : memref<!tpu.dma_semaphore, #tpu.memory_space<semaphore_mem>>) src(%arg15 : memref<1x1x8x1024xf32, #tpu.memory_space<vmem>>) dst(%dma_wait3A_369 : memref<1x1x8x1024xf32, #tpu.memory_space<hbm>>)
      %dma_wait3A_370 = arith.constant 24 : i32
      %dma_wait3A_371 = arith.constant 0 : i32
      %dma_wait3A_372 = tpu.memref_slice %arg7[%select_n3A, %add3A_345, %dma_wait3A_370, %dma_wait3A_371] : memref<4x259x32x2048xf32, #tpu.memory_space<hbm>> -> memref<1x1x8x1024xf32, #tpu.memory_space<hbm>>
      %dma_wait3A_373 = arith.constant 24 : i32
      %dma_wait3A_374 = arith.constant 0 : i32
      %dma_wait3A_375 = tpu.memref_slice %arg7[%select_n3A, %add3A_345, %dma_wait3A_373, %dma_wait3A_374] : memref<4x259x32x2048xf32, #tpu.memory_space<hbm>> -> memref<1x1x8x1024xf32, #tpu.memory_space<hbm>>
      tpu.wait_dma2 semaphore(%arg22 : memref<!tpu.dma_semaphore, #tpu.memory_space<semaphore_mem>>) src(%arg17 : memref<1x1x8x1024xf32, #tpu.memory_space<vmem>>) dst(%dma_wait3A_375 : memref<1x1x8x1024xf32, #tpu.memory_space<hbm>>)
      %add3A_376 = arith.constant 2 : i32
      %add3A_377 = arith.addi %add3A_203, %add3A_376 : i32
      %mul3A_378 = arith.constant 256 : i32
      %mul3A_379 = arith.muli %select_n3A, %mul3A_378 : i32
      %add3A_380 = arith.addi %mul3A_379, %add3A_377 : i32
      %min3A_381 = arith.constant 1023 : i32
      %min3A_382 = arith.minsi %add3A_380, %min3A_381 : i32
      %dma_wait3A_383 = arith.constant 0 : i32
      %dma_wait3A_384 = tpu.memref_slice %arg4[%min3A_382, %dma_wait3A_383] : memref<1024x8192xf32, #tpu.memory_space<hbm>> -> memref<1x8192xf32, #tpu.memory_space<hbm>>
      %dma_wait3A_385 = arith.constant 0 : i32
      %dma_wait3A_386 = tpu.memref_slice %arg4[%min3A_382, %dma_wait3A_385] : memref<1024x8192xf32, #tpu.memory_space<hbm>> -> memref<1x8192xf32, #tpu.memory_space<hbm>>
      tpu.wait_dma2 semaphore(%arg24 : memref<!tpu.dma_semaphore, #tpu.memory_space<semaphore_mem>>) src(%dma_wait3A_386 : memref<1x8192xf32, #tpu.memory_space<hbm>>) dst(%arg11 : memref<1x8192xf32, #tpu.memory_space<vmem>>)
      %add3A_387 = arith.constant 3 : i32
      %add3A_388 = arith.addi %add3A_203, %add3A_387 : i32
      %mul3A_389 = arith.constant 256 : i32
      %mul3A_390 = arith.muli %select_n3A, %mul3A_389 : i32
      %add3A_391 = arith.addi %mul3A_390, %add3A_388 : i32
      %min3A_392 = arith.constant 1023 : i32
      %min3A_393 = arith.minsi %add3A_391, %min3A_392 : i32
      %dma_wait3A_394 = arith.constant 0 : i32
      %dma_wait3A_395 = tpu.memref_slice %arg4[%min3A_393, %dma_wait3A_394] : memref<1024x8192xf32, #tpu.memory_space<hbm>> -> memref<1x8192xf32, #tpu.memory_space<hbm>>
      %dma_wait3A_396 = arith.constant 0 : i32
      %dma_wait3A_397 = tpu.memref_slice %arg4[%min3A_393, %dma_wait3A_396] : memref<1024x8192xf32, #tpu.memory_space<hbm>> -> memref<1x8192xf32, #tpu.memory_space<hbm>>
      tpu.wait_dma2 semaphore(%arg24 : memref<!tpu.dma_semaphore, #tpu.memory_space<semaphore_mem>>) src(%dma_wait3A_397 : memref<1x8192xf32, #tpu.memory_space<hbm>>) dst(%arg12 : memref<1x8192xf32, #tpu.memory_space<vmem>>)
      %add3A_398 = arith.constant 4 : i32
      %add3A_399 = arith.addi %add3A_203, %add3A_398 : i32
      %mul3A_400 = arith.constant 256 : i32
      %mul3A_401 = arith.muli %select_n3A, %mul3A_400 : i32
      %add3A_402 = arith.addi %mul3A_401, %add3A_399 : i32
      %min3A_403 = arith.constant 1023 : i32
      %min3A_404 = arith.minsi %add3A_402, %min3A_403 : i32
      %dma_start3A_405 = arith.constant 0 : i32
      %dma_start3A_406 = tpu.memref_slice %arg4[%min3A_404, %dma_start3A_405] : memref<1024x8192xf32, #tpu.memory_space<hbm>> -> memref<1x8192xf32, #tpu.memory_space<hbm>>
      %dma_start3A_407 = arith.constant 0 : i32
      %dma_start3A_408 = tpu.memref_slice %arg4[%min3A_404, %dma_start3A_407] : memref<1024x8192xf32, #tpu.memory_space<hbm>> -> memref<1x8192xf32, #tpu.memory_space<hbm>>
      tpu.enqueue_dma source(%dma_start3A_408 : memref<1x8192xf32, #tpu.memory_space<hbm>>) target(%arg9 : memref<1x8192xf32, #tpu.memory_space<vmem>>) target_semaphore(%arg23 : memref<!tpu.dma_semaphore, #tpu.memory_space<semaphore_mem>>)
      %add3A_409 = arith.constant 5 : i32
      %add3A_410 = arith.addi %add3A_203, %add3A_409 : i32
      %mul3A_411 = arith.constant 256 : i32
      %mul3A_412 = arith.muli %select_n3A, %mul3A_411 : i32
      %add3A_413 = arith.addi %mul3A_412, %add3A_410 : i32
      %min3A_414 = arith.constant 1023 : i32
      %min3A_415 = arith.minsi %add3A_413, %min3A_414 : i32
      %dma_start3A_416 = arith.constant 0 : i32
      %dma_start3A_417 = tpu.memref_slice %arg4[%min3A_415, %dma_start3A_416] : memref<1024x8192xf32, #tpu.memory_space<hbm>> -> memref<1x8192xf32, #tpu.memory_space<hbm>>
      %dma_start3A_418 = arith.constant 0 : i32
      %dma_start3A_419 = tpu.memref_slice %arg4[%min3A_415, %dma_start3A_418] : memref<1024x8192xf32, #tpu.memory_space<hbm>> -> memref<1x8192xf32, #tpu.memory_space<hbm>>
      tpu.enqueue_dma source(%dma_start3A_419 : memref<1x8192xf32, #tpu.memory_space<hbm>>) target(%arg10 : memref<1x8192xf32, #tpu.memory_space<vmem>>) target_semaphore(%arg23 : memref<!tpu.dma_semaphore, #tpu.memory_space<semaphore_mem>>)
      %add3A_420 = arith.constant 3 : i32
      %add3A_421 = arith.addi %add3A_420, %add3A_203 : i32
      %add3A_422 = arith.constant 2 : i32
      %add3A_423 = arith.addi %add3A_421, %add3A_422 : i32
      %scan3A_424 = arith.constant 0 : i32
      %scan3A_425 = arith.constant 0 : i32
      %scan3A_426 = arith.constant 8 : i32
      %scan3A_427 = arith.addi %scan3A_425, %scan3A_426 : i32
      %scan3A_428 = arith.constant 1 : i32
      scf.for %scan3A_552 = %scan3A_425 to %scan3A_427 step %scan3A_428  : i32 {
        %add3A_553 = arith.constant 0 : i32
        %add3A_554 = arith.addi %add3A_553, %scan3A_552 : i32
        %parallel_loop3A = arith.constant 0 : i32
        %parallel_loop3A_555 = arith.constant 1024 : i32
        %parallel_loop3A_556 = arith.constant 16 : i32
        scf.for %parallel_loop3A_557 = %parallel_loop3A to %parallel_loop3A_555 step %parallel_loop3A_556  : i32 {
          %parallel_loop3A_558 = arith.index_cast %add3A_554 : i32 to index
          %parallel_loop3A_559 = arith.index_cast %parallel_loop3A_557 : i32 to index
          %parallel_loop3A_560 = tpu.vector_load %arg8[%parallel_loop3A_558, %parallel_loop3A_559] {strides = array<i32>} : memref<32x1024xi32, #tpu.memory_space<vmem>>, vector<16xi32>,
          %parallel_loop3A_561 = arith.constant 0 : i32
          %parallel_loop3A_562 = arith.constant 0 : i32
          %parallel_loop3A_563 = tpu.memref_slice %arg11[%parallel_loop3A_561, %parallel_loop3A_562] : memref<1x8192xf32, #tpu.memory_space<vmem>> -> memref<1x8192xf32, #tpu.memory_space<vmem>>
          %parallel_loop3A_564 = tpu.memref_squeeze %parallel_loop3A_563 : memref<1x8192xf32, #tpu.memory_space<vmem>> -> memref<8192xf32, #tpu.memory_space<vmem>>
          %parallel_loop3A_565 = tpu.vector_load_idx %parallel_loop3A_564[%parallel_loop3A_560] : memref<8192xf32, #tpu.memory_space<vmem>>[vector<16xi32>], vector<16xf32>,
          %parallel_loop3A_566 = arith.constant 0 : i32
          %parallel_loop3A_567 = arith.constant 0 : i32
          %parallel_loop3A_568 = tpu.memref_slice %arg12[%parallel_loop3A_566, %parallel_loop3A_567] : memref<1x8192xf32, #tpu.memory_space<vmem>> -> memref<1x8192xf32, #tpu.memory_space<vmem>>
          %parallel_loop3A_569 = tpu.memref_squeeze %parallel_loop3A_568 : memref<1x8192xf32, #tpu.memory_space<vmem>> -> memref<8192xf32, #tpu.memory_space<vmem>>
          %parallel_loop3A_570 = tpu.vector_load_idx %parallel_loop3A_569[%parallel_loop3A_560] : memref<8192xf32, #tpu.memory_space<vmem>>[vector<16xi32>], vector<16xf32>,
          %parallel_loop3A_571 = arith.constant 0 : i32
          %parallel_loop3A_572 = arith.constant 0 : i32
          %parallel_loop3A_573 = arith.index_cast %parallel_loop3A_571 : i32 to index
          %parallel_loop3A_574 = arith.index_cast %parallel_loop3A_572 : i32 to index
          %parallel_loop3A_575 = arith.index_cast %scan3A_552 : i32 to index
          %parallel_loop3A_576 = arith.index_cast %parallel_loop3A_557 : i32 to index
          %parallel_loop3A_577 = tpu.vector_load %arg14[%parallel_loop3A_573, %parallel_loop3A_574, %parallel_loop3A_575, %parallel_loop3A_576] {strides = array<i32>} : memref<1x1x8x1024xf32, #tpu.memory_space<vmem>>, vector<16xf32>,
          tpu.vector_store %arg14[%parallel_loop3A_573, %parallel_loop3A_574, %parallel_loop3A_575, %parallel_loop3A_576], %parallel_loop3A_565 {strides = array<i32>} : memref<1x1x8x1024xf32, #tpu.memory_space<vmem>>, vector<16xf32>,
          %parallel_loop3A_578 = arith.constant 0 : i32
          %parallel_loop3A_579 = arith.constant 0 : i32
          %parallel_loop3A_580 = arith.index_cast %parallel_loop3A_578 : i32 to index
          %parallel_loop3A_581 = arith.index_cast %parallel_loop3A_579 : i32 to index
          %parallel_loop3A_582 = arith.index_cast %scan3A_552 : i32 to index
          %parallel_loop3A_583 = arith.index_cast %parallel_loop3A_557 : i32 to index
          %parallel_loop3A_584 = tpu.vector_load %arg16[%parallel_loop3A_580, %parallel_loop3A_581, %parallel_loop3A_582, %parallel_loop3A_583] {strides = array<i32>} : memref<1x1x8x1024xf32, #tpu.memory_space<vmem>>, vector<16xf32>,
          tpu.vector_store %arg16[%parallel_loop3A_580, %parallel_loop3A_581, %parallel_loop3A_582, %parallel_loop3A_583], %parallel_loop3A_570 {strides = array<i32>} : memref<1x1x8x1024xf32, #tpu.memory_space<vmem>>, vector<16xf32>,
        } {sc.loop_unroll_factor = 8 : i64, sc.parallel_access}
      }
      %scan3A_429 = arith.constant 8 : i32
      %dma_start3A_430 = arith.constant 0 : i32
      %dma_start3A_431 = arith.constant 0 : i32
      %dma_start3A_432 = tpu.memref_slice %arg7[%select_n3A, %add3A_423, %dma_start3A_430, %dma_start3A_431] : memref<4x259x32x2048xf32, #tpu.memory_space<hbm>> -> memref<1x1x8x1024xf32, #tpu.memory_space<hbm>>
      %dma_start3A_433 = arith.constant 0 : i32
      %dma_start3A_434 = arith.constant 0 : i32
      %dma_start3A_435 = tpu.memref_slice %arg7[%select_n3A, %add3A_423, %dma_start3A_433, %dma_start3A_434] : memref<4x259x32x2048xf32, #tpu.memory_space<hbm>> -> memref<1x1x8x1024xf32, #tpu.memory_space<hbm>>
      tpu.enqueue_dma source(%arg14 : memref<1x1x8x1024xf32, #tpu.memory_space<vmem>>) target(%dma_start3A_435 : memref<1x1x8x1024xf32, #tpu.memory_space<hbm>>) target_semaphore(%arg21 : memref<!tpu.dma_semaphore, #tpu.memory_space<semaphore_mem>>)
      %add3A_436 = arith.constant 1 : i32
      %add3A_437 = arith.addi %add3A_423, %add3A_436 : i32
      %dma_start3A_438 = arith.constant 0 : i32
      %dma_start3A_439 = arith.constant 0 : i32
      %dma_start3A_440 = tpu.memref_slice %arg7[%select_n3A, %add3A_437, %dma_start3A_438, %dma_start3A_439] : memref<4x259x32x2048xf32, #tpu.memory_space<hbm>> -> memref<1x1x8x1024xf32, #tpu.memory_space<hbm>>
      %dma_start3A_441 = arith.constant 0 : i32
      %dma_start3A_442 = arith.constant 0 : i32
      %dma_start3A_443 = tpu.memref_slice %arg7[%select_n3A, %add3A_437, %dma_start3A_441, %dma_start3A_442] : memref<4x259x32x2048xf32, #tpu.memory_space<hbm>> -> memref<1x1x8x1024xf32, #tpu.memory_space<hbm>>
      tpu.enqueue_dma source(%arg16 : memref<1x1x8x1024xf32, #tpu.memory_space<vmem>>) target(%dma_start3A_443 : memref<1x1x8x1024xf32, #tpu.memory_space<hbm>>) target_semaphore(%arg21 : memref<!tpu.dma_semaphore, #tpu.memory_space<semaphore_mem>>)
      %scan3A_444 = arith.constant 0 : i32
      %scan3A_445 = arith.constant 0 : i32
      %scan3A_446 = arith.constant 8 : i32
      %scan3A_447 = arith.addi %scan3A_445, %scan3A_446 : i32
      %scan3A_448 = arith.constant 1 : i32
      scf.for %scan3A_552 = %scan3A_445 to %scan3A_447 step %scan3A_448  : i32 {
        %add3A_553 = arith.constant 8 : i32
        %add3A_554 = arith.addi %add3A_553, %scan3A_552 : i32
        %parallel_loop3A = arith.constant 0 : i32
        %parallel_loop3A_555 = arith.constant 1024 : i32
        %parallel_loop3A_556 = arith.constant 16 : i32
        scf.for %parallel_loop3A_557 = %parallel_loop3A to %parallel_loop3A_555 step %parallel_loop3A_556  : i32 {
          %parallel_loop3A_558 = arith.index_cast %add3A_554 : i32 to index
          %parallel_loop3A_559 = arith.index_cast %parallel_loop3A_557 : i32 to index
          %parallel_loop3A_560 = tpu.vector_load %arg8[%parallel_loop3A_558, %parallel_loop3A_559] {strides = array<i32>} : memref<32x1024xi32, #tpu.memory_space<vmem>>, vector<16xi32>,
          %parallel_loop3A_561 = arith.constant 0 : i32
          %parallel_loop3A_562 = arith.constant 0 : i32
          %parallel_loop3A_563 = tpu.memref_slice %arg11[%parallel_loop3A_561, %parallel_loop3A_562] : memref<1x8192xf32, #tpu.memory_space<vmem>> -> memref<1x8192xf32, #tpu.memory_space<vmem>>
          %parallel_loop3A_564 = tpu.memref_squeeze %parallel_loop3A_563 : memref<1x8192xf32, #tpu.memory_space<vmem>> -> memref<8192xf32, #tpu.memory_space<vmem>>
          %parallel_loop3A_565 = tpu.vector_load_idx %parallel_loop3A_564[%parallel_loop3A_560] : memref<8192xf32, #tpu.memory_space<vmem>>[vector<16xi32>], vector<16xf32>,
          %parallel_loop3A_566 = arith.constant 0 : i32
          %parallel_loop3A_567 = arith.constant 0 : i32
          %parallel_loop3A_568 = tpu.memref_slice %arg12[%parallel_loop3A_566, %parallel_loop3A_567] : memref<1x8192xf32, #tpu.memory_space<vmem>> -> memref<1x8192xf32, #tpu.memory_space<vmem>>
          %parallel_loop3A_569 = tpu.memref_squeeze %parallel_loop3A_568 : memref<1x8192xf32, #tpu.memory_space<vmem>> -> memref<8192xf32, #tpu.memory_space<vmem>>
          %parallel_loop3A_570 = tpu.vector_load_idx %parallel_loop3A_569[%parallel_loop3A_560] : memref<8192xf32, #tpu.memory_space<vmem>>[vector<16xi32>], vector<16xf32>,
          %parallel_loop3A_571 = arith.constant 0 : i32
          %parallel_loop3A_572 = arith.constant 0 : i32
          %parallel_loop3A_573 = arith.index_cast %parallel_loop3A_571 : i32 to index
          %parallel_loop3A_574 = arith.index_cast %parallel_loop3A_572 : i32 to index
          %parallel_loop3A_575 = arith.index_cast %scan3A_552 : i32 to index
          %parallel_loop3A_576 = arith.index_cast %parallel_loop3A_557 : i32 to index
          %parallel_loop3A_577 = tpu.vector_load %arg15[%parallel_loop3A_573, %parallel_loop3A_574, %parallel_loop3A_575, %parallel_loop3A_576] {strides = array<i32>} : memref<1x1x8x1024xf32, #tpu.memory_space<vmem>>, vector<16xf32>,
          tpu.vector_store %arg15[%parallel_loop3A_573, %parallel_loop3A_574, %parallel_loop3A_575, %parallel_loop3A_576], %parallel_loop3A_565 {strides = array<i32>} : memref<1x1x8x1024xf32, #tpu.memory_space<vmem>>, vector<16xf32>,
          %parallel_loop3A_578 = arith.constant 0 : i32
          %parallel_loop3A_579 = arith.constant 0 : i32
          %parallel_loop3A_580 = arith.index_cast %parallel_loop3A_578 : i32 to index
          %parallel_loop3A_581 = arith.index_cast %parallel_loop3A_579 : i32 to index
          %parallel_loop3A_582 = arith.index_cast %scan3A_552 : i32 to index
          %parallel_loop3A_583 = arith.index_cast %parallel_loop3A_557 : i32 to index
          %parallel_loop3A_584 = tpu.vector_load %arg17[%parallel_loop3A_580, %parallel_loop3A_581, %parallel_loop3A_582, %parallel_loop3A_583] {strides = array<i32>} : memref<1x1x8x1024xf32, #tpu.memory_space<vmem>>, vector<16xf32>,
          tpu.vector_store %arg17[%parallel_loop3A_580, %parallel_loop3A_581, %parallel_loop3A_582, %parallel_loop3A_583], %parallel_loop3A_570 {strides = array<i32>} : memref<1x1x8x1024xf32, #tpu.memory_space<vmem>>, vector<16xf32>,
        } {sc.loop_unroll_factor = 8 : i64, sc.parallel_access}
      }
      %scan3A_449 = arith.constant 8 : i32
      %dma_start3A_450 = arith.constant 8 : i32
      %dma_start3A_451 = arith.constant 0 : i32
      %dma_start3A_452 = tpu.memref_slice %arg7[%select_n3A, %add3A_423, %dma_start3A_450, %dma_start3A_451] : memref<4x259x32x2048xf32, #tpu.memory_space<hbm>> -> memref<1x1x8x1024xf32, #tpu.memory_space<hbm>>
      %dma_start3A_453 = arith.constant 8 : i32
      %dma_start3A_454 = arith.constant 0 : i32
      %dma_start3A_455 = tpu.memref_slice %arg7[%select_n3A, %add3A_423, %dma_start3A_453, %dma_start3A_454] : memref<4x259x32x2048xf32, #tpu.memory_space<hbm>> -> memref<1x1x8x1024xf32, #tpu.memory_space<hbm>>
      tpu.enqueue_dma source(%arg15 : memref<1x1x8x1024xf32, #tpu.memory_space<vmem>>) target(%dma_start3A_455 : memref<1x1x8x1024xf32, #tpu.memory_space<hbm>>) target_semaphore(%arg22 : memref<!tpu.dma_semaphore, #tpu.memory_space<semaphore_mem>>)
      %add3A_456 = arith.constant 1 : i32
      %add3A_457 = arith.addi %add3A_423, %add3A_456 : i32
      %dma_start3A_458 = arith.constant 8 : i32
      %dma_start3A_459 = arith.constant 0 : i32
      %dma_start3A_460 = tpu.memref_slice %arg7[%select_n3A, %add3A_457, %dma_start3A_458, %dma_start3A_459] : memref<4x259x32x2048xf32, #tpu.memory_space<hbm>> -> memref<1x1x8x1024xf32, #tpu.memory_space<hbm>>
      %dma_start3A_461 = arith.constant 8 : i32
      %dma_start3A_462 = arith.constant 0 : i32
      %dma_start3A_463 = tpu.memref_slice %arg7[%select_n3A, %add3A_457, %dma_start3A_461, %dma_start3A_462] : memref<4x259x32x2048xf32, #tpu.memory_space<hbm>> -> memref<1x1x8x1024xf32, #tpu.memory_space<hbm>>
      tpu.enqueue_dma source(%arg17 : memref<1x1x8x1024xf32, #tpu.memory_space<vmem>>) target(%dma_start3A_463 : memref<1x1x8x1024xf32, #tpu.memory_space<hbm>>) target_semaphore(%arg22 : memref<!tpu.dma_semaphore, #tpu.memory_space<semaphore_mem>>)
      %dma_wait3A_464 = arith.constant 0 : i32
      %dma_wait3A_465 = arith.constant 0 : i32
      %dma_wait3A_466 = tpu.memref_slice %arg7[%select_n3A, %add3A_423, %dma_wait3A_464, %dma_wait3A_465] : memref<4x259x32x2048xf32, #tpu.memory_space<hbm>> -> memref<1x1x8x1024xf32, #tpu.memory_space<hbm>>
      %dma_wait3A_467 = arith.constant 0 : i32
      %dma_wait3A_468 = arith.constant 0 : i32
      %dma_wait3A_469 = tpu.memref_slice %arg7[%select_n3A, %add3A_423, %dma_wait3A_467, %dma_wait3A_468] : memref<4x259x32x2048xf32, #tpu.memory_space<hbm>> -> memref<1x1x8x1024xf32, #tpu.memory_space<hbm>>
      tpu.wait_dma2 semaphore(%arg21 : memref<!tpu.dma_semaphore, #tpu.memory_space<semaphore_mem>>) src(%arg14 : memref<1x1x8x1024xf32, #tpu.memory_space<vmem>>) dst(%dma_wait3A_469 : memref<1x1x8x1024xf32, #tpu.memory_space<hbm>>)
      %dma_wait3A_470 = arith.constant 0 : i32
      %dma_wait3A_471 = arith.constant 0 : i32
      %dma_wait3A_472 = tpu.memref_slice %arg7[%select_n3A, %add3A_437, %dma_wait3A_470, %dma_wait3A_471] : memref<4x259x32x2048xf32, #tpu.memory_space<hbm>> -> memref<1x1x8x1024xf32, #tpu.memory_space<hbm>>
      %dma_wait3A_473 = arith.constant 0 : i32
      %dma_wait3A_474 = arith.constant 0 : i32
      %dma_wait3A_475 = tpu.memref_slice %arg7[%select_n3A, %add3A_437, %dma_wait3A_473, %dma_wait3A_474] : memref<4x259x32x2048xf32, #tpu.memory_space<hbm>> -> memref<1x1x8x1024xf32, #tpu.memory_space<hbm>>
      tpu.wait_dma2 semaphore(%arg21 : memref<!tpu.dma_semaphore, #tpu.memory_space<semaphore_mem>>) src(%arg16 : memref<1x1x8x1024xf32, #tpu.memory_space<vmem>>) dst(%dma_wait3A_475 : memref<1x1x8x1024xf32, #tpu.memory_space<hbm>>)
      %scan3A_476 = arith.constant 0 : i32
      %scan3A_477 = arith.constant 0 : i32
      %scan3A_478 = arith.constant 8 : i32
      %scan3A_479 = arith.addi %scan3A_477, %scan3A_478 : i32
      %scan3A_480 = arith.constant 1 : i32
      scf.for %scan3A_552 = %scan3A_477 to %scan3A_479 step %scan3A_480  : i32 {
        %add3A_553 = arith.constant 16 : i32
        %add3A_554 = arith.addi %add3A_553, %scan3A_552 : i32
        %parallel_loop3A = arith.constant 0 : i32
        %parallel_loop3A_555 = arith.constant 1024 : i32
        %parallel_loop3A_556 = arith.constant 16 : i32
        scf.for %parallel_loop3A_557 = %parallel_loop3A to %parallel_loop3A_555 step %parallel_loop3A_556  : i32 {
          %parallel_loop3A_558 = arith.index_cast %add3A_554 : i32 to index
          %parallel_loop3A_559 = arith.index_cast %parallel_loop3A_557 : i32 to index
          %parallel_loop3A_560 = tpu.vector_load %arg8[%parallel_loop3A_558, %parallel_loop3A_559] {strides = array<i32>} : memref<32x1024xi32, #tpu.memory_space<vmem>>, vector<16xi32>,
          %parallel_loop3A_561 = arith.constant 0 : i32
          %parallel_loop3A_562 = arith.constant 0 : i32
          %parallel_loop3A_563 = tpu.memref_slice %arg11[%parallel_loop3A_561, %parallel_loop3A_562] : memref<1x8192xf32, #tpu.memory_space<vmem>> -> memref<1x8192xf32, #tpu.memory_space<vmem>>
          %parallel_loop3A_564 = tpu.memref_squeeze %parallel_loop3A_563 : memref<1x8192xf32, #tpu.memory_space<vmem>> -> memref<8192xf32, #tpu.memory_space<vmem>>
          %parallel_loop3A_565 = tpu.vector_load_idx %parallel_loop3A_564[%parallel_loop3A_560] : memref<8192xf32, #tpu.memory_space<vmem>>[vector<16xi32>], vector<16xf32>,
          %parallel_loop3A_566 = arith.constant 0 : i32
          %parallel_loop3A_567 = arith.constant 0 : i32
          %parallel_loop3A_568 = tpu.memref_slice %arg12[%parallel_loop3A_566, %parallel_loop3A_567] : memref<1x8192xf32, #tpu.memory_space<vmem>> -> memref<1x8192xf32, #tpu.memory_space<vmem>>
          %parallel_loop3A_569 = tpu.memref_squeeze %parallel_loop3A_568 : memref<1x8192xf32, #tpu.memory_space<vmem>> -> memref<8192xf32, #tpu.memory_space<vmem>>
          %parallel_loop3A_570 = tpu.vector_load_idx %parallel_loop3A_569[%parallel_loop3A_560] : memref<8192xf32, #tpu.memory_space<vmem>>[vector<16xi32>], vector<16xf32>,
          %parallel_loop3A_571 = arith.constant 0 : i32
          %parallel_loop3A_572 = arith.constant 0 : i32
          %parallel_loop3A_573 = arith.index_cast %parallel_loop3A_571 : i32 to index
          %parallel_loop3A_574 = arith.index_cast %parallel_loop3A_572 : i32 to index
          %parallel_loop3A_575 = arith.index_cast %scan3A_552 : i32 to index
          %parallel_loop3A_576 = arith.index_cast %parallel_loop3A_557 : i32 to index
          %parallel_loop3A_577 = tpu.vector_load %arg14[%parallel_loop3A_573, %parallel_loop3A_574, %parallel_loop3A_575, %parallel_loop3A_576] {strides = array<i32>} : memref<1x1x8x1024xf32, #tpu.memory_space<vmem>>, vector<16xf32>,
          tpu.vector_store %arg14[%parallel_loop3A_573, %parallel_loop3A_574, %parallel_loop3A_575, %parallel_loop3A_576], %parallel_loop3A_565 {strides = array<i32>} : memref<1x1x8x1024xf32, #tpu.memory_space<vmem>>, vector<16xf32>,
          %parallel_loop3A_578 = arith.constant 0 : i32
          %parallel_loop3A_579 = arith.constant 0 : i32
          %parallel_loop3A_580 = arith.index_cast %parallel_loop3A_578 : i32 to index
          %parallel_loop3A_581 = arith.index_cast %parallel_loop3A_579 : i32 to index
          %parallel_loop3A_582 = arith.index_cast %scan3A_552 : i32 to index
          %parallel_loop3A_583 = arith.index_cast %parallel_loop3A_557 : i32 to index
          %parallel_loop3A_584 = tpu.vector_load %arg16[%parallel_loop3A_580, %parallel_loop3A_581, %parallel_loop3A_582, %parallel_loop3A_583] {strides = array<i32>} : memref<1x1x8x1024xf32, #tpu.memory_space<vmem>>, vector<16xf32>,
          tpu.vector_store %arg16[%parallel_loop3A_580, %parallel_loop3A_581, %parallel_loop3A_582, %parallel_loop3A_583], %parallel_loop3A_570 {strides = array<i32>} : memref<1x1x8x1024xf32, #tpu.memory_space<vmem>>, vector<16xf32>,
        } {sc.loop_unroll_factor = 8 : i64, sc.parallel_access}
      }
      %scan3A_481 = arith.constant 8 : i32
      %dma_start3A_482 = arith.constant 16 : i32
      %dma_start3A_483 = arith.constant 0 : i32
      %dma_start3A_484 = tpu.memref_slice %arg7[%select_n3A, %add3A_423, %dma_start3A_482, %dma_start3A_483] : memref<4x259x32x2048xf32, #tpu.memory_space<hbm>> -> memref<1x1x8x1024xf32, #tpu.memory_space<hbm>>
      %dma_start3A_485 = arith.constant 16 : i32
      %dma_start3A_486 = arith.constant 0 : i32
      %dma_start3A_487 = tpu.memref_slice %arg7[%select_n3A, %add3A_423, %dma_start3A_485, %dma_start3A_486] : memref<4x259x32x2048xf32, #tpu.memory_space<hbm>> -> memref<1x1x8x1024xf32, #tpu.memory_space<hbm>>
      tpu.enqueue_dma source(%arg14 : memref<1x1x8x1024xf32, #tpu.memory_space<vmem>>) target(%dma_start3A_487 : memref<1x1x8x1024xf32, #tpu.memory_space<hbm>>) target_semaphore(%arg21 : memref<!tpu.dma_semaphore, #tpu.memory_space<semaphore_mem>>)
      %add3A_488 = arith.constant 1 : i32
      %add3A_489 = arith.addi %add3A_423, %add3A_488 : i32
      %dma_start3A_490 = arith.constant 16 : i32
      %dma_start3A_491 = arith.constant 0 : i32
      %dma_start3A_492 = tpu.memref_slice %arg7[%select_n3A, %add3A_489, %dma_start3A_490, %dma_start3A_491] : memref<4x259x32x2048xf32, #tpu.memory_space<hbm>> -> memref<1x1x8x1024xf32, #tpu.memory_space<hbm>>
      %dma_start3A_493 = arith.constant 16 : i32
      %dma_start3A_494 = arith.constant 0 : i32
      %dma_start3A_495 = tpu.memref_slice %arg7[%select_n3A, %add3A_489, %dma_start3A_493, %dma_start3A_494] : memref<4x259x32x2048xf32, #tpu.memory_space<hbm>> -> memref<1x1x8x1024xf32, #tpu.memory_space<hbm>>
      tpu.enqueue_dma source(%arg16 : memref<1x1x8x1024xf32, #tpu.memory_space<vmem>>) target(%dma_start3A_495 : memref<1x1x8x1024xf32, #tpu.memory_space<hbm>>) target_semaphore(%arg21 : memref<!tpu.dma_semaphore, #tpu.memory_space<semaphore_mem>>)
      %dma_wait3A_496 = arith.constant 8 : i32
      %dma_wait3A_497 = arith.constant 0 : i32
      %dma_wait3A_498 = tpu.memref_slice %arg7[%select_n3A, %add3A_423, %dma_wait3A_496, %dma_wait3A_497] : memref<4x259x32x2048xf32, #tpu.memory_space<hbm>> -> memref<1x1x8x1024xf32, #tpu.memory_space<hbm>>
      %dma_wait3A_499 = arith.constant 8 : i32
      %dma_wait3A_500 = arith.constant 0 : i32
      %dma_wait3A_501 = tpu.memref_slice %arg7[%select_n3A, %add3A_423, %dma_wait3A_499, %dma_wait3A_500] : memref<4x259x32x2048xf32, #tpu.memory_space<hbm>> -> memref<1x1x8x1024xf32, #tpu.memory_space<hbm>>
      tpu.wait_dma2 semaphore(%arg22 : memref<!tpu.dma_semaphore, #tpu.memory_space<semaphore_mem>>) src(%arg15 : memref<1x1x8x1024xf32, #tpu.memory_space<vmem>>) dst(%dma_wait3A_501 : memref<1x1x8x1024xf32, #tpu.memory_space<hbm>>)
      %dma_wait3A_502 = arith.constant 8 : i32
      %dma_wait3A_503 = arith.constant 0 : i32
      %dma_wait3A_504 = tpu.memref_slice %arg7[%select_n3A, %add3A_457, %dma_wait3A_502, %dma_wait3A_503] : memref<4x259x32x2048xf32, #tpu.memory_space<hbm>> -> memref<1x1x8x1024xf32, #tpu.memory_space<hbm>>
      %dma_wait3A_505 = arith.constant 8 : i32
      %dma_wait3A_506 = arith.constant 0 : i32
      %dma_wait3A_507 = tpu.memref_slice %arg7[%select_n3A, %add3A_457, %dma_wait3A_505, %dma_wait3A_506] : memref<4x259x32x2048xf32, #tpu.memory_space<hbm>> -> memref<1x1x8x1024xf32, #tpu.memory_space<hbm>>
      tpu.wait_dma2 semaphore(%arg22 : memref<!tpu.dma_semaphore, #tpu.memory_space<semaphore_mem>>) src(%arg17 : memref<1x1x8x1024xf32, #tpu.memory_space<vmem>>) dst(%dma_wait3A_507 : memref<1x1x8x1024xf32, #tpu.memory_space<hbm>>)
      %scan3A_508 = arith.constant 0 : i32
      %scan3A_509 = arith.constant 0 : i32
      %scan3A_510 = arith.constant 8 : i32
      %scan3A_511 = arith.addi %scan3A_509, %scan3A_510 : i32
      %scan3A_512 = arith.constant 1 : i32
      scf.for %scan3A_552 = %scan3A_509 to %scan3A_511 step %scan3A_512  : i32 {
        %add3A_553 = arith.constant 24 : i32
        %add3A_554 = arith.addi %add3A_553, %scan3A_552 : i32
        %parallel_loop3A = arith.constant 0 : i32
        %parallel_loop3A_555 = arith.constant 1024 : i32
        %parallel_loop3A_556 = arith.constant 16 : i32
        scf.for %parallel_loop3A_557 = %parallel_loop3A to %parallel_loop3A_555 step %parallel_loop3A_556  : i32 {
          %parallel_loop3A_558 = arith.index_cast %add3A_554 : i32 to index
          %parallel_loop3A_559 = arith.index_cast %parallel_loop3A_557 : i32 to index
          %parallel_loop3A_560 = tpu.vector_load %arg8[%parallel_loop3A_558, %parallel_loop3A_559] {strides = array<i32>} : memref<32x1024xi32, #tpu.memory_space<vmem>>, vector<16xi32>,
          %parallel_loop3A_561 = arith.constant 0 : i32
          %parallel_loop3A_562 = arith.constant 0 : i32
          %parallel_loop3A_563 = tpu.memref_slice %arg11[%parallel_loop3A_561, %parallel_loop3A_562] : memref<1x8192xf32, #tpu.memory_space<vmem>> -> memref<1x8192xf32, #tpu.memory_space<vmem>>
          %parallel_loop3A_564 = tpu.memref_squeeze %parallel_loop3A_563 : memref<1x8192xf32, #tpu.memory_space<vmem>> -> memref<8192xf32, #tpu.memory_space<vmem>>
          %parallel_loop3A_565 = tpu.vector_load_idx %parallel_loop3A_564[%parallel_loop3A_560] : memref<8192xf32, #tpu.memory_space<vmem>>[vector<16xi32>], vector<16xf32>,
          %parallel_loop3A_566 = arith.constant 0 : i32
          %parallel_loop3A_567 = arith.constant 0 : i32
          %parallel_loop3A_568 = tpu.memref_slice %arg12[%parallel_loop3A_566, %parallel_loop3A_567] : memref<1x8192xf32, #tpu.memory_space<vmem>> -> memref<1x8192xf32, #tpu.memory_space<vmem>>
          %parallel_loop3A_569 = tpu.memref_squeeze %parallel_loop3A_568 : memref<1x8192xf32, #tpu.memory_space<vmem>> -> memref<8192xf32, #tpu.memory_space<vmem>>
          %parallel_loop3A_570 = tpu.vector_load_idx %parallel_loop3A_569[%parallel_loop3A_560] : memref<8192xf32, #tpu.memory_space<vmem>>[vector<16xi32>], vector<16xf32>,
          %parallel_loop3A_571 = arith.constant 0 : i32
          %parallel_loop3A_572 = arith.constant 0 : i32
          %parallel_loop3A_573 = arith.index_cast %parallel_loop3A_571 : i32 to index
          %parallel_loop3A_574 = arith.index_cast %parallel_loop3A_572 : i32 to index
          %parallel_loop3A_575 = arith.index_cast %scan3A_552 : i32 to index
          %parallel_loop3A_576 = arith.index_cast %parallel_loop3A_557 : i32 to index
          %parallel_loop3A_577 = tpu.vector_load %arg15[%parallel_loop3A_573, %parallel_loop3A_574, %parallel_loop3A_575, %parallel_loop3A_576] {strides = array<i32>} : memref<1x1x8x1024xf32, #tpu.memory_space<vmem>>, vector<16xf32>,
          tpu.vector_store %arg15[%parallel_loop3A_573, %parallel_loop3A_574, %parallel_loop3A_575, %parallel_loop3A_576], %parallel_loop3A_565 {strides = array<i32>} : memref<1x1x8x1024xf32, #tpu.memory_space<vmem>>, vector<16xf32>,
          %parallel_loop3A_578 = arith.constant 0 : i32
          %parallel_loop3A_579 = arith.constant 0 : i32
          %parallel_loop3A_580 = arith.index_cast %parallel_loop3A_578 : i32 to index
          %parallel_loop3A_581 = arith.index_cast %parallel_loop3A_579 : i32 to index
          %parallel_loop3A_582 = arith.index_cast %scan3A_552 : i32 to index
          %parallel_loop3A_583 = arith.index_cast %parallel_loop3A_557 : i32 to index
          %parallel_loop3A_584 = tpu.vector_load %arg17[%parallel_loop3A_580, %parallel_loop3A_581, %parallel_loop3A_582, %parallel_loop3A_583] {strides = array<i32>} : memref<1x1x8x1024xf32, #tpu.memory_space<vmem>>, vector<16xf32>,
          tpu.vector_store %arg17[%parallel_loop3A_580, %parallel_loop3A_581, %parallel_loop3A_582, %parallel_loop3A_583], %parallel_loop3A_570 {strides = array<i32>} : memref<1x1x8x1024xf32, #tpu.memory_space<vmem>>, vector<16xf32>,
        } {sc.loop_unroll_factor = 8 : i64, sc.parallel_access}
      }
      %scan3A_513 = arith.constant 8 : i32
      %dma_start3A_514 = arith.constant 24 : i32
      %dma_start3A_515 = arith.constant 0 : i32
      %dma_start3A_516 = tpu.memref_slice %arg7[%select_n3A, %add3A_423, %dma_start3A_514, %dma_start3A_515] : memref<4x259x32x2048xf32, #tpu.memory_space<hbm>> -> memref<1x1x8x1024xf32, #tpu.memory_space<hbm>>
      %dma_start3A_517 = arith.constant 24 : i32
      %dma_start3A_518 = arith.constant 0 : i32
      %dma_start3A_519 = tpu.memref_slice %arg7[%select_n3A, %add3A_423, %dma_start3A_517, %dma_start3A_518] : memref<4x259x32x2048xf32, #tpu.memory_space<hbm>> -> memref<1x1x8x1024xf32, #tpu.memory_space<hbm>>
      tpu.enqueue_dma source(%arg15 : memref<1x1x8x1024xf32, #tpu.memory_space<vmem>>) target(%dma_start3A_519 : memref<1x1x8x1024xf32, #tpu.memory_space<hbm>>) target_semaphore(%arg22 : memref<!tpu.dma_semaphore, #tpu.memory_space<semaphore_mem>>)
      %add3A_520 = arith.constant 1 : i32
      %add3A_521 = arith.addi %add3A_423, %add3A_520 : i32
      %dma_start3A_522 = arith.constant 24 : i32
      %dma_start3A_523 = arith.constant 0 : i32
      %dma_start3A_524 = tpu.memref_slice %arg7[%select_n3A, %add3A_521, %dma_start3A_522, %dma_start3A_523] : memref<4x259x32x2048xf32, #tpu.memory_space<hbm>> -> memref<1x1x8x1024xf32, #tpu.memory_space<hbm>>
      %dma_start3A_525 = arith.constant 24 : i32
      %dma_start3A_526 = arith.constant 0 : i32
      %dma_start3A_527 = tpu.memref_slice %arg7[%select_n3A, %add3A_521, %dma_start3A_525, %dma_start3A_526] : memref<4x259x32x2048xf32, #tpu.memory_space<hbm>> -> memref<1x1x8x1024xf32, #tpu.memory_space<hbm>>
      tpu.enqueue_dma source(%arg17 : memref<1x1x8x1024xf32, #tpu.memory_space<vmem>>) target(%dma_start3A_527 : memref<1x1x8x1024xf32, #tpu.memory_space<hbm>>) target_semaphore(%arg22 : memref<!tpu.dma_semaphore, #tpu.memory_space<semaphore_mem>>)
      %dma_wait3A_528 = arith.constant 16 : i32
      %dma_wait3A_529 = arith.constant 0 : i32
      %dma_wait3A_530 = tpu.memref_slice %arg7[%select_n3A, %add3A_423, %dma_wait3A_528, %dma_wait3A_529] : memref<4x259x32x2048xf32, #tpu.memory_space<hbm>> -> memref<1x1x8x1024xf32, #tpu.memory_space<hbm>>
      %dma_wait3A_531 = arith.constant 16 : i32
      %dma_wait3A_532 = arith.constant 0 : i32
      %dma_wait3A_533 = tpu.memref_slice %arg7[%select_n3A, %add3A_423, %dma_wait3A_531, %dma_wait3A_532] : memref<4x259x32x2048xf32, #tpu.memory_space<hbm>> -> memref<1x1x8x1024xf32, #tpu.memory_space<hbm>>
      tpu.wait_dma2 semaphore(%arg21 : memref<!tpu.dma_semaphore, #tpu.memory_space<semaphore_mem>>) src(%arg14 : memref<1x1x8x1024xf32, #tpu.memory_space<vmem>>) dst(%dma_wait3A_533 : memref<1x1x8x1024xf32, #tpu.memory_space<hbm>>)
      %dma_wait3A_534 = arith.constant 16 : i32
      %dma_wait3A_535 = arith.constant 0 : i32
      %dma_wait3A_536 = tpu.memref_slice %arg7[%select_n3A, %add3A_489, %dma_wait3A_534, %dma_wait3A_535] : memref<4x259x32x2048xf32, #tpu.memory_space<hbm>> -> memref<1x1x8x1024xf32, #tpu.memory_space<hbm>>
      %dma_wait3A_537 = arith.constant 16 : i32
      %dma_wait3A_538 = arith.constant 0 : i32
      %dma_wait3A_539 = tpu.memref_slice %arg7[%select_n3A, %add3A_489, %dma_wait3A_537, %dma_wait3A_538] : memref<4x259x32x2048xf32, #tpu.memory_space<hbm>> -> memref<1x1x8x1024xf32, #tpu.memory_space<hbm>>
      tpu.wait_dma2 semaphore(%arg21 : memref<!tpu.dma_semaphore, #tpu.memory_space<semaphore_mem>>) src(%arg16 : memref<1x1x8x1024xf32, #tpu.memory_space<vmem>>) dst(%dma_wait3A_539 : memref<1x1x8x1024xf32, #tpu.memory_space<hbm>>)
      %dma_wait3A_540 = arith.constant 24 : i32
      %dma_wait3A_541 = arith.constant 0 : i32
      %dma_wait3A_542 = tpu.memref_slice %arg7[%select_n3A, %add3A_423, %dma_wait3A_540, %dma_wait3A_541] : memref<4x259x32x2048xf32, #tpu.memory_space<hbm>> -> memref<1x1x8x1024xf32, #tpu.memory_space<hbm>>
      %dma_wait3A_543 = arith.constant 24 : i32
      %dma_wait3A_544 = arith.constant 0 : i32
      %dma_wait3A_545 = tpu.memref_slice %arg7[%select_n3A, %add3A_423, %dma_wait3A_543, %dma_wait3A_544] : memref<4x259x32x2048xf32, #tpu.memory_space<hbm>> -> memref<1x1x8x1024xf32, #tpu.memory_space<hbm>>
      tpu.wait_dma2 semaphore(%arg22 : memref<!tpu.dma_semaphore, #tpu.memory_space<semaphore_mem>>) src(%arg15 : memref<1x1x8x1024xf32, #tpu.memory_space<vmem>>) dst(%dma_wait3A_545 : memref<1x1x8x1024xf32, #tpu.memory_space<hbm>>)
      %dma_wait3A_546 = arith.constant 24 : i32
      %dma_wait3A_547 = arith.constant 0 : i32
      %dma_wait3A_548 = tpu.memref_slice %arg7[%select_n3A, %add3A_521, %dma_wait3A_546, %dma_wait3A_547] : memref<4x259x32x2048xf32, #tpu.memory_space<hbm>> -> memref<1x1x8x1024xf32, #tpu.memory_space<hbm>>
      %dma_wait3A_549 = arith.constant 24 : i32
      %dma_wait3A_550 = arith.constant 0 : i32
      %dma_wait3A_551 = tpu.memref_slice %arg7[%select_n3A, %add3A_521, %dma_wait3A_549, %dma_wait3A_550] : memref<4x259x32x2048xf32, #tpu.memory_space<hbm>> -> memref<1x1x8x1024xf32, #tpu.memory_space<hbm>>
      tpu.wait_dma2 semaphore(%arg22 : memref<!tpu.dma_semaphore, #tpu.memory_space<semaphore_mem>>) src(%arg17 : memref<1x1x8x1024xf32, #tpu.memory_space<vmem>>) dst(%dma_wait3A_551 : memref<1x1x8x1024xf32, #tpu.memory_space<hbm>>)
    }
    %scan3A_107 = arith.constant 8 : i32
    %mul3A_108 = arith.constant 32 : i32
    %mul3A_109 = arith.muli %select_n3A_30, %mul3A_108 : i32
    %add3A_110 = arith.constant 32 : i32
    %add3A_111 = arith.addi %mul3A_109, %add3A_110 : i32
    %mul3A_112 = arith.constant 256 : i32
    %mul3A_113 = arith.muli %select_n3A, %mul3A_112 : i32
    %add3A_114 = arith.addi %mul3A_113, %add3A_111 : i32
    %min3A_115 = arith.constant 1023 : i32
    %min3A_116 = arith.minsi %add3A_114, %min3A_115 : i32
    %dma_wait3A = arith.constant 0 : i32
    %dma_wait3A_117 = tpu.memref_slice %arg4[%min3A_116, %dma_wait3A] : memref<1024x8192xf32, #tpu.memory_space<hbm>> -> memref<1x8192xf32, #tpu.memory_space<hbm>>
    %dma_wait3A_118 = arith.constant 0 : i32
    %dma_wait3A_119 = tpu.memref_slice %arg4[%min3A_116, %dma_wait3A_118] : memref<1024x8192xf32, #tpu.memory_space<hbm>> -> memref<1x8192xf32, #tpu.memory_space<hbm>>
    tpu.wait_dma2 semaphore(%arg23 : memref<!tpu.dma_semaphore, #tpu.memory_space<semaphore_mem>>) src(%dma_wait3A_119 : memref<1x8192xf32, #tpu.memory_space<hbm>>) dst(%arg9 : memref<1x8192xf32, #tpu.memory_space<vmem>>)
    %mul3A_120 = arith.constant 32 : i32
    %mul3A_121 = arith.muli %select_n3A_30, %mul3A_120 : i32
    %add3A_122 = arith.constant 33 : i32
    %add3A_123 = arith.addi %mul3A_121, %add3A_122 : i32
    %mul3A_124 = arith.constant 256 : i32
    %mul3A_125 = arith.muli %select_n3A, %mul3A_124 : i32
    %add3A_126 = arith.addi %mul3A_125, %add3A_123 : i32
    %min3A_127 = arith.constant 1023 : i32
    %min3A_128 = arith.minsi %add3A_126, %min3A_127 : i32
    %dma_wait3A_129 = arith.constant 0 : i32
    %dma_wait3A_130 = tpu.memref_slice %arg4[%min3A_128, %dma_wait3A_129] : memref<1024x8192xf32, #tpu.memory_space<hbm>> -> memref<1x8192xf32, #tpu.memory_space<hbm>>
    %dma_wait3A_131 = arith.constant 0 : i32
    %dma_wait3A_132 = tpu.memref_slice %arg4[%min3A_128, %dma_wait3A_131] : memref<1024x8192xf32, #tpu.memory_space<hbm>> -> memref<1x8192xf32, #tpu.memory_space<hbm>>
    tpu.wait_dma2 semaphore(%arg23 : memref<!tpu.dma_semaphore, #tpu.memory_space<semaphore_mem>>) src(%dma_wait3A_132 : memref<1x8192xf32, #tpu.memory_space<hbm>>) dst(%arg10 : memref<1x8192xf32, #tpu.memory_space<vmem>>)
    %mul3A_133 = arith.constant 32 : i32
    %mul3A_134 = arith.muli %select_n3A, %mul3A_133 : i32
    "tpu.region"() ({
      %run_scoped3A = tpu.sem_alloc : memref<!tpu.dma_semaphore, #tpu.memory_space<semaphore_mem>>
      %dma_start3A_198 = arith.constant 1024 : i32
      %dma_start3A_199 = tpu.memref_slice %arg5[%mul3A_134, %dma_start3A_198] : memref<128x2048xi32, #tpu.memory_space<hbm>> -> memref<32x1024xi32, #tpu.memory_space<hbm>>
      %dma_start3A_200 = arith.constant 1024 : i32
      %dma_start3A_201 = tpu.memref_slice %arg5[%mul3A_134, %dma_start3A_200] : memref<128x2048xi32, #tpu.memory_space<hbm>> -> memref<32x1024xi32, #tpu.memory_space<hbm>>
      tpu.enqueue_dma source(%dma_start3A_201 : memref<32x1024xi32, #tpu.memory_space<hbm>>) target(%arg8 : memref<32x1024xi32, #tpu.memory_space<vmem>>) target_semaphore(%run_scoped3A : memref<!tpu.dma_semaphore, #tpu.memory_space<semaphore_mem>>)
      %dma_wait3A_202 = arith.constant 1024 : i32
      %dma_wait3A_203 = tpu.memref_slice %arg5[%mul3A_134, %dma_wait3A_202] : memref<128x2048xi32, #tpu.memory_space<hbm>> -> memref<32x1024xi32, #tpu.memory_space<hbm>>
      %dma_wait3A_204 = arith.constant 1024 : i32
      %dma_wait3A_205 = tpu.memref_slice %arg5[%mul3A_134, %dma_wait3A_204] : memref<128x2048xi32, #tpu.memory_space<hbm>> -> memref<32x1024xi32, #tpu.memory_space<hbm>>
      tpu.wait_dma2 semaphore(%run_scoped3A : memref<!tpu.dma_semaphore, #tpu.memory_space<semaphore_mem>>) src(%dma_wait3A_205 : memref<32x1024xi32, #tpu.memory_space<hbm>>) dst(%arg8 : memref<32x1024xi32, #tpu.memory_space<vmem>>)
      tpu.yield
    }) : () -> ()
    %mul3A_135 = arith.constant 32 : i32
    %mul3A_136 = arith.muli %select_n3A_30, %mul3A_135 : i32
    %add3A_137 = arith.constant 0 : i32
    %add3A_138 = arith.addi %mul3A_136, %add3A_137 : i32
    %mul3A_139 = arith.constant 256 : i32
    %mul3A_140 = arith.muli %select_n3A, %mul3A_139 : i32
    %add3A_141 = arith.addi %mul3A_140, %add3A_138 : i32
    %min3A_142 = arith.constant 1023 : i32
    %min3A_143 = arith.minsi %add3A_141, %min3A_142 : i32
    %dma_start3A_144 = arith.constant 0 : i32
    %dma_start3A_145 = tpu.memref_slice %arg4[%min3A_143, %dma_start3A_144] : memref<1024x8192xf32, #tpu.memory_space<hbm>> -> memref<1x8192xf32, #tpu.memory_space<hbm>>
    %dma_start3A_146 = arith.constant 0 : i32
    %dma_start3A_147 = tpu.memref_slice %arg4[%min3A_143, %dma_start3A_146] : memref<1024x8192xf32, #tpu.memory_space<hbm>> -> memref<1x8192xf32, #tpu.memory_space<hbm>>
    tpu.enqueue_dma source(%dma_start3A_147 : memref<1x8192xf32, #tpu.memory_space<hbm>>) target(%arg9 : memref<1x8192xf32, #tpu.memory_space<vmem>>) target_semaphore(%arg23 : memref<!tpu.dma_semaphore, #tpu.memory_space<semaphore_mem>>)
    %mul3A_148 = arith.constant 32 : i32
    %mul3A_149 = arith.muli %select_n3A_30, %mul3A_148 : i32
    %add3A_150 = arith.constant 1 : i32
    %add3A_151 = arith.addi %mul3A_149, %add3A_150 : i32
    %mul3A_152 = arith.constant 256 : i32
    %mul3A_153 = arith.muli %select_n3A, %mul3A_152 : i32
    %add3A_154 = arith.addi %mul3A_153, %add3A_151 : i32
    %min3A_155 = arith.constant 1023 : i32
    %min3A_156 = arith.minsi %add3A_154, %min3A_155 : i32
    %dma_start3A_157 = arith.constant 0 : i32
    %dma_start3A_158 = tpu.memref_slice %arg4[%min3A_156, %dma_start3A_157] : memref<1024x8192xf32, #tpu.memory_space<hbm>> -> memref<1x8192xf32, #tpu.memory_space<hbm>>
    %dma_start3A_159 = arith.constant 0 : i32
    %dma_start3A_160 = tpu.memref_slice %arg4[%min3A_156, %dma_start3A_159] : memref<1024x8192xf32, #tpu.memory_space<hbm>> -> memref<1x8192xf32, #tpu.memory_space<hbm>>
    tpu.enqueue_dma source(%dma_start3A_160 : memref<1x8192xf32, #tpu.memory_space<hbm>>) target(%arg10 : memref<1x8192xf32, #tpu.memory_space<vmem>>) target_semaphore(%arg23 : memref<!tpu.dma_semaphore, #tpu.memory_space<semaphore_mem>>)
    %lt3A_161 = arith.constant 3 : i32
    %lt3A_162 = arith.cmpi slt, %select_n3A_30, %lt3A_161 : i32
    %convert_element_type3A_163 = arith.extui %lt3A_162 : i1 to i32
    %cond3A_164 = arith.constant 0 : i32
    %cond3A_165 = arith.cmpi ne, %convert_element_type3A_163, %cond3A_164 : i32
    scf.if %cond3A_165 {
      %mul3A_198 = arith.constant 3 : i32
      %mul3A_199 = arith.muli %select_n3A, %mul3A_198 : i32
      %add3A_200 = arith.addi %mul3A_199, %select_n3A_30 : i32
      "tpu.region"() ({
        %run_scoped3A = tpu.sem_alloc : memref<!tpu.dma_semaphore, #tpu.memory_space<semaphore_mem>>
        %dma_start3A_210 = arith.constant 0 : i32
        %dma_start3A_211 = tpu.memref_slice %arg2[%add3A_200, %dma_start3A_210] : memref<12x8192xf32, #tpu.memory_space<hbm>> -> memref<1x8192xf32, #tpu.memory_space<hbm>>
        %dma_start3A_212 = arith.constant 0 : i32
        %dma_start3A_213 = tpu.memref_slice %arg2[%add3A_200, %dma_start3A_212] : memref<12x8192xf32, #tpu.memory_space<hbm>> -> memref<1x8192xf32, #tpu.memory_space<hbm>>
        tpu.enqueue_dma source(%dma_start3A_213 : memref<1x8192xf32, #tpu.memory_space<hbm>>) target(%arg11 : memref<1x8192xf32, #tpu.memory_space<vmem>>) target_semaphore(%run_scoped3A : memref<!tpu.dma_semaphore, #tpu.memory_space<semaphore_mem>>)
        %dma_wait3A_214 = arith.constant 0 : i32
        %dma_wait3A_215 = tpu.memref_slice %arg2[%add3A_200, %dma_wait3A_214] : memref<12x8192xf32, #tpu.memory_space<hbm>> -> memref<1x8192xf32, #tpu.memory_space<hbm>>
        %dma_wait3A_216 = arith.constant 0 : i32
        %dma_wait3A_217 = tpu.memref_slice %arg2[%add3A_200, %dma_wait3A_216] : memref<12x8192xf32, #tpu.memory_space<hbm>> -> memref<1x8192xf32, #tpu.memory_space<hbm>>
        tpu.wait_dma2 semaphore(%run_scoped3A : memref<!tpu.dma_semaphore, #tpu.memory_space<semaphore_mem>>) src(%dma_wait3A_217 : memref<1x8192xf32, #tpu.memory_space<hbm>>) dst(%arg11 : memref<1x8192xf32, #tpu.memory_space<vmem>>)
        tpu.yield
      }) : () -> ()
      %mul3A_201 = arith.constant 3 : i32
      %mul3A_202 = arith.muli %select_n3A, %mul3A_201 : i32
      %add3A_203 = arith.addi %mul3A_202, %select_n3A_30 : i32
      "tpu.region"() ({
        %run_scoped3A = tpu.sem_alloc : memref<!tpu.dma_semaphore, #tpu.memory_space<semaphore_mem>>
        %dma_start3A_210 = arith.constant 1024 : i32
        %dma_start3A_211 = tpu.memref_slice %arg3[%add3A_203, %dma_start3A_210] : memref<12x2048xf32, #tpu.memory_space<hbm>> -> memref<1x1024xf32, #tpu.memory_space<hbm>>
        %dma_start3A_212 = arith.constant 1024 : i32
        %dma_start3A_213 = tpu.memref_slice %arg3[%add3A_203, %dma_start3A_212] : memref<12x2048xf32, #tpu.memory_space<hbm>> -> memref<1x1024xf32, #tpu.memory_space<hbm>>
        tpu.enqueue_dma source(%dma_start3A_213 : memref<1x1024xf32, #tpu.memory_space<hbm>>) target(%arg13 : memref<1x1024xf32, #tpu.memory_space<vmem>>) target_semaphore(%run_scoped3A : memref<!tpu.dma_semaphore, #tpu.memory_space<semaphore_mem>>)
        %dma_wait3A_214 = arith.constant 1024 : i32
        %dma_wait3A_215 = tpu.memref_slice %arg3[%add3A_203, %dma_wait3A_214] : memref<12x2048xf32, #tpu.memory_space<hbm>> -> memref<1x1024xf32, #tpu.memory_space<hbm>>
        %dma_wait3A_216 = arith.constant 1024 : i32
        %dma_wait3A_217 = tpu.memref_slice %arg3[%add3A_203, %dma_wait3A_216] : memref<12x2048xf32, #tpu.memory_space<hbm>> -> memref<1x1024xf32, #tpu.memory_space<hbm>>
        tpu.wait_dma2 semaphore(%run_scoped3A : memref<!tpu.dma_semaphore, #tpu.memory_space<semaphore_mem>>) src(%dma_wait3A_217 : memref<1x1024xf32, #tpu.memory_space<hbm>>) dst(%arg13 : memref<1x1024xf32, #tpu.memory_space<vmem>>)
        tpu.yield
      }) : () -> ()
      %scan3A_204 = arith.constant 0 : i32
      %scan3A_205 = arith.constant 0 : i32
      %scan3A_206 = arith.constant 4 : i32
      %scan3A_207 = arith.addi %scan3A_205, %scan3A_206 : i32
      %scan3A_208 = arith.constant 1 : i32
      scf.for %scan3A_210 = %scan3A_205 to %scan3A_207 step %scan3A_208  : i32 {
        %scan3A_211 = arith.constant 0 : i32
        %scan3A_212 = arith.constant 0 : i32
        %scan3A_213 = arith.constant 8 : i32
        %scan3A_214 = arith.addi %scan3A_212, %scan3A_213 : i32
        %scan3A_215 = arith.constant 1 : i32
        scf.for %scan3A_219 = %scan3A_212 to %scan3A_214 step %scan3A_215  : i32 {
          %mul3A_220 = arith.constant 8 : i32
          %mul3A_221 = arith.muli %scan3A_210, %mul3A_220 : i32
          %add3A_222 = arith.addi %mul3A_221, %scan3A_219 : i32
          %parallel_loop3A = arith.constant 0 : i32
          %parallel_loop3A_223 = arith.constant 1024 : i32
          %parallel_loop3A_224 = arith.constant 16 : i32
          scf.for %parallel_loop3A_225 = %parallel_loop3A to %parallel_loop3A_223 step %parallel_loop3A_224  : i32 {
            %parallel_loop3A_226 = arith.index_cast %add3A_222 : i32 to index
            %parallel_loop3A_227 = arith.index_cast %parallel_loop3A_225 : i32 to index
            %parallel_loop3A_228 = tpu.vector_load %arg8[%parallel_loop3A_226, %parallel_loop3A_227] {strides = array<i32>} : memref<32x1024xi32, #tpu.memory_space<vmem>>, vector<16xi32>,
            %parallel_loop3A_229 = arith.constant 0 : i32
            %parallel_loop3A_230 = arith.constant 0 : i32
            %parallel_loop3A_231 = tpu.memref_slice %arg11[%parallel_loop3A_229, %parallel_loop3A_230] : memref<1x8192xf32, #tpu.memory_space<vmem>> -> memref<1x8192xf32, #tpu.memory_space<vmem>>
            %parallel_loop3A_232 = tpu.memref_squeeze %parallel_loop3A_231 : memref<1x8192xf32, #tpu.memory_space<vmem>> -> memref<8192xf32, #tpu.memory_space<vmem>>
            %parallel_loop3A_233 = tpu.vector_load_idx %parallel_loop3A_232[%parallel_loop3A_228] : memref<8192xf32, #tpu.memory_space<vmem>>[vector<16xi32>], vector<16xf32>,
            %parallel_loop3A_234 = arith.constant 0 : i32
            %parallel_loop3A_235 = arith.index_cast %parallel_loop3A_234 : i32 to index
            %parallel_loop3A_236 = arith.index_cast %parallel_loop3A_225 : i32 to index
            %parallel_loop3A_237 = tpu.vector_load %arg13[%parallel_loop3A_235, %parallel_loop3A_236] {strides = array<i32>} : memref<1x1024xf32, #tpu.memory_space<vmem>>, vector<16xf32>,
            %parallel_loop3A_238 = arith.subf %parallel_loop3A_233, %parallel_loop3A_237 : vector<16xf32>
            %parallel_loop3A_239 = arith.constant 0 : i32
            %parallel_loop3A_240 = arith.constant 0 : i32
            %parallel_loop3A_241 = arith.index_cast %parallel_loop3A_239 : i32 to index
            %parallel_loop3A_242 = arith.index_cast %parallel_loop3A_240 : i32 to index
            %parallel_loop3A_243 = arith.index_cast %scan3A_219 : i32 to index
            %parallel_loop3A_244 = arith.index_cast %parallel_loop3A_225 : i32 to index
            %parallel_loop3A_245 = tpu.vector_load %arg14[%parallel_loop3A_241, %parallel_loop3A_242, %parallel_loop3A_243, %parallel_loop3A_244] {strides = array<i32>} : memref<1x1x8x1024xf32, #tpu.memory_space<vmem>>, vector<16xf32>,
            tpu.vector_store %arg14[%parallel_loop3A_241, %parallel_loop3A_242, %parallel_loop3A_243, %parallel_loop3A_244], %parallel_loop3A_238 {strides = array<i32>} : memref<1x1x8x1024xf32, #tpu.memory_space<vmem>>, vector<16xf32>,
          } {sc.loop_unroll_factor = 8 : i64, sc.parallel_access}
        }
        %scan3A_216 = arith.constant 8 : i32
        %mul3A_217 = arith.constant 8 : i32
        %mul3A_218 = arith.muli %scan3A_210, %mul3A_217 : i32
        "tpu.region"() ({
          %run_scoped3A = tpu.sem_alloc : memref<!tpu.dma_semaphore, #tpu.memory_space<semaphore_mem>>
          %dma_start3A_219 = arith.constant 1024 : i32
          %dma_start3A_220 = tpu.memref_slice %arg7[%select_n3A, %select_n3A_30, %mul3A_218, %dma_start3A_219] : memref<4x259x32x2048xf32, #tpu.memory_space<hbm>> -> memref<1x1x8x1024xf32, #tpu.memory_space<hbm>>
          %dma_start3A_221 = arith.constant 1024 : i32
          %dma_start3A_222 = tpu.memref_slice %arg7[%select_n3A, %select_n3A_30, %mul3A_218, %dma_start3A_221] : memref<4x259x32x2048xf32, #tpu.memory_space<hbm>> -> memref<1x1x8x1024xf32, #tpu.memory_space<hbm>>
          tpu.enqueue_dma source(%arg14 : memref<1x1x8x1024xf32, #tpu.memory_space<vmem>>) target(%dma_start3A_222 : memref<1x1x8x1024xf32, #tpu.memory_space<hbm>>) target_semaphore(%run_scoped3A : memref<!tpu.dma_semaphore, #tpu.memory_space<semaphore_mem>>)
          %dma_wait3A_223 = arith.constant 1024 : i32
          %dma_wait3A_224 = tpu.memref_slice %arg7[%select_n3A, %select_n3A_30, %mul3A_218, %dma_wait3A_223] : memref<4x259x32x2048xf32, #tpu.memory_space<hbm>> -> memref<1x1x8x1024xf32, #tpu.memory_space<hbm>>
          %dma_wait3A_225 = arith.constant 1024 : i32
          %dma_wait3A_226 = tpu.memref_slice %arg7[%select_n3A, %select_n3A_30, %mul3A_218, %dma_wait3A_225] : memref<4x259x32x2048xf32, #tpu.memory_space<hbm>> -> memref<1x1x8x1024xf32, #tpu.memory_space<hbm>>
          tpu.wait_dma2 semaphore(%run_scoped3A : memref<!tpu.dma_semaphore, #tpu.memory_space<semaphore_mem>>) src(%arg14 : memref<1x1x8x1024xf32, #tpu.memory_space<vmem>>) dst(%dma_wait3A_226 : memref<1x1x8x1024xf32, #tpu.memory_space<hbm>>)
          tpu.yield
        }) : () -> ()
      }
      %scan3A_209 = arith.constant 4 : i32
    } else {
    }
    %scan3A_166 = arith.constant 0 : i32
    %scan3A_167 = arith.constant 0 : i32
    %scan3A_168 = arith.constant 8 : i32
    %scan3A_169 = arith.addi %scan3A_167, %scan3A_168 : i32
    %scan3A_170 = arith.constant 1 : i32
    scf.for %scan3A_198 = %scan3A_167 to %scan3A_169 step %scan3A_170  : i32 {
      %mul3A_199 = arith.constant 32 : i32
      %mul3A_200 = arith.muli %select_n3A_30, %mul3A_199 : i32
      %mul3A_201 = arith.constant 4 : i32
      %mul3A_202 = arith.muli %mul3A_201, %scan3A_198 : i32
      %add3A_203 = arith.addi %mul3A_200, %mul3A_202 : i32
      %mul3A_204 = arith.constant 256 : i32
      %mul3A_205 = arith.muli %select_n3A, %mul3A_204 : i32
      %add3A_206 = arith.addi %mul3A_205, %add3A_203 : i32
      %min3A_207 = arith.constant 1023 : i32
      %min3A_208 = arith.minsi %add3A_206, %min3A_207 : i32
      %dma_wait3A_209 = arith.constant 0 : i32
      %dma_wait3A_210 = tpu.memref_slice %arg4[%min3A_208, %dma_wait3A_209] : memref<1024x8192xf32, #tpu.memory_space<hbm>> -> memref<1x8192xf32, #tpu.memory_space<hbm>>
      %dma_wait3A_211 = arith.constant 0 : i32
      %dma_wait3A_212 = tpu.memref_slice %arg4[%min3A_208, %dma_wait3A_211] : memref<1024x8192xf32, #tpu.memory_space<hbm>> -> memref<1x8192xf32, #tpu.memory_space<hbm>>
      tpu.wait_dma2 semaphore(%arg23 : memref<!tpu.dma_semaphore, #tpu.memory_space<semaphore_mem>>) src(%dma_wait3A_212 : memref<1x8192xf32, #tpu.memory_space<hbm>>) dst(%arg9 : memref<1x8192xf32, #tpu.memory_space<vmem>>)
      %add3A_213 = arith.constant 1 : i32
      %add3A_214 = arith.addi %add3A_203, %add3A_213 : i32
      %mul3A_215 = arith.constant 256 : i32
      %mul3A_216 = arith.muli %select_n3A, %mul3A_215 : i32
      %add3A_217 = arith.addi %mul3A_216, %add3A_214 : i32
      %min3A_218 = arith.constant 1023 : i32
      %min3A_219 = arith.minsi %add3A_217, %min3A_218 : i32
      %dma_wait3A_220 = arith.constant 0 : i32
      %dma_wait3A_221 = tpu.memref_slice %arg4[%min3A_219, %dma_wait3A_220] : memref<1024x8192xf32, #tpu.memory_space<hbm>> -> memref<1x8192xf32, #tpu.memory_space<hbm>>
      %dma_wait3A_222 = arith.constant 0 : i32
      %dma_wait3A_223 = tpu.memref_slice %arg4[%min3A_219, %dma_wait3A_222] : memref<1024x8192xf32, #tpu.memory_space<hbm>> -> memref<1x8192xf32, #tpu.memory_space<hbm>>
      tpu.wait_dma2 semaphore(%arg23 : memref<!tpu.dma_semaphore, #tpu.memory_space<semaphore_mem>>) src(%dma_wait3A_223 : memref<1x8192xf32, #tpu.memory_space<hbm>>) dst(%arg10 : memref<1x8192xf32, #tpu.memory_space<vmem>>)
      %add3A_224 = arith.constant 2 : i32
      %add3A_225 = arith.addi %add3A_203, %add3A_224 : i32
      %mul3A_226 = arith.constant 256 : i32
      %mul3A_227 = arith.muli %select_n3A, %mul3A_226 : i32
      %add3A_228 = arith.addi %mul3A_227, %add3A_225 : i32
      %min3A_229 = arith.constant 1023 : i32
      %min3A_230 = arith.minsi %add3A_228, %min3A_229 : i32
      %dma_start3A_231 = arith.constant 0 : i32
      %dma_start3A_232 = tpu.memref_slice %arg4[%min3A_230, %dma_start3A_231] : memref<1024x8192xf32, #tpu.memory_space<hbm>> -> memref<1x8192xf32, #tpu.memory_space<hbm>>
      %dma_start3A_233 = arith.constant 0 : i32
      %dma_start3A_234 = tpu.memref_slice %arg4[%min3A_230, %dma_start3A_233] : memref<1024x8192xf32, #tpu.memory_space<hbm>> -> memref<1x8192xf32, #tpu.memory_space<hbm>>
      tpu.enqueue_dma source(%dma_start3A_234 : memref<1x8192xf32, #tpu.memory_space<hbm>>) target(%arg11 : memref<1x8192xf32, #tpu.memory_space<vmem>>) target_semaphore(%arg24 : memref<!tpu.dma_semaphore, #tpu.memory_space<semaphore_mem>>)
      %add3A_235 = arith.constant 3 : i32
      %add3A_236 = arith.addi %add3A_203, %add3A_235 : i32
      %mul3A_237 = arith.constant 256 : i32
      %mul3A_238 = arith.muli %select_n3A, %mul3A_237 : i32
      %add3A_239 = arith.addi %mul3A_238, %add3A_236 : i32
      %min3A_240 = arith.constant 1023 : i32
      %min3A_241 = arith.minsi %add3A_239, %min3A_240 : i32
      %dma_start3A_242 = arith.constant 0 : i32
      %dma_start3A_243 = tpu.memref_slice %arg4[%min3A_241, %dma_start3A_242] : memref<1024x8192xf32, #tpu.memory_space<hbm>> -> memref<1x8192xf32, #tpu.memory_space<hbm>>
      %dma_start3A_244 = arith.constant 0 : i32
      %dma_start3A_245 = tpu.memref_slice %arg4[%min3A_241, %dma_start3A_244] : memref<1024x8192xf32, #tpu.memory_space<hbm>> -> memref<1x8192xf32, #tpu.memory_space<hbm>>
      tpu.enqueue_dma source(%dma_start3A_245 : memref<1x8192xf32, #tpu.memory_space<hbm>>) target(%arg12 : memref<1x8192xf32, #tpu.memory_space<vmem>>) target_semaphore(%arg24 : memref<!tpu.dma_semaphore, #tpu.memory_space<semaphore_mem>>)
      %add3A_246 = arith.constant 3 : i32
      %add3A_247 = arith.addi %add3A_246, %add3A_203 : i32
      %scan3A_248 = arith.constant 0 : i32
      %scan3A_249 = arith.constant 0 : i32
      %scan3A_250 = arith.constant 8 : i32
      %scan3A_251 = arith.addi %scan3A_249, %scan3A_250 : i32
      %scan3A_252 = arith.constant 1 : i32
      scf.for %scan3A_552 = %scan3A_249 to %scan3A_251 step %scan3A_252  : i32 {
        %add3A_553 = arith.constant 0 : i32
        %add3A_554 = arith.addi %add3A_553, %scan3A_552 : i32
        %parallel_loop3A = arith.constant 0 : i32
        %parallel_loop3A_555 = arith.constant 1024 : i32
        %parallel_loop3A_556 = arith.constant 16 : i32
        scf.for %parallel_loop3A_557 = %parallel_loop3A to %parallel_loop3A_555 step %parallel_loop3A_556  : i32 {
          %parallel_loop3A_558 = arith.index_cast %add3A_554 : i32 to index
          %parallel_loop3A_559 = arith.index_cast %parallel_loop3A_557 : i32 to index
          %parallel_loop3A_560 = tpu.vector_load %arg8[%parallel_loop3A_558, %parallel_loop3A_559] {strides = array<i32>} : memref<32x1024xi32, #tpu.memory_space<vmem>>, vector<16xi32>,
          %parallel_loop3A_561 = arith.constant 0 : i32
          %parallel_loop3A_562 = arith.constant 0 : i32
          %parallel_loop3A_563 = tpu.memref_slice %arg9[%parallel_loop3A_561, %parallel_loop3A_562] : memref<1x8192xf32, #tpu.memory_space<vmem>> -> memref<1x8192xf32, #tpu.memory_space<vmem>>
          %parallel_loop3A_564 = tpu.memref_squeeze %parallel_loop3A_563 : memref<1x8192xf32, #tpu.memory_space<vmem>> -> memref<8192xf32, #tpu.memory_space<vmem>>
          %parallel_loop3A_565 = tpu.vector_load_idx %parallel_loop3A_564[%parallel_loop3A_560] : memref<8192xf32, #tpu.memory_space<vmem>>[vector<16xi32>], vector<16xf32>,
          %parallel_loop3A_566 = arith.constant 0 : i32
          %parallel_loop3A_567 = arith.constant 0 : i32
          %parallel_loop3A_568 = tpu.memref_slice %arg10[%parallel_loop3A_566, %parallel_loop3A_567] : memref<1x8192xf32, #tpu.memory_space<vmem>> -> memref<1x8192xf32, #tpu.memory_space<vmem>>
          %parallel_loop3A_569 = tpu.memref_squeeze %parallel_loop3A_568 : memref<1x8192xf32, #tpu.memory_space<vmem>> -> memref<8192xf32, #tpu.memory_space<vmem>>
          %parallel_loop3A_570 = tpu.vector_load_idx %parallel_loop3A_569[%parallel_loop3A_560] : memref<8192xf32, #tpu.memory_space<vmem>>[vector<16xi32>], vector<16xf32>,
          %parallel_loop3A_571 = arith.constant 0 : i32
          %parallel_loop3A_572 = arith.constant 0 : i32
          %parallel_loop3A_573 = arith.index_cast %parallel_loop3A_571 : i32 to index
          %parallel_loop3A_574 = arith.index_cast %parallel_loop3A_572 : i32 to index
          %parallel_loop3A_575 = arith.index_cast %scan3A_552 : i32 to index
          %parallel_loop3A_576 = arith.index_cast %parallel_loop3A_557 : i32 to index
          %parallel_loop3A_577 = tpu.vector_load %arg14[%parallel_loop3A_573, %parallel_loop3A_574, %parallel_loop3A_575, %parallel_loop3A_576] {strides = array<i32>} : memref<1x1x8x1024xf32, #tpu.memory_space<vmem>>, vector<16xf32>,
          tpu.vector_store %arg14[%parallel_loop3A_573, %parallel_loop3A_574, %parallel_loop3A_575, %parallel_loop3A_576], %parallel_loop3A_565 {strides = array<i32>} : memref<1x1x8x1024xf32, #tpu.memory_space<vmem>>, vector<16xf32>,
          %parallel_loop3A_578 = arith.constant 0 : i32
          %parallel_loop3A_579 = arith.constant 0 : i32
          %parallel_loop3A_580 = arith.index_cast %parallel_loop3A_578 : i32 to index
          %parallel_loop3A_581 = arith.index_cast %parallel_loop3A_579 : i32 to index
          %parallel_loop3A_582 = arith.index_cast %scan3A_552 : i32 to index
          %parallel_loop3A_583 = arith.index_cast %parallel_loop3A_557 : i32 to index
          %parallel_loop3A_584 = tpu.vector_load %arg16[%parallel_loop3A_580, %parallel_loop3A_581, %parallel_loop3A_582, %parallel_loop3A_583] {strides = array<i32>} : memref<1x1x8x1024xf32, #tpu.memory_space<vmem>>, vector<16xf32>,
          tpu.vector_store %arg16[%parallel_loop3A_580, %parallel_loop3A_581, %parallel_loop3A_582, %parallel_loop3A_583], %parallel_loop3A_570 {strides = array<i32>} : memref<1x1x8x1024xf32, #tpu.memory_space<vmem>>, vector<16xf32>,
        } {sc.loop_unroll_factor = 8 : i64, sc.parallel_access}
      }
      %scan3A_253 = arith.constant 8 : i32
      %dma_start3A_254 = arith.constant 0 : i32
      %dma_start3A_255 = arith.constant 1024 : i32
      %dma_start3A_256 = tpu.memref_slice %arg7[%select_n3A, %add3A_247, %dma_start3A_254, %dma_start3A_255] : memref<4x259x32x2048xf32, #tpu.memory_space<hbm>> -> memref<1x1x8x1024xf32, #tpu.memory_space<hbm>>
      %dma_start3A_257 = arith.constant 0 : i32
      %dma_start3A_258 = arith.constant 1024 : i32
      %dma_start3A_259 = tpu.memref_slice %arg7[%select_n3A, %add3A_247, %dma_start3A_257, %dma_start3A_258] : memref<4x259x32x2048xf32, #tpu.memory_space<hbm>> -> memref<1x1x8x1024xf32, #tpu.memory_space<hbm>>
      tpu.enqueue_dma source(%arg14 : memref<1x1x8x1024xf32, #tpu.memory_space<vmem>>) target(%dma_start3A_259 : memref<1x1x8x1024xf32, #tpu.memory_space<hbm>>) target_semaphore(%arg21 : memref<!tpu.dma_semaphore, #tpu.memory_space<semaphore_mem>>)
      %add3A_260 = arith.constant 1 : i32
      %add3A_261 = arith.addi %add3A_247, %add3A_260 : i32
      %dma_start3A_262 = arith.constant 0 : i32
      %dma_start3A_263 = arith.constant 1024 : i32
      %dma_start3A_264 = tpu.memref_slice %arg7[%select_n3A, %add3A_261, %dma_start3A_262, %dma_start3A_263] : memref<4x259x32x2048xf32, #tpu.memory_space<hbm>> -> memref<1x1x8x1024xf32, #tpu.memory_space<hbm>>
      %dma_start3A_265 = arith.constant 0 : i32
      %dma_start3A_266 = arith.constant 1024 : i32
      %dma_start3A_267 = tpu.memref_slice %arg7[%select_n3A, %add3A_261, %dma_start3A_265, %dma_start3A_266] : memref<4x259x32x2048xf32, #tpu.memory_space<hbm>> -> memref<1x1x8x1024xf32, #tpu.memory_space<hbm>>
      tpu.enqueue_dma source(%arg16 : memref<1x1x8x1024xf32, #tpu.memory_space<vmem>>) target(%dma_start3A_267 : memref<1x1x8x1024xf32, #tpu.memory_space<hbm>>) target_semaphore(%arg21 : memref<!tpu.dma_semaphore, #tpu.memory_space<semaphore_mem>>)
      %scan3A_268 = arith.constant 0 : i32
      %scan3A_269 = arith.constant 0 : i32
      %scan3A_270 = arith.constant 8 : i32
      %scan3A_271 = arith.addi %scan3A_269, %scan3A_270 : i32
      %scan3A_272 = arith.constant 1 : i32
      scf.for %scan3A_552 = %scan3A_269 to %scan3A_271 step %scan3A_272  : i32 {
        %add3A_553 = arith.constant 8 : i32
        %add3A_554 = arith.addi %add3A_553, %scan3A_552 : i32
        %parallel_loop3A = arith.constant 0 : i32
        %parallel_loop3A_555 = arith.constant 1024 : i32
        %parallel_loop3A_556 = arith.constant 16 : i32
        scf.for %parallel_loop3A_557 = %parallel_loop3A to %parallel_loop3A_555 step %parallel_loop3A_556  : i32 {
          %parallel_loop3A_558 = arith.index_cast %add3A_554 : i32 to index
          %parallel_loop3A_559 = arith.index_cast %parallel_loop3A_557 : i32 to index
          %parallel_loop3A_560 = tpu.vector_load %arg8[%parallel_loop3A_558, %parallel_loop3A_559] {strides = array<i32>} : memref<32x1024xi32, #tpu.memory_space<vmem>>, vector<16xi32>,
          %parallel_loop3A_561 = arith.constant 0 : i32
          %parallel_loop3A_562 = arith.constant 0 : i32
          %parallel_loop3A_563 = tpu.memref_slice %arg9[%parallel_loop3A_561, %parallel_loop3A_562] : memref<1x8192xf32, #tpu.memory_space<vmem>> -> memref<1x8192xf32, #tpu.memory_space<vmem>>
          %parallel_loop3A_564 = tpu.memref_squeeze %parallel_loop3A_563 : memref<1x8192xf32, #tpu.memory_space<vmem>> -> memref<8192xf32, #tpu.memory_space<vmem>>
          %parallel_loop3A_565 = tpu.vector_load_idx %parallel_loop3A_564[%parallel_loop3A_560] : memref<8192xf32, #tpu.memory_space<vmem>>[vector<16xi32>], vector<16xf32>,
          %parallel_loop3A_566 = arith.constant 0 : i32
          %parallel_loop3A_567 = arith.constant 0 : i32
          %parallel_loop3A_568 = tpu.memref_slice %arg10[%parallel_loop3A_566, %parallel_loop3A_567] : memref<1x8192xf32, #tpu.memory_space<vmem>> -> memref<1x8192xf32, #tpu.memory_space<vmem>>
          %parallel_loop3A_569 = tpu.memref_squeeze %parallel_loop3A_568 : memref<1x8192xf32, #tpu.memory_space<vmem>> -> memref<8192xf32, #tpu.memory_space<vmem>>
          %parallel_loop3A_570 = tpu.vector_load_idx %parallel_loop3A_569[%parallel_loop3A_560] : memref<8192xf32, #tpu.memory_space<vmem>>[vector<16xi32>], vector<16xf32>,
          %parallel_loop3A_571 = arith.constant 0 : i32
          %parallel_loop3A_572 = arith.constant 0 : i32
          %parallel_loop3A_573 = arith.index_cast %parallel_loop3A_571 : i32 to index
          %parallel_loop3A_574 = arith.index_cast %parallel_loop3A_572 : i32 to index
          %parallel_loop3A_575 = arith.index_cast %scan3A_552 : i32 to index
          %parallel_loop3A_576 = arith.index_cast %parallel_loop3A_557 : i32 to index
          %parallel_loop3A_577 = tpu.vector_load %arg15[%parallel_loop3A_573, %parallel_loop3A_574, %parallel_loop3A_575, %parallel_loop3A_576] {strides = array<i32>} : memref<1x1x8x1024xf32, #tpu.memory_space<vmem>>, vector<16xf32>,
          tpu.vector_store %arg15[%parallel_loop3A_573, %parallel_loop3A_574, %parallel_loop3A_575, %parallel_loop3A_576], %parallel_loop3A_565 {strides = array<i32>} : memref<1x1x8x1024xf32, #tpu.memory_space<vmem>>, vector<16xf32>,
          %parallel_loop3A_578 = arith.constant 0 : i32
          %parallel_loop3A_579 = arith.constant 0 : i32
          %parallel_loop3A_580 = arith.index_cast %parallel_loop3A_578 : i32 to index
          %parallel_loop3A_581 = arith.index_cast %parallel_loop3A_579 : i32 to index
          %parallel_loop3A_582 = arith.index_cast %scan3A_552 : i32 to index
          %parallel_loop3A_583 = arith.index_cast %parallel_loop3A_557 : i32 to index
          %parallel_loop3A_584 = tpu.vector_load %arg17[%parallel_loop3A_580, %parallel_loop3A_581, %parallel_loop3A_582, %parallel_loop3A_583] {strides = array<i32>} : memref<1x1x8x1024xf32, #tpu.memory_space<vmem>>, vector<16xf32>,
          tpu.vector_store %arg17[%parallel_loop3A_580, %parallel_loop3A_581, %parallel_loop3A_582, %parallel_loop3A_583], %parallel_loop3A_570 {strides = array<i32>} : memref<1x1x8x1024xf32, #tpu.memory_space<vmem>>, vector<16xf32>,
        } {sc.loop_unroll_factor = 8 : i64, sc.parallel_access}
      }
      %scan3A_273 = arith.constant 8 : i32
      %dma_start3A_274 = arith.constant 8 : i32
      %dma_start3A_275 = arith.constant 1024 : i32
      %dma_start3A_276 = tpu.memref_slice %arg7[%select_n3A, %add3A_247, %dma_start3A_274, %dma_start3A_275] : memref<4x259x32x2048xf32, #tpu.memory_space<hbm>> -> memref<1x1x8x1024xf32, #tpu.memory_space<hbm>>
      %dma_start3A_277 = arith.constant 8 : i32
      %dma_start3A_278 = arith.constant 1024 : i32
      %dma_start3A_279 = tpu.memref_slice %arg7[%select_n3A, %add3A_247, %dma_start3A_277, %dma_start3A_278] : memref<4x259x32x2048xf32, #tpu.memory_space<hbm>> -> memref<1x1x8x1024xf32, #tpu.memory_space<hbm>>
      tpu.enqueue_dma source(%arg15 : memref<1x1x8x1024xf32, #tpu.memory_space<vmem>>) target(%dma_start3A_279 : memref<1x1x8x1024xf32, #tpu.memory_space<hbm>>) target_semaphore(%arg22 : memref<!tpu.dma_semaphore, #tpu.memory_space<semaphore_mem>>)
      %add3A_280 = arith.constant 1 : i32
      %add3A_281 = arith.addi %add3A_247, %add3A_280 : i32
      %dma_start3A_282 = arith.constant 8 : i32
      %dma_start3A_283 = arith.constant 1024 : i32
      %dma_start3A_284 = tpu.memref_slice %arg7[%select_n3A, %add3A_281, %dma_start3A_282, %dma_start3A_283] : memref<4x259x32x2048xf32, #tpu.memory_space<hbm>> -> memref<1x1x8x1024xf32, #tpu.memory_space<hbm>>
      %dma_start3A_285 = arith.constant 8 : i32
      %dma_start3A_286 = arith.constant 1024 : i32
      %dma_start3A_287 = tpu.memref_slice %arg7[%select_n3A, %add3A_281, %dma_start3A_285, %dma_start3A_286] : memref<4x259x32x2048xf32, #tpu.memory_space<hbm>> -> memref<1x1x8x1024xf32, #tpu.memory_space<hbm>>
      tpu.enqueue_dma source(%arg17 : memref<1x1x8x1024xf32, #tpu.memory_space<vmem>>) target(%dma_start3A_287 : memref<1x1x8x1024xf32, #tpu.memory_space<hbm>>) target_semaphore(%arg22 : memref<!tpu.dma_semaphore, #tpu.memory_space<semaphore_mem>>)
      %dma_wait3A_288 = arith.constant 0 : i32
      %dma_wait3A_289 = arith.constant 1024 : i32
      %dma_wait3A_290 = tpu.memref_slice %arg7[%select_n3A, %add3A_247, %dma_wait3A_288, %dma_wait3A_289] : memref<4x259x32x2048xf32, #tpu.memory_space<hbm>> -> memref<1x1x8x1024xf32, #tpu.memory_space<hbm>>
      %dma_wait3A_291 = arith.constant 0 : i32
      %dma_wait3A_292 = arith.constant 1024 : i32
      %dma_wait3A_293 = tpu.memref_slice %arg7[%select_n3A, %add3A_247, %dma_wait3A_291, %dma_wait3A_292] : memref<4x259x32x2048xf32, #tpu.memory_space<hbm>> -> memref<1x1x8x1024xf32, #tpu.memory_space<hbm>>
      tpu.wait_dma2 semaphore(%arg21 : memref<!tpu.dma_semaphore, #tpu.memory_space<semaphore_mem>>) src(%arg14 : memref<1x1x8x1024xf32, #tpu.memory_space<vmem>>) dst(%dma_wait3A_293 : memref<1x1x8x1024xf32, #tpu.memory_space<hbm>>)
      %dma_wait3A_294 = arith.constant 0 : i32
      %dma_wait3A_295 = arith.constant 1024 : i32
      %dma_wait3A_296 = tpu.memref_slice %arg7[%select_n3A, %add3A_261, %dma_wait3A_294, %dma_wait3A_295] : memref<4x259x32x2048xf32, #tpu.memory_space<hbm>> -> memref<1x1x8x1024xf32, #tpu.memory_space<hbm>>
      %dma_wait3A_297 = arith.constant 0 : i32
      %dma_wait3A_298 = arith.constant 1024 : i32
      %dma_wait3A_299 = tpu.memref_slice %arg7[%select_n3A, %add3A_261, %dma_wait3A_297, %dma_wait3A_298] : memref<4x259x32x2048xf32, #tpu.memory_space<hbm>> -> memref<1x1x8x1024xf32, #tpu.memory_space<hbm>>
      tpu.wait_dma2 semaphore(%arg21 : memref<!tpu.dma_semaphore, #tpu.memory_space<semaphore_mem>>) src(%arg16 : memref<1x1x8x1024xf32, #tpu.memory_space<vmem>>) dst(%dma_wait3A_299 : memref<1x1x8x1024xf32, #tpu.memory_space<hbm>>)
      %scan3A_300 = arith.constant 0 : i32
      %scan3A_301 = arith.constant 0 : i32
      %scan3A_302 = arith.constant 8 : i32
      %scan3A_303 = arith.addi %scan3A_301, %scan3A_302 : i32
      %scan3A_304 = arith.constant 1 : i32
      scf.for %scan3A_552 = %scan3A_301 to %scan3A_303 step %scan3A_304  : i32 {
        %add3A_553 = arith.constant 16 : i32
        %add3A_554 = arith.addi %add3A_553, %scan3A_552 : i32
        %parallel_loop3A = arith.constant 0 : i32
        %parallel_loop3A_555 = arith.constant 1024 : i32
        %parallel_loop3A_556 = arith.constant 16 : i32
        scf.for %parallel_loop3A_557 = %parallel_loop3A to %parallel_loop3A_555 step %parallel_loop3A_556  : i32 {
          %parallel_loop3A_558 = arith.index_cast %add3A_554 : i32 to index
          %parallel_loop3A_559 = arith.index_cast %parallel_loop3A_557 : i32 to index
          %parallel_loop3A_560 = tpu.vector_load %arg8[%parallel_loop3A_558, %parallel_loop3A_559] {strides = array<i32>} : memref<32x1024xi32, #tpu.memory_space<vmem>>, vector<16xi32>,
          %parallel_loop3A_561 = arith.constant 0 : i32
          %parallel_loop3A_562 = arith.constant 0 : i32
          %parallel_loop3A_563 = tpu.memref_slice %arg9[%parallel_loop3A_561, %parallel_loop3A_562] : memref<1x8192xf32, #tpu.memory_space<vmem>> -> memref<1x8192xf32, #tpu.memory_space<vmem>>
          %parallel_loop3A_564 = tpu.memref_squeeze %parallel_loop3A_563 : memref<1x8192xf32, #tpu.memory_space<vmem>> -> memref<8192xf32, #tpu.memory_space<vmem>>
          %parallel_loop3A_565 = tpu.vector_load_idx %parallel_loop3A_564[%parallel_loop3A_560] : memref<8192xf32, #tpu.memory_space<vmem>>[vector<16xi32>], vector<16xf32>,
          %parallel_loop3A_566 = arith.constant 0 : i32
          %parallel_loop3A_567 = arith.constant 0 : i32
          %parallel_loop3A_568 = tpu.memref_slice %arg10[%parallel_loop3A_566, %parallel_loop3A_567] : memref<1x8192xf32, #tpu.memory_space<vmem>> -> memref<1x8192xf32, #tpu.memory_space<vmem>>
          %parallel_loop3A_569 = tpu.memref_squeeze %parallel_loop3A_568 : memref<1x8192xf32, #tpu.memory_space<vmem>> -> memref<8192xf32, #tpu.memory_space<vmem>>
          %parallel_loop3A_570 = tpu.vector_load_idx %parallel_loop3A_569[%parallel_loop3A_560] : memref<8192xf32, #tpu.memory_space<vmem>>[vector<16xi32>], vector<16xf32>,
          %parallel_loop3A_571 = arith.constant 0 : i32
          %parallel_loop3A_572 = arith.constant 0 : i32
          %parallel_loop3A_573 = arith.index_cast %parallel_loop3A_571 : i32 to index
          %parallel_loop3A_574 = arith.index_cast %parallel_loop3A_572 : i32 to index
          %parallel_loop3A_575 = arith.index_cast %scan3A_552 : i32 to index
          %parallel_loop3A_576 = arith.index_cast %parallel_loop3A_557 : i32 to index
          %parallel_loop3A_577 = tpu.vector_load %arg14[%parallel_loop3A_573, %parallel_loop3A_574, %parallel_loop3A_575, %parallel_loop3A_576] {strides = array<i32>} : memref<1x1x8x1024xf32, #tpu.memory_space<vmem>>, vector<16xf32>,
          tpu.vector_store %arg14[%parallel_loop3A_573, %parallel_loop3A_574, %parallel_loop3A_575, %parallel_loop3A_576], %parallel_loop3A_565 {strides = array<i32>} : memref<1x1x8x1024xf32, #tpu.memory_space<vmem>>, vector<16xf32>,
          %parallel_loop3A_578 = arith.constant 0 : i32
          %parallel_loop3A_579 = arith.constant 0 : i32
          %parallel_loop3A_580 = arith.index_cast %parallel_loop3A_578 : i32 to index
          %parallel_loop3A_581 = arith.index_cast %parallel_loop3A_579 : i32 to index
          %parallel_loop3A_582 = arith.index_cast %scan3A_552 : i32 to index
          %parallel_loop3A_583 = arith.index_cast %parallel_loop3A_557 : i32 to index
          %parallel_loop3A_584 = tpu.vector_load %arg16[%parallel_loop3A_580, %parallel_loop3A_581, %parallel_loop3A_582, %parallel_loop3A_583] {strides = array<i32>} : memref<1x1x8x1024xf32, #tpu.memory_space<vmem>>, vector<16xf32>,
          tpu.vector_store %arg16[%parallel_loop3A_580, %parallel_loop3A_581, %parallel_loop3A_582, %parallel_loop3A_583], %parallel_loop3A_570 {strides = array<i32>} : memref<1x1x8x1024xf32, #tpu.memory_space<vmem>>, vector<16xf32>,
        } {sc.loop_unroll_factor = 8 : i64, sc.parallel_access}
      }
      %scan3A_305 = arith.constant 8 : i32
      %dma_start3A_306 = arith.constant 16 : i32
      %dma_start3A_307 = arith.constant 1024 : i32
      %dma_start3A_308 = tpu.memref_slice %arg7[%select_n3A, %add3A_247, %dma_start3A_306, %dma_start3A_307] : memref<4x259x32x2048xf32, #tpu.memory_space<hbm>> -> memref<1x1x8x1024xf32, #tpu.memory_space<hbm>>
      %dma_start3A_309 = arith.constant 16 : i32
      %dma_start3A_310 = arith.constant 1024 : i32
      %dma_start3A_311 = tpu.memref_slice %arg7[%select_n3A, %add3A_247, %dma_start3A_309, %dma_start3A_310] : memref<4x259x32x2048xf32, #tpu.memory_space<hbm>> -> memref<1x1x8x1024xf32, #tpu.memory_space<hbm>>
      tpu.enqueue_dma source(%arg14 : memref<1x1x8x1024xf32, #tpu.memory_space<vmem>>) target(%dma_start3A_311 : memref<1x1x8x1024xf32, #tpu.memory_space<hbm>>) target_semaphore(%arg21 : memref<!tpu.dma_semaphore, #tpu.memory_space<semaphore_mem>>)
      %add3A_312 = arith.constant 1 : i32
      %add3A_313 = arith.addi %add3A_247, %add3A_312 : i32
      %dma_start3A_314 = arith.constant 16 : i32
      %dma_start3A_315 = arith.constant 1024 : i32
      %dma_start3A_316 = tpu.memref_slice %arg7[%select_n3A, %add3A_313, %dma_start3A_314, %dma_start3A_315] : memref<4x259x32x2048xf32, #tpu.memory_space<hbm>> -> memref<1x1x8x1024xf32, #tpu.memory_space<hbm>>
      %dma_start3A_317 = arith.constant 16 : i32
      %dma_start3A_318 = arith.constant 1024 : i32
      %dma_start3A_319 = tpu.memref_slice %arg7[%select_n3A, %add3A_313, %dma_start3A_317, %dma_start3A_318] : memref<4x259x32x2048xf32, #tpu.memory_space<hbm>> -> memref<1x1x8x1024xf32, #tpu.memory_space<hbm>>
      tpu.enqueue_dma source(%arg16 : memref<1x1x8x1024xf32, #tpu.memory_space<vmem>>) target(%dma_start3A_319 : memref<1x1x8x1024xf32, #tpu.memory_space<hbm>>) target_semaphore(%arg21 : memref<!tpu.dma_semaphore, #tpu.memory_space<semaphore_mem>>)
      %dma_wait3A_320 = arith.constant 8 : i32
      %dma_wait3A_321 = arith.constant 1024 : i32
      %dma_wait3A_322 = tpu.memref_slice %arg7[%select_n3A, %add3A_247, %dma_wait3A_320, %dma_wait3A_321] : memref<4x259x32x2048xf32, #tpu.memory_space<hbm>> -> memref<1x1x8x1024xf32, #tpu.memory_space<hbm>>
      %dma_wait3A_323 = arith.constant 8 : i32
      %dma_wait3A_324 = arith.constant 1024 : i32
      %dma_wait3A_325 = tpu.memref_slice %arg7[%select_n3A, %add3A_247, %dma_wait3A_323, %dma_wait3A_324] : memref<4x259x32x2048xf32, #tpu.memory_space<hbm>> -> memref<1x1x8x1024xf32, #tpu.memory_space<hbm>>
      tpu.wait_dma2 semaphore(%arg22 : memref<!tpu.dma_semaphore, #tpu.memory_space<semaphore_mem>>) src(%arg15 : memref<1x1x8x1024xf32, #tpu.memory_space<vmem>>) dst(%dma_wait3A_325 : memref<1x1x8x1024xf32, #tpu.memory_space<hbm>>)
      %dma_wait3A_326 = arith.constant 8 : i32
      %dma_wait3A_327 = arith.constant 1024 : i32
      %dma_wait3A_328 = tpu.memref_slice %arg7[%select_n3A, %add3A_281, %dma_wait3A_326, %dma_wait3A_327] : memref<4x259x32x2048xf32, #tpu.memory_space<hbm>> -> memref<1x1x8x1024xf32, #tpu.memory_space<hbm>>
      %dma_wait3A_329 = arith.constant 8 : i32
      %dma_wait3A_330 = arith.constant 1024 : i32
      %dma_wait3A_331 = tpu.memref_slice %arg7[%select_n3A, %add3A_281, %dma_wait3A_329, %dma_wait3A_330] : memref<4x259x32x2048xf32, #tpu.memory_space<hbm>> -> memref<1x1x8x1024xf32, #tpu.memory_space<hbm>>
      tpu.wait_dma2 semaphore(%arg22 : memref<!tpu.dma_semaphore, #tpu.memory_space<semaphore_mem>>) src(%arg17 : memref<1x1x8x1024xf32, #tpu.memory_space<vmem>>) dst(%dma_wait3A_331 : memref<1x1x8x1024xf32, #tpu.memory_space<hbm>>)
      %scan3A_332 = arith.constant 0 : i32
      %scan3A_333 = arith.constant 0 : i32
      %scan3A_334 = arith.constant 8 : i32
      %scan3A_335 = arith.addi %scan3A_333, %scan3A_334 : i32
      %scan3A_336 = arith.constant 1 : i32
      scf.for %scan3A_552 = %scan3A_333 to %scan3A_335 step %scan3A_336  : i32 {
        %add3A_553 = arith.constant 24 : i32
        %add3A_554 = arith.addi %add3A_553, %scan3A_552 : i32
        %parallel_loop3A = arith.constant 0 : i32
        %parallel_loop3A_555 = arith.constant 1024 : i32
        %parallel_loop3A_556 = arith.constant 16 : i32
        scf.for %parallel_loop3A_557 = %parallel_loop3A to %parallel_loop3A_555 step %parallel_loop3A_556  : i32 {
          %parallel_loop3A_558 = arith.index_cast %add3A_554 : i32 to index
          %parallel_loop3A_559 = arith.index_cast %parallel_loop3A_557 : i32 to index
          %parallel_loop3A_560 = tpu.vector_load %arg8[%parallel_loop3A_558, %parallel_loop3A_559] {strides = array<i32>} : memref<32x1024xi32, #tpu.memory_space<vmem>>, vector<16xi32>,
          %parallel_loop3A_561 = arith.constant 0 : i32
          %parallel_loop3A_562 = arith.constant 0 : i32
          %parallel_loop3A_563 = tpu.memref_slice %arg9[%parallel_loop3A_561, %parallel_loop3A_562] : memref<1x8192xf32, #tpu.memory_space<vmem>> -> memref<1x8192xf32, #tpu.memory_space<vmem>>
          %parallel_loop3A_564 = tpu.memref_squeeze %parallel_loop3A_563 : memref<1x8192xf32, #tpu.memory_space<vmem>> -> memref<8192xf32, #tpu.memory_space<vmem>>
          %parallel_loop3A_565 = tpu.vector_load_idx %parallel_loop3A_564[%parallel_loop3A_560] : memref<8192xf32, #tpu.memory_space<vmem>>[vector<16xi32>], vector<16xf32>,
          %parallel_loop3A_566 = arith.constant 0 : i32
          %parallel_loop3A_567 = arith.constant 0 : i32
          %parallel_loop3A_568 = tpu.memref_slice %arg10[%parallel_loop3A_566, %parallel_loop3A_567] : memref<1x8192xf32, #tpu.memory_space<vmem>> -> memref<1x8192xf32, #tpu.memory_space<vmem>>
          %parallel_loop3A_569 = tpu.memref_squeeze %parallel_loop3A_568 : memref<1x8192xf32, #tpu.memory_space<vmem>> -> memref<8192xf32, #tpu.memory_space<vmem>>
          %parallel_loop3A_570 = tpu.vector_load_idx %parallel_loop3A_569[%parallel_loop3A_560] : memref<8192xf32, #tpu.memory_space<vmem>>[vector<16xi32>], vector<16xf32>,
          %parallel_loop3A_571 = arith.constant 0 : i32
          %parallel_loop3A_572 = arith.constant 0 : i32
          %parallel_loop3A_573 = arith.index_cast %parallel_loop3A_571 : i32 to index
          %parallel_loop3A_574 = arith.index_cast %parallel_loop3A_572 : i32 to index
          %parallel_loop3A_575 = arith.index_cast %scan3A_552 : i32 to index
          %parallel_loop3A_576 = arith.index_cast %parallel_loop3A_557 : i32 to index
          %parallel_loop3A_577 = tpu.vector_load %arg15[%parallel_loop3A_573, %parallel_loop3A_574, %parallel_loop3A_575, %parallel_loop3A_576] {strides = array<i32>} : memref<1x1x8x1024xf32, #tpu.memory_space<vmem>>, vector<16xf32>,
          tpu.vector_store %arg15[%parallel_loop3A_573, %parallel_loop3A_574, %parallel_loop3A_575, %parallel_loop3A_576], %parallel_loop3A_565 {strides = array<i32>} : memref<1x1x8x1024xf32, #tpu.memory_space<vmem>>, vector<16xf32>,
          %parallel_loop3A_578 = arith.constant 0 : i32
          %parallel_loop3A_579 = arith.constant 0 : i32
          %parallel_loop3A_580 = arith.index_cast %parallel_loop3A_578 : i32 to index
          %parallel_loop3A_581 = arith.index_cast %parallel_loop3A_579 : i32 to index
          %parallel_loop3A_582 = arith.index_cast %scan3A_552 : i32 to index
          %parallel_loop3A_583 = arith.index_cast %parallel_loop3A_557 : i32 to index
          %parallel_loop3A_584 = tpu.vector_load %arg17[%parallel_loop3A_580, %parallel_loop3A_581, %parallel_loop3A_582, %parallel_loop3A_583] {strides = array<i32>} : memref<1x1x8x1024xf32, #tpu.memory_space<vmem>>, vector<16xf32>,
          tpu.vector_store %arg17[%parallel_loop3A_580, %parallel_loop3A_581, %parallel_loop3A_582, %parallel_loop3A_583], %parallel_loop3A_570 {strides = array<i32>} : memref<1x1x8x1024xf32, #tpu.memory_space<vmem>>, vector<16xf32>,
        } {sc.loop_unroll_factor = 8 : i64, sc.parallel_access}
      }
      %scan3A_337 = arith.constant 8 : i32
      %dma_start3A_338 = arith.constant 24 : i32
      %dma_start3A_339 = arith.constant 1024 : i32
      %dma_start3A_340 = tpu.memref_slice %arg7[%select_n3A, %add3A_247, %dma_start3A_338, %dma_start3A_339] : memref<4x259x32x2048xf32, #tpu.memory_space<hbm>> -> memref<1x1x8x1024xf32, #tpu.memory_space<hbm>>
      %dma_start3A_341 = arith.constant 24 : i32
      %dma_start3A_342 = arith.constant 1024 : i32
      %dma_start3A_343 = tpu.memref_slice %arg7[%select_n3A, %add3A_247, %dma_start3A_341, %dma_start3A_342] : memref<4x259x32x2048xf32, #tpu.memory_space<hbm>> -> memref<1x1x8x1024xf32, #tpu.memory_space<hbm>>
      tpu.enqueue_dma source(%arg15 : memref<1x1x8x1024xf32, #tpu.memory_space<vmem>>) target(%dma_start3A_343 : memref<1x1x8x1024xf32, #tpu.memory_space<hbm>>) target_semaphore(%arg22 : memref<!tpu.dma_semaphore, #tpu.memory_space<semaphore_mem>>)
      %add3A_344 = arith.constant 1 : i32
      %add3A_345 = arith.addi %add3A_247, %add3A_344 : i32
      %dma_start3A_346 = arith.constant 24 : i32
      %dma_start3A_347 = arith.constant 1024 : i32
      %dma_start3A_348 = tpu.memref_slice %arg7[%select_n3A, %add3A_345, %dma_start3A_346, %dma_start3A_347] : memref<4x259x32x2048xf32, #tpu.memory_space<hbm>> -> memref<1x1x8x1024xf32, #tpu.memory_space<hbm>>
      %dma_start3A_349 = arith.constant 24 : i32
      %dma_start3A_350 = arith.constant 1024 : i32
      %dma_start3A_351 = tpu.memref_slice %arg7[%select_n3A, %add3A_345, %dma_start3A_349, %dma_start3A_350] : memref<4x259x32x2048xf32, #tpu.memory_space<hbm>> -> memref<1x1x8x1024xf32, #tpu.memory_space<hbm>>
      tpu.enqueue_dma source(%arg17 : memref<1x1x8x1024xf32, #tpu.memory_space<vmem>>) target(%dma_start3A_351 : memref<1x1x8x1024xf32, #tpu.memory_space<hbm>>) target_semaphore(%arg22 : memref<!tpu.dma_semaphore, #tpu.memory_space<semaphore_mem>>)
      %dma_wait3A_352 = arith.constant 16 : i32
      %dma_wait3A_353 = arith.constant 1024 : i32
      %dma_wait3A_354 = tpu.memref_slice %arg7[%select_n3A, %add3A_247, %dma_wait3A_352, %dma_wait3A_353] : memref<4x259x32x2048xf32, #tpu.memory_space<hbm>> -> memref<1x1x8x1024xf32, #tpu.memory_space<hbm>>
      %dma_wait3A_355 = arith.constant 16 : i32
      %dma_wait3A_356 = arith.constant 1024 : i32
      %dma_wait3A_357 = tpu.memref_slice %arg7[%select_n3A, %add3A_247, %dma_wait3A_355, %dma_wait3A_356] : memref<4x259x32x2048xf32, #tpu.memory_space<hbm>> -> memref<1x1x8x1024xf32, #tpu.memory_space<hbm>>
      tpu.wait_dma2 semaphore(%arg21 : memref<!tpu.dma_semaphore, #tpu.memory_space<semaphore_mem>>) src(%arg14 : memref<1x1x8x1024xf32, #tpu.memory_space<vmem>>) dst(%dma_wait3A_357 : memref<1x1x8x1024xf32, #tpu.memory_space<hbm>>)
      %dma_wait3A_358 = arith.constant 16 : i32
      %dma_wait3A_359 = arith.constant 1024 : i32
      %dma_wait3A_360 = tpu.memref_slice %arg7[%select_n3A, %add3A_313, %dma_wait3A_358, %dma_wait3A_359] : memref<4x259x32x2048xf32, #tpu.memory_space<hbm>> -> memref<1x1x8x1024xf32, #tpu.memory_space<hbm>>
      %dma_wait3A_361 = arith.constant 16 : i32
      %dma_wait3A_362 = arith.constant 1024 : i32
      %dma_wait3A_363 = tpu.memref_slice %arg7[%select_n3A, %add3A_313, %dma_wait3A_361, %dma_wait3A_362] : memref<4x259x32x2048xf32, #tpu.memory_space<hbm>> -> memref<1x1x8x1024xf32, #tpu.memory_space<hbm>>
      tpu.wait_dma2 semaphore(%arg21 : memref<!tpu.dma_semaphore, #tpu.memory_space<semaphore_mem>>) src(%arg16 : memref<1x1x8x1024xf32, #tpu.memory_space<vmem>>) dst(%dma_wait3A_363 : memref<1x1x8x1024xf32, #tpu.memory_space<hbm>>)
      %dma_wait3A_364 = arith.constant 24 : i32
      %dma_wait3A_365 = arith.constant 1024 : i32
      %dma_wait3A_366 = tpu.memref_slice %arg7[%select_n3A, %add3A_247, %dma_wait3A_364, %dma_wait3A_365] : memref<4x259x32x2048xf32, #tpu.memory_space<hbm>> -> memref<1x1x8x1024xf32, #tpu.memory_space<hbm>>
      %dma_wait3A_367 = arith.constant 24 : i32
      %dma_wait3A_368 = arith.constant 1024 : i32
      %dma_wait3A_369 = tpu.memref_slice %arg7[%select_n3A, %add3A_247, %dma_wait3A_367, %dma_wait3A_368] : memref<4x259x32x2048xf32, #tpu.memory_space<hbm>> -> memref<1x1x8x1024xf32, #tpu.memory_space<hbm>>
      tpu.wait_dma2 semaphore(%arg22 : memref<!tpu.dma_semaphore, #tpu.memory_space<semaphore_mem>>) src(%arg15 : memref<1x1x8x1024xf32, #tpu.memory_space<vmem>>) dst(%dma_wait3A_369 : memref<1x1x8x1024xf32, #tpu.memory_space<hbm>>)
      %dma_wait3A_370 = arith.constant 24 : i32
      %dma_wait3A_371 = arith.constant 1024 : i32
      %dma_wait3A_372 = tpu.memref_slice %arg7[%select_n3A, %add3A_345, %dma_wait3A_370, %dma_wait3A_371] : memref<4x259x32x2048xf32, #tpu.memory_space<hbm>> -> memref<1x1x8x1024xf32, #tpu.memory_space<hbm>>
      %dma_wait3A_373 = arith.constant 24 : i32
      %dma_wait3A_374 = arith.constant 1024 : i32
      %dma_wait3A_375 = tpu.memref_slice %arg7[%select_n3A, %add3A_345, %dma_wait3A_373, %dma_wait3A_374] : memref<4x259x32x2048xf32, #tpu.memory_space<hbm>> -> memref<1x1x8x1024xf32, #tpu.memory_space<hbm>>
      tpu.wait_dma2 semaphore(%arg22 : memref<!tpu.dma_semaphore, #tpu.memory_space<semaphore_mem>>) src(%arg17 : memref<1x1x8x1024xf32, #tpu.memory_space<vmem>>) dst(%dma_wait3A_375 : memref<1x1x8x1024xf32, #tpu.memory_space<hbm>>)
      %add3A_376 = arith.constant 2 : i32
      %add3A_377 = arith.addi %add3A_203, %add3A_376 : i32
      %mul3A_378 = arith.constant 256 : i32
      %mul3A_379 = arith.muli %select_n3A, %mul3A_378 : i32
      %add3A_380 = arith.addi %mul3A_379, %add3A_377 : i32
      %min3A_381 = arith.constant 1023 : i32
      %min3A_382 = arith.minsi %add3A_380, %min3A_381 : i32
      %dma_wait3A_383 = arith.constant 0 : i32
      %dma_wait3A_384 = tpu.memref_slice %arg4[%min3A_382, %dma_wait3A_383] : memref<1024x8192xf32, #tpu.memory_space<hbm>> -> memref<1x8192xf32, #tpu.memory_space<hbm>>
      %dma_wait3A_385 = arith.constant 0 : i32
      %dma_wait3A_386 = tpu.memref_slice %arg4[%min3A_382, %dma_wait3A_385] : memref<1024x8192xf32, #tpu.memory_space<hbm>> -> memref<1x8192xf32, #tpu.memory_space<hbm>>
      tpu.wait_dma2 semaphore(%arg24 : memref<!tpu.dma_semaphore, #tpu.memory_space<semaphore_mem>>) src(%dma_wait3A_386 : memref<1x8192xf32, #tpu.memory_space<hbm>>) dst(%arg11 : memref<1x8192xf32, #tpu.memory_space<vmem>>)
      %add3A_387 = arith.constant 3 : i32
      %add3A_388 = arith.addi %add3A_203, %add3A_387 : i32
      %mul3A_389 = arith.constant 256 : i32
      %mul3A_390 = arith.muli %select_n3A, %mul3A_389 : i32
      %add3A_391 = arith.addi %mul3A_390, %add3A_388 : i32
      %min3A_392 = arith.constant 1023 : i32
      %min3A_393 = arith.minsi %add3A_391, %min3A_392 : i32
      %dma_wait3A_394 = arith.constant 0 : i32
      %dma_wait3A_395 = tpu.memref_slice %arg4[%min3A_393, %dma_wait3A_394] : memref<1024x8192xf32, #tpu.memory_space<hbm>> -> memref<1x8192xf32, #tpu.memory_space<hbm>>
      %dma_wait3A_396 = arith.constant 0 : i32
      %dma_wait3A_397 = tpu.memref_slice %arg4[%min3A_393, %dma_wait3A_396] : memref<1024x8192xf32, #tpu.memory_space<hbm>> -> memref<1x8192xf32, #tpu.memory_space<hbm>>
      tpu.wait_dma2 semaphore(%arg24 : memref<!tpu.dma_semaphore, #tpu.memory_space<semaphore_mem>>) src(%dma_wait3A_397 : memref<1x8192xf32, #tpu.memory_space<hbm>>) dst(%arg12 : memref<1x8192xf32, #tpu.memory_space<vmem>>)
      %add3A_398 = arith.constant 4 : i32
      %add3A_399 = arith.addi %add3A_203, %add3A_398 : i32
      %mul3A_400 = arith.constant 256 : i32
      %mul3A_401 = arith.muli %select_n3A, %mul3A_400 : i32
      %add3A_402 = arith.addi %mul3A_401, %add3A_399 : i32
      %min3A_403 = arith.constant 1023 : i32
      %min3A_404 = arith.minsi %add3A_402, %min3A_403 : i32
      %dma_start3A_405 = arith.constant 0 : i32
      %dma_start3A_406 = tpu.memref_slice %arg4[%min3A_404, %dma_start3A_405] : memref<1024x8192xf32, #tpu.memory_space<hbm>> -> memref<1x8192xf32, #tpu.memory_space<hbm>>
      %dma_start3A_407 = arith.constant 0 : i32
      %dma_start3A_408 = tpu.memref_slice %arg4[%min3A_404, %dma_start3A_407] : memref<1024x8192xf32, #tpu.memory_space<hbm>> -> memref<1x8192xf32, #tpu.memory_space<hbm>>
      tpu.enqueue_dma source(%dma_start3A_408 : memref<1x8192xf32, #tpu.memory_space<hbm>>) target(%arg9 : memref<1x8192xf32, #tpu.memory_space<vmem>>) target_semaphore(%arg23 : memref<!tpu.dma_semaphore, #tpu.memory_space<semaphore_mem>>)
      %add3A_409 = arith.constant 5 : i32
      %add3A_410 = arith.addi %add3A_203, %add3A_409 : i32
      %mul3A_411 = arith.constant 256 : i32
      %mul3A_412 = arith.muli %select_n3A, %mul3A_411 : i32
      %add3A_413 = arith.addi %mul3A_412, %add3A_410 : i32
      %min3A_414 = arith.constant 1023 : i32
      %min3A_415 = arith.minsi %add3A_413, %min3A_414 : i32
      %dma_start3A_416 = arith.constant 0 : i32
      %dma_start3A_417 = tpu.memref_slice %arg4[%min3A_415, %dma_start3A_416] : memref<1024x8192xf32, #tpu.memory_space<hbm>> -> memref<1x8192xf32, #tpu.memory_space<hbm>>
      %dma_start3A_418 = arith.constant 0 : i32
      %dma_start3A_419 = tpu.memref_slice %arg4[%min3A_415, %dma_start3A_418] : memref<1024x8192xf32, #tpu.memory_space<hbm>> -> memref<1x8192xf32, #tpu.memory_space<hbm>>
      tpu.enqueue_dma source(%dma_start3A_419 : memref<1x8192xf32, #tpu.memory_space<hbm>>) target(%arg10 : memref<1x8192xf32, #tpu.memory_space<vmem>>) target_semaphore(%arg23 : memref<!tpu.dma_semaphore, #tpu.memory_space<semaphore_mem>>)
      %add3A_420 = arith.constant 3 : i32
      %add3A_421 = arith.addi %add3A_420, %add3A_203 : i32
      %add3A_422 = arith.constant 2 : i32
      %add3A_423 = arith.addi %add3A_421, %add3A_422 : i32
      %scan3A_424 = arith.constant 0 : i32
      %scan3A_425 = arith.constant 0 : i32
      %scan3A_426 = arith.constant 8 : i32
      %scan3A_427 = arith.addi %scan3A_425, %scan3A_426 : i32
      %scan3A_428 = arith.constant 1 : i32
      scf.for %scan3A_552 = %scan3A_425 to %scan3A_427 step %scan3A_428  : i32 {
        %add3A_553 = arith.constant 0 : i32
        %add3A_554 = arith.addi %add3A_553, %scan3A_552 : i32
        %parallel_loop3A = arith.constant 0 : i32
        %parallel_loop3A_555 = arith.constant 1024 : i32
        %parallel_loop3A_556 = arith.constant 16 : i32
        scf.for %parallel_loop3A_557 = %parallel_loop3A to %parallel_loop3A_555 step %parallel_loop3A_556  : i32 {
          %parallel_loop3A_558 = arith.index_cast %add3A_554 : i32 to index
          %parallel_loop3A_559 = arith.index_cast %parallel_loop3A_557 : i32 to index
          %parallel_loop3A_560 = tpu.vector_load %arg8[%parallel_loop3A_558, %parallel_loop3A_559] {strides = array<i32>} : memref<32x1024xi32, #tpu.memory_space<vmem>>, vector<16xi32>,
          %parallel_loop3A_561 = arith.constant 0 : i32
          %parallel_loop3A_562 = arith.constant 0 : i32
          %parallel_loop3A_563 = tpu.memref_slice %arg11[%parallel_loop3A_561, %parallel_loop3A_562] : memref<1x8192xf32, #tpu.memory_space<vmem>> -> memref<1x8192xf32, #tpu.memory_space<vmem>>
          %parallel_loop3A_564 = tpu.memref_squeeze %parallel_loop3A_563 : memref<1x8192xf32, #tpu.memory_space<vmem>> -> memref<8192xf32, #tpu.memory_space<vmem>>
          %parallel_loop3A_565 = tpu.vector_load_idx %parallel_loop3A_564[%parallel_loop3A_560] : memref<8192xf32, #tpu.memory_space<vmem>>[vector<16xi32>], vector<16xf32>,
          %parallel_loop3A_566 = arith.constant 0 : i32
          %parallel_loop3A_567 = arith.constant 0 : i32
          %parallel_loop3A_568 = tpu.memref_slice %arg12[%parallel_loop3A_566, %parallel_loop3A_567] : memref<1x8192xf32, #tpu.memory_space<vmem>> -> memref<1x8192xf32, #tpu.memory_space<vmem>>
          %parallel_loop3A_569 = tpu.memref_squeeze %parallel_loop3A_568 : memref<1x8192xf32, #tpu.memory_space<vmem>> -> memref<8192xf32, #tpu.memory_space<vmem>>
          %parallel_loop3A_570 = tpu.vector_load_idx %parallel_loop3A_569[%parallel_loop3A_560] : memref<8192xf32, #tpu.memory_space<vmem>>[vector<16xi32>], vector<16xf32>,
          %parallel_loop3A_571 = arith.constant 0 : i32
          %parallel_loop3A_572 = arith.constant 0 : i32
          %parallel_loop3A_573 = arith.index_cast %parallel_loop3A_571 : i32 to index
          %parallel_loop3A_574 = arith.index_cast %parallel_loop3A_572 : i32 to index
          %parallel_loop3A_575 = arith.index_cast %scan3A_552 : i32 to index
          %parallel_loop3A_576 = arith.index_cast %parallel_loop3A_557 : i32 to index
          %parallel_loop3A_577 = tpu.vector_load %arg14[%parallel_loop3A_573, %parallel_loop3A_574, %parallel_loop3A_575, %parallel_loop3A_576] {strides = array<i32>} : memref<1x1x8x1024xf32, #tpu.memory_space<vmem>>, vector<16xf32>,
          tpu.vector_store %arg14[%parallel_loop3A_573, %parallel_loop3A_574, %parallel_loop3A_575, %parallel_loop3A_576], %parallel_loop3A_565 {strides = array<i32>} : memref<1x1x8x1024xf32, #tpu.memory_space<vmem>>, vector<16xf32>,
          %parallel_loop3A_578 = arith.constant 0 : i32
          %parallel_loop3A_579 = arith.constant 0 : i32
          %parallel_loop3A_580 = arith.index_cast %parallel_loop3A_578 : i32 to index
          %parallel_loop3A_581 = arith.index_cast %parallel_loop3A_579 : i32 to index
          %parallel_loop3A_582 = arith.index_cast %scan3A_552 : i32 to index
          %parallel_loop3A_583 = arith.index_cast %parallel_loop3A_557 : i32 to index
          %parallel_loop3A_584 = tpu.vector_load %arg16[%parallel_loop3A_580, %parallel_loop3A_581, %parallel_loop3A_582, %parallel_loop3A_583] {strides = array<i32>} : memref<1x1x8x1024xf32, #tpu.memory_space<vmem>>, vector<16xf32>,
          tpu.vector_store %arg16[%parallel_loop3A_580, %parallel_loop3A_581, %parallel_loop3A_582, %parallel_loop3A_583], %parallel_loop3A_570 {strides = array<i32>} : memref<1x1x8x1024xf32, #tpu.memory_space<vmem>>, vector<16xf32>,
        } {sc.loop_unroll_factor = 8 : i64, sc.parallel_access}
      }
      %scan3A_429 = arith.constant 8 : i32
      %dma_start3A_430 = arith.constant 0 : i32
      %dma_start3A_431 = arith.constant 1024 : i32
      %dma_start3A_432 = tpu.memref_slice %arg7[%select_n3A, %add3A_423, %dma_start3A_430, %dma_start3A_431] : memref<4x259x32x2048xf32, #tpu.memory_space<hbm>> -> memref<1x1x8x1024xf32, #tpu.memory_space<hbm>>
      %dma_start3A_433 = arith.constant 0 : i32
      %dma_start3A_434 = arith.constant 1024 : i32
      %dma_start3A_435 = tpu.memref_slice %arg7[%select_n3A, %add3A_423, %dma_start3A_433, %dma_start3A_434] : memref<4x259x32x2048xf32, #tpu.memory_space<hbm>> -> memref<1x1x8x1024xf32, #tpu.memory_space<hbm>>
      tpu.enqueue_dma source(%arg14 : memref<1x1x8x1024xf32, #tpu.memory_space<vmem>>) target(%dma_start3A_435 : memref<1x1x8x1024xf32, #tpu.memory_space<hbm>>) target_semaphore(%arg21 : memref<!tpu.dma_semaphore, #tpu.memory_space<semaphore_mem>>)
      %add3A_436 = arith.constant 1 : i32
      %add3A_437 = arith.addi %add3A_423, %add3A_436 : i32
      %dma_start3A_438 = arith.constant 0 : i32
      %dma_start3A_439 = arith.constant 1024 : i32
      %dma_start3A_440 = tpu.memref_slice %arg7[%select_n3A, %add3A_437, %dma_start3A_438, %dma_start3A_439] : memref<4x259x32x2048xf32, #tpu.memory_space<hbm>> -> memref<1x1x8x1024xf32, #tpu.memory_space<hbm>>
      %dma_start3A_441 = arith.constant 0 : i32
      %dma_start3A_442 = arith.constant 1024 : i32
      %dma_start3A_443 = tpu.memref_slice %arg7[%select_n3A, %add3A_437, %dma_start3A_441, %dma_start3A_442] : memref<4x259x32x2048xf32, #tpu.memory_space<hbm>> -> memref<1x1x8x1024xf32, #tpu.memory_space<hbm>>
      tpu.enqueue_dma source(%arg16 : memref<1x1x8x1024xf32, #tpu.memory_space<vmem>>) target(%dma_start3A_443 : memref<1x1x8x1024xf32, #tpu.memory_space<hbm>>) target_semaphore(%arg21 : memref<!tpu.dma_semaphore, #tpu.memory_space<semaphore_mem>>)
      %scan3A_444 = arith.constant 0 : i32
      %scan3A_445 = arith.constant 0 : i32
      %scan3A_446 = arith.constant 8 : i32
      %scan3A_447 = arith.addi %scan3A_445, %scan3A_446 : i32
      %scan3A_448 = arith.constant 1 : i32
      scf.for %scan3A_552 = %scan3A_445 to %scan3A_447 step %scan3A_448  : i32 {
        %add3A_553 = arith.constant 8 : i32
        %add3A_554 = arith.addi %add3A_553, %scan3A_552 : i32
        %parallel_loop3A = arith.constant 0 : i32
        %parallel_loop3A_555 = arith.constant 1024 : i32
        %parallel_loop3A_556 = arith.constant 16 : i32
        scf.for %parallel_loop3A_557 = %parallel_loop3A to %parallel_loop3A_555 step %parallel_loop3A_556  : i32 {
          %parallel_loop3A_558 = arith.index_cast %add3A_554 : i32 to index
          %parallel_loop3A_559 = arith.index_cast %parallel_loop3A_557 : i32 to index
          %parallel_loop3A_560 = tpu.vector_load %arg8[%parallel_loop3A_558, %parallel_loop3A_559] {strides = array<i32>} : memref<32x1024xi32, #tpu.memory_space<vmem>>, vector<16xi32>,
          %parallel_loop3A_561 = arith.constant 0 : i32
          %parallel_loop3A_562 = arith.constant 0 : i32
          %parallel_loop3A_563 = tpu.memref_slice %arg11[%parallel_loop3A_561, %parallel_loop3A_562] : memref<1x8192xf32, #tpu.memory_space<vmem>> -> memref<1x8192xf32, #tpu.memory_space<vmem>>
          %parallel_loop3A_564 = tpu.memref_squeeze %parallel_loop3A_563 : memref<1x8192xf32, #tpu.memory_space<vmem>> -> memref<8192xf32, #tpu.memory_space<vmem>>
          %parallel_loop3A_565 = tpu.vector_load_idx %parallel_loop3A_564[%parallel_loop3A_560] : memref<8192xf32, #tpu.memory_space<vmem>>[vector<16xi32>], vector<16xf32>,
          %parallel_loop3A_566 = arith.constant 0 : i32
          %parallel_loop3A_567 = arith.constant 0 : i32
          %parallel_loop3A_568 = tpu.memref_slice %arg12[%parallel_loop3A_566, %parallel_loop3A_567] : memref<1x8192xf32, #tpu.memory_space<vmem>> -> memref<1x8192xf32, #tpu.memory_space<vmem>>
          %parallel_loop3A_569 = tpu.memref_squeeze %parallel_loop3A_568 : memref<1x8192xf32, #tpu.memory_space<vmem>> -> memref<8192xf32, #tpu.memory_space<vmem>>
          %parallel_loop3A_570 = tpu.vector_load_idx %parallel_loop3A_569[%parallel_loop3A_560] : memref<8192xf32, #tpu.memory_space<vmem>>[vector<16xi32>], vector<16xf32>,
          %parallel_loop3A_571 = arith.constant 0 : i32
          %parallel_loop3A_572 = arith.constant 0 : i32
          %parallel_loop3A_573 = arith.index_cast %parallel_loop3A_571 : i32 to index
          %parallel_loop3A_574 = arith.index_cast %parallel_loop3A_572 : i32 to index
          %parallel_loop3A_575 = arith.index_cast %scan3A_552 : i32 to index
          %parallel_loop3A_576 = arith.index_cast %parallel_loop3A_557 : i32 to index
          %parallel_loop3A_577 = tpu.vector_load %arg15[%parallel_loop3A_573, %parallel_loop3A_574, %parallel_loop3A_575, %parallel_loop3A_576] {strides = array<i32>} : memref<1x1x8x1024xf32, #tpu.memory_space<vmem>>, vector<16xf32>,
          tpu.vector_store %arg15[%parallel_loop3A_573, %parallel_loop3A_574, %parallel_loop3A_575, %parallel_loop3A_576], %parallel_loop3A_565 {strides = array<i32>} : memref<1x1x8x1024xf32, #tpu.memory_space<vmem>>, vector<16xf32>,
          %parallel_loop3A_578 = arith.constant 0 : i32
          %parallel_loop3A_579 = arith.constant 0 : i32
          %parallel_loop3A_580 = arith.index_cast %parallel_loop3A_578 : i32 to index
          %parallel_loop3A_581 = arith.index_cast %parallel_loop3A_579 : i32 to index
          %parallel_loop3A_582 = arith.index_cast %scan3A_552 : i32 to index
          %parallel_loop3A_583 = arith.index_cast %parallel_loop3A_557 : i32 to index
          %parallel_loop3A_584 = tpu.vector_load %arg17[%parallel_loop3A_580, %parallel_loop3A_581, %parallel_loop3A_582, %parallel_loop3A_583] {strides = array<i32>} : memref<1x1x8x1024xf32, #tpu.memory_space<vmem>>, vector<16xf32>,
          tpu.vector_store %arg17[%parallel_loop3A_580, %parallel_loop3A_581, %parallel_loop3A_582, %parallel_loop3A_583], %parallel_loop3A_570 {strides = array<i32>} : memref<1x1x8x1024xf32, #tpu.memory_space<vmem>>, vector<16xf32>,
        } {sc.loop_unroll_factor = 8 : i64, sc.parallel_access}
      }
      %scan3A_449 = arith.constant 8 : i32
      %dma_start3A_450 = arith.constant 8 : i32
      %dma_start3A_451 = arith.constant 1024 : i32
      %dma_start3A_452 = tpu.memref_slice %arg7[%select_n3A, %add3A_423, %dma_start3A_450, %dma_start3A_451] : memref<4x259x32x2048xf32, #tpu.memory_space<hbm>> -> memref<1x1x8x1024xf32, #tpu.memory_space<hbm>>
      %dma_start3A_453 = arith.constant 8 : i32
      %dma_start3A_454 = arith.constant 1024 : i32
      %dma_start3A_455 = tpu.memref_slice %arg7[%select_n3A, %add3A_423, %dma_start3A_453, %dma_start3A_454] : memref<4x259x32x2048xf32, #tpu.memory_space<hbm>> -> memref<1x1x8x1024xf32, #tpu.memory_space<hbm>>
      tpu.enqueue_dma source(%arg15 : memref<1x1x8x1024xf32, #tpu.memory_space<vmem>>) target(%dma_start3A_455 : memref<1x1x8x1024xf32, #tpu.memory_space<hbm>>) target_semaphore(%arg22 : memref<!tpu.dma_semaphore, #tpu.memory_space<semaphore_mem>>)
      %add3A_456 = arith.constant 1 : i32
      %add3A_457 = arith.addi %add3A_423, %add3A_456 : i32
      %dma_start3A_458 = arith.constant 8 : i32
      %dma_start3A_459 = arith.constant 1024 : i32
      %dma_start3A_460 = tpu.memref_slice %arg7[%select_n3A, %add3A_457, %dma_start3A_458, %dma_start3A_459] : memref<4x259x32x2048xf32, #tpu.memory_space<hbm>> -> memref<1x1x8x1024xf32, #tpu.memory_space<hbm>>
      %dma_start3A_461 = arith.constant 8 : i32
      %dma_start3A_462 = arith.constant 1024 : i32
      %dma_start3A_463 = tpu.memref_slice %arg7[%select_n3A, %add3A_457, %dma_start3A_461, %dma_start3A_462] : memref<4x259x32x2048xf32, #tpu.memory_space<hbm>> -> memref<1x1x8x1024xf32, #tpu.memory_space<hbm>>
      tpu.enqueue_dma source(%arg17 : memref<1x1x8x1024xf32, #tpu.memory_space<vmem>>) target(%dma_start3A_463 : memref<1x1x8x1024xf32, #tpu.memory_space<hbm>>) target_semaphore(%arg22 : memref<!tpu.dma_semaphore, #tpu.memory_space<semaphore_mem>>)
      %dma_wait3A_464 = arith.constant 0 : i32
      %dma_wait3A_465 = arith.constant 1024 : i32
      %dma_wait3A_466 = tpu.memref_slice %arg7[%select_n3A, %add3A_423, %dma_wait3A_464, %dma_wait3A_465] : memref<4x259x32x2048xf32, #tpu.memory_space<hbm>> -> memref<1x1x8x1024xf32, #tpu.memory_space<hbm>>
      %dma_wait3A_467 = arith.constant 0 : i32
      %dma_wait3A_468 = arith.constant 1024 : i32
      %dma_wait3A_469 = tpu.memref_slice %arg7[%select_n3A, %add3A_423, %dma_wait3A_467, %dma_wait3A_468] : memref<4x259x32x2048xf32, #tpu.memory_space<hbm>> -> memref<1x1x8x1024xf32, #tpu.memory_space<hbm>>
      tpu.wait_dma2 semaphore(%arg21 : memref<!tpu.dma_semaphore, #tpu.memory_space<semaphore_mem>>) src(%arg14 : memref<1x1x8x1024xf32, #tpu.memory_space<vmem>>) dst(%dma_wait3A_469 : memref<1x1x8x1024xf32, #tpu.memory_space<hbm>>)
      %dma_wait3A_470 = arith.constant 0 : i32
      %dma_wait3A_471 = arith.constant 1024 : i32
      %dma_wait3A_472 = tpu.memref_slice %arg7[%select_n3A, %add3A_437, %dma_wait3A_470, %dma_wait3A_471] : memref<4x259x32x2048xf32, #tpu.memory_space<hbm>> -> memref<1x1x8x1024xf32, #tpu.memory_space<hbm>>
      %dma_wait3A_473 = arith.constant 0 : i32
      %dma_wait3A_474 = arith.constant 1024 : i32
      %dma_wait3A_475 = tpu.memref_slice %arg7[%select_n3A, %add3A_437, %dma_wait3A_473, %dma_wait3A_474] : memref<4x259x32x2048xf32, #tpu.memory_space<hbm>> -> memref<1x1x8x1024xf32, #tpu.memory_space<hbm>>
      tpu.wait_dma2 semaphore(%arg21 : memref<!tpu.dma_semaphore, #tpu.memory_space<semaphore_mem>>) src(%arg16 : memref<1x1x8x1024xf32, #tpu.memory_space<vmem>>) dst(%dma_wait3A_475 : memref<1x1x8x1024xf32, #tpu.memory_space<hbm>>)
      %scan3A_476 = arith.constant 0 : i32
      %scan3A_477 = arith.constant 0 : i32
      %scan3A_478 = arith.constant 8 : i32
      %scan3A_479 = arith.addi %scan3A_477, %scan3A_478 : i32
      %scan3A_480 = arith.constant 1 : i32
      scf.for %scan3A_552 = %scan3A_477 to %scan3A_479 step %scan3A_480  : i32 {
        %add3A_553 = arith.constant 16 : i32
        %add3A_554 = arith.addi %add3A_553, %scan3A_552 : i32
        %parallel_loop3A = arith.constant 0 : i32
        %parallel_loop3A_555 = arith.constant 1024 : i32
        %parallel_loop3A_556 = arith.constant 16 : i32
        scf.for %parallel_loop3A_557 = %parallel_loop3A to %parallel_loop3A_555 step %parallel_loop3A_556  : i32 {
          %parallel_loop3A_558 = arith.index_cast %add3A_554 : i32 to index
          %parallel_loop3A_559 = arith.index_cast %parallel_loop3A_557 : i32 to index
          %parallel_loop3A_560 = tpu.vector_load %arg8[%parallel_loop3A_558, %parallel_loop3A_559] {strides = array<i32>} : memref<32x1024xi32, #tpu.memory_space<vmem>>, vector<16xi32>,
          %parallel_loop3A_561 = arith.constant 0 : i32
          %parallel_loop3A_562 = arith.constant 0 : i32
          %parallel_loop3A_563 = tpu.memref_slice %arg11[%parallel_loop3A_561, %parallel_loop3A_562] : memref<1x8192xf32, #tpu.memory_space<vmem>> -> memref<1x8192xf32, #tpu.memory_space<vmem>>
          %parallel_loop3A_564 = tpu.memref_squeeze %parallel_loop3A_563 : memref<1x8192xf32, #tpu.memory_space<vmem>> -> memref<8192xf32, #tpu.memory_space<vmem>>
          %parallel_loop3A_565 = tpu.vector_load_idx %parallel_loop3A_564[%parallel_loop3A_560] : memref<8192xf32, #tpu.memory_space<vmem>>[vector<16xi32>], vector<16xf32>,
          %parallel_loop3A_566 = arith.constant 0 : i32
          %parallel_loop3A_567 = arith.constant 0 : i32
          %parallel_loop3A_568 = tpu.memref_slice %arg12[%parallel_loop3A_566, %parallel_loop3A_567] : memref<1x8192xf32, #tpu.memory_space<vmem>> -> memref<1x8192xf32, #tpu.memory_space<vmem>>
          %parallel_loop3A_569 = tpu.memref_squeeze %parallel_loop3A_568 : memref<1x8192xf32, #tpu.memory_space<vmem>> -> memref<8192xf32, #tpu.memory_space<vmem>>
          %parallel_loop3A_570 = tpu.vector_load_idx %parallel_loop3A_569[%parallel_loop3A_560] : memref<8192xf32, #tpu.memory_space<vmem>>[vector<16xi32>], vector<16xf32>,
          %parallel_loop3A_571 = arith.constant 0 : i32
          %parallel_loop3A_572 = arith.constant 0 : i32
          %parallel_loop3A_573 = arith.index_cast %parallel_loop3A_571 : i32 to index
          %parallel_loop3A_574 = arith.index_cast %parallel_loop3A_572 : i32 to index
          %parallel_loop3A_575 = arith.index_cast %scan3A_552 : i32 to index
          %parallel_loop3A_576 = arith.index_cast %parallel_loop3A_557 : i32 to index
          %parallel_loop3A_577 = tpu.vector_load %arg14[%parallel_loop3A_573, %parallel_loop3A_574, %parallel_loop3A_575, %parallel_loop3A_576] {strides = array<i32>} : memref<1x1x8x1024xf32, #tpu.memory_space<vmem>>, vector<16xf32>,
          tpu.vector_store %arg14[%parallel_loop3A_573, %parallel_loop3A_574, %parallel_loop3A_575, %parallel_loop3A_576], %parallel_loop3A_565 {strides = array<i32>} : memref<1x1x8x1024xf32, #tpu.memory_space<vmem>>, vector<16xf32>,
          %parallel_loop3A_578 = arith.constant 0 : i32
          %parallel_loop3A_579 = arith.constant 0 : i32
          %parallel_loop3A_580 = arith.index_cast %parallel_loop3A_578 : i32 to index
          %parallel_loop3A_581 = arith.index_cast %parallel_loop3A_579 : i32 to index
          %parallel_loop3A_582 = arith.index_cast %scan3A_552 : i32 to index
          %parallel_loop3A_583 = arith.index_cast %parallel_loop3A_557 : i32 to index
          %parallel_loop3A_584 = tpu.vector_load %arg16[%parallel_loop3A_580, %parallel_loop3A_581, %parallel_loop3A_582, %parallel_loop3A_583] {strides = array<i32>} : memref<1x1x8x1024xf32, #tpu.memory_space<vmem>>, vector<16xf32>,
          tpu.vector_store %arg16[%parallel_loop3A_580, %parallel_loop3A_581, %parallel_loop3A_582, %parallel_loop3A_583], %parallel_loop3A_570 {strides = array<i32>} : memref<1x1x8x1024xf32, #tpu.memory_space<vmem>>, vector<16xf32>,
        } {sc.loop_unroll_factor = 8 : i64, sc.parallel_access}
      }
      %scan3A_481 = arith.constant 8 : i32
      %dma_start3A_482 = arith.constant 16 : i32
      %dma_start3A_483 = arith.constant 1024 : i32
      %dma_start3A_484 = tpu.memref_slice %arg7[%select_n3A, %add3A_423, %dma_start3A_482, %dma_start3A_483] : memref<4x259x32x2048xf32, #tpu.memory_space<hbm>> -> memref<1x1x8x1024xf32, #tpu.memory_space<hbm>>
      %dma_start3A_485 = arith.constant 16 : i32
      %dma_start3A_486 = arith.constant 1024 : i32
      %dma_start3A_487 = tpu.memref_slice %arg7[%select_n3A, %add3A_423, %dma_start3A_485, %dma_start3A_486] : memref<4x259x32x2048xf32, #tpu.memory_space<hbm>> -> memref<1x1x8x1024xf32, #tpu.memory_space<hbm>>
      tpu.enqueue_dma source(%arg14 : memref<1x1x8x1024xf32, #tpu.memory_space<vmem>>) target(%dma_start3A_487 : memref<1x1x8x1024xf32, #tpu.memory_space<hbm>>) target_semaphore(%arg21 : memref<!tpu.dma_semaphore, #tpu.memory_space<semaphore_mem>>)
      %add3A_488 = arith.constant 1 : i32
      %add3A_489 = arith.addi %add3A_423, %add3A_488 : i32
      %dma_start3A_490 = arith.constant 16 : i32
      %dma_start3A_491 = arith.constant 1024 : i32
      %dma_start3A_492 = tpu.memref_slice %arg7[%select_n3A, %add3A_489, %dma_start3A_490, %dma_start3A_491] : memref<4x259x32x2048xf32, #tpu.memory_space<hbm>> -> memref<1x1x8x1024xf32, #tpu.memory_space<hbm>>
      %dma_start3A_493 = arith.constant 16 : i32
      %dma_start3A_494 = arith.constant 1024 : i32
      %dma_start3A_495 = tpu.memref_slice %arg7[%select_n3A, %add3A_489, %dma_start3A_493, %dma_start3A_494] : memref<4x259x32x2048xf32, #tpu.memory_space<hbm>> -> memref<1x1x8x1024xf32, #tpu.memory_space<hbm>>
      tpu.enqueue_dma source(%arg16 : memref<1x1x8x1024xf32, #tpu.memory_space<vmem>>) target(%dma_start3A_495 : memref<1x1x8x1024xf32, #tpu.memory_space<hbm>>) target_semaphore(%arg21 : memref<!tpu.dma_semaphore, #tpu.memory_space<semaphore_mem>>)
      %dma_wait3A_496 = arith.constant 8 : i32
      %dma_wait3A_497 = arith.constant 1024 : i32
      %dma_wait3A_498 = tpu.memref_slice %arg7[%select_n3A, %add3A_423, %dma_wait3A_496, %dma_wait3A_497] : memref<4x259x32x2048xf32, #tpu.memory_space<hbm>> -> memref<1x1x8x1024xf32, #tpu.memory_space<hbm>>
      %dma_wait3A_499 = arith.constant 8 : i32
      %dma_wait3A_500 = arith.constant 1024 : i32
      %dma_wait3A_501 = tpu.memref_slice %arg7[%select_n3A, %add3A_423, %dma_wait3A_499, %dma_wait3A_500] : memref<4x259x32x2048xf32, #tpu.memory_space<hbm>> -> memref<1x1x8x1024xf32, #tpu.memory_space<hbm>>
      tpu.wait_dma2 semaphore(%arg22 : memref<!tpu.dma_semaphore, #tpu.memory_space<semaphore_mem>>) src(%arg15 : memref<1x1x8x1024xf32, #tpu.memory_space<vmem>>) dst(%dma_wait3A_501 : memref<1x1x8x1024xf32, #tpu.memory_space<hbm>>)
      %dma_wait3A_502 = arith.constant 8 : i32
      %dma_wait3A_503 = arith.constant 1024 : i32
      %dma_wait3A_504 = tpu.memref_slice %arg7[%select_n3A, %add3A_457, %dma_wait3A_502, %dma_wait3A_503] : memref<4x259x32x2048xf32, #tpu.memory_space<hbm>> -> memref<1x1x8x1024xf32, #tpu.memory_space<hbm>>
      %dma_wait3A_505 = arith.constant 8 : i32
      %dma_wait3A_506 = arith.constant 1024 : i32
      %dma_wait3A_507 = tpu.memref_slice %arg7[%select_n3A, %add3A_457, %dma_wait3A_505, %dma_wait3A_506] : memref<4x259x32x2048xf32, #tpu.memory_space<hbm>> -> memref<1x1x8x1024xf32, #tpu.memory_space<hbm>>
      tpu.wait_dma2 semaphore(%arg22 : memref<!tpu.dma_semaphore, #tpu.memory_space<semaphore_mem>>) src(%arg17 : memref<1x1x8x1024xf32, #tpu.memory_space<vmem>>) dst(%dma_wait3A_507 : memref<1x1x8x1024xf32, #tpu.memory_space<hbm>>)
      %scan3A_508 = arith.constant 0 : i32
      %scan3A_509 = arith.constant 0 : i32
      %scan3A_510 = arith.constant 8 : i32
      %scan3A_511 = arith.addi %scan3A_509, %scan3A_510 : i32
      %scan3A_512 = arith.constant 1 : i32
      scf.for %scan3A_552 = %scan3A_509 to %scan3A_511 step %scan3A_512  : i32 {
        %add3A_553 = arith.constant 24 : i32
        %add3A_554 = arith.addi %add3A_553, %scan3A_552 : i32
        %parallel_loop3A = arith.constant 0 : i32
        %parallel_loop3A_555 = arith.constant 1024 : i32
        %parallel_loop3A_556 = arith.constant 16 : i32
        scf.for %parallel_loop3A_557 = %parallel_loop3A to %parallel_loop3A_555 step %parallel_loop3A_556  : i32 {
          %parallel_loop3A_558 = arith.index_cast %add3A_554 : i32 to index
          %parallel_loop3A_559 = arith.index_cast %parallel_loop3A_557 : i32 to index
          %parallel_loop3A_560 = tpu.vector_load %arg8[%parallel_loop3A_558, %parallel_loop3A_559] {strides = array<i32>} : memref<32x1024xi32, #tpu.memory_space<vmem>>, vector<16xi32>,
          %parallel_loop3A_561 = arith.constant 0 : i32
          %parallel_loop3A_562 = arith.constant 0 : i32
          %parallel_loop3A_563 = tpu.memref_slice %arg11[%parallel_loop3A_561, %parallel_loop3A_562] : memref<1x8192xf32, #tpu.memory_space<vmem>> -> memref<1x8192xf32, #tpu.memory_space<vmem>>
          %parallel_loop3A_564 = tpu.memref_squeeze %parallel_loop3A_563 : memref<1x8192xf32, #tpu.memory_space<vmem>> -> memref<8192xf32, #tpu.memory_space<vmem>>
          %parallel_loop3A_565 = tpu.vector_load_idx %parallel_loop3A_564[%parallel_loop3A_560] : memref<8192xf32, #tpu.memory_space<vmem>>[vector<16xi32>], vector<16xf32>,
          %parallel_loop3A_566 = arith.constant 0 : i32
          %parallel_loop3A_567 = arith.constant 0 : i32
          %parallel_loop3A_568 = tpu.memref_slice %arg12[%parallel_loop3A_566, %parallel_loop3A_567] : memref<1x8192xf32, #tpu.memory_space<vmem>> -> memref<1x8192xf32, #tpu.memory_space<vmem>>
          %parallel_loop3A_569 = tpu.memref_squeeze %parallel_loop3A_568 : memref<1x8192xf32, #tpu.memory_space<vmem>> -> memref<8192xf32, #tpu.memory_space<vmem>>
          %parallel_loop3A_570 = tpu.vector_load_idx %parallel_loop3A_569[%parallel_loop3A_560] : memref<8192xf32, #tpu.memory_space<vmem>>[vector<16xi32>], vector<16xf32>,
          %parallel_loop3A_571 = arith.constant 0 : i32
          %parallel_loop3A_572 = arith.constant 0 : i32
          %parallel_loop3A_573 = arith.index_cast %parallel_loop3A_571 : i32 to index
          %parallel_loop3A_574 = arith.index_cast %parallel_loop3A_572 : i32 to index
          %parallel_loop3A_575 = arith.index_cast %scan3A_552 : i32 to index
          %parallel_loop3A_576 = arith.index_cast %parallel_loop3A_557 : i32 to index
          %parallel_loop3A_577 = tpu.vector_load %arg15[%parallel_loop3A_573, %parallel_loop3A_574, %parallel_loop3A_575, %parallel_loop3A_576] {strides = array<i32>} : memref<1x1x8x1024xf32, #tpu.memory_space<vmem>>, vector<16xf32>,
          tpu.vector_store %arg15[%parallel_loop3A_573, %parallel_loop3A_574, %parallel_loop3A_575, %parallel_loop3A_576], %parallel_loop3A_565 {strides = array<i32>} : memref<1x1x8x1024xf32, #tpu.memory_space<vmem>>, vector<16xf32>,
          %parallel_loop3A_578 = arith.constant 0 : i32
          %parallel_loop3A_579 = arith.constant 0 : i32
          %parallel_loop3A_580 = arith.index_cast %parallel_loop3A_578 : i32 to index
          %parallel_loop3A_581 = arith.index_cast %parallel_loop3A_579 : i32 to index
          %parallel_loop3A_582 = arith.index_cast %scan3A_552 : i32 to index
          %parallel_loop3A_583 = arith.index_cast %parallel_loop3A_557 : i32 to index
          %parallel_loop3A_584 = tpu.vector_load %arg17[%parallel_loop3A_580, %parallel_loop3A_581, %parallel_loop3A_582, %parallel_loop3A_583] {strides = array<i32>} : memref<1x1x8x1024xf32, #tpu.memory_space<vmem>>, vector<16xf32>,
          tpu.vector_store %arg17[%parallel_loop3A_580, %parallel_loop3A_581, %parallel_loop3A_582, %parallel_loop3A_583], %parallel_loop3A_570 {strides = array<i32>} : memref<1x1x8x1024xf32, #tpu.memory_space<vmem>>, vector<16xf32>,
        } {sc.loop_unroll_factor = 8 : i64, sc.parallel_access}
      }
      %scan3A_513 = arith.constant 8 : i32
      %dma_start3A_514 = arith.constant 24 : i32
      %dma_start3A_515 = arith.constant 1024 : i32
      %dma_start3A_516 = tpu.memref_slice %arg7[%select_n3A, %add3A_423, %dma_start3A_514, %dma_start3A_515] : memref<4x259x32x2048xf32, #tpu.memory_space<hbm>> -> memref<1x1x8x1024xf32, #tpu.memory_space<hbm>>
      %dma_start3A_517 = arith.constant 24 : i32
      %dma_start3A_518 = arith.constant 1024 : i32
      %dma_start3A_519 = tpu.memref_slice %arg7[%select_n3A, %add3A_423, %dma_start3A_517, %dma_start3A_518] : memref<4x259x32x2048xf32, #tpu.memory_space<hbm>> -> memref<1x1x8x1024xf32, #tpu.memory_space<hbm>>
      tpu.enqueue_dma source(%arg15 : memref<1x1x8x1024xf32, #tpu.memory_space<vmem>>) target(%dma_start3A_519 : memref<1x1x8x1024xf32, #tpu.memory_space<hbm>>) target_semaphore(%arg22 : memref<!tpu.dma_semaphore, #tpu.memory_space<semaphore_mem>>)
      %add3A_520 = arith.constant 1 : i32
      %add3A_521 = arith.addi %add3A_423, %add3A_520 : i32
      %dma_start3A_522 = arith.constant 24 : i32
      %dma_start3A_523 = arith.constant 1024 : i32
      %dma_start3A_524 = tpu.memref_slice %arg7[%select_n3A, %add3A_521, %dma_start3A_522, %dma_start3A_523] : memref<4x259x32x2048xf32, #tpu.memory_space<hbm>> -> memref<1x1x8x1024xf32, #tpu.memory_space<hbm>>
      %dma_start3A_525 = arith.constant 24 : i32
      %dma_start3A_526 = arith.constant 1024 : i32
      %dma_start3A_527 = tpu.memref_slice %arg7[%select_n3A, %add3A_521, %dma_start3A_525, %dma_start3A_526] : memref<4x259x32x2048xf32, #tpu.memory_space<hbm>> -> memref<1x1x8x1024xf32, #tpu.memory_space<hbm>>
      tpu.enqueue_dma source(%arg17 : memref<1x1x8x1024xf32, #tpu.memory_space<vmem>>) target(%dma_start3A_527 : memref<1x1x8x1024xf32, #tpu.memory_space<hbm>>) target_semaphore(%arg22 : memref<!tpu.dma_semaphore, #tpu.memory_space<semaphore_mem>>)
      %dma_wait3A_528 = arith.constant 16 : i32
      %dma_wait3A_529 = arith.constant 1024 : i32
      %dma_wait3A_530 = tpu.memref_slice %arg7[%select_n3A, %add3A_423, %dma_wait3A_528, %dma_wait3A_529] : memref<4x259x32x2048xf32, #tpu.memory_space<hbm>> -> memref<1x1x8x1024xf32, #tpu.memory_space<hbm>>
      %dma_wait3A_531 = arith.constant 16 : i32
      %dma_wait3A_532 = arith.constant 1024 : i32
      %dma_wait3A_533 = tpu.memref_slice %arg7[%select_n3A, %add3A_423, %dma_wait3A_531, %dma_wait3A_532] : memref<4x259x32x2048xf32, #tpu.memory_space<hbm>> -> memref<1x1x8x1024xf32, #tpu.memory_space<hbm>>
      tpu.wait_dma2 semaphore(%arg21 : memref<!tpu.dma_semaphore, #tpu.memory_space<semaphore_mem>>) src(%arg14 : memref<1x1x8x1024xf32, #tpu.memory_space<vmem>>) dst(%dma_wait3A_533 : memref<1x1x8x1024xf32, #tpu.memory_space<hbm>>)
      %dma_wait3A_534 = arith.constant 16 : i32
      %dma_wait3A_535 = arith.constant 1024 : i32
      %dma_wait3A_536 = tpu.memref_slice %arg7[%select_n3A, %add3A_489, %dma_wait3A_534, %dma_wait3A_535] : memref<4x259x32x2048xf32, #tpu.memory_space<hbm>> -> memref<1x1x8x1024xf32, #tpu.memory_space<hbm>>
      %dma_wait3A_537 = arith.constant 16 : i32
      %dma_wait3A_538 = arith.constant 1024 : i32
      %dma_wait3A_539 = tpu.memref_slice %arg7[%select_n3A, %add3A_489, %dma_wait3A_537, %dma_wait3A_538] : memref<4x259x32x2048xf32, #tpu.memory_space<hbm>> -> memref<1x1x8x1024xf32, #tpu.memory_space<hbm>>
      tpu.wait_dma2 semaphore(%arg21 : memref<!tpu.dma_semaphore, #tpu.memory_space<semaphore_mem>>) src(%arg16 : memref<1x1x8x1024xf32, #tpu.memory_space<vmem>>) dst(%dma_wait3A_539 : memref<1x1x8x1024xf32, #tpu.memory_space<hbm>>)
      %dma_wait3A_540 = arith.constant 24 : i32
      %dma_wait3A_541 = arith.constant 1024 : i32
      %dma_wait3A_542 = tpu.memref_slice %arg7[%select_n3A, %add3A_423, %dma_wait3A_540, %dma_wait3A_541] : memref<4x259x32x2048xf32, #tpu.memory_space<hbm>> -> memref<1x1x8x1024xf32, #tpu.memory_space<hbm>>
      %dma_wait3A_543 = arith.constant 24 : i32
      %dma_wait3A_544 = arith.constant 1024 : i32
      %dma_wait3A_545 = tpu.memref_slice %arg7[%select_n3A, %add3A_423, %dma_wait3A_543, %dma_wait3A_544] : memref<4x259x32x2048xf32, #tpu.memory_space<hbm>> -> memref<1x1x8x1024xf32, #tpu.memory_space<hbm>>
      tpu.wait_dma2 semaphore(%arg22 : memref<!tpu.dma_semaphore, #tpu.memory_space<semaphore_mem>>) src(%arg15 : memref<1x1x8x1024xf32, #tpu.memory_space<vmem>>) dst(%dma_wait3A_545 : memref<1x1x8x1024xf32, #tpu.memory_space<hbm>>)
      %dma_wait3A_546 = arith.constant 24 : i32
      %dma_wait3A_547 = arith.constant 1024 : i32
      %dma_wait3A_548 = tpu.memref_slice %arg7[%select_n3A, %add3A_521, %dma_wait3A_546, %dma_wait3A_547] : memref<4x259x32x2048xf32, #tpu.memory_space<hbm>> -> memref<1x1x8x1024xf32, #tpu.memory_space<hbm>>
      %dma_wait3A_549 = arith.constant 24 : i32
      %dma_wait3A_550 = arith.constant 1024 : i32
      %dma_wait3A_551 = tpu.memref_slice %arg7[%select_n3A, %add3A_521, %dma_wait3A_549, %dma_wait3A_550] : memref<4x259x32x2048xf32, #tpu.memory_space<hbm>> -> memref<1x1x8x1024xf32, #tpu.memory_space<hbm>>
      tpu.wait_dma2 semaphore(%arg22 : memref<!tpu.dma_semaphore, #tpu.memory_space<semaphore_mem>>) src(%arg17 : memref<1x1x8x1024xf32, #tpu.memory_space<vmem>>) dst(%dma_wait3A_551 : memref<1x1x8x1024xf32, #tpu.memory_space<hbm>>)
    }
    %scan3A_171 = arith.constant 8 : i32
    %mul3A_172 = arith.constant 32 : i32
    %mul3A_173 = arith.muli %select_n3A_30, %mul3A_172 : i32
    %add3A_174 = arith.constant 32 : i32
    %add3A_175 = arith.addi %mul3A_173, %add3A_174 : i32
    %mul3A_176 = arith.constant 256 : i32
    %mul3A_177 = arith.muli %select_n3A, %mul3A_176 : i32
    %add3A_178 = arith.addi %mul3A_177, %add3A_175 : i32
    %min3A_179 = arith.constant 1023 : i32
    %min3A_180 = arith.minsi %add3A_178, %min3A_179 : i32
    %dma_wait3A_181 = arith.constant 0 : i32
    %dma_wait3A_182 = tpu.memref_slice %arg4[%min3A_180, %dma_wait3A_181] : memref<1024x8192xf32, #tpu.memory_space<hbm>> -> memref<1x8192xf32, #tpu.memory_space<hbm>>
    %dma_wait3A_183 = arith.constant 0 : i32
    %dma_wait3A_184 = tpu.memref_slice %arg4[%min3A_180, %dma_wait3A_183] : memref<1024x8192xf32, #tpu.memory_space<hbm>> -> memref<1x8192xf32, #tpu.memory_space<hbm>>
    tpu.wait_dma2 semaphore(%arg23 : memref<!tpu.dma_semaphore, #tpu.memory_space<semaphore_mem>>) src(%dma_wait3A_184 : memref<1x8192xf32, #tpu.memory_space<hbm>>) dst(%arg9 : memref<1x8192xf32, #tpu.memory_space<vmem>>)
    %mul3A_185 = arith.constant 32 : i32
    %mul3A_186 = arith.muli %select_n3A_30, %mul3A_185 : i32
    %add3A_187 = arith.constant 33 : i32
    %add3A_188 = arith.addi %mul3A_186, %add3A_187 : i32
    %mul3A_189 = arith.constant 256 : i32
    %mul3A_190 = arith.muli %select_n3A, %mul3A_189 : i32
    %add3A_191 = arith.addi %mul3A_190, %add3A_188 : i32
    %min3A_192 = arith.constant 1023 : i32
    %min3A_193 = arith.minsi %add3A_191, %min3A_192 : i32
    %dma_wait3A_194 = arith.constant 0 : i32
    %dma_wait3A_195 = tpu.memref_slice %arg4[%min3A_193, %dma_wait3A_194] : memref<1024x8192xf32, #tpu.memory_space<hbm>> -> memref<1x8192xf32, #tpu.memory_space<hbm>>
    %dma_wait3A_196 = arith.constant 0 : i32
    %dma_wait3A_197 = tpu.memref_slice %arg4[%min3A_193, %dma_wait3A_196] : memref<1024x8192xf32, #tpu.memory_space<hbm>> -> memref<1x8192xf32, #tpu.memory_space<hbm>>
    tpu.wait_dma2 semaphore(%arg23 : memref<!tpu.dma_semaphore, #tpu.memory_space<semaphore_mem>>) src(%dma_wait3A_197 : memref<1x8192xf32, #tpu.memory_space<hbm>>) dst(%arg10 : memref<1x8192xf32, #tpu.memory_space<vmem>>)
    return
  }
}

</mosaic_0001>

<sc_bundles>
// kernel: kernel.3.cloned.1.call-start
scs
__scs_entry_jumppad:
0x0: {  	(pc) =	sbr.rel $0x88, $3  }
0x1: {  	(tag) =	ssettag $0x0;
	lr =	simm.s32 $0x1  }
0x2: {  	[smem:$0x3F9E] =	sst lr;
	_ =	strace $0xD0000000  }
0x3: {  	_ = 	snop  }
0x4: {  	_ = 	snop  }
0x5: {  	_ = 	snop  }
0x6: {  	_ = 	snop  }
0x7: {  	_ = 	snop  }
__scs_overlays_trampoline_lowered:
0x8: {  	[smem:$0x3FAD] =	sst s0  }
0x9: {  	[smem:$0x3FAE] =	sst s1  }
0xa: {  	[smem:$0x3FAF] =	sst s2  }
0xb: {  	[smem:$0x3FB0] =	sst s3  }
0xc: {  	[smem:$0x3FB1] =	sst s4  }
0xd: {  	[smem:$0x3FB2] =	sst s5  }
0xe: {  	[smem:$0x3FB3] =	sst s6  }
0xf: {  	[smem:$0x3FB4] =	sst s7  }
0x10: {  	[smem:$0x3FB5] =	sst s8  }
0x11: {  	[smem:$0x3FB6] =	sst s9;
	s0 =	simm.s32 @!p0 $0x0  }
0x12: {  	s1 =	sld [smem:$0x3F9C];
	s0 =	simm.s32 @p0 $0x1  }
0x13: {  	[smem:$0x3FB7] =	sst s0;
	s0 =	simm.s32 @!p1 $0x0  }
0x14: {  	s2 =	sld [smem:$0x3F9B];
	s0 =	simm.s32 @p1 $0x1  }
0x15: {  	[smem:$0x3FB8] =	sst s0;
	s0 =	simm.s32 @!p2 $0x0  }
0x16: {  	s3 =	sld [smem:$0x3FDB];
	s0 =	simm.s32 @p2 $0x1  }
0x17: {  	s4 =	simm.s32 $0x1BF5;
	[smem:$0x3FBA] =	sst s0  }
0x18: {  	s0 =	sld [smem:$0x3F9D];
	_ =	swait.ge [sflag:s4], $0x0  }
0x19: {  	s7 =	sld [smem:$0x3F9E]  }
0x1a: {  	s8 =	sadd.s32 $0xFFFFE003, lr  }
0x1b: {  	s9 =	sadd.s32 $0xFFFFFEF7, lr;
	s5 =	simm.s32 $0xFFFFFFFF;
	p2 =	slt.u32 s8, $0xFFFFF086  }
0x1c: {  	p1 =	slt.u32 s9, $0xF7A;
	s5 =	simm.s32 @!p2 $0x0  }
0x1d: {  	s5 =	simm.s32 @p1 $0x1;
	p0 =	seq.s32 s7, s2  }
0x1e: {  	s7 =	smul.u32 @!p0 $0xF7A, s2;
	p2 =	seq.s32 @!p0 s5, $0x0  }
0x1f: {  	s9 =	smul.u32 $0xF7A, s1;
	s8 =	simm.s32 @!p0 $0x1BF5;
	p2 =	por !p2, p0  }
0x20: {  	[sflag:s8] =	ssyncset.s32 @!p0 $0xFFFFF086;
	s6 =	sadd.s32 @!p0 s3, s7;
	s7 =	simm.s32 @!p0 $0x108  }
0x21: {  	s3 =	sadd.s32 s3, s9;
	s6 =	sadd.s32 @!p0 $0x88, s6;
	s7 =	simm.s32 @p2 $0x1082  }
0x22: {  	[simem:s7], [sflag:s8] =	dma.local @!p0 [hbm:s6], $0xF7A  }
0x23: {  	s9 =	sor.u32 $0xD0000000, s2;
	s6 =	simm.s32 $0x108;
	_ =	swait.ge @!p0 [sflag:s8], $0x0  }
0x24: {  	s3 =	sadd.s32 $0x88, s3;
	s6 =	simm.s32 @!p1 $0x1082;
	[sflag:s4] =	ssyncset.s32 $0xFFFFF086  }
0x25: {  	[simem:s6], [sflag:s4] =	dma.local [hbm:s3], $0xF7A  }
0x26: {  	[smem:$0x3F9E] =	sst s1;
	(tag) =	ssettag s2;
	_ =	strace s9  }
0x27: {  	s1 =	sld [smem:$0x3FAE]  }
0x28: {  	s2 =	sld [smem:$0x3FAF]  }
0x29: {  	s4 =	sld [smem:$0x3FB1]  }
0x2a: {  	p0 =	seq.s32 s5, $0x0;
	s5 =	sld [smem:$0x3FB2]  }
0x2b: {  	s6 =	sld [smem:$0x3FB3]  }
0x2c: {  	s7 =	sld [smem:$0x3FB4]  }
0x2d: {  	s3 =	simm.s32 $0x108;
	s8 =	sld [smem:$0x3FB5]  }
0x2e: {  	s3 =	simm.s32 @!p0 $0x1082;
	s9 =	sld [smem:$0x3FB6]  }
0x2f: {  	lr =	sadd.s32 s0, s3;
	s0 =	sld [smem:$0x3FAD]  }
0x30: {  	s3 =	sld [smem:$0x3FB0]  }
0x31: {  	[smem:$0x3FB9] =	sst s10  }
0x32: {  	s10 =	sld [smem:$0x3FB7];
	_ =	sdelay $0x3  }
0x33: {  	p0 =	seq.s32 s10, $0x1;
	s10 =	sld [smem:$0x3FB9];
	_ =	sdelay $0x3  }
0x34: {  	[smem:$0x3FB9] =	sst s10  }
0x35: {  	s10 =	sld [smem:$0x3FB8];
	_ =	sdelay $0x3  }
0x36: {  	p1 =	seq.s32 s10, $0x1;
	s10 =	sld [smem:$0x3FB9];
	_ =	sdelay $0x3  }
0x37: {  	[smem:$0x3FB9] =	sst s10  }
0x38: {  	s10 =	sld [smem:$0x3FBA]  }
0x39: {  	_ = 	snop;
	(pc) =	sbr.ind lr, $3  }
0x3a: {  	_ = 	snop  }
0x3b: {  	_ = 	snop  }
0x3c: {  	p2 =	seq.s32 s10, $0x1;
	s10 =	sld [smem:$0x3FB9]  }
0x3d: {  	_ =	shalt  }
0x3e: {  	_ =	shalt  }
0x3f: {  	_ =	shalt  }
0x40: {  	_ =	shalt  }
0x41: {  	_ =	shalt  }
0x42: {  	_ =	shalt  }
0x43: {  	_ =	shalt  }
0x44: {  	_ =	shalt  }
0x45: {  	_ =	shalt  }
0x46: {  	_ =	shalt  }
0x47: {  	_ =	shalt  }
0x48: {  	_ =	shalt  }
0x49: {  	_ =	shalt  }
0x4a: {  	_ =	shalt  }
0x4b: {  	_ =	shalt  }
0x4c: {  	_ =	shalt  }
0x4d: {  	_ =	shalt  }
0x4e: {  	_ =	shalt  }
0x4f: {  	_ =	shalt  }
0x50: {  	_ =	shalt  }
0x51: {  	_ =	shalt  }
0x52: {  	_ =	shalt  }
0x53: {  	_ =	shalt  }
0x54: {  	_ =	shalt  }
0x55: {  	_ =	shalt  }
0x56: {  	_ =	shalt  }
0x57: {  	_ =	shalt  }
0x58: {  	_ =	shalt  }
0x59: {  	_ =	shalt  }
0x5a: {  	_ =	shalt  }
0x5b: {  	_ =	shalt  }
0x5c: {  	_ =	shalt  }
0x5d: {  	_ =	shalt  }
0x5e: {  	_ =	shalt  }
0x5f: {  	_ =	shalt  }
0x60: {  	_ =	shalt  }
0x61: {  	_ =	shalt  }
0x62: {  	_ =	shalt  }
0x63: {  	_ =	shalt  }
0x64: {  	_ =	shalt  }
0x65: {  	_ =	shalt  }
0x66: {  	_ =	shalt  }
0x67: {  	_ =	shalt  }
0x68: {  	_ =	shalt  }
0x69: {  	_ =	shalt  }
0x6a: {  	_ =	shalt  }
0x6b: {  	_ =	shalt  }
0x6c: {  	_ =	shalt  }
0x6d: {  	_ =	shalt  }
0x6e: {  	_ =	shalt  }
0x6f: {  	_ =	shalt  }
0x70: {  	_ =	shalt  }
0x71: {  	_ =	shalt  }
0x72: {  	_ =	shalt  }
0x73: {  	_ =	shalt  }
0x74: {  	_ =	shalt  }
0x75: {  	_ =	shalt  }
0x76: {  	_ =	shalt  }
0x77: {  	_ =	shalt  }
0x78: {  	_ =	shalt  }
0x79: {  	_ =	shalt  }
0x7a: {  	_ =	shalt  }
0x7b: {  	_ =	shalt  }
0x7c: {  	_ =	shalt  }
0x7d: {  	_ =	shalt  }
0x7e: {  	_ =	shalt  }
0x7f: {  	_ =	shalt  }
0x80: {  	_ =	shalt  }
0x81: {  	_ =	shalt  }
0x82: {  	_ =	shalt  }
0x83: {  	_ =	shalt  }
0x84: {  	_ =	shalt  }
0x85: {  	_ =	shalt  }
0x86: {  	_ =	shalt  }
0x87: {  	_ =	shalt  }
.Lfunc_end0:
.L_simem_size_0:
called_computation_lowered:
.L_overlay_start_0:
0x88: {  	s2 =	sld [smem:$0x3FD9]  }
0x89: {  	s3 =	sld [smem:$0x3FFE];
	_ =	sdelay $0x1  }
0x8a: {  	s1 =	srdreg.scid  }
0x8b: {  	s0 =	sand.u32 $0x1, s1  }
0x8c: {  	s14 =	sshll.u32 s0, $0xA;
	s2 =	sadd.s32 s3, s2  }
0x8d: {  	s2 =	sadd.s32 s2, s14  }
0x8e: {  	[smem:$0x3FC5] =	sst s2  }
0x8f: {  	_ = 	snop  }
0x90: {  	s2 =	sld [smem:$0x3FD0];
	_ =	sdelay $0x2  }
0x91: {  	s4 =	simm.s32 $0xA;
	s5 =	simm.s32 $0x10;
	s15 =	sld [smem:$0x3FC7]  }
0x92: {  	[smem:s5], [sflag:s4] =	dma.local [hbm:s2], $0x1  }
0x93: {  	_ =	swait.eq [sflag:s4], $0x1  }
0x94: {  	[sflag:s4] =	ssyncset.done $0x0  }
0x95: {  	[sflag:s4] =	ssyncadd.s32 $0xFFFFFFFF  }
0x96: {  	s16 =	sld [smem:$0x11];
	(tm) =	ssettm $0x1  }
0x97: {  	s17 =	sld [smem:$0x3FFB];
	_ =	sdelay $0x3  }
0x98: {  	_ =	strace s17  }
0x99: {  	s4 =	sld [smem:$0x3FFC];
	_ =	sdelay $0x3  }
0x9a: {  	_ =	strace s4  }
0x9b: {  	s4 =	sld [smem:$0x3FFD];
	_ =	sdelay $0x3  }
0x9c: {  	_ =	strace s4  }
0x9d: {  	_ =	strace $0x8FFFFFFF  }
0x9e: {  	s18 =	sld [smem:$0x3FDB];
	_ =	sdelay $0x1  }
0x9f: {  	s19 =	simm.s32 $_scs_section_size  }
0xa0: {  	s6 =	simm.s32 $_size__tile_overlayer_lowered;
	s7 =	simm.s32 $_tile_overlayer_lowered  }
0xa1: {  	s22 =	simm.s32 $0x1BFF;
	s21 =	sshll.u32 s7, $0x1;
	s4 =	sadd.s32 s19, s18  }
0xa2: {  	s8 =	simm.s32 $0x0;
	s20 =	sshll.u32 s6, $0x1;
	s6 =	sadd.s32 s21, s4  }
0xa3: {  	[timem:s8], [sflag:s22] =	dma.local [hbm:s6], s20  }
0xa4: {  	_ =	swait.ge [sflag:s22], s20  }
0xa5: {  	s5 =	ssub.s32 $0x0, s20;
	[sflag:s22] =	ssyncset.done $0x0  }
0xa6: {  	[sflag:s22] =	ssyncadd.s32 s5;
	_ =	sdelay $0x1  }
0xa7: {  	s23 =	simm.s32 $0x1B8B  }
0xa8: {  	_ =	swait.ge [sflag:s23], $0x1  }
0xa9: {  	[sflag:s23] =	ssyncset.done $0x0  }
0xaa: {  	s25 =	simm.s32 $0x1B8E;
	s24 =	sld [smem:$0x3FFE];
	[sflag:s23] =	ssyncadd.s32 $0xFFFFFFFF  }
0xab: {  	s26 =	simm.s32 $execute0_lowered;
	[smem:$0x3FD2] =	sst s25  }
0xac: {  	s6 =	sshll.u32 s26, $0x1;
	_ =	strace $0x80000046;
	[dreg:$0x1] =	wrdreg $0xFFFFFFFF  }
0xad: {  	s28 =	simm.s32 $_size_execute0_lowered;
	s4 =	sadd.s32 s4, s6;
	[dreg:$0x0] =	wrdreg $0x0  }
0xae: {  	s6 =	sshll.u32 s28, $0x1;
	[dreg:$0x2] =	wrdreg s4  }
0xaf: {  	[dreg:$0x3] =	wrdreg s6  }
0xb0: {  	[dreg:$0x4] =	wrdreg $0xC0  }
0xb1: {  	_ =	task [dreg:s8], $0x5FFFF  }
0xb2: {  	[dreg:$0x1] =	wrdreg $0xFFFFFFFF  }
0xb3: {  	[dreg:$0x0] =	wrdreg $0x60  }
0xb4: {  	[dreg:$0x2] =	wrdreg s24  }
0xb5: {  	[dreg:$0x3] =	wrdreg s15  }
0xb6: {  	[dreg:$0x4] =	wrdreg s16  }
0xb7: {  	[dreg:$0x5] =	wrdreg $0x9  }
0xb8: {  	_ =	task.clear_ibuf [dreg:s8], $0x6FFFF;
	_ =	strace $0x90000046  }
0xb9: {  	s29 =	simm.s32 $0x9;
	_ =	strace $0x80000048  }
0xba: {  	_ =	swait.ge [sflag:s29], $0x1  }
0xbb: {  	[sflag:s29] =	ssyncadd.s32 $0xFFFFFFFF  }
0xbc: {  	_ =	strace $0x90000048  }
0xbd: {  	_ =	sfence  }
0xbe: {  	s30 =	sld [smem:$0x0];
	_ =	sdelay $0x2  }
0xbf: {  	s31 =	sshll.u32 s1, $0xD;
	s1 =	sshrl.u32 s1, $0x2  }
0xc0: {  	s3 =	sand.u32 $0x4000, s31;
	s1 =	sadd.s32 s1, s30  }
0xc1: {  	s0 =	sor.u32 s3, s0;
	s1 =	sshll.u32 s1, $0x11  }
0xc2: {  	s0 =	sor.u32 s1, s0  }
0xc3: {  	s0 =	sadd.s32 $0x8F2B, s0  }
0xc4: {  	[sflag:s0] =	ssyncadd.remote.s32 $0x1  }
0xc5: {  	_ =	sfence.sel $0xFFFF  }
0xc6: {  	[dreg:$0x0] =	wrdreg $0xFFFFFFFF;
	(pc) =	sbr.abs _section_cstart, $3  }
0xc7: {  	[dreg:$0x1] =	wrdreg $0xFFFFFFFF  }
0xc8: {  	_ =	task.clear_ibuf [dreg:s8], $0x2FFFF;
	_ =	strace $0x9FFFFFFF  }
0xc9: {  	(tm) =	ssettm $0x7FFFFFFF  }
tec
execute0_lowered:
.L_overlay_start_1:
0x0: {  	(tag) =	ssettag $0x1  }
0x1: {  	s5 =	rddreg [dreg:$0x0]  }
0x2: {  	s0 =	srdreg.scid;
	s28 =	rddreg [dreg:$0x1]  }
0x3: {  	s3 =	stileid.u32;
	s19 =	rddreg [dreg:$0x2];
	s4 =	simm.s32 $0x0  }
0x4: {  	s29 =	simm.s32 $0x2;
	s2 =	sand.u32 $0x1, s0;
	[smem:$0x7FF] =	sst s4  }
0x5: {  	s8 =	sadd.s32 $0x5800, s5;
	s31 =	sadd.s32 $0x400, s19;
	s0 =	sshll.u32 s2, $0x4  }
0x6: {  	_ =	strace $0x80000047;
	s1 =	sor.u32 s3, s0;
	s0 =	sand.u32 $0x7, s3  }
0x7: {  	s2 =	ssub.s32 $0x2, s2;
	p0 =	seq.s32 s1, $0x0;
	p1 =	sne.s32 s0, $0x0  }
0x8: {  	s3 =	simm.s32 $0x1;
	s10 =	sshrl.u32 s2, $0x1;
	p0 =	por !p1, !p0  }
0x9: {  	s1 =	sshrl.u32 s1, $0x3;
	s6 =	sshll.u32 s0, $0x8;
	p0 =	por !p0, !p0  }
0xa: {  	s2 =	ssub.s32 s2, s10;
	s24 =	sshll.u32 s0, $0x5;
	s3 =	simm.s32 @!p0 $0x0  }
0xb: {  	s17 =	sshll.u32 s0, $0xB;
	[dreg:$0x4] =	wrdreg s24;
	s4 =	ssub.s32 s1, s3  }
0xc: {  	s3 =	sadd.s32 $0x1800, s5;
	s1 =	sadd.s32 $0x800, s5;
	s7 =	sshll.u32 s4, $0xB  }
0xd: {  	s9 =	smul.u32 $0x180, s4;
	s22 =	sshll.u32 s4, $0x10;
	s6 =	sor.u32 s6, s7  }
0xe: {  	s7 =	smul.u32 $0x3, s4;
	s23 =	sor.u32 s17, s22;
	s6 =	sshrl.u32 s6, $0x3  }
0xf: {  	s9 =	sand.u32 $0x380, s9;
	s25 =	sshrl.u32 s23, $0x3;
	s5 =	sadd.s32 s6, s5  }
0x10: {  	s30 =	sshrl.u32 s7, $0x3;
	s18 =	sadd.s32 $0x1, s7;
	s13 =	sadd.s32 $0x2, s7  }
0x11: {  	s7 =	sadd.s32 s0, s7;
	s11 =	sshll.u32 s30, $0x10;
	s12 =	sshrl.u32 s18, $0x3  }
0x12: {  	s15 =	sshll.u32 s13, $0x7;
	s13 =	sshrl.u32 s13, $0x3;
	s6 =	sshll.u32 s30, $0xE  }
0x13: {  	s5 =	sadd.s32 $0xD800, s5;
	s10 =	sor.u32 s9, s11;
	s11 =	sshll.u32 s18, $0x7  }
0x14: {  	s14 =	sshll.u32 s12, $0x10;
	s15 =	sand.u32 $0x380, s15;
	s16 =	sshll.u32 s13, $0x10  }
0x15: {  	s6 =	sor.u32 s17, s6;
	s12 =	sshll.u32 s12, $0xE;
	s21 =	sshll.u32 s13, $0xE  }
0x16: {  	[dreg:$0xd] =	wrdreg s5;
	s11 =	sand.u32 $0x380, s11;
	s16 =	sor.u32 s15, s16  }
0x17: {  	s18 =	sor.u32 s9, s6;
	s20 =	sor.u32 s17, s12;
	s9 =	sor.u32 s17, s21  }
0x18: {  	s6 =	sshll.u32 s4, $0x8;
	s12 =	sshrl.u32 s22, $0x3;
	s10 =	sshrl.u32 s10, $0x3  }
0x19: {  	s14 =	sor.u32 s11, s14;
	s11 =	sor.u32 s11, s20;
	s15 =	sor.u32 s15, s9  }
0x1a: {  	s13 =	sor.u32 s24, s6;
	s9 =	sadd.s32 s8, s25;
	s20 =	sadd.s32 s8, s12  }
0x1b: {  	s10 =	sadd.s32 s3, s10;
	s23 =	sshrl.u32 s16, $0x3;
	s24 =	sshrl.u32 s18, $0x3  }
0x1c: {  	s18 =	smul.u32 $0x1030000, s4;
	s16 =	sadd.s32 $0x1000, s19;
	[dreg:$0x5] =	wrdreg s9  }
0x1d: {  	p0 =	slt.s32 s13, $0x3FF;
	s17 =	sor.u32 $0x1, s13;
	[dreg:$0x7] =	wrdreg s10  }
0x1e: {  	s22 =	sshrl.u32 s14, $0x3;
	s25 =	sadd.s32 s1, s24;
	[dreg:$0x14] =	wrdreg s16  }
0x1f: {  	[dreg:$0x6] =	wrdreg s20;
	s16 =	simm.s32 $0x16400;
	s13 =	simm.s32 @!p0 $0x3FF  }
0x20: {  	p0 =	slt.s32 s17, $0x3FF;
	s10 =	sadd.s32 s3, s22;
	[dreg:$0xa] =	wrdreg s25  }
0x21: {  	s22 =	sadd.s32 $0x60000, s18;
	s25 =	sadd.s32 $0xC00, s19;
	s26 =	sshll.u32 s13, $0xD  }
0x22: {  	s30 =	sshll.u32 s13, $0x7;
	s17 =	simm.s32 @!p0 $0x3FF;
	[dreg:$0x8] =	wrdreg s10  }
0x23: {  	s10 =	sadd.s32 s3, s23;
	p0 =	sgt.u32 s0, $0x2;
	[dreg:$0x17] =	wrdreg s22  }
0x24: {  	s23 =	sadd.s32 $0x400, s20;
	[dreg:$0x1a] =	wrdreg s25;
	s25 =	simm.s32 $0x18400  }
0x25: {  	s20 =	simm.s32 $0x14400;
	s22 =	simm.s32 $0x4;
	s8 =	sand.u32 $0xFFFF0000, s26  }
0x26: {  	s9 =	sand.u32 $0x380, s30;
	s12 =	sshll.u32 s17, $0xD;
	s13 =	sshll.u32 s17, $0x7  }
0x27: {  	s17 =	sshrl.u32 s7, $0x3;
	s7 =	sshll.u32 s7, $0x7;
	[dreg:$0x9] =	wrdreg s10  }
0x28: {  	s26 =	sshrl.u32 s11, $0x3;
	s30 =	sshrl.u32 s15, $0x3;
	s15 =	sadd.s32 $0x800, s19  }
0x29: {  	[dreg:$0x18] =	wrdreg s23;
	s23 =	simm.s32 $0xE100;
	s8 =	sor.u32 s9, s8  }
0x2a: {  	v0 =	vimm.s32 $0x0;
	v1 =	vlaneseq.u32;
	s9 =	sand.u32 $0xFFFF0000, s12;
	s12 =	sand.u32 $0x380, s13;
	s21 =	sshll.u32 s17, $0x10  }
0x2b: {  	v2 =	vimm.s32 $0xB80;
	vm0 =	vcmask $0x300;
	v3 =	vimm.s32 $0x1B80;
	s7 =	sand.u32 $0x380, s7;
	s10 =	sadd.s32 s1, s26;
	[dreg:$0x13] =	wrdreg s15  }
0x2c: {  	vm1 =	vcmask $0x704;
	v2 =	vsel vm0, $0x0, v2;
	v3 =	vsel vm0, $0x1000, v3;
	s26 =	sadd.s32 $0x1400, s19;
	s15 =	simm.s32 $0x12400;
	s12 =	sor.u32 s12, s9  }
0x2d: {  	vm15 =	vcmask $0xB08;
	v2 =	vsel vm1, $0x80, v2;
	v3 =	vsel vm1, $0x1080, v3;
	s9 =	sshll.u32 s17, $0xE;
	s13 =	sor.u32 s7, s21;
	[dreg:$0xb] =	wrdreg s10  }
0x2e: {  	vm4 =	vcmask $0xF0C;
	v2 =	vsel vm15, $0x100, v2;
	v3 =	vsel vm15, $0x1100, v3;
	s8 =	sshrl.u32 s8, $0x3;
	s10 =	sadd.s32 s1, s30;
	s17 =	smax.u32 s2, $0x1  }
0x2f: {  	vm5 =	vcmask $0x1310;
	v2 =	vsel vm4, $0x180, v2;
	v3 =	vsel vm4, $0x1180, v3;
	s21 =	sadd.s32 $0x1800, s19;
	[dreg:$0x1b] =	wrdreg s26;
	s30 =	sadd.s32 $0x1C00, s19  }
0x30: {  	vm6 =	vcmask $0x1714;
	v2 =	vsel vm5, $0x200, v2;
	v3 =	vsel vm5, $0x1200, v3;
	s19 =	simm.s32 $0x1A500;
	s7 =	sor.u32 s7, s9;
	[dreg:$0xc] =	wrdreg s10  }
0x31: {  	vm7 =	vcmask $0x1B18;
	v2 =	vsel vm6, $0x280, v2;
	v3 =	vsel vm6, $0x1280, v3;
	s9 =	simm.s32 $0x1;
	s8 =	sadd.s32 s28, s8;
	[dreg:$0x15] =	wrdreg s17  }
0x32: {  	vm8 =	vcmask $0x1F1C;
	v2 =	vsel vm7, $0x300, v2;
	v3 =	vsel vm7, $0x1300, v3;
	s10 =	sshrl.u32 s12, $0x3;
	s11 =	sshrl.u32 s13, $0x3;
	[dreg:$0x16] =	wrdreg s21  }
0x33: {  	vm9 =	vcmask $0x2320;
	v2 =	vsel vm8, $0x380, v2;
	v3 =	vsel vm8, $0x1380, v3;
	s13 =	sshll.u32 s0, $0x10;
	[dreg:$0x1c] =	wrdreg s30;
	s21 =	simm.s32 $0x80  }
0x34: {  	vm10 =	vcmask $0x2724;
	v2 =	vsel vm9, $0x800, v2;
	v3 =	vsel vm9, $0x1800, v3;
	s17 =	simm.s32 $0x3;
	[dreg:$0xe] =	wrdreg s8;
	s3 =	sadd.s32 s3, s11  }
0x35: {  	vm11 =	vcmask $0x2B28;
	v2 =	vsel vm10, $0x880, v2;
	v3 =	vsel vm10, $0x1880, v3;
	s12 =	sshrl.u32 s7, $0x3;
	s5 =	sadd.s32 s28, s10;
	s14 =	sadd.s32 s13, s18  }
0x36: {  	vm12 =	vcmask $0x2F2C;
	v2 =	vsel vm11, $0x900, v2;
	v3 =	vsel vm11, $0x1900, v3;
	s7 =	simm.s32 $0x400;
	s10 =	simm.s32 $0x8000;
	[dreg:$0xf] =	wrdreg s3  }
0x37: {  	vm13 =	vcmask $0x3330;
	v2 =	vsel vm12, $0x980, v2;
	v3 =	vsel vm12, $0x1980, v3;
	s13 =	simm.s32 $0xC000;
	s8 =	simm.s32 $0x10400;
	[dreg:$0x10] =	wrdreg s5  }
0x38: {  	vm14 =	vcmask $0x3734;
	v2 =	vsel vm13, $0xA00, v2;
	v3 =	vsel vm13, $0x1A00, v3;
	s1 =	sadd.s32 s1, s12;
	[dreg:$0x12] =	wrdreg s14;
	s12 =	simm.s32 $0xA000  }
0x39: {  	vm15 =	vcmask $0x3B38;
	v2 =	vsel vm14, $0xA80, v2;
	v4 =	vsel vm14, $0x1A80, v3;
	s14 =	simm.s32 $0xE000;
	[dreg:$0x11] =	wrdreg s1;
	s24 =	sadd.s32 $0x400, s1  }
0x3a: {  	v3 =	vor.u32 $0x10, v1;
	v2 =	vsel vm15, $0xB00, v2;
	v4 =	vsel vm15, $0x1B00, v4;
	s1 =	simm.s32 $0x0;
	[dreg:$0x19] =	wrdreg s24;
	s24 =	simm.s32 $0xE200  }
.LBB2_1:
0x3b: {  	[dreg:$0x1d] =	wrdreg s1  }
0x3c: {  	s0 =	rddreg [dreg:$0x7];
	s3 =	simm.s32 $0x5  }
0x3d: {  	[tilespmem:s10], [sflag:$0x5] =	stream.strided.gather [hbm4b:s0+s21], $0x2000, s7, s21, $0x38;
	[tilespmem:$0x1A580] =	vst v63  }
0x3e: {  	_ =	swait.ge [sflag:s3], $0x2000  }
0x3f: {  	[sflag:s3] =	ssyncset.done $0x0  }
0x40: {  	s4 =	rddreg [dreg:$0x8];
	[sflag:s3] =	ssyncadd.s32 $0xFFFFE000  }
0x41: {  	[tilespmem:s12], [sflag:$0x5] =	stream.strided.gather [hbm4b:s4+s21], $0x2000, s7, s21, $0x38;
	[tilespmem:$0x1A580] =	vst v63  }
0x42: {  	_ =	swait.ge [sflag:s3], $0x2000  }
0x43: {  	[sflag:s3] =	ssyncset.done $0x0  }
0x44: {  	s5 =	rddreg [dreg:$0x9];
	[sflag:s3] =	ssyncadd.s32 $0xFFFFE000  }
0x45: {  	[tilespmem:s13], [sflag:$0x5] =	stream.strided.gather [hbm4b:s5+s21], $0x2000, s7, s21, $0x38;
	[tilespmem:$0x1A580] =	vst v63  }
0x46: {  	_ =	swait.ge [sflag:s3], $0x2000  }
0x47: {  	[sflag:s3] =	ssyncset.done $0x0  }
0x48: {  	s11 =	rddreg [dreg:$0xa];
	[sflag:s3] =	ssyncadd.s32 $0xFFFFE000  }
0x49: {  	[tilespmem:s14], [sflag:$0x5] =	stream.strided.gather [hbm4b:s11+s21], $0x100, s7, s21, $0x38;
	[tilespmem:$0x1A580] =	vst v63  }
0x4a: {  	_ =	swait.ge [sflag:s3], $0x100  }
0x4b: {  	[sflag:s3] =	ssyncset.done $0x0  }
0x4c: {  	s26 =	rddreg [dreg:$0xb];
	[sflag:s3] =	ssyncadd.s32 $0xFFFFFF00  }
0x4d: {  	[tilespmem:s23], [sflag:$0x5] =	stream.strided.gather [hbm4b:s26+s21], $0x100, s7, s21, $0x38;
	[tilespmem:$0x1A580] =	vst v63  }
0x4e: {  	_ =	swait.ge [sflag:s3], $0x100  }
0x4f: {  	[sflag:s3] =	ssyncset.done $0x0  }
0x50: {  	s30 =	rddreg [dreg:$0xc];
	[sflag:s3] =	ssyncadd.s32 $0xFFFFFF00  }
0x51: {  	[tilespmem:s24], [sflag:$0x5] =	stream.strided.gather [hbm4b:s30+s21], $0x100, s7, s21, $0x38;
	[tilespmem:$0x1A580] =	vst v63  }
0x52: {  	_ =	swait.ge [sflag:s3], $0x100  }
0x53: {  	[sflag:s3] =	ssyncset.done $0x0  }
0x54: {  	[sflag:s3] =	ssyncadd.s32 $0xFFFFFF00;
	s3 =	simm.s32 $0x0  }
.LBB2_2:
0x55: {  	v5 =	vmov s3;
	_ =	sdelay $0x4  }
0x56: {  	v6 =	vld.idx.msk [tilespmem:v5+s14+$0x0], $0xffff  }
0x57: {  	s0 =	simm.s32 $0x0;
	s2 =	simm.s32 $0xA020;
	v7 =	vld.idx.msk [tilespmem:v5+s23+$0x0], $0xffff  }
0x58: {  	s4 =	simm.s32 $0xC020;
	s5 =	simm.s32 $0x8020;
	s11 =	simm.s32 $0x0;
	v8 =	vld.idx.msk [tilespmem:v5+s24+$0x0], $0xffff  }
.LBB2_3:
0x59: {  	v9 =	vld [tilespmem:s5+$0xFFFFFFE0]  }
0x5a: {  	v10 =	vld [tilespmem:s2+$0xFFFFFFE0];
	_ =	sdelay $0x1  }
0x5b: {  	v11 =	vld [tilespmem:s4+$0xFFFFFFE0];
	_ =	sdelay $0x2  }
0x5c: {  	v9 =	vsub.f32 v9, v6;
	v10 =	vsub.f32 v10, v7;
	_ =	sdelay $0x1  }
0x5d: {  	v11 =	vsub.f32 v11, v8;
	v9 =	vmul.f32 v9, v9;
	v10 =	vmul.f32 v10, v10;
	_ =	sdelay $0x1  }
0x5e: {  	v9 =	vadd.f32 v10, v9;
	v10 =	vmul.f32 v11, v11;
	_ =	sdelay $0x1  }
0x5f: {  	v9 =	vadd.f32 v10, v9;
	_ =	sdelay $0x1  }
0x60: {  	vm0 =	vge.f32 v9, $6.399999860e-01;
	vm1 =	vlt.f32 v9, $2.559999940e+00  }
0x61: {  	vm0 =	vmand vm0, vm1  }
0x62: {  	v9 =	vsel vm0, $0x1, v0  }
0x63: {  	(xrf0) =	vadd.scan.msk.s32 $0xffff, v9;
	_ =	sdelay $0x4  }
0x64: {  	v9 =	vsel vm0, $0xFFFFFFFF, v0  }
0x65: {  	v9 =	vadd.s32 s0, v9;
	v10, _, _ =	vpop (xrf0)  }
0x66: {  	v9 =	vadd.s32 v10, v9;
	_ =	sdelay $0x3  }
0x67: {  	v10 =	vor.u32 s11, v1  }
0x68: {  	[tilespmem:v9+s19+$0x0] =	vst.idx.msk vm0, v10  }
0x69: {  	v9 =	vld [tilespmem:s5+$0xFFFFFFF0]  }
0x6a: {  	v10 =	vld [tilespmem:s2+$0xFFFFFFF0];
	_ =	sdelay $0x1  }
0x6b: {  	v11 =	vmpcnt.ones.xlane vm0;
	v12 =	vld [tilespmem:s4+$0xFFFFFFF0];
	_ =	sdelay $0x1  }
0x6c: {  	(v2sf) =	vpush v11, $0x0  }
0x6d: {  	v9 =	vsub.f32 v9, v6;
	v10 =	vsub.f32 v10, v7;
	_ =	sdelay $0x1  }
0x6e: {  	v11 =	vsub.f32 v12, v8;
	v9 =	vmul.f32 v9, v9;
	v10 =	vmul.f32 v10, v10;
	_ =	sdelay $0x1  }
0x6f: {  	v9 =	vadd.f32 v10, v9;
	v10 =	vmul.f32 v11, v11;
	_ =	sdelay $0x1  }
0x70: {  	v9 =	vadd.f32 v10, v9;
	_ =	sdelay $0x1  }
0x71: {  	vm10 =	vge.f32 v9, $6.399999860e-01;
	vm11 =	vlt.f32 v9, $2.559999940e+00  }
0x72: {  	vm0 =	vmand vm10, vm11  }
0x73: {  	v9 =	vsel vm0, $0x1, v0  }
0x74: {  	(xrf0) =	vadd.scan.msk.s32 $0xffff, v9;
	_ =	sdelay $0x3  }
0x75: {  	s1 =	spop (v2sf)  }
0x76: {  	s0 =	sadd.s32 s0, s1;
	v9 =	vsel vm0, $0xFFFFFFFF, v0  }
0x77: {  	v9 =	vadd.s32 s0, v9;
	v10, _, _ =	vpop (xrf0)  }
0x78: {  	v9 =	vadd.s32 v10, v9;
	_ =	sdelay $0x2  }
0x79: {  	s26 =	sadd.s32 $0x10, s11  }
0x7a: {  	v10 =	vor.u32 s26, v1  }
0x7b: {  	[tilespmem:v9+s19+$0x0] =	vst.idx.msk vm0, v10  }
0x7c: {  	v9 =	vld [tilespmem:s5+$0x0]  }
0x7d: {  	v10 =	vld [tilespmem:s2+$0x0];
	_ =	sdelay $0x1  }
0x7e: {  	v11 =	vmpcnt.ones.xlane vm0;
	v63 =	vld [tilespmem:s4+$0x0];
	_ =	sdelay $0x1  }
0x7f: {  	(v2sf) =	vpush v11, $0x0  }
0x80: {  	v9 =	vsub.f32 v9, v6;
	v10 =	vsub.f32 v10, v7;
	_ =	sdelay $0x1  }
0x81: {  	v11 =	vsub.f32 v63, v8;
	v9 =	vmul.f32 v9, v9;
	v10 =	vmul.f32 v10, v10;
	_ =	sdelay $0x1  }
0x82: {  	v9 =	vadd.f32 v10, v9;
	v10 =	vmul.f32 v11, v11;
	_ =	sdelay $0x1  }
0x83: {  	v9 =	vadd.f32 v10, v9;
	_ =	sdelay $0x1  }
0x84: {  	vm12 =	vge.f32 v9, $6.399999860e-01;
	vm13 =	vlt.f32 v9, $2.559999940e+00  }
0x85: {  	vm0 =	vmand vm12, vm13  }
0x86: {  	v9 =	vsel vm0, $0x1, v0  }
0x87: {  	(xrf0) =	vadd.scan.msk.s32 $0xffff, v9;
	_ =	sdelay $0x3  }
0x88: {  	s30 =	spop (v2sf)  }
0x89: {  	s0 =	sadd.s32 s0, s30;
	v9 =	vsel vm0, $0xFFFFFFFF, v0  }
0x8a: {  	v9 =	vadd.s32 s0, v9;
	v10, _, _ =	vpop (xrf0)  }
0x8b: {  	v9 =	vadd.s32 v10, v9;
	_ =	sdelay $0x2  }
0x8c: {  	s26 =	sadd.s32 $0x20, s11  }
0x8d: {  	v10 =	vor.u32 s26, v1  }
0x8e: {  	[tilespmem:v9+s19+$0x0] =	vst.idx.msk vm0, v10  }
0x8f: {  	v9 =	vld [tilespmem:s5+$0x10]  }
0x90: {  	v10 =	vld [tilespmem:s2+$0x10];
	_ =	sdelay $0x1  }
0x91: {  	v11 =	vld [tilespmem:s4+$0x10];
	_ =	sdelay $0x2  }
0x92: {  	v9 =	vsub.f32 v9, v6;
	v10 =	vsub.f32 v10, v7;
	_ =	sdelay $0x1  }
0x93: {  	v11 =	vsub.f32 v11, v8;
	v9 =	vmul.f32 v9, v9;
	v10 =	vmul.f32 v10, v10;
	_ =	sdelay $0x1  }
0x94: {  	v9 =	vadd.f32 v10, v9;
	v10 =	vmul.f32 v11, v11;
	_ =	sdelay $0x1  }
0x95: {  	v9 =	vadd.f32 v10, v9;
	_ =	sdelay $0x1  }
0x96: {  	vm14 =	vge.f32 v9, $6.399999860e-01;
	vm15 =	vlt.f32 v9, $2.559999940e+00  }
0x97: {  	v11 =	vmpcnt.ones.xlane vm0;
	vm0 =	vmand vm14, vm15  }
0x98: {  	v9 =	vmpcnt.ones.xlane vm0  }
0x99: {  	(v2sf) =	vpush v11, $0x0  }
0x9a: {  	(v2sf) =	vpush v9, $0x0;
	_ =	sdelay $0x9  }
0x9b: {  	v9 =	vsel vm0, $0x1, v0  }
0x9c: {  	(xrf0) =	vadd.scan.msk.s32 $0xffff, v9;
	_ =	sdelay $0x2  }
0x9d: {  	s30 =	spop (v2sf)  }
0x9e: {  	v9 =	vsel vm0, $0xFFFFFFFF, v0;
	s0 =	sadd.s32 s0, s30;
	s26 =	spop (v2sf)  }
0x9f: {  	p1 =	sgt.u32 s11, $0x1FBF;
	v9 =	vadd.s32 s0, v9;
	s0 =	sadd.s32 s0, s26  }
0xa0: {  	v10, _, _ =	vpop (xrf0);
	p2 =	slt.s32 @!p1 s0, $0x20  }
0xa1: {  	v9 =	vadd.s32 v10, v9;
	p1 =	por p1, !p2  }
.Ltmp0:
0xa2: {  	_ = 	snop;
	(pc) =	sbr.rel @!p1 .LBB2_3-.Ltmp0, $4  }
0xa3: {  	_ = 	snop  }
0xa4: {  	s30 =	sadd.s32 $0x30, s11  }
0xa5: {  	s2 =	sadd.s32 $0x40, s2;
	v10 =	vor.u32 s30, v1  }
0xa6: {  	s4 =	sadd.s32 $0x40, s4;
	s5 =	sadd.s32 $0x40, s5;
	s11 =	sadd.s32 $0x40, s11;
	[tilespmem:v9+s19+$0x0] =	vst.idx.msk vm0, v10  }
0xa7: {  	v6 =	vld [tilespmem:$0x1A500];
	_ =	sdelay $0x4  }
0xa8: {  	(v2sf) =	vpush v6, $0x0;
	_ =	sdelay $0x9  }
0xa9: {  	v7 =	vshll.u32 v5, $0x3  }
0xaa: {  	v8 =	vand.u32 $0x7F, v5;
	v7 =	vand.u32 $0x400, v7  }
0xab: {  	v7 =	vor.u32 v7, v8  }
0xac: {  	p1 =	slt.s32 s0, $0x20;
	v8 =	vor.u32 v2, v7  }
0xad: {  	p2 =	sgt.s32 s0, $0x0;
	s0 =	simm.s32 @!p1 $0x20  }
0xae: {  	v9 =	vmov s0;
	s0 =	spop (v2sf)  }
0xaf: {  	vm0 =	vgt.s32 v9, v1;
	s0 =	simm.s32 @!p2 $0x0  }
0xb0: {  	v6 =	vnsel vm0, s0, v6  }
0xb1: {  	[tilespmem:v8+s25+$0x0] =	vst.idx.msk $0xffff, v6  }
0xb2: {  	v6 =	vld [tilespmem:$0x1A510]  }
0xb3: {  	s3 =	sadd.s32 $0x1, s3;
	v7 =	vor.u32 v4, v7  }
0xb4: {  	p1 =	sne.s32 s3, $0x100  }
.Ltmp1:
0xb5: {  	_ = 	snop;
	(pc) =	sbr.rel @p1 .LBB2_2-.Ltmp1, $4  }
0xb6: {  	vm15 =	vgt.s32 v9, v3  }
0xb7: {  	v6 =	vnsel vm15, s0, v6  }
0xb8: {  	s30 =	simm.s32 $0x1A400;
	[tilespmem:v7+s25+$0x0] =	vst.idx.msk $0xffff, v6  }
0xb9: {  	[tilespmem:v5+s30+$0x0] =	vst.idx.msk $0x1, v9  }
0xba: {  	s0 =	rddreg [dreg:$0x5]  }
0xbb: {  	s1 =	simm.s32 $0x800;
	s4 =	simm.s32 $0x4000;
	s2 =	simm.s32 $0x5  }
0xbc: {  	[hbm4b:s0+s1] =	stream.strided.scatter [tilespmem:s25], [sflag:$0x5], $0x2000, s4, s1, $0x38;
	[tilespmem:$0x1A580] =	vst v63  }
0xbd: {  	_ =	swait.ge [sflag:s2], $0x2000  }
0xbe: {  	s5 =	simm.s32 $0x0;
	[sflag:s2] =	ssyncset.done $0x0  }
0xbf: {  	s3 =	simm.s32 $0x1A400;
	s11 =	rddreg [dreg:$0xd];
	[sflag:s2] =	ssyncadd.s32 $0xFFFFE000  }
0xc0: {  	[hbm4b:s11+s5] =	stream.linear.scatter [tilespmem:s3], [sflag:$0x5], $0x100, $0x38;
	[tilespmem:$0x1A580] =	vst v63  }
0xc1: {  	_ =	swait.ge [sflag:s2], $0x100  }
0xc2: {  	[sflag:s2] =	ssyncset.done $0x0  }
0xc3: {  	[sflag:s2] =	ssyncadd.s32 $0xFFFFFF00  }
0xc4: {  	[bflag:$0x0] =	sbarrier.arrive $0xFFFF  }
0xc5: {  	s24 =	simm.s32 $0x2000;
	s23 =	rddreg [dreg:$0x6]  }
0xc6: {  	[tilespmem:s5], [sflag:$0x5] =	stream.strided.gather [hbm4b:s23+s24], $0x8000, s4, s24, $0x38;
	[tilespmem:$0x1A580] =	vst v63  }
0xc7: {  	_ =	swait.ge [sflag:s2], $0x8000  }
.Ltmp2:
0xc8: {  	[sflag:s2] =	ssyncset.done $0x0;
	(pc) =	sbr.rel @p0 .LBB2_12-.Ltmp2, $4  }
0xc9: {  	s26 =	rddreg [dreg:$0xe];
	[sflag:s2] =	ssyncadd.s32 $0xFFFF8000  }
0xca: {  	[tilespmem:s10], [sflag:$0x3] =	stream.strided.gather [hbm4b:s26+s21], $0x2000, s7, s21, $0x38;
	[tilespmem:$0x1A580] =	vst v63  }
0xcb: {  	s25 =	simm.s32 $0x0;
	s30 =	rddreg [dreg:$0x10]  }
0xcc: {  	[tilespmem:s12], [sflag:$0x3] =	stream.strided.gather [hbm4b:s30+s21], $0x2000, s7, s21, $0x38;
	[tilespmem:$0x1A580] =	vst v63  }
0xcd: {  	s0 =	rddreg [dreg:$0xf];
	s1 =	simm.s32 $0x5  }
0xce: {  	[tilespmem:s13], [sflag:$0x5] =	stream.strided.gather [hbm4b:s0+s21], $0x2000, s7, s21, $0x38;
	[tilespmem:$0x1A580] =	vst v63  }
0xcf: {  	_ =	swait.ge [sflag:s1], $0x2000  }
0xd0: {  	[sflag:s1] =	ssyncset.done $0x0  }
0xd1: {  	s2 =	simm.s32 $0x10000;
	s30 =	rddreg [dreg:$0x11];
	[sflag:s1] =	ssyncadd.s32 $0xFFFFE000  }
0xd2: {  	[tilespmem:s2], [sflag:$0x5] =	stream.strided.gather [hbm4b:s30+s21], $0x400, s7, s21, $0x38;
	[tilespmem:$0x1A580] =	vst v63  }
0xd3: {  	_ =	swait.ge [sflag:s1], $0x400  }
0xd4: {  	[sflag:s1] =	ssyncset.done $0x0  }
0xd5: {  	s3 =	simm.s32 $0x0;
	s5 =	simm.s32 $0x40;
	[sflag:s1] =	ssyncadd.s32 $0xFFFFFC00  }
.LBB2_7:
0xd6: {  	s2 =	simm.s32 $0x10440;
	s4 =	smov.u32 s5;
	s11 =	simm.s32 $0x0  }
.LBB2_8:
0xd7: {  	v5 =	vld [tilespmem:s4+$0x30]  }
0xd8: {  	v6 =	vld [tilespmem:s4+$0xFFFFFFD0]  }
0xd9: {  	v7 =	vld [tilespmem:s4+$0xFFFFFFE0]  }
0xda: {  	v8 =	vld [tilespmem:s4+$0xFFFFFFF0]  }
0xdb: {  	v10 =	vld [tilespmem:s4+$0x0]  }
0xdc: {  	v11 =	vld [tilespmem:s4+$0x10]  }
0xdd: {  	v12 =	vld [tilespmem:s4+$0x20]  }
0xde: {  	v13 =	vld [tilespmem:s4+$0xFFFFFFC0];
	s23 =	simm.s32 $0x10040  }
0xdf: {  	v16 =	vld [tilespmem:s23+$0x30]  }
0xe0: {  	v19 =	vld [tilespmem:s23+$0xFFFFFFD0]  }
0xe1: {  	v14 =	vld [tilespmem:s23+$0xFFFFFFE0]  }
0xe2: {  	v15 =	vld.idx.msk [tilespmem:v5+s13+$0x0], $0xffff  }
0xe3: {  	v17 =	vld.idx.msk [tilespmem:v6+s13+$0x0], $0xffff  }
0xe4: {  	v9 =	vld.idx.msk [tilespmem:v7+s13+$0x0], $0xffff  }
0xe5: {  	v8 =	vld.idx.msk [tilespmem:v8+s13+$0x0], $0xffff  }
0xe6: {  	v18 =	vld.idx.msk [tilespmem:v13+s13+$0x0], $0xffff  }
0xe7: {  	v6 =	vld.idx.msk [tilespmem:v12+s13+$0x0], $0xffff  }
0xe8: {  	v12 =	vld [tilespmem:s23+$0xFFFFFFC0]  }
0xe9: {  	v7 =	vld.idx.msk [tilespmem:v10+s13+$0x0], $0xffff  }
0xea: {  	v5 =	vld.idx.msk [tilespmem:v11+s13+$0x0], $0xffff  }
0xeb: {  	v13 =	vld [tilespmem:s23+$0xFFFFFFF0]  }
0xec: {  	v11 =	vld [tilespmem:s23+$0x0];
	v15 =	vsub.f32 v15, v16  }
0xed: {  	v10 =	vld [tilespmem:s23+$0x10];
	v16 =	vsub.f32 v18, v12  }
0xee: {  	s0 =	simm.s32 $0x0;
	s1 =	sadd.s32 $0x400, s4;
	s24 =	smov.u32 s2;
	v12 =	vld [tilespmem:s23+$0x20];
	[tilespmem:s2+$0x30] =	vst v15;
	v15 =	vsub.f32 v17, v19  }
.LBB2_9:
0xef: {  	v17 =	vld [tilespmem:s1+$0x30];
	s0 =	sadd.s32 $0x80, s0;
	[tilespmem:s24+$0xFFFFFFC0] =	vst v16;
	v9 =	vsub.f32 v9, v14  }
0xf0: {  	v14 =	vld [tilespmem:s1+$0xFFFFFFD0];
	p1 =	slt.u32 s0, $0x380;
	[tilespmem:s24+$0xFFFFFFD0] =	vst v15;
	v8 =	vsub.f32 v8, v13  }
0xf1: {  	v13 =	vld [tilespmem:s1+$0xFFFFFFE0];
	[tilespmem:s24+$0xFFFFFFE0] =	vst v9;
	v7 =	vsub.f32 v7, v11  }
0xf2: {  	v11 =	vld [tilespmem:s1+$0xFFFFFFF0];
	[tilespmem:s24+$0xFFFFFFF0] =	vst v8;
	v5 =	vsub.f32 v5, v10  }
0xf3: {  	v10 =	vld [tilespmem:s1+$0x0];
	[tilespmem:s24+$0x0] =	vst v7;
	v6 =	vsub.f32 v6, v12  }
0xf4: {  	v12 =	vld [tilespmem:s1+$0x10];
	[tilespmem:s24+$0x10] =	vst v5  }
0xf5: {  	v15 =	vld [tilespmem:s1+$0x20];
	[tilespmem:s24+$0x20] =	vst v6  }
0xf6: {  	v6 =	vld [tilespmem:s1+$0xFFFFFFC0]  }
0xf7: {  	s23 =	sadd.s32 $0x80, s23;
	v16 =	vld.idx.msk [tilespmem:v17+s13+$0x0], $0xffff  }
0xf8: {  	v17 =	vld [tilespmem:s23+$0x30]  }
0xf9: {  	v18 =	vld.idx.msk [tilespmem:v14+s13+$0x0], $0xffff  }
0xfa: {  	v9 =	vld.idx.msk [tilespmem:v13+s13+$0x0], $0xffff  }
0xfb: {  	v8 =	vld.idx.msk [tilespmem:v11+s13+$0x0], $0xffff  }
0xfc: {  	v7 =	vld.idx.msk [tilespmem:v10+s13+$0x0], $0xffff  }
0xfd: {  	v5 =	vld.idx.msk [tilespmem:v12+s13+$0x0], $0xffff;
	v10 =	vsub.f32 v16, v17  }
0xfe: {  	s24 =	sadd.s32 $0x400, s24;
	v12 =	vld.idx.msk [tilespmem:v6+s13+$0x0], $0xffff  }
0xff: {  	v6 =	vld.idx.msk [tilespmem:v15+s13+$0x0], $0xffff;
	[tilespmem:s24+$0x30] =	vst v10  }
0x100: {  	v10 =	vld [tilespmem:s23+$0xFFFFFFC0]  }
0x101: {  	v15 =	vld [tilespmem:s23+$0xFFFFFFD0]  }
.Ltmp3:
0x102: {  	v14 =	vld [tilespmem:s23+$0xFFFFFFE0];
	(pc) =	sbr.rel @p1 .LBB2_9-.Ltmp3, $4  }
0x103: {  	v13 =	vld [tilespmem:s23+$0xFFFFFFF0]  }
0x104: {  	v11 =	vld [tilespmem:s23+$0x0]  }
0x105: {  	v16 =	vsub.f32 v12, v10;
	v10 =	vld [tilespmem:s23+$0x10]  }
0x106: {  	s1 =	sadd.s32 $0x400, s1;
	v15 =	vsub.f32 v18, v15;
	v12 =	vld [tilespmem:s23+$0x20]  }
0x107: {  	[tilespmem:s24+$0xFFFFFFC0] =	vst v16;
	v9 =	vsub.f32 v9, v14;
	s11 =	sadd.s32 $0x1, s11  }
0x108: {  	[tilespmem:s24+$0xFFFFFFD0] =	vst v15;
	v8 =	vsub.f32 v8, v13;
	p1 =	sne.s32 s11, $0x8  }
.Ltmp4:
0x109: {  	[tilespmem:s24+$0xFFFFFFE0] =	vst v9;
	v7 =	vsub.f32 v7, v11;
	(pc) =	sbr.rel @p1 .LBB2_8-.Ltmp4, $4  }
0x10a: {  	[tilespmem:s24+$0xFFFFFFF0] =	vst v8;
	v5 =	vsub.f32 v5, v10  }
0x10b: {  	[tilespmem:s24+$0x0] =	vst v7;
	v6 =	vsub.f32 v6, v12  }
0x10c: {  	[tilespmem:s24+$0x10] =	vst v5  }
0x10d: {  	s4 =	sadd.s32 $0x80, s4;
	s2 =	sadd.s32 $0x80, s2;
	[tilespmem:s24+$0x20] =	vst v6  }
0x10e: {  	s0 =	sshll.u32 s3, $0xE;
	s1 =	rddreg [dreg:$0x12]  }
0x10f: {  	s3 =	sadd.s32 $0x1, s3;
	s0 =	sadd.s32 s1, s0  }
0x110: {  	s26 =	rddreg [dreg:$0x2];
	p1 =	sne.s32 s3, $0x4;
	s0 =	sshrl.u32 s0, $0x3  }
.Ltmp5:
0x111: {  	s30 =	simm.s32 $0x5;
	s0 =	sadd.s32 s26, s0;
	(pc) =	sbr.rel @p1 .LBB2_7-.Ltmp5, $4  }
0x112: {  	[hbm4b:s0+s25] =	stream.linear.scatter [tilespmem:s8], [sflag:$0x5], $0x2000, $0x38;
	[tilespmem:$0x1A580] =	vst v63  }
0x113: {  	_ =	swait.ge [sflag:s30], $0x2000  }
0x114: {  	[sflag:s30] =	ssyncset.done $0x0  }
0x115: {  	s5 =	sadd.s32 $0x2000, s5;
	[sflag:s30] =	ssyncadd.s32 $0xFFFFE000  }
.LBB2_12:
0x116: {  	s25 =	simm.s32 $0x0  }
.LBB2_13:
0x117: {  	s0 =	sshll.u32 s25, $0x2;
	s1 =	rddreg [dreg:$0x4]  }
0x118: {  	s5 =	sadd.s32 s1, s0  }
0x119: {  	s0 =	sor.u32 s5, s6  }
0x11a: {  	_ =	swait.ge [sflag:s17], $0x2000;
	s26 =	sshll.u32 s25, $0x9;
	s0 =	sshll.u32 s0, $0xD  }
0x11b: {  	[sflag:s17] =	ssyncset.done $0x0;
	s1 =	sand.u32 $0x200, s26;
	s0 =	sand.u32 $0xFFFF0000, s0  }
0x11c: {  	[sflag:s17] =	ssyncadd.s32 $0xFFFFE000;
	s1 =	sor.u32 s0, s1  }
0x11d: {  	_ =	swait.ge [sflag:s17], $0x2000;
	s1 =	sor.u32 $0x100, s1  }
0x11e: {  	s3 =	sor.u32 $0x3, s5;
	[sflag:s17] =	ssyncset.done $0x0;
	s1 =	sshrl.u32 s1, $0x3  }
0x11f: {  	s30 =	sshll.u32 s3, $0x7;
	[sflag:s17] =	ssyncadd.s32 $0xFFFFE000;
	s1 =	sadd.s32 s28, s1  }
0x120: {  	[tilespmem:s13], [sflag:$0x4] =	stream.strided.gather [hbm4b:s1+s21], $0x2000, s7, s21, $0x38;
	[tilespmem:$0x1A580] =	vst v63  }
0x121: {  	s1 =	sand.u32 $0x380, s30  }
0x122: {  	s0 =	sor.u32 s1, s0  }
0x123: {  	s4 =	simm.s32 $0x14440;
	s11 =	simm.s32 $0x10440;
	s0 =	sshrl.u32 s0, $0x3  }
0x124: {  	s2 =	simm.s32 $0x40;
	s23 =	simm.s32 $0x0;
	s0 =	sadd.s32 s28, s0  }
0x125: {  	[tilespmem:s14], [sflag:$0x4] =	stream.strided.gather [hbm4b:s0+s21], $0x2000, s7, s21, $0x38;
	[tilespmem:$0x1A580] =	vst v63  }
.LBB2_14:
0x126: {  	v5 =	vld [tilespmem:s2+$0x30]  }
0x127: {  	v6 =	vld [tilespmem:s2+$0xFFFFFFD0]  }
0x128: {  	v7 =	vld [tilespmem:s2+$0xFFFFFFE0]  }
0x129: {  	v8 =	vld [tilespmem:s2+$0xFFFFFFF0]  }
0x12a: {  	v9 =	vld [tilespmem:s2+$0x0]  }
0x12b: {  	v12 =	vld [tilespmem:s2+$0xFFFFFFC0]  }
0x12c: {  	v10 =	vld [tilespmem:s2+$0x10]  }
0x12d: {  	v11 =	vld [tilespmem:s2+$0x20]  }
0x12e: {  	v13 =	vld.idx.msk [tilespmem:v5+s10+$0x0], $0xffff  }
0x12f: {  	v5 =	vld.idx.msk [tilespmem:v5+s12+$0x0], $0xffff  }
0x130: {  	v14 =	vld.idx.msk [tilespmem:v6+s10+$0x0], $0xffff  }
0x131: {  	v15 =	vld.idx.msk [tilespmem:v7+s10+$0x0], $0xffff  }
0x132: {  	v16 =	vld.idx.msk [tilespmem:v8+s10+$0x0], $0xffff  }
0x133: {  	v62 =	vld.idx.msk [tilespmem:v12+s10+$0x0], $0xffff  }
0x134: {  	v6 =	vld.idx.msk [tilespmem:v6+s12+$0x0], $0xffff;
	[tilespmem:s11+$0x30] =	vst v13  }
0x135: {  	v7 =	vld.idx.msk [tilespmem:v7+s12+$0x0], $0xffff;
	[tilespmem:s11+$0xFFFFFFD0] =	vst v14  }
0x136: {  	v12 =	vld.idx.msk [tilespmem:v12+s12+$0x0], $0xffff;
	[tilespmem:s11+$0xFFFFFFE0] =	vst v15  }
0x137: {  	v63 =	vld.idx.msk [tilespmem:v8+s12+$0x0], $0xffff;
	[tilespmem:s11+$0xFFFFFFF0] =	vst v16  }
0x138: {  	v8 =	vld.idx.msk [tilespmem:v10+s12+$0x0], $0xffff;
	[tilespmem:s11+$0xFFFFFFC0] =	vst v62  }
0x139: {  	[tilespmem:s4+$0x30] =	vst v5;
	v5 =	vld.idx.msk [tilespmem:v9+s10+$0x0], $0xffff  }
0x13a: {  	[tilespmem:s4+$0xFFFFFFD0] =	vst v6;
	v6 =	vld.idx.msk [tilespmem:v9+s12+$0x0], $0xffff  }
0x13b: {  	[tilespmem:s4+$0xFFFFFFE0] =	vst v7;
	v7 =	vld.idx.msk [tilespmem:v10+s10+$0x0], $0xffff  }
0x13c: {  	s1 =	simm.s32 $0x0;
	[tilespmem:s4+$0xFFFFFFC0] =	vst v12;
	v9 =	vld.idx.msk [tilespmem:v11+s10+$0x0], $0xffff  }
0x13d: {  	s0 =	sadd.s32 $0x400, s2;
	s26 =	smov.u32 s11;
	s24 =	smov.u32 s4;
	[tilespmem:s4+$0xFFFFFFF0] =	vst v63;
	v10 =	vld.idx.msk [tilespmem:v11+s12+$0x0], $0xffff  }
.LBB2_15:
0x13e: {  	v11 =	vld [tilespmem:s0+$0x30];
	[tilespmem:s26+$0x0] =	vst v5  }
0x13f: {  	s1 =	sadd.s32 $0x80, s1;
	v5 =	vld [tilespmem:s0+$0xFFFFFFD0];
	[tilespmem:s24+$0x0] =	vst v6  }
0x140: {  	p1 =	slt.u32 s1, $0x380;
	v6 =	vld [tilespmem:s0+$0xFFFFFFE0];
	[tilespmem:s26+$0x10] =	vst v7  }
0x141: {  	v7 =	vld [tilespmem:s0+$0xFFFFFFF0];
	[tilespmem:s24+$0x10] =	vst v8  }
0x142: {  	v8 =	vld [tilespmem:s0+$0x0];
	[tilespmem:s26+$0x20] =	vst v9  }
0x143: {  	v9 =	vld [tilespmem:s0+$0x10];
	[tilespmem:s24+$0x20] =	vst v10  }
0x144: {  	v10 =	vld [tilespmem:s0+$0x20]  }
0x145: {  	v12 =	vld [tilespmem:s0+$0xFFFFFFC0]  }
0x146: {  	v13 =	vld.idx.msk [tilespmem:v11+s10+$0x0], $0xffff  }
0x147: {  	v11 =	vld.idx.msk [tilespmem:v11+s12+$0x0], $0xffff  }
0x148: {  	v14 =	vld.idx.msk [tilespmem:v5+s10+$0x0], $0xffff  }
0x149: {  	v5 =	vld.idx.msk [tilespmem:v5+s12+$0x0], $0xffff  }
0x14a: {  	v15 =	vld.idx.msk [tilespmem:v6+s10+$0x0], $0xffff  }
0x14b: {  	s26 =	sadd.s32 $0x400, s26;
	v6 =	vld.idx.msk [tilespmem:v6+s12+$0x0], $0xffff  }
0x14c: {  	s24 =	sadd.s32 $0x400, s24;
	v16 =	vld.idx.msk [tilespmem:v7+s10+$0x0], $0xffff;
	[tilespmem:s26+$0x30] =	vst v13  }
0x14d: {  	v13 =	vld.idx.msk [tilespmem:v12+s10+$0x0], $0xffff;
	[tilespmem:s24+$0x30] =	vst v11  }
0x14e: {  	v11 =	vld.idx.msk [tilespmem:v12+s12+$0x0], $0xffff;
	[tilespmem:s26+$0xFFFFFFD0] =	vst v14  }
0x14f: {  	[tilespmem:s24+$0xFFFFFFD0] =	vst v5;
	v12 =	vld.idx.msk [tilespmem:v7+s12+$0x0], $0xffff  }
0x150: {  	[tilespmem:s26+$0xFFFFFFE0] =	vst v15;
	v5 =	vld.idx.msk [tilespmem:v8+s10+$0x0], $0xffff  }
.Ltmp6:
0x151: {  	[tilespmem:s24+$0xFFFFFFE0] =	vst v6;
	v6 =	vld.idx.msk [tilespmem:v8+s12+$0x0], $0xffff;
	(pc) =	sbr.rel @p1 .LBB2_15-.Ltmp6, $4  }
0x152: {  	[tilespmem:s26+$0xFFFFFFF0] =	vst v16;
	v7 =	vld.idx.msk [tilespmem:v9+s10+$0x0], $0xffff  }
0x153: {  	[tilespmem:s26+$0xFFFFFFC0] =	vst v13;
	v8 =	vld.idx.msk [tilespmem:v9+s12+$0x0], $0xffff  }
0x154: {  	[tilespmem:s24+$0xFFFFFFC0] =	vst v11;
	v9 =	vld.idx.msk [tilespmem:v10+s10+$0x0], $0xffff  }
0x155: {  	s0 =	sadd.s32 $0x400, s0;
	[tilespmem:s24+$0xFFFFFFF0] =	vst v12;
	v10 =	vld.idx.msk [tilespmem:v10+s12+$0x0], $0xffff  }
0x156: {  	s23 =	sadd.s32 $0x1, s23  }
0x157: {  	[tilespmem:s26+$0x0] =	vst v5;
	p1 =	sne.s32 s23, $0x8  }
.Ltmp7:
0x158: {  	[tilespmem:s24+$0x0] =	vst v6;
	(pc) =	sbr.rel @p1 .LBB2_14-.Ltmp7, $4  }
0x159: {  	[tilespmem:s26+$0x10] =	vst v7  }
0x15a: {  	[tilespmem:s24+$0x10] =	vst v8  }
0x15b: {  	[tilespmem:s26+$0x20] =	vst v9  }
0x15c: {  	s4 =	sadd.s32 $0x80, s4;
	s11 =	sadd.s32 $0x80, s11;
	s2 =	sadd.s32 $0x80, s2;
	[tilespmem:s24+$0x20] =	vst v10  }
0x15d: {  	s0 =	sshll.u32 s3, $0x10  }
0x15e: {  	s0 =	sadd.s32 s18, s0  }
0x15f: {  	s1 =	rddreg [dreg:$0x2];
	s28 =	sadd.s32 $0x4, s5;
	s11 =	sshrl.u32 s0, $0x3  }
0x160: {  	s4 =	simm.s32 $0x0;
	s30 =	sshll.u32 s28, $0x10;
	s0 =	sadd.s32 s1, s11  }
0x161: {  	[hbm4b:s0+s4] =	stream.linear.scatter [tilespmem:s8], [sflag:$0x1], $0x2000, $0x38;
	[tilespmem:$0x1A580] =	vst v63  }
0x162: {  	s0 =	sadd.s32 s18, s30  }
0x163: {  	s26 =	simm.s32 $0x16440;
	s3 =	sshrl.u32 s0, $0x3  }
0x164: {  	s24 =	simm.s32 $0x2070;
	s0 =	sadd.s32 s1, s3;
	s1 =	simm.s32 $0x12440  }
0x165: {  	[hbm4b:s0+s4] =	stream.linear.scatter [tilespmem:s20], [sflag:$0x1], $0x2000, $0x38;
	[tilespmem:$0x1A580] =	vst v63  }
.LBB2_18:
0x166: {  	v5 =	vld [tilespmem:s24+$0x0]  }
0x167: {  	v6 =	vld [tilespmem:s24+$0xFFFFFFA0]  }
0x168: {  	v7 =	vld [tilespmem:s24+$0xFFFFFFB0]  }
0x169: {  	v8 =	vld [tilespmem:s24+$0xFFFFFFC0]  }
0x16a: {  	v9 =	vld [tilespmem:s24+$0xFFFFFFD0]  }
0x16b: {  	v12 =	vld [tilespmem:s24+$0xFFFFFF90]  }
0x16c: {  	v10 =	vld [tilespmem:s24+$0xFFFFFFE0]  }
0x16d: {  	v11 =	vld [tilespmem:s24+$0xFFFFFFF0]  }
0x16e: {  	v13 =	vld.idx.msk [tilespmem:v5+s10+$0x0], $0xffff  }
0x16f: {  	v5 =	vld.idx.msk [tilespmem:v5+s12+$0x0], $0xffff  }
0x170: {  	v14 =	vld.idx.msk [tilespmem:v6+s10+$0x0], $0xffff  }
0x171: {  	v15 =	vld.idx.msk [tilespmem:v7+s10+$0x0], $0xffff  }
0x172: {  	v16 =	vld.idx.msk [tilespmem:v8+s10+$0x0], $0xffff  }
0x173: {  	v62 =	vld.idx.msk [tilespmem:v12+s10+$0x0], $0xffff  }
0x174: {  	v6 =	vld.idx.msk [tilespmem:v6+s12+$0x0], $0xffff;
	[tilespmem:s1+$0x30] =	vst v13  }
0x175: {  	v7 =	vld.idx.msk [tilespmem:v7+s12+$0x0], $0xffff;
	[tilespmem:s1+$0xFFFFFFD0] =	vst v14  }
0x176: {  	v12 =	vld.idx.msk [tilespmem:v12+s12+$0x0], $0xffff;
	[tilespmem:s1+$0xFFFFFFE0] =	vst v15  }
0x177: {  	v63 =	vld.idx.msk [tilespmem:v8+s12+$0x0], $0xffff;
	[tilespmem:s1+$0xFFFFFFF0] =	vst v16  }
0x178: {  	v8 =	vld.idx.msk [tilespmem:v10+s12+$0x0], $0xffff;
	[tilespmem:s1+$0xFFFFFFC0] =	vst v62  }
0x179: {  	[tilespmem:s26+$0x30] =	vst v5;
	v5 =	vld.idx.msk [tilespmem:v9+s10+$0x0], $0xffff  }
0x17a: {  	[tilespmem:s26+$0xFFFFFFD0] =	vst v6;
	v6 =	vld.idx.msk [tilespmem:v9+s12+$0x0], $0xffff  }
0x17b: {  	[tilespmem:s26+$0xFFFFFFE0] =	vst v7;
	v7 =	vld.idx.msk [tilespmem:v10+s10+$0x0], $0xffff  }
0x17c: {  	s0 =	simm.s32 $0x0;
	[tilespmem:s26+$0xFFFFFFC0] =	vst v12;
	v9 =	vld.idx.msk [tilespmem:v11+s10+$0x0], $0xffff  }
0x17d: {  	s30 =	sadd.s32 $0x400, s24;
	s23 =	smov.u32 s1;
	s2 =	smov.u32 s26;
	[tilespmem:s26+$0xFFFFFFF0] =	vst v63;
	v10 =	vld.idx.msk [tilespmem:v11+s12+$0x0], $0xffff  }
.LBB2_19:
0x17e: {  	v11 =	vld [tilespmem:s30+$0x0];
	[tilespmem:s23+$0x0] =	vst v5  }
0x17f: {  	s0 =	sadd.s32 $0x80, s0;
	v5 =	vld [tilespmem:s30+$0xFFFFFFA0];
	[tilespmem:s2+$0x0] =	vst v6  }
0x180: {  	p1 =	slt.u32 s0, $0x380;
	v6 =	vld [tilespmem:s30+$0xFFFFFFB0];
	[tilespmem:s23+$0x10] =	vst v7  }
0x181: {  	v7 =	vld [tilespmem:s30+$0xFFFFFFC0];
	[tilespmem:s2+$0x10] =	vst v8  }
0x182: {  	v8 =	vld [tilespmem:s30+$0xFFFFFFD0];
	[tilespmem:s23+$0x20] =	vst v9  }
0x183: {  	v9 =	vld [tilespmem:s30+$0xFFFFFFE0];
	[tilespmem:s2+$0x20] =	vst v10  }
0x184: {  	v10 =	vld [tilespmem:s30+$0xFFFFFFF0]  }
0x185: {  	v12 =	vld [tilespmem:s30+$0xFFFFFF90]  }
0x186: {  	v13 =	vld.idx.msk [tilespmem:v11+s10+$0x0], $0xffff  }
0x187: {  	v11 =	vld.idx.msk [tilespmem:v11+s12+$0x0], $0xffff  }
0x188: {  	v14 =	vld.idx.msk [tilespmem:v5+s10+$0x0], $0xffff  }
0x189: {  	v5 =	vld.idx.msk [tilespmem:v5+s12+$0x0], $0xffff  }
0x18a: {  	v15 =	vld.idx.msk [tilespmem:v6+s10+$0x0], $0xffff  }
0x18b: {  	s23 =	sadd.s32 $0x400, s23;
	v6 =	vld.idx.msk [tilespmem:v6+s12+$0x0], $0xffff  }
0x18c: {  	s2 =	sadd.s32 $0x400, s2;
	v16 =	vld.idx.msk [tilespmem:v7+s10+$0x0], $0xffff;
	[tilespmem:s23+$0x30] =	vst v13  }
0x18d: {  	v13 =	vld.idx.msk [tilespmem:v12+s10+$0x0], $0xffff;
	[tilespmem:s2+$0x30] =	vst v11  }
0x18e: {  	v11 =	vld.idx.msk [tilespmem:v12+s12+$0x0], $0xffff;
	[tilespmem:s23+$0xFFFFFFD0] =	vst v14  }
0x18f: {  	[tilespmem:s2+$0xFFFFFFD0] =	vst v5;
	v12 =	vld.idx.msk [tilespmem:v7+s12+$0x0], $0xffff  }
0x190: {  	[tilespmem:s23+$0xFFFFFFE0] =	vst v15;
	v5 =	vld.idx.msk [tilespmem:v8+s10+$0x0], $0xffff  }
.Ltmp8:
0x191: {  	[tilespmem:s2+$0xFFFFFFE0] =	vst v6;
	v6 =	vld.idx.msk [tilespmem:v8+s12+$0x0], $0xffff;
	(pc) =	sbr.rel @p1 .LBB2_19-.Ltmp8, $4  }
0x192: {  	[tilespmem:s23+$0xFFFFFFF0] =	vst v16;
	v7 =	vld.idx.msk [tilespmem:v9+s10+$0x0], $0xffff  }
0x193: {  	[tilespmem:s23+$0xFFFFFFC0] =	vst v13;
	v8 =	vld.idx.msk [tilespmem:v9+s12+$0x0], $0xffff  }
0x194: {  	[tilespmem:s2+$0xFFFFFFC0] =	vst v11;
	v9 =	vld.idx.msk [tilespmem:v10+s10+$0x0], $0xffff  }
0x195: {  	s30 =	sadd.s32 $0x400, s30;
	[tilespmem:s2+$0xFFFFFFF0] =	vst v12;
	v10 =	vld.idx.msk [tilespmem:v10+s12+$0x0], $0xffff  }
0x196: {  	s4 =	sadd.s32 $0x1, s4  }
0x197: {  	[tilespmem:s23+$0x0] =	vst v5;
	p1 =	sne.s32 s4, $0x8  }
.Ltmp9:
0x198: {  	[tilespmem:s2+$0x0] =	vst v6;
	(pc) =	sbr.rel @p1 .LBB2_18-.Ltmp9, $4  }
0x199: {  	[tilespmem:s23+$0x10] =	vst v7  }
0x19a: {  	[tilespmem:s2+$0x10] =	vst v8  }
0x19b: {  	[tilespmem:s23+$0x20] =	vst v9  }
0x19c: {  	s26 =	sadd.s32 $0x80, s26;
	s1 =	sadd.s32 $0x80, s1;
	s24 =	sadd.s32 $0x80, s24;
	[tilespmem:s2+$0x20] =	vst v10  }
0x19d: {  	s1 =	rddreg [dreg:$0x13]  }
0x19e: {  	s4 =	simm.s32 $0x0;
	s0 =	sadd.s32 s11, s1  }
0x19f: {  	[hbm4b:s0+s4] =	stream.linear.scatter [tilespmem:s15], [sflag:$0x2], $0x2000, $0x38;
	[tilespmem:$0x1A580] =	vst v63  }
0x1a0: {  	s30 =	sadd.s32 s3, s1  }
0x1a1: {  	[hbm4b:s30+s4] =	stream.linear.scatter [tilespmem:s16], [sflag:$0x2], $0x2000, $0x38;
	[tilespmem:$0x1A580] =	vst v63  }
0x1a2: {  	_ =	swait.ge [sflag:s9], $0x2000  }
0x1a3: {  	[sflag:s9] =	ssyncset.done $0x0  }
0x1a4: {  	[sflag:s9] =	ssyncadd.s32 $0xFFFFE000  }
0x1a5: {  	_ =	swait.ge [sflag:s9], $0x2000  }
0x1a6: {  	[sflag:s9] =	ssyncset.done $0x0  }
0x1a7: {  	s2 =	simm.s32 $0x0;
	[sflag:s9] =	ssyncadd.s32 $0xFFFFE000  }
.LBB2_22:
0x1a8: {  	s23 =	sshra.s32 s4, $0x2  }
0x1a9: {  	v6 =	vld [tilespmem:s23+$0x4070]  }
0x1aa: {  	v7 =	vld [tilespmem:s23+$0x4000]  }
0x1ab: {  	v8 =	vld [tilespmem:s23+$0x4010]  }
0x1ac: {  	v9 =	vld [tilespmem:s23+$0x4020]  }
0x1ad: {  	v10 =	vld [tilespmem:s23+$0x4030]  }
0x1ae: {  	v11 =	vld [tilespmem:s23+$0x4040]  }
0x1af: {  	v12 =	vld [tilespmem:s23+$0x4050]  }
0x1b0: {  	v5 =	vld [tilespmem:s23+$0x4060]  }
0x1b1: {  	v13 =	vld.idx.msk [tilespmem:v6+s12+$0x0], $0xffff  }
0x1b2: {  	v14 =	vld.idx.msk [tilespmem:v7+s10+$0x0], $0xffff  }
0x1b3: {  	v7 =	vld.idx.msk [tilespmem:v7+s12+$0x0], $0xffff  }
0x1b4: {  	v15 =	vld.idx.msk [tilespmem:v8+s10+$0x0], $0xffff  }
0x1b5: {  	v8 =	vld.idx.msk [tilespmem:v8+s12+$0x0], $0xffff  }
0x1b6: {  	v16 =	vld.idx.msk [tilespmem:v6+s10+$0x0], $0xffff  }
0x1b7: {  	v17 =	vld.idx.msk [tilespmem:v9+s10+$0x0], $0xffff;
	[tilespmem:s23+$0x14470] =	vst v13  }
0x1b8: {  	v62 =	vld.idx.msk [tilespmem:v9+s12+$0x0], $0xffff;
	[tilespmem:s23+$0x10400] =	vst v14  }
0x1b9: {  	v63 =	vld.idx.msk [tilespmem:v10+s10+$0x0], $0xffff;
	[tilespmem:s23+$0x14400] =	vst v7  }
0x1ba: {  	v9 =	vld.idx.msk [tilespmem:v10+s12+$0x0], $0xffff;
	[tilespmem:s23+$0x10410] =	vst v15  }
0x1bb: {  	v6 =	vld.idx.msk [tilespmem:v11+s10+$0x0], $0xffff;
	[tilespmem:s23+$0x14410] =	vst v8  }
0x1bc: {  	v10 =	vld.idx.msk [tilespmem:v12+s12+$0x0], $0xffff;
	[tilespmem:s23+$0x10420] =	vst v17  }
0x1bd: {  	v8 =	vld.idx.msk [tilespmem:v11+s12+$0x0], $0xffff;
	[tilespmem:s23+$0x10470] =	vst v16  }
0x1be: {  	v7 =	vld.idx.msk [tilespmem:v12+s10+$0x0], $0xffff;
	[tilespmem:s23+$0x14420] =	vst v62  }
0x1bf: {  	s0 =	simm.s32 $0x0;
	s1 =	sadd.s32 $0x1000, s4;
	[tilespmem:s23+$0x10430] =	vst v63;
	v11 =	vld.idx.msk [tilespmem:v5+s10+$0x0], $0xffff  }
.LBB2_23:
0x1c0: {  	s24 =	sshra.s32 s1, $0x2;
	s0 =	sadd.s32 $0x80, s0;
	[tilespmem:s23+$0x14430] =	vst v9;
	v5 =	vld.idx.msk [tilespmem:v5+s12+$0x0], $0xffff  }
0x1c1: {  	v9 =	vld [tilespmem:s24+$0x4070];
	p1 =	slt.u32 s0, $0x380;
	[tilespmem:s23+$0x10440] =	vst v6  }
0x1c2: {  	v6 =	vld [tilespmem:s24+$0x4000];
	[tilespmem:s23+$0x14440] =	vst v8  }
0x1c3: {  	v8 =	vld [tilespmem:s24+$0x4010];
	[tilespmem:s23+$0x10450] =	vst v7  }
0x1c4: {  	v7 =	vld [tilespmem:s24+$0x4020];
	[tilespmem:s23+$0x14450] =	vst v10  }
0x1c5: {  	v10 =	vld [tilespmem:s24+$0x4030];
	[tilespmem:s23+$0x10460] =	vst v11  }
0x1c6: {  	v11 =	vld [tilespmem:s24+$0x4040];
	[tilespmem:s23+$0x14460] =	vst v5;
	s23 =	smov.u32 s24  }
0x1c7: {  	v12 =	vld [tilespmem:s23+$0x4050]  }
0x1c8: {  	v5 =	vld [tilespmem:s23+$0x4060]  }
0x1c9: {  	v13 =	vld.idx.msk [tilespmem:v9+s12+$0x0], $0xffff  }
0x1ca: {  	v14 =	vld.idx.msk [tilespmem:v6+s10+$0x0], $0xffff  }
0x1cb: {  	v6 =	vld.idx.msk [tilespmem:v6+s12+$0x0], $0xffff  }
0x1cc: {  	v15 =	vld.idx.msk [tilespmem:v8+s10+$0x0], $0xffff  }
0x1cd: {  	v8 =	vld.idx.msk [tilespmem:v8+s12+$0x0], $0xffff  }
0x1ce: {  	v16 =	vld.idx.msk [tilespmem:v7+s10+$0x0], $0xffff  }
0x1cf: {  	v17 =	vld.idx.msk [tilespmem:v9+s10+$0x0], $0xffff;
	[tilespmem:s23+$0x14470] =	vst v13  }
0x1d0: {  	[tilespmem:s23+$0x10400] =	vst v14;
	v13 =	vld.idx.msk [tilespmem:v7+s12+$0x0], $0xffff  }
0x1d1: {  	[tilespmem:s23+$0x14400] =	vst v6;
	v14 =	vld.idx.msk [tilespmem:v10+s10+$0x0], $0xffff  }
0x1d2: {  	[tilespmem:s23+$0x10410] =	vst v15;
	v9 =	vld.idx.msk [tilespmem:v10+s12+$0x0], $0xffff  }
.Ltmp10:
0x1d3: {  	[tilespmem:s23+$0x14410] =	vst v8;
	v6 =	vld.idx.msk [tilespmem:v11+s10+$0x0], $0xffff;
	(pc) =	sbr.rel @p1 .LBB2_23-.Ltmp10, $4  }
0x1d4: {  	[tilespmem:s23+$0x10420] =	vst v16;
	v8 =	vld.idx.msk [tilespmem:v11+s12+$0x0], $0xffff  }
0x1d5: {  	v7 =	vld.idx.msk [tilespmem:v12+s10+$0x0], $0xffff;
	[tilespmem:s23+$0x10470] =	vst v17  }
0x1d6: {  	[tilespmem:s23+$0x14420] =	vst v13;
	v10 =	vld.idx.msk [tilespmem:v12+s12+$0x0], $0xffff  }
0x1d7: {  	s1 =	sadd.s32 $0x1000, s1;
	[tilespmem:s23+$0x10430] =	vst v14;
	v11 =	vld.idx.msk [tilespmem:v5+s10+$0x0], $0xffff  }
0x1d8: {  	_ =	sdelay $0x2  }
0x1d9: {  	[tilespmem:s23+$0x14430] =	vst v9;
	s2 =	sadd.s32 $0x1, s2  }
0x1da: {  	v5 =	vld.idx.msk [tilespmem:v5+s12+$0x0], $0xffff;
	[tilespmem:s23+$0x10440] =	vst v6;
	p1 =	sne.s32 s2, $0x8  }
.Ltmp11:
0x1db: {  	[tilespmem:s23+$0x14440] =	vst v8;
	(pc) =	sbr.rel @p1 .LBB2_22-.Ltmp11, $4  }
0x1dc: {  	[tilespmem:s23+$0x10450] =	vst v7  }
0x1dd: {  	[tilespmem:s23+$0x14450] =	vst v10  }
0x1de: {  	[tilespmem:s23+$0x10460] =	vst v11  }
0x1df: {  	s4 =	sadd.s32 $0x200, s4;
	[tilespmem:s23+$0x14460] =	vst v5  }
0x1e0: {  	s1 =	rddreg [dreg:$0x14]  }
0x1e1: {  	s4 =	simm.s32 $0x0;
	s0 =	sadd.s32 s11, s1  }
0x1e2: {  	[hbm4b:s0+s4] =	stream.linear.scatter [tilespmem:s8], [sflag:$0x1], $0x2000, $0x38;
	[tilespmem:$0x1A580] =	vst v63  }
0x1e3: {  	s30 =	sadd.s32 s3, s1  }
0x1e4: {  	[hbm4b:s30+s4] =	stream.linear.scatter [tilespmem:s20], [sflag:$0x1], $0x2000, $0x38;
	[tilespmem:$0x1A580] =	vst v63  }
0x1e5: {  	_ =	swait.ge [sflag:s29], $0x2000  }
0x1e6: {  	[sflag:s29] =	ssyncset.done $0x0  }
0x1e7: {  	[sflag:s29] =	ssyncadd.s32 $0xFFFFE000  }
0x1e8: {  	_ =	swait.ge [sflag:s29], $0x2000  }
0x1e9: {  	[sflag:s29] =	ssyncset.done $0x0  }
0x1ea: {  	s2 =	simm.s32 $0x0;
	[sflag:s29] =	ssyncadd.s32 $0xFFFFE000  }
.LBB2_26:
0x1eb: {  	s23 =	sshra.s32 s4, $0x2  }
0x1ec: {  	v6 =	vld [tilespmem:s23+$0x6070]  }
0x1ed: {  	v7 =	vld [tilespmem:s23+$0x6000]  }
0x1ee: {  	v8 =	vld [tilespmem:s23+$0x6010]  }
0x1ef: {  	v9 =	vld [tilespmem:s23+$0x6020]  }
0x1f0: {  	v10 =	vld [tilespmem:s23+$0x6030]  }
0x1f1: {  	v11 =	vld [tilespmem:s23+$0x6040]  }
0x1f2: {  	v12 =	vld [tilespmem:s23+$0x6050]  }
0x1f3: {  	v5 =	vld [tilespmem:s23+$0x6060]  }
0x1f4: {  	v13 =	vld.idx.msk [tilespmem:v6+s12+$0x0], $0xffff  }
0x1f5: {  	v14 =	vld.idx.msk [tilespmem:v7+s10+$0x0], $0xffff  }
0x1f6: {  	v7 =	vld.idx.msk [tilespmem:v7+s12+$0x0], $0xffff  }
0x1f7: {  	v15 =	vld.idx.msk [tilespmem:v8+s10+$0x0], $0xffff  }
0x1f8: {  	v8 =	vld.idx.msk [tilespmem:v8+s12+$0x0], $0xffff  }
0x1f9: {  	v16 =	vld.idx.msk [tilespmem:v6+s10+$0x0], $0xffff  }
0x1fa: {  	v17 =	vld.idx.msk [tilespmem:v9+s10+$0x0], $0xffff;
	[tilespmem:s23+$0x16470] =	vst v13  }
0x1fb: {  	v62 =	vld.idx.msk [tilespmem:v9+s12+$0x0], $0xffff;
	[tilespmem:s23+$0x12400] =	vst v14  }
0x1fc: {  	v63 =	vld.idx.msk [tilespmem:v10+s10+$0x0], $0xffff;
	[tilespmem:s23+$0x16400] =	vst v7  }
0x1fd: {  	v9 =	vld.idx.msk [tilespmem:v10+s12+$0x0], $0xffff;
	[tilespmem:s23+$0x12410] =	vst v15  }
0x1fe: {  	v6 =	vld.idx.msk [tilespmem:v11+s10+$0x0], $0xffff;
	[tilespmem:s23+$0x16410] =	vst v8  }
0x1ff: {  	v10 =	vld.idx.msk [tilespmem:v12+s12+$0x0], $0xffff;
	[tilespmem:s23+$0x12420] =	vst v17  }
0x200: {  	v8 =	vld.idx.msk [tilespmem:v11+s12+$0x0], $0xffff;
	[tilespmem:s23+$0x12470] =	vst v16  }
0x201: {  	v7 =	vld.idx.msk [tilespmem:v12+s10+$0x0], $0xffff;
	[tilespmem:s23+$0x16420] =	vst v62  }
0x202: {  	s0 =	simm.s32 $0x0;
	s1 =	sadd.s32 $0x1000, s4;
	[tilespmem:s23+$0x12430] =	vst v63;
	v11 =	vld.idx.msk [tilespmem:v5+s10+$0x0], $0xffff  }
.LBB2_27:
0x203: {  	s24 =	sshra.s32 s1, $0x2;
	s0 =	sadd.s32 $0x80, s0;
	[tilespmem:s23+$0x16430] =	vst v9;
	v5 =	vld.idx.msk [tilespmem:v5+s12+$0x0], $0xffff  }
0x204: {  	v9 =	vld [tilespmem:s24+$0x6070];
	p1 =	slt.u32 s0, $0x380;
	[tilespmem:s23+$0x12440] =	vst v6  }
0x205: {  	v6 =	vld [tilespmem:s24+$0x6000];
	[tilespmem:s23+$0x16440] =	vst v8  }
0x206: {  	v8 =	vld [tilespmem:s24+$0x6010];
	[tilespmem:s23+$0x12450] =	vst v7  }
0x207: {  	v7 =	vld [tilespmem:s24+$0x6020];
	[tilespmem:s23+$0x16450] =	vst v10  }
0x208: {  	v10 =	vld [tilespmem:s24+$0x6030];
	[tilespmem:s23+$0x12460] =	vst v11  }
0x209: {  	v11 =	vld [tilespmem:s24+$0x6040];
	[tilespmem:s23+$0x16460] =	vst v5;
	s23 =	smov.u32 s24  }
0x20a: {  	v12 =	vld [tilespmem:s23+$0x6050]  }
0x20b: {  	v5 =	vld [tilespmem:s23+$0x6060]  }
0x20c: {  	v13 =	vld.idx.msk [tilespmem:v9+s12+$0x0], $0xffff  }
0x20d: {  	v14 =	vld.idx.msk [tilespmem:v6+s10+$0x0], $0xffff  }
0x20e: {  	v6 =	vld.idx.msk [tilespmem:v6+s12+$0x0], $0xffff  }
0x20f: {  	v15 =	vld.idx.msk [tilespmem:v8+s10+$0x0], $0xffff  }
0x210: {  	v8 =	vld.idx.msk [tilespmem:v8+s12+$0x0], $0xffff  }
0x211: {  	v16 =	vld.idx.msk [tilespmem:v7+s10+$0x0], $0xffff  }
0x212: {  	v17 =	vld.idx.msk [tilespmem:v9+s10+$0x0], $0xffff;
	[tilespmem:s23+$0x16470] =	vst v13  }
0x213: {  	[tilespmem:s23+$0x12400] =	vst v14;
	v13 =	vld.idx.msk [tilespmem:v7+s12+$0x0], $0xffff  }
0x214: {  	[tilespmem:s23+$0x16400] =	vst v6;
	v14 =	vld.idx.msk [tilespmem:v10+s10+$0x0], $0xffff  }
0x215: {  	[tilespmem:s23+$0x12410] =	vst v15;
	v9 =	vld.idx.msk [tilespmem:v10+s12+$0x0], $0xffff  }
.Ltmp12:
0x216: {  	[tilespmem:s23+$0x16410] =	vst v8;
	v6 =	vld.idx.msk [tilespmem:v11+s10+$0x0], $0xffff;
	(pc) =	sbr.rel @p1 .LBB2_27-.Ltmp12, $4  }
0x217: {  	[tilespmem:s23+$0x12420] =	vst v16;
	v8 =	vld.idx.msk [tilespmem:v11+s12+$0x0], $0xffff  }
0x218: {  	v7 =	vld.idx.msk [tilespmem:v12+s10+$0x0], $0xffff;
	[tilespmem:s23+$0x12470] =	vst v17  }
0x219: {  	[tilespmem:s23+$0x16420] =	vst v13;
	v10 =	vld.idx.msk [tilespmem:v12+s12+$0x0], $0xffff  }
0x21a: {  	s1 =	sadd.s32 $0x1000, s1;
	[tilespmem:s23+$0x12430] =	vst v14;
	v11 =	vld.idx.msk [tilespmem:v5+s10+$0x0], $0xffff  }
0x21b: {  	_ =	sdelay $0x2  }
0x21c: {  	[tilespmem:s23+$0x16430] =	vst v9;
	s2 =	sadd.s32 $0x1, s2  }
0x21d: {  	v5 =	vld.idx.msk [tilespmem:v5+s12+$0x0], $0xffff;
	[tilespmem:s23+$0x12440] =	vst v6;
	p1 =	sne.s32 s2, $0x8  }
.Ltmp13:
0x21e: {  	[tilespmem:s23+$0x16440] =	vst v8;
	(pc) =	sbr.rel @p1 .LBB2_26-.Ltmp13, $4  }
0x21f: {  	[tilespmem:s23+$0x12450] =	vst v7  }
0x220: {  	[tilespmem:s23+$0x16450] =	vst v10  }
0x221: {  	[tilespmem:s23+$0x12460] =	vst v11  }
0x222: {  	s4 =	sadd.s32 $0x200, s4;
	[tilespmem:s23+$0x16460] =	vst v5  }
0x223: {  	s1 =	rddreg [dreg:$0x16]  }
0x224: {  	s0 =	sadd.s32 s11, s1;
	s11 =	simm.s32 $0x0  }
0x225: {  	[hbm4b:s0+s11] =	stream.linear.scatter [tilespmem:s15], [sflag:$0x2], $0x2000, $0x38;
	[tilespmem:$0x1A580] =	vst v63  }
0x226: {  	s24 =	sadd.s32 s3, s1  }
0x227: {  	[hbm4b:s24+s11] =	stream.linear.scatter [tilespmem:s16], [sflag:$0x2], $0x2000, $0x38;
	[tilespmem:$0x1A580] =	vst v63  }
0x228: {  	_ =	swait.ge [sflag:s9], $0x2000  }
0x229: {  	[sflag:s9] =	ssyncset.done $0x0  }
0x22a: {  	[sflag:s9] =	ssyncadd.s32 $0xFFFFE000  }
0x22b: {  	_ =	swait.ge [sflag:s9], $0x2000  }
0x22c: {  	[sflag:s9] =	ssyncset.done $0x0  }
0x22d: {  	[sflag:s9] =	ssyncadd.s32 $0xFFFFE000  }
0x22e: {  	_ =	swait.ge [sflag:s29], $0x2000  }
0x22f: {  	[sflag:s29] =	ssyncset.done $0x0  }
0x230: {  	[sflag:s29] =	ssyncadd.s32 $0xFFFFE000  }
0x231: {  	_ =	swait.ge [sflag:s29], $0x2000  }
0x232: {  	[sflag:s29] =	ssyncset.done $0x0  }
0x233: {  	[sflag:s29] =	ssyncadd.s32 $0xFFFFE000  }
0x234: {  	s0 =	sadd.s32 s6, s28;
	_ =	swait.ge [sflag:s22], $0x2000  }
0x235: {  	p1 =	slt.s32 s0, $0x3FF;
	[sflag:s22] =	ssyncset.done $0x0  }
0x236: {  	s0 =	simm.s32 @!p1 $0x3FF;
	[sflag:s22] =	ssyncadd.s32 $0xFFFFE000  }
0x237: {  	s26 =	sshll.u32 s0, $0xD;
	s0 =	sshll.u32 s0, $0x7;
	_ =	swait.ge [sflag:s22], $0x2000  }
0x238: {  	s1 =	sand.u32 $0xFFFF0000, s26;
	s0 =	sand.u32 $0x380, s0;
	[sflag:s22] =	ssyncset.done $0x0  }
0x239: {  	s0 =	sor.u32 s0, s1;
	[sflag:s22] =	ssyncadd.s32 $0xFFFFE000  }
0x23a: {  	s0 =	sshrl.u32 s0, $0x3;
	s28 =	rddreg [dreg:$0x1]  }
0x23b: {  	s3 =	sadd.s32 $0x5, s5;
	s0 =	sadd.s32 s28, s0  }
0x23c: {  	[tilespmem:s10], [sflag:$0x3] =	stream.strided.gather [hbm4b:s0+s21], $0x2000, s7, s21, $0x38;
	[tilespmem:$0x1A580] =	vst v63  }
0x23d: {  	s0 =	sadd.s32 s6, s3  }
0x23e: {  	p1 =	slt.s32 s0, $0x3FF  }
0x23f: {  	s0 =	simm.s32 @!p1 $0x3FF  }
0x240: {  	s30 =	sshll.u32 s0, $0xD;
	s0 =	sshll.u32 s0, $0x7  }
0x241: {  	s1 =	sand.u32 $0xFFFF0000, s30;
	s0 =	sand.u32 $0x380, s0  }
0x242: {  	s0 =	sor.u32 s0, s1  }
0x243: {  	s2 =	simm.s32 $0x14440;
	s0 =	sshrl.u32 s0, $0x3  }
0x244: {  	s4 =	simm.s32 $0x10440;
	s23 =	simm.s32 $0x40;
	s0 =	sadd.s32 s28, s0  }
0x245: {  	[tilespmem:s12], [sflag:$0x3] =	stream.strided.gather [hbm4b:s0+s21], $0x2000, s7, s21, $0x38;
	[tilespmem:$0x1A580] =	vst v63  }
.LBB2_30:
0x246: {  	v5 =	vld [tilespmem:s23+$0x30]  }
0x247: {  	v6 =	vld [tilespmem:s23+$0xFFFFFFD0]  }
0x248: {  	v7 =	vld [tilespmem:s23+$0xFFFFFFE0]  }
0x249: {  	v8 =	vld [tilespmem:s23+$0xFFFFFFF0]  }
0x24a: {  	v9 =	vld [tilespmem:s23+$0x0]  }
0x24b: {  	v12 =	vld [tilespmem:s23+$0xFFFFFFC0]  }
0x24c: {  	v10 =	vld [tilespmem:s23+$0x10]  }
0x24d: {  	v11 =	vld [tilespmem:s23+$0x20]  }
0x24e: {  	v13 =	vld.idx.msk [tilespmem:v5+s13+$0x0], $0xffff  }
0x24f: {  	v5 =	vld.idx.msk [tilespmem:v5+s14+$0x0], $0xffff  }
0x250: {  	v14 =	vld.idx.msk [tilespmem:v6+s13+$0x0], $0xffff  }
0x251: {  	v15 =	vld.idx.msk [tilespmem:v7+s13+$0x0], $0xffff  }
0x252: {  	v16 =	vld.idx.msk [tilespmem:v8+s13+$0x0], $0xffff  }
0x253: {  	v62 =	vld.idx.msk [tilespmem:v12+s13+$0x0], $0xffff  }
0x254: {  	v6 =	vld.idx.msk [tilespmem:v6+s14+$0x0], $0xffff;
	[tilespmem:s4+$0x30] =	vst v13  }
0x255: {  	v7 =	vld.idx.msk [tilespmem:v7+s14+$0x0], $0xffff;
	[tilespmem:s4+$0xFFFFFFD0] =	vst v14  }
0x256: {  	v12 =	vld.idx.msk [tilespmem:v12+s14+$0x0], $0xffff;
	[tilespmem:s4+$0xFFFFFFE0] =	vst v15  }
0x257: {  	v63 =	vld.idx.msk [tilespmem:v8+s14+$0x0], $0xffff;
	[tilespmem:s4+$0xFFFFFFF0] =	vst v16  }
0x258: {  	v8 =	vld.idx.msk [tilespmem:v10+s14+$0x0], $0xffff;
	[tilespmem:s4+$0xFFFFFFC0] =	vst v62  }
0x259: {  	[tilespmem:s2+$0x30] =	vst v5;
	v5 =	vld.idx.msk [tilespmem:v9+s13+$0x0], $0xffff  }
0x25a: {  	[tilespmem:s2+$0xFFFFFFD0] =	vst v6;
	v6 =	vld.idx.msk [tilespmem:v9+s14+$0x0], $0xffff  }
0x25b: {  	[tilespmem:s2+$0xFFFFFFE0] =	vst v7;
	v7 =	vld.idx.msk [tilespmem:v10+s13+$0x0], $0xffff  }
0x25c: {  	s0 =	simm.s32 $0x0;
	[tilespmem:s2+$0xFFFFFFC0] =	vst v12;
	v9 =	vld.idx.msk [tilespmem:v11+s13+$0x0], $0xffff  }
0x25d: {  	s26 =	sadd.s32 $0x400, s23;
	s1 =	smov.u32 s4;
	s24 =	smov.u32 s2;
	[tilespmem:s2+$0xFFFFFFF0] =	vst v63;
	v10 =	vld.idx.msk [tilespmem:v11+s14+$0x0], $0xffff  }
.LBB2_31:
0x25e: {  	v11 =	vld [tilespmem:s26+$0x30];
	[tilespmem:s1+$0x0] =	vst v5  }
0x25f: {  	s0 =	sadd.s32 $0x80, s0;
	v5 =	vld [tilespmem:s26+$0xFFFFFFD0];
	[tilespmem:s24+$0x0] =	vst v6  }
0x260: {  	p1 =	slt.u32 s0, $0x380;
	v6 =	vld [tilespmem:s26+$0xFFFFFFE0];
	[tilespmem:s1+$0x10] =	vst v7  }
0x261: {  	v7 =	vld [tilespmem:s26+$0xFFFFFFF0];
	[tilespmem:s24+$0x10] =	vst v8  }
0x262: {  	v8 =	vld [tilespmem:s26+$0x0];
	[tilespmem:s1+$0x20] =	vst v9  }
0x263: {  	v9 =	vld [tilespmem:s26+$0x10];
	[tilespmem:s24+$0x20] =	vst v10  }
0x264: {  	v10 =	vld [tilespmem:s26+$0x20]  }
0x265: {  	v12 =	vld [tilespmem:s26+$0xFFFFFFC0]  }
0x266: {  	v13 =	vld.idx.msk [tilespmem:v11+s13+$0x0], $0xffff  }
0x267: {  	v11 =	vld.idx.msk [tilespmem:v11+s14+$0x0], $0xffff  }
0x268: {  	v14 =	vld.idx.msk [tilespmem:v5+s13+$0x0], $0xffff  }
0x269: {  	v5 =	vld.idx.msk [tilespmem:v5+s14+$0x0], $0xffff  }
0x26a: {  	v15 =	vld.idx.msk [tilespmem:v6+s13+$0x0], $0xffff  }
0x26b: {  	s1 =	sadd.s32 $0x400, s1;
	v6 =	vld.idx.msk [tilespmem:v6+s14+$0x0], $0xffff  }
0x26c: {  	s24 =	sadd.s32 $0x400, s24;
	v16 =	vld.idx.msk [tilespmem:v7+s13+$0x0], $0xffff;
	[tilespmem:s1+$0x30] =	vst v13  }
0x26d: {  	v13 =	vld.idx.msk [tilespmem:v12+s13+$0x0], $0xffff;
	[tilespmem:s24+$0x30] =	vst v11  }
0x26e: {  	v11 =	vld.idx.msk [tilespmem:v12+s14+$0x0], $0xffff;
	[tilespmem:s1+$0xFFFFFFD0] =	vst v14  }
0x26f: {  	[tilespmem:s24+$0xFFFFFFD0] =	vst v5;
	v12 =	vld.idx.msk [tilespmem:v7+s14+$0x0], $0xffff  }
0x270: {  	[tilespmem:s1+$0xFFFFFFE0] =	vst v15;
	v5 =	vld.idx.msk [tilespmem:v8+s13+$0x0], $0xffff  }
.Ltmp14:
0x271: {  	[tilespmem:s24+$0xFFFFFFE0] =	vst v6;
	v6 =	vld.idx.msk [tilespmem:v8+s14+$0x0], $0xffff;
	(pc) =	sbr.rel @p1 .LBB2_31-.Ltmp14, $4  }
0x272: {  	[tilespmem:s1+$0xFFFFFFF0] =	vst v16;
	v7 =	vld.idx.msk [tilespmem:v9+s13+$0x0], $0xffff  }
0x273: {  	[tilespmem:s1+$0xFFFFFFC0] =	vst v13;
	v8 =	vld.idx.msk [tilespmem:v9+s14+$0x0], $0xffff  }
0x274: {  	[tilespmem:s24+$0xFFFFFFC0] =	vst v11;
	v9 =	vld.idx.msk [tilespmem:v10+s13+$0x0], $0xffff  }
0x275: {  	s26 =	sadd.s32 $0x400, s26;
	[tilespmem:s24+$0xFFFFFFF0] =	vst v12;
	v10 =	vld.idx.msk [tilespmem:v10+s14+$0x0], $0xffff  }
0x276: {  	s11 =	sadd.s32 $0x1, s11  }
0x277: {  	[tilespmem:s1+$0x0] =	vst v5;
	p1 =	sne.s32 s11, $0x8  }
.Ltmp15:
0x278: {  	[tilespmem:s24+$0x0] =	vst v6;
	(pc) =	sbr.rel @p1 .LBB2_30-.Ltmp15, $4  }
0x279: {  	[tilespmem:s1+$0x10] =	vst v7  }
0x27a: {  	[tilespmem:s24+$0x10] =	vst v8  }
0x27b: {  	[tilespmem:s1+$0x20] =	vst v9  }
0x27c: {  	s2 =	sadd.s32 $0x80, s2;
	s4 =	sadd.s32 $0x80, s4;
	s23 =	sadd.s32 $0x80, s23;
	[tilespmem:s24+$0x20] =	vst v10  }
0x27d: {  	s0 =	sshll.u32 s3, $0x10  }
0x27e: {  	s0 =	sadd.s32 s18, s0  }
0x27f: {  	s1 =	rddreg [dreg:$0x2];
	s4 =	simm.s32 $0x0;
	s11 =	sshrl.u32 s0, $0x3  }
0x280: {  	s30 =	sshll.u32 s5, $0x10;
	s2 =	rddreg [dreg:$0x17];
	s0 =	sadd.s32 s1, s11  }
0x281: {  	[hbm4b:s0+s4] =	stream.linear.scatter [tilespmem:s8], [sflag:$0x1], $0x2000, $0x38;
	[tilespmem:$0x1A580] =	vst v63  }
0x282: {  	s0 =	sadd.s32 s30, s2  }
0x283: {  	s5 =	simm.s32 $0x12440;
	s3 =	sshrl.u32 s0, $0x3  }
0x284: {  	s23 =	simm.s32 $0x2070;
	s2 =	simm.s32 $0x16440;
	s0 =	sadd.s32 s1, s3  }
0x285: {  	[hbm4b:s0+s4] =	stream.linear.scatter [tilespmem:s20], [sflag:$0x1], $0x2000, $0x38;
	[tilespmem:$0x1A580] =	vst v63  }
.LBB2_34:
0x286: {  	v5 =	vld [tilespmem:s23+$0x0]  }
0x287: {  	v6 =	vld [tilespmem:s23+$0xFFFFFFA0]  }
0x288: {  	v7 =	vld [tilespmem:s23+$0xFFFFFFB0]  }
0x289: {  	v8 =	vld [tilespmem:s23+$0xFFFFFFC0]  }
0x28a: {  	v9 =	vld [tilespmem:s23+$0xFFFFFFD0]  }
0x28b: {  	v12 =	vld [tilespmem:s23+$0xFFFFFF90]  }
0x28c: {  	v10 =	vld [tilespmem:s23+$0xFFFFFFE0]  }
0x28d: {  	v11 =	vld [tilespmem:s23+$0xFFFFFFF0]  }
0x28e: {  	v13 =	vld.idx.msk [tilespmem:v5+s13+$0x0], $0xffff  }
0x28f: {  	v5 =	vld.idx.msk [tilespmem:v5+s14+$0x0], $0xffff  }
0x290: {  	v14 =	vld.idx.msk [tilespmem:v6+s13+$0x0], $0xffff  }
0x291: {  	v15 =	vld.idx.msk [tilespmem:v7+s13+$0x0], $0xffff  }
0x292: {  	v16 =	vld.idx.msk [tilespmem:v8+s13+$0x0], $0xffff  }
0x293: {  	v62 =	vld.idx.msk [tilespmem:v12+s13+$0x0], $0xffff  }
0x294: {  	v6 =	vld.idx.msk [tilespmem:v6+s14+$0x0], $0xffff;
	[tilespmem:s5+$0x30] =	vst v13  }
0x295: {  	v7 =	vld.idx.msk [tilespmem:v7+s14+$0x0], $0xffff;
	[tilespmem:s5+$0xFFFFFFD0] =	vst v14  }
0x296: {  	v12 =	vld.idx.msk [tilespmem:v12+s14+$0x0], $0xffff;
	[tilespmem:s5+$0xFFFFFFE0] =	vst v15  }
0x297: {  	v63 =	vld.idx.msk [tilespmem:v8+s14+$0x0], $0xffff;
	[tilespmem:s5+$0xFFFFFFF0] =	vst v16  }
0x298: {  	v8 =	vld.idx.msk [tilespmem:v10+s14+$0x0], $0xffff;
	[tilespmem:s5+$0xFFFFFFC0] =	vst v62  }
0x299: {  	[tilespmem:s2+$0x30] =	vst v5;
	v5 =	vld.idx.msk [tilespmem:v9+s13+$0x0], $0xffff  }
0x29a: {  	[tilespmem:s2+$0xFFFFFFD0] =	vst v6;
	v6 =	vld.idx.msk [tilespmem:v9+s14+$0x0], $0xffff  }
0x29b: {  	[tilespmem:s2+$0xFFFFFFE0] =	vst v7;
	v7 =	vld.idx.msk [tilespmem:v10+s13+$0x0], $0xffff  }
0x29c: {  	s0 =	simm.s32 $0x0;
	[tilespmem:s2+$0xFFFFFFC0] =	vst v12;
	v9 =	vld.idx.msk [tilespmem:v11+s13+$0x0], $0xffff  }
0x29d: {  	s26 =	sadd.s32 $0x400, s23;
	s1 =	smov.u32 s5;
	s24 =	smov.u32 s2;
	[tilespmem:s2+$0xFFFFFFF0] =	vst v63;
	v10 =	vld.idx.msk [tilespmem:v11+s14+$0x0], $0xffff  }
.LBB2_35:
0x29e: {  	v11 =	vld [tilespmem:s26+$0x0];
	[tilespmem:s1+$0x0] =	vst v5  }
0x29f: {  	s0 =	sadd.s32 $0x80, s0;
	v5 =	vld [tilespmem:s26+$0xFFFFFFA0];
	[tilespmem:s24+$0x0] =	vst v6  }
0x2a0: {  	p1 =	slt.u32 s0, $0x380;
	v6 =	vld [tilespmem:s26+$0xFFFFFFB0];
	[tilespmem:s1+$0x10] =	vst v7  }
0x2a1: {  	v7 =	vld [tilespmem:s26+$0xFFFFFFC0];
	[tilespmem:s24+$0x10] =	vst v8  }
0x2a2: {  	v8 =	vld [tilespmem:s26+$0xFFFFFFD0];
	[tilespmem:s1+$0x20] =	vst v9  }
0x2a3: {  	v9 =	vld [tilespmem:s26+$0xFFFFFFE0];
	[tilespmem:s24+$0x20] =	vst v10  }
0x2a4: {  	v10 =	vld [tilespmem:s26+$0xFFFFFFF0]  }
0x2a5: {  	v12 =	vld [tilespmem:s26+$0xFFFFFF90]  }
0x2a6: {  	v13 =	vld.idx.msk [tilespmem:v11+s13+$0x0], $0xffff  }
0x2a7: {  	v11 =	vld.idx.msk [tilespmem:v11+s14+$0x0], $0xffff  }
0x2a8: {  	v14 =	vld.idx.msk [tilespmem:v5+s13+$0x0], $0xffff  }
0x2a9: {  	v5 =	vld.idx.msk [tilespmem:v5+s14+$0x0], $0xffff  }
0x2aa: {  	v15 =	vld.idx.msk [tilespmem:v6+s13+$0x0], $0xffff  }
0x2ab: {  	s1 =	sadd.s32 $0x400, s1;
	v6 =	vld.idx.msk [tilespmem:v6+s14+$0x0], $0xffff  }
0x2ac: {  	s24 =	sadd.s32 $0x400, s24;
	v16 =	vld.idx.msk [tilespmem:v7+s13+$0x0], $0xffff;
	[tilespmem:s1+$0x30] =	vst v13  }
0x2ad: {  	v13 =	vld.idx.msk [tilespmem:v12+s13+$0x0], $0xffff;
	[tilespmem:s24+$0x30] =	vst v11  }
0x2ae: {  	v11 =	vld.idx.msk [tilespmem:v12+s14+$0x0], $0xffff;
	[tilespmem:s1+$0xFFFFFFD0] =	vst v14  }
0x2af: {  	[tilespmem:s24+$0xFFFFFFD0] =	vst v5;
	v12 =	vld.idx.msk [tilespmem:v7+s14+$0x0], $0xffff  }
0x2b0: {  	[tilespmem:s1+$0xFFFFFFE0] =	vst v15;
	v5 =	vld.idx.msk [tilespmem:v8+s13+$0x0], $0xffff  }
.Ltmp16:
0x2b1: {  	[tilespmem:s24+$0xFFFFFFE0] =	vst v6;
	v6 =	vld.idx.msk [tilespmem:v8+s14+$0x0], $0xffff;
	(pc) =	sbr.rel @p1 .LBB2_35-.Ltmp16, $4  }
0x2b2: {  	[tilespmem:s1+$0xFFFFFFF0] =	vst v16;
	v7 =	vld.idx.msk [tilespmem:v9+s13+$0x0], $0xffff  }
0x2b3: {  	[tilespmem:s1+$0xFFFFFFC0] =	vst v13;
	v8 =	vld.idx.msk [tilespmem:v9+s14+$0x0], $0xffff  }
0x2b4: {  	[tilespmem:s24+$0xFFFFFFC0] =	vst v11;
	v9 =	vld.idx.msk [tilespmem:v10+s13+$0x0], $0xffff  }
0x2b5: {  	s26 =	sadd.s32 $0x400, s26;
	[tilespmem:s24+$0xFFFFFFF0] =	vst v12;
	v10 =	vld.idx.msk [tilespmem:v10+s14+$0x0], $0xffff  }
0x2b6: {  	s4 =	sadd.s32 $0x1, s4  }
0x2b7: {  	[tilespmem:s1+$0x0] =	vst v5;
	p1 =	sne.s32 s4, $0x8  }
.Ltmp17:
0x2b8: {  	[tilespmem:s24+$0x0] =	vst v6;
	(pc) =	sbr.rel @p1 .LBB2_34-.Ltmp17, $4  }
0x2b9: {  	[tilespmem:s1+$0x10] =	vst v7  }
0x2ba: {  	[tilespmem:s24+$0x10] =	vst v8  }
0x2bb: {  	[tilespmem:s1+$0x20] =	vst v9  }
0x2bc: {  	s2 =	sadd.s32 $0x80, s2;
	s5 =	sadd.s32 $0x80, s5;
	s23 =	sadd.s32 $0x80, s23;
	[tilespmem:s24+$0x20] =	vst v10  }
0x2bd: {  	s1 =	rddreg [dreg:$0x13]  }
0x2be: {  	s4 =	simm.s32 $0x0;
	s0 =	sadd.s32 s11, s1  }
0x2bf: {  	[hbm4b:s0+s4] =	stream.linear.scatter [tilespmem:s15], [sflag:$0x2], $0x2000, $0x38;
	[tilespmem:$0x1A580] =	vst v63  }
0x2c0: {  	s30 =	sadd.s32 s3, s1  }
0x2c1: {  	[hbm4b:s30+s4] =	stream.linear.scatter [tilespmem:s16], [sflag:$0x2], $0x2000, $0x38;
	[tilespmem:$0x1A580] =	vst v63  }
0x2c2: {  	_ =	swait.ge [sflag:s9], $0x2000  }
0x2c3: {  	[sflag:s9] =	ssyncset.done $0x0  }
0x2c4: {  	[sflag:s9] =	ssyncadd.s32 $0xFFFFE000  }
0x2c5: {  	_ =	swait.ge [sflag:s9], $0x2000  }
0x2c6: {  	[sflag:s9] =	ssyncset.done $0x0  }
0x2c7: {  	s2 =	simm.s32 $0x0;
	[sflag:s9] =	ssyncadd.s32 $0xFFFFE000  }
.LBB2_38:
0x2c8: {  	s5 =	sshra.s32 s4, $0x2  }
0x2c9: {  	v6 =	vld [tilespmem:s5+$0x4070]  }
0x2ca: {  	v7 =	vld [tilespmem:s5+$0x4000]  }
0x2cb: {  	v8 =	vld [tilespmem:s5+$0x4010]  }
0x2cc: {  	v9 =	vld [tilespmem:s5+$0x4020]  }
0x2cd: {  	v10 =	vld [tilespmem:s5+$0x4030]  }
0x2ce: {  	v11 =	vld [tilespmem:s5+$0x4040]  }
0x2cf: {  	v12 =	vld [tilespmem:s5+$0x4050]  }
0x2d0: {  	v5 =	vld [tilespmem:s5+$0x4060]  }
0x2d1: {  	v13 =	vld.idx.msk [tilespmem:v6+s14+$0x0], $0xffff  }
0x2d2: {  	v14 =	vld.idx.msk [tilespmem:v7+s13+$0x0], $0xffff  }
0x2d3: {  	v7 =	vld.idx.msk [tilespmem:v7+s14+$0x0], $0xffff  }
0x2d4: {  	v15 =	vld.idx.msk [tilespmem:v8+s13+$0x0], $0xffff  }
0x2d5: {  	v8 =	vld.idx.msk [tilespmem:v8+s14+$0x0], $0xffff  }
0x2d6: {  	v16 =	vld.idx.msk [tilespmem:v6+s13+$0x0], $0xffff  }
0x2d7: {  	v17 =	vld.idx.msk [tilespmem:v9+s13+$0x0], $0xffff;
	[tilespmem:s5+$0x14470] =	vst v13  }
0x2d8: {  	v62 =	vld.idx.msk [tilespmem:v9+s14+$0x0], $0xffff;
	[tilespmem:s5+$0x10400] =	vst v14  }
0x2d9: {  	v63 =	vld.idx.msk [tilespmem:v10+s13+$0x0], $0xffff;
	[tilespmem:s5+$0x14400] =	vst v7  }
0x2da: {  	v9 =	vld.idx.msk [tilespmem:v10+s14+$0x0], $0xffff;
	[tilespmem:s5+$0x10410] =	vst v15  }
0x2db: {  	v6 =	vld.idx.msk [tilespmem:v11+s13+$0x0], $0xffff;
	[tilespmem:s5+$0x14410] =	vst v8  }
0x2dc: {  	v10 =	vld.idx.msk [tilespmem:v12+s14+$0x0], $0xffff;
	[tilespmem:s5+$0x10420] =	vst v17  }
0x2dd: {  	v8 =	vld.idx.msk [tilespmem:v11+s14+$0x0], $0xffff;
	[tilespmem:s5+$0x10470] =	vst v16  }
0x2de: {  	v7 =	vld.idx.msk [tilespmem:v12+s13+$0x0], $0xffff;
	[tilespmem:s5+$0x14420] =	vst v62  }
0x2df: {  	s0 =	simm.s32 $0x0;
	s1 =	sadd.s32 $0x1000, s4;
	[tilespmem:s5+$0x10430] =	vst v63;
	v11 =	vld.idx.msk [tilespmem:v5+s13+$0x0], $0xffff  }
.LBB2_39:
0x2e0: {  	s23 =	sshra.s32 s1, $0x2;
	s0 =	sadd.s32 $0x80, s0;
	[tilespmem:s5+$0x14430] =	vst v9;
	v5 =	vld.idx.msk [tilespmem:v5+s14+$0x0], $0xffff  }
0x2e1: {  	v9 =	vld [tilespmem:s23+$0x4070];
	p1 =	slt.u32 s0, $0x380;
	[tilespmem:s5+$0x10440] =	vst v6  }
0x2e2: {  	v6 =	vld [tilespmem:s23+$0x4000];
	[tilespmem:s5+$0x14440] =	vst v8  }
0x2e3: {  	v8 =	vld [tilespmem:s23+$0x4010];
	[tilespmem:s5+$0x10450] =	vst v7  }
0x2e4: {  	v7 =	vld [tilespmem:s23+$0x4020];
	[tilespmem:s5+$0x14450] =	vst v10  }
0x2e5: {  	v10 =	vld [tilespmem:s23+$0x4030];
	[tilespmem:s5+$0x10460] =	vst v11  }
0x2e6: {  	v11 =	vld [tilespmem:s23+$0x4040];
	[tilespmem:s5+$0x14460] =	vst v5;
	s5 =	smov.u32 s23  }
0x2e7: {  	v12 =	vld [tilespmem:s5+$0x4050]  }
0x2e8: {  	v5 =	vld [tilespmem:s5+$0x4060]  }
0x2e9: {  	v13 =	vld.idx.msk [tilespmem:v9+s14+$0x0], $0xffff  }
0x2ea: {  	v14 =	vld.idx.msk [tilespmem:v6+s13+$0x0], $0xffff  }
0x2eb: {  	v6 =	vld.idx.msk [tilespmem:v6+s14+$0x0], $0xffff  }
0x2ec: {  	v15 =	vld.idx.msk [tilespmem:v8+s13+$0x0], $0xffff  }
0x2ed: {  	v8 =	vld.idx.msk [tilespmem:v8+s14+$0x0], $0xffff  }
0x2ee: {  	v16 =	vld.idx.msk [tilespmem:v7+s13+$0x0], $0xffff  }
0x2ef: {  	v17 =	vld.idx.msk [tilespmem:v9+s13+$0x0], $0xffff;
	[tilespmem:s5+$0x14470] =	vst v13  }
0x2f0: {  	[tilespmem:s5+$0x10400] =	vst v14;
	v13 =	vld.idx.msk [tilespmem:v7+s14+$0x0], $0xffff  }
0x2f1: {  	[tilespmem:s5+$0x14400] =	vst v6;
	v14 =	vld.idx.msk [tilespmem:v10+s13+$0x0], $0xffff  }
0x2f2: {  	[tilespmem:s5+$0x10410] =	vst v15;
	v9 =	vld.idx.msk [tilespmem:v10+s14+$0x0], $0xffff  }
.Ltmp18:
0x2f3: {  	[tilespmem:s5+$0x14410] =	vst v8;
	v6 =	vld.idx.msk [tilespmem:v11+s13+$0x0], $0xffff;
	(pc) =	sbr.rel @p1 .LBB2_39-.Ltmp18, $4  }
0x2f4: {  	[tilespmem:s5+$0x10420] =	vst v16;
	v8 =	vld.idx.msk [tilespmem:v11+s14+$0x0], $0xffff  }
0x2f5: {  	v7 =	vld.idx.msk [tilespmem:v12+s13+$0x0], $0xffff;
	[tilespmem:s5+$0x10470] =	vst v17  }
0x2f6: {  	[tilespmem:s5+$0x14420] =	vst v13;
	v10 =	vld.idx.msk [tilespmem:v12+s14+$0x0], $0xffff  }
0x2f7: {  	s1 =	sadd.s32 $0x1000, s1;
	[tilespmem:s5+$0x10430] =	vst v14;
	v11 =	vld.idx.msk [tilespmem:v5+s13+$0x0], $0xffff  }
0x2f8: {  	_ =	sdelay $0x2  }
0x2f9: {  	[tilespmem:s5+$0x14430] =	vst v9;
	s2 =	sadd.s32 $0x1, s2  }
0x2fa: {  	v5 =	vld.idx.msk [tilespmem:v5+s14+$0x0], $0xffff;
	[tilespmem:s5+$0x10440] =	vst v6;
	p1 =	sne.s32 s2, $0x8  }
.Ltmp19:
0x2fb: {  	[tilespmem:s5+$0x14440] =	vst v8;
	(pc) =	sbr.rel @p1 .LBB2_38-.Ltmp19, $4  }
0x2fc: {  	[tilespmem:s5+$0x10450] =	vst v7  }
0x2fd: {  	[tilespmem:s5+$0x14450] =	vst v10  }
0x2fe: {  	[tilespmem:s5+$0x10460] =	vst v11  }
0x2ff: {  	s4 =	sadd.s32 $0x200, s4;
	[tilespmem:s5+$0x14460] =	vst v5  }
0x300: {  	s1 =	rddreg [dreg:$0x14]  }
0x301: {  	s4 =	simm.s32 $0x0;
	s0 =	sadd.s32 s11, s1  }
0x302: {  	[hbm4b:s0+s4] =	stream.linear.scatter [tilespmem:s8], [sflag:$0x1], $0x2000, $0x38;
	[tilespmem:$0x1A580] =	vst v63  }
0x303: {  	s30 =	sadd.s32 s3, s1  }
0x304: {  	[hbm4b:s30+s4] =	stream.linear.scatter [tilespmem:s20], [sflag:$0x1], $0x2000, $0x38;
	[tilespmem:$0x1A580] =	vst v63  }
0x305: {  	_ =	swait.ge [sflag:s29], $0x2000  }
0x306: {  	[sflag:s29] =	ssyncset.done $0x0  }
0x307: {  	[sflag:s29] =	ssyncadd.s32 $0xFFFFE000  }
0x308: {  	_ =	swait.ge [sflag:s29], $0x2000  }
0x309: {  	[sflag:s29] =	ssyncset.done $0x0  }
0x30a: {  	s2 =	simm.s32 $0x0;
	[sflag:s29] =	ssyncadd.s32 $0xFFFFE000  }
.LBB2_42:
0x30b: {  	s5 =	sshra.s32 s4, $0x2  }
0x30c: {  	v6 =	vld [tilespmem:s5+$0x6070]  }
0x30d: {  	v7 =	vld [tilespmem:s5+$0x6000]  }
0x30e: {  	v8 =	vld [tilespmem:s5+$0x6010]  }
0x30f: {  	v9 =	vld [tilespmem:s5+$0x6020]  }
0x310: {  	v10 =	vld [tilespmem:s5+$0x6030]  }
0x311: {  	v11 =	vld [tilespmem:s5+$0x6040]  }
0x312: {  	v12 =	vld [tilespmem:s5+$0x6050]  }
0x313: {  	v5 =	vld [tilespmem:s5+$0x6060]  }
0x314: {  	v13 =	vld.idx.msk [tilespmem:v6+s14+$0x0], $0xffff  }
0x315: {  	v14 =	vld.idx.msk [tilespmem:v7+s13+$0x0], $0xffff  }
0x316: {  	v7 =	vld.idx.msk [tilespmem:v7+s14+$0x0], $0xffff  }
0x317: {  	v15 =	vld.idx.msk [tilespmem:v8+s13+$0x0], $0xffff  }
0x318: {  	v8 =	vld.idx.msk [tilespmem:v8+s14+$0x0], $0xffff  }
0x319: {  	v16 =	vld.idx.msk [tilespmem:v6+s13+$0x0], $0xffff  }
0x31a: {  	v17 =	vld.idx.msk [tilespmem:v9+s13+$0x0], $0xffff;
	[tilespmem:s5+$0x16470] =	vst v13  }
0x31b: {  	v62 =	vld.idx.msk [tilespmem:v9+s14+$0x0], $0xffff;
	[tilespmem:s5+$0x12400] =	vst v14  }
0x31c: {  	v63 =	vld.idx.msk [tilespmem:v10+s13+$0x0], $0xffff;
	[tilespmem:s5+$0x16400] =	vst v7  }
0x31d: {  	v9 =	vld.idx.msk [tilespmem:v10+s14+$0x0], $0xffff;
	[tilespmem:s5+$0x12410] =	vst v15  }
0x31e: {  	v6 =	vld.idx.msk [tilespmem:v11+s13+$0x0], $0xffff;
	[tilespmem:s5+$0x16410] =	vst v8  }
0x31f: {  	v10 =	vld.idx.msk [tilespmem:v12+s14+$0x0], $0xffff;
	[tilespmem:s5+$0x12420] =	vst v17  }
0x320: {  	v8 =	vld.idx.msk [tilespmem:v11+s14+$0x0], $0xffff;
	[tilespmem:s5+$0x12470] =	vst v16  }
0x321: {  	v7 =	vld.idx.msk [tilespmem:v12+s13+$0x0], $0xffff;
	[tilespmem:s5+$0x16420] =	vst v62  }
0x322: {  	s0 =	simm.s32 $0x0;
	s1 =	sadd.s32 $0x1000, s4;
	[tilespmem:s5+$0x12430] =	vst v63;
	v11 =	vld.idx.msk [tilespmem:v5+s13+$0x0], $0xffff  }
.LBB2_43:
0x323: {  	s23 =	sshra.s32 s1, $0x2;
	s0 =	sadd.s32 $0x80, s0;
	[tilespmem:s5+$0x16430] =	vst v9;
	v5 =	vld.idx.msk [tilespmem:v5+s14+$0x0], $0xffff  }
0x324: {  	v9 =	vld [tilespmem:s23+$0x6070];
	p1 =	slt.u32 s0, $0x380;
	[tilespmem:s5+$0x12440] =	vst v6  }
0x325: {  	v6 =	vld [tilespmem:s23+$0x6000];
	[tilespmem:s5+$0x16440] =	vst v8  }
0x326: {  	v8 =	vld [tilespmem:s23+$0x6010];
	[tilespmem:s5+$0x12450] =	vst v7  }
0x327: {  	v7 =	vld [tilespmem:s23+$0x6020];
	[tilespmem:s5+$0x16450] =	vst v10  }
0x328: {  	v10 =	vld [tilespmem:s23+$0x6030];
	[tilespmem:s5+$0x12460] =	vst v11  }
0x329: {  	v11 =	vld [tilespmem:s23+$0x6040];
	[tilespmem:s5+$0x16460] =	vst v5;
	s5 =	smov.u32 s23  }
0x32a: {  	v12 =	vld [tilespmem:s5+$0x6050]  }
0x32b: {  	v5 =	vld [tilespmem:s5+$0x6060]  }
0x32c: {  	v13 =	vld.idx.msk [tilespmem:v9+s14+$0x0], $0xffff  }
0x32d: {  	v14 =	vld.idx.msk [tilespmem:v6+s13+$0x0], $0xffff  }
0x32e: {  	v6 =	vld.idx.msk [tilespmem:v6+s14+$0x0], $0xffff  }
0x32f: {  	v15 =	vld.idx.msk [tilespmem:v8+s13+$0x0], $0xffff  }
0x330: {  	v8 =	vld.idx.msk [tilespmem:v8+s14+$0x0], $0xffff  }
0x331: {  	v16 =	vld.idx.msk [tilespmem:v7+s13+$0x0], $0xffff  }
0x332: {  	v17 =	vld.idx.msk [tilespmem:v9+s13+$0x0], $0xffff;
	[tilespmem:s5+$0x16470] =	vst v13  }
0x333: {  	[tilespmem:s5+$0x12400] =	vst v14;
	v13 =	vld.idx.msk [tilespmem:v7+s14+$0x0], $0xffff  }
0x334: {  	[tilespmem:s5+$0x16400] =	vst v6;
	v14 =	vld.idx.msk [tilespmem:v10+s13+$0x0], $0xffff  }
0x335: {  	[tilespmem:s5+$0x12410] =	vst v15;
	v9 =	vld.idx.msk [tilespmem:v10+s14+$0x0], $0xffff  }
.Ltmp20:
0x336: {  	[tilespmem:s5+$0x16410] =	vst v8;
	v6 =	vld.idx.msk [tilespmem:v11+s13+$0x0], $0xffff;
	(pc) =	sbr.rel @p1 .LBB2_43-.Ltmp20, $4  }
0x337: {  	[tilespmem:s5+$0x12420] =	vst v16;
	v8 =	vld.idx.msk [tilespmem:v11+s14+$0x0], $0xffff  }
0x338: {  	v7 =	vld.idx.msk [tilespmem:v12+s13+$0x0], $0xffff;
	[tilespmem:s5+$0x12470] =	vst v17  }
0x339: {  	[tilespmem:s5+$0x16420] =	vst v13;
	v10 =	vld.idx.msk [tilespmem:v12+s14+$0x0], $0xffff  }
0x33a: {  	s1 =	sadd.s32 $0x1000, s1;
	[tilespmem:s5+$0x12430] =	vst v14;
	v11 =	vld.idx.msk [tilespmem:v5+s13+$0x0], $0xffff  }
0x33b: {  	_ =	sdelay $0x2  }
0x33c: {  	[tilespmem:s5+$0x16430] =	vst v9;
	s2 =	sadd.s32 $0x1, s2  }
0x33d: {  	v5 =	vld.idx.msk [tilespmem:v5+s14+$0x0], $0xffff;
	[tilespmem:s5+$0x12440] =	vst v6;
	p1 =	sne.s32 s2, $0x8  }
.Ltmp21:
0x33e: {  	[tilespmem:s5+$0x16440] =	vst v8;
	(pc) =	sbr.rel @p1 .LBB2_42-.Ltmp21, $4  }
0x33f: {  	[tilespmem:s5+$0x12450] =	vst v7  }
0x340: {  	[tilespmem:s5+$0x16450] =	vst v10  }
0x341: {  	[tilespmem:s5+$0x12460] =	vst v11  }
0x342: {  	s4 =	sadd.s32 $0x200, s4;
	[tilespmem:s5+$0x16460] =	vst v5  }
0x343: {  	s2 =	rddreg [dreg:$0x16]  }
0x344: {  	s1 =	simm.s32 $0x0;
	s0 =	sadd.s32 s11, s2  }
0x345: {  	[hbm4b:s0+s1] =	stream.linear.scatter [tilespmem:s15], [sflag:$0x2], $0x2000, $0x38;
	[tilespmem:$0x1A580] =	vst v63  }
0x346: {  	s30 =	sadd.s32 s3, s2  }
0x347: {  	[hbm4b:s30+s1] =	stream.linear.scatter [tilespmem:s16], [sflag:$0x2], $0x2000, $0x38;
	[tilespmem:$0x1A580] =	vst v63  }
0x348: {  	_ =	swait.ge [sflag:s9], $0x2000  }
0x349: {  	[sflag:s9] =	ssyncset.done $0x0  }
0x34a: {  	[sflag:s9] =	ssyncadd.s32 $0xFFFFE000  }
0x34b: {  	_ =	swait.ge [sflag:s9], $0x2000  }
0x34c: {  	[sflag:s9] =	ssyncset.done $0x0  }
0x34d: {  	s25 =	sadd.s32 $0x1, s25;
	[sflag:s9] =	ssyncadd.s32 $0xFFFFE000  }
0x34e: {  	p1 =	sne.s32 s25, $0x8;
	_ =	swait.ge [sflag:s29], $0x2000  }
.Ltmp22:
0x34f: {  	[sflag:s29] =	ssyncset.done $0x0;
	(pc) =	sbr.rel @p1 .LBB2_13-.Ltmp22, $4  }
0x350: {  	[sflag:s29] =	ssyncadd.s32 $0xFFFFE000  }
0x351: {  	_ =	swait.ge [sflag:s29], $0x2000  }
0x352: {  	[sflag:s29] =	ssyncset.done $0x0  }
0x353: {  	s26 =	simm.s32 $0x0;
	[sflag:s29] =	ssyncadd.s32 $0xFFFFE000  }
0x354: {  	_ =	swait.ge [sflag:s17], $0x2000  }
0x355: {  	[sflag:s17] =	ssyncset.done $0x0  }
0x356: {  	[sflag:s17] =	ssyncadd.s32 $0xFFFFE000  }
0x357: {  	_ =	swait.ge [sflag:s17], $0x2000  }
0x358: {  	s1 =	simm.s32 $0x4000;
	s2 =	simm.s32 $0x2000;
	[sflag:s17] =	ssyncset.done $0x0  }
0x359: {  	s24 =	simm.s32 $0x5;
	s0 =	rddreg [dreg:$0x18];
	[sflag:s17] =	ssyncadd.s32 $0xFFFFE000  }
0x35a: {  	[tilespmem:s26], [sflag:$0x5] =	stream.strided.gather [hbm4b:s0+s2], $0x8000, s1, s2, $0x38;
	[tilespmem:$0x1A580] =	vst v63  }
0x35b: {  	_ =	swait.ge [sflag:s24], $0x8000  }
.Ltmp23:
0x35c: {  	[sflag:s24] =	ssyncset.done $0x0;
	(pc) =	sbr.rel @p0 .LBB2_53-.Ltmp23, $4  }
0x35d: {  	s25 =	rddreg [dreg:$0xe];
	[sflag:s24] =	ssyncadd.s32 $0xFFFF8000  }
0x35e: {  	[tilespmem:s10], [sflag:$0x3] =	stream.strided.gather [hbm4b:s25+s21], $0x2000, s7, s21, $0x38;
	[tilespmem:$0x1A580] =	vst v63  }
0x35f: {  	s30 =	rddreg [dreg:$0x10]  }
0x360: {  	[tilespmem:s12], [sflag:$0x3] =	stream.strided.gather [hbm4b:s30+s21], $0x2000, s7, s21, $0x38;
	[tilespmem:$0x1A580] =	vst v63  }
0x361: {  	s0 =	rddreg [dreg:$0xf];
	s1 =	simm.s32 $0x5  }
0x362: {  	[tilespmem:s13], [sflag:$0x5] =	stream.strided.gather [hbm4b:s0+s21], $0x2000, s7, s21, $0x38;
	[tilespmem:$0x1A580] =	vst v63  }
0x363: {  	_ =	swait.ge [sflag:s1], $0x2000  }
0x364: {  	[sflag:s1] =	ssyncset.done $0x0  }
0x365: {  	s2 =	simm.s32 $0x10000;
	s30 =	rddreg [dreg:$0x19];
	[sflag:s1] =	ssyncadd.s32 $0xFFFFE000  }
0x366: {  	[tilespmem:s2], [sflag:$0x5] =	stream.strided.gather [hbm4b:s30+s21], $0x400, s7, s21, $0x38;
	[tilespmem:$0x1A580] =	vst v63  }
0x367: {  	_ =	swait.ge [sflag:s1], $0x400  }
0x368: {  	[sflag:s1] =	ssyncset.done $0x0  }
0x369: {  	s3 =	simm.s32 $0x0;
	s5 =	simm.s32 $0x40;
	[sflag:s1] =	ssyncadd.s32 $0xFFFFFC00  }
.LBB2_48:
0x36a: {  	s2 =	simm.s32 $0x10440;
	s4 =	smov.u32 s5;
	s11 =	simm.s32 $0x0  }
.LBB2_49:
0x36b: {  	v5 =	vld [tilespmem:s4+$0x30]  }
0x36c: {  	v6 =	vld [tilespmem:s4+$0xFFFFFFD0]  }
0x36d: {  	v7 =	vld [tilespmem:s4+$0xFFFFFFE0]  }
0x36e: {  	v8 =	vld [tilespmem:s4+$0xFFFFFFF0]  }
0x36f: {  	v10 =	vld [tilespmem:s4+$0x0]  }
0x370: {  	v11 =	vld [tilespmem:s4+$0x10]  }
0x371: {  	v12 =	vld [tilespmem:s4+$0x20]  }
0x372: {  	v13 =	vld [tilespmem:s4+$0xFFFFFFC0];
	s23 =	simm.s32 $0x10040  }
0x373: {  	v16 =	vld [tilespmem:s23+$0x30]  }
0x374: {  	v19 =	vld [tilespmem:s23+$0xFFFFFFD0]  }
0x375: {  	v14 =	vld [tilespmem:s23+$0xFFFFFFE0]  }
0x376: {  	v15 =	vld.idx.msk [tilespmem:v5+s13+$0x0], $0xffff  }
0x377: {  	v17 =	vld.idx.msk [tilespmem:v6+s13+$0x0], $0xffff  }
0x378: {  	v9 =	vld.idx.msk [tilespmem:v7+s13+$0x0], $0xffff  }
0x379: {  	v8 =	vld.idx.msk [tilespmem:v8+s13+$0x0], $0xffff  }
0x37a: {  	v18 =	vld.idx.msk [tilespmem:v13+s13+$0x0], $0xffff  }
0x37b: {  	v6 =	vld.idx.msk [tilespmem:v12+s13+$0x0], $0xffff  }
0x37c: {  	v12 =	vld [tilespmem:s23+$0xFFFFFFC0]  }
0x37d: {  	v7 =	vld.idx.msk [tilespmem:v10+s13+$0x0], $0xffff  }
0x37e: {  	v5 =	vld.idx.msk [tilespmem:v11+s13+$0x0], $0xffff  }
0x37f: {  	v13 =	vld [tilespmem:s23+$0xFFFFFFF0]  }
0x380: {  	v11 =	vld [tilespmem:s23+$0x0];
	v15 =	vsub.f32 v15, v16  }
0x381: {  	v10 =	vld [tilespmem:s23+$0x10];
	v16 =	vsub.f32 v18, v12  }
0x382: {  	s0 =	simm.s32 $0x0;
	s1 =	sadd.s32 $0x400, s4;
	s24 =	smov.u32 s2;
	v12 =	vld [tilespmem:s23+$0x20];
	[tilespmem:s2+$0x30] =	vst v15;
	v15 =	vsub.f32 v17, v19  }
.LBB2_50:
0x383: {  	v17 =	vld [tilespmem:s1+$0x30];
	s0 =	sadd.s32 $0x80, s0;
	[tilespmem:s24+$0xFFFFFFC0] =	vst v16;
	v9 =	vsub.f32 v9, v14  }
0x384: {  	v14 =	vld [tilespmem:s1+$0xFFFFFFD0];
	p1 =	slt.u32 s0, $0x380;
	[tilespmem:s24+$0xFFFFFFD0] =	vst v15;
	v8 =	vsub.f32 v8, v13  }
0x385: {  	v13 =	vld [tilespmem:s1+$0xFFFFFFE0];
	[tilespmem:s24+$0xFFFFFFE0] =	vst v9;
	v7 =	vsub.f32 v7, v11  }
0x386: {  	v11 =	vld [tilespmem:s1+$0xFFFFFFF0];
	[tilespmem:s24+$0xFFFFFFF0] =	vst v8;
	v5 =	vsub.f32 v5, v10  }
0x387: {  	v10 =	vld [tilespmem:s1+$0x0];
	[tilespmem:s24+$0x0] =	vst v7;
	v6 =	vsub.f32 v6, v12  }
0x388: {  	v12 =	vld [tilespmem:s1+$0x10];
	[tilespmem:s24+$0x10] =	vst v5  }
0x389: {  	v15 =	vld [tilespmem:s1+$0x20];
	[tilespmem:s24+$0x20] =	vst v6  }
0x38a: {  	v6 =	vld [tilespmem:s1+$0xFFFFFFC0]  }
0x38b: {  	s23 =	sadd.s32 $0x80, s23;
	v16 =	vld.idx.msk [tilespmem:v17+s13+$0x0], $0xffff  }
0x38c: {  	v17 =	vld [tilespmem:s23+$0x30]  }
0x38d: {  	v18 =	vld.idx.msk [tilespmem:v14+s13+$0x0], $0xffff  }
0x38e: {  	v9 =	vld.idx.msk [tilespmem:v13+s13+$0x0], $0xffff  }
0x38f: {  	v8 =	vld.idx.msk [tilespmem:v11+s13+$0x0], $0xffff  }
0x390: {  	v7 =	vld.idx.msk [tilespmem:v10+s13+$0x0], $0xffff  }
0x391: {  	v5 =	vld.idx.msk [tilespmem:v12+s13+$0x0], $0xffff;
	v10 =	vsub.f32 v16, v17  }
0x392: {  	s24 =	sadd.s32 $0x400, s24;
	v12 =	vld.idx.msk [tilespmem:v6+s13+$0x0], $0xffff  }
0x393: {  	v6 =	vld.idx.msk [tilespmem:v15+s13+$0x0], $0xffff;
	[tilespmem:s24+$0x30] =	vst v10  }
0x394: {  	v10 =	vld [tilespmem:s23+$0xFFFFFFC0]  }
0x395: {  	v15 =	vld [tilespmem:s23+$0xFFFFFFD0]  }
.Ltmp24:
0x396: {  	v14 =	vld [tilespmem:s23+$0xFFFFFFE0];
	(pc) =	sbr.rel @p1 .LBB2_50-.Ltmp24, $4  }
0x397: {  	v13 =	vld [tilespmem:s23+$0xFFFFFFF0]  }
0x398: {  	v11 =	vld [tilespmem:s23+$0x0]  }
0x399: {  	v16 =	vsub.f32 v12, v10;
	v10 =	vld [tilespmem:s23+$0x10]  }
0x39a: {  	s1 =	sadd.s32 $0x400, s1;
	v15 =	vsub.f32 v18, v15;
	v12 =	vld [tilespmem:s23+$0x20]  }
0x39b: {  	[tilespmem:s24+$0xFFFFFFC0] =	vst v16;
	v9 =	vsub.f32 v9, v14;
	s11 =	sadd.s32 $0x1, s11  }
0x39c: {  	[tilespmem:s24+$0xFFFFFFD0] =	vst v15;
	v8 =	vsub.f32 v8, v13;
	p1 =	sne.s32 s11, $0x8  }
.Ltmp25:
0x39d: {  	[tilespmem:s24+$0xFFFFFFE0] =	vst v9;
	v7 =	vsub.f32 v7, v11;
	(pc) =	sbr.rel @p1 .LBB2_49-.Ltmp25, $4  }
0x39e: {  	[tilespmem:s24+$0xFFFFFFF0] =	vst v8;
	v5 =	vsub.f32 v5, v10  }
0x39f: {  	[tilespmem:s24+$0x0] =	vst v7;
	v6 =	vsub.f32 v6, v12  }
0x3a0: {  	[tilespmem:s24+$0x10] =	vst v5  }
0x3a1: {  	s4 =	sadd.s32 $0x80, s4;
	s2 =	sadd.s32 $0x80, s2;
	[tilespmem:s24+$0x20] =	vst v6  }
0x3a2: {  	s0 =	sshll.u32 s3, $0xE;
	s1 =	rddreg [dreg:$0x12]  }
0x3a3: {  	s3 =	sadd.s32 $0x1, s3;
	s0 =	sadd.s32 s1, s0  }
0x3a4: {  	p1 =	sne.s32 s3, $0x4;
	s0 =	sshrl.u32 s0, $0x3  }
.Ltmp26:
0x3a5: {  	s30 =	simm.s32 $0x5;
	s0 =	sadd.s32 s0, s31;
	(pc) =	sbr.rel @p1 .LBB2_48-.Ltmp26, $4  }
0x3a6: {  	[hbm4b:s0+s26] =	stream.linear.scatter [tilespmem:s8], [sflag:$0x5], $0x2000, $0x38;
	[tilespmem:$0x1A580] =	vst v63  }
0x3a7: {  	_ =	swait.ge [sflag:s30], $0x2000  }
0x3a8: {  	[sflag:s30] =	ssyncset.done $0x0  }
0x3a9: {  	s5 =	sadd.s32 $0x2000, s5;
	[sflag:s30] =	ssyncadd.s32 $0xFFFFE000  }
.LBB2_53:
0x3aa: {  	s25 =	simm.s32 $0x0  }
.LBB2_54:
0x3ab: {  	s0 =	sshll.u32 s25, $0x2;
	s1 =	rddreg [dreg:$0x4]  }
0x3ac: {  	s5 =	sadd.s32 s1, s0  }
0x3ad: {  	s0 =	sor.u32 s5, s6  }
0x3ae: {  	_ =	swait.ge [sflag:s17], $0x2000;
	s26 =	sshll.u32 s25, $0x9;
	s0 =	sshll.u32 s0, $0xD  }
0x3af: {  	[sflag:s17] =	ssyncset.done $0x0;
	s1 =	sand.u32 $0x200, s26;
	s0 =	sand.u32 $0xFFFF0000, s0  }
0x3b0: {  	[sflag:s17] =	ssyncadd.s32 $0xFFFFE000;
	s1 =	sor.u32 s0, s1  }
0x3b1: {  	_ =	swait.ge [sflag:s17], $0x2000;
	s1 =	sor.u32 $0x100, s1  }
0x3b2: {  	s3 =	sor.u32 $0x3, s5;
	[sflag:s17] =	ssyncset.done $0x0;
	s1 =	sshrl.u32 s1, $0x3  }
0x3b3: {  	s30 =	sshll.u32 s3, $0x7;
	[sflag:s17] =	ssyncadd.s32 $0xFFFFE000;
	s1 =	sadd.s32 s28, s1  }
0x3b4: {  	[tilespmem:s13], [sflag:$0x4] =	stream.strided.gather [hbm4b:s1+s21], $0x2000, s7, s21, $0x38;
	[tilespmem:$0x1A580] =	vst v63  }
0x3b5: {  	s1 =	sand.u32 $0x380, s30  }
0x3b6: {  	s0 =	sor.u32 s1, s0  }
0x3b7: {  	s4 =	simm.s32 $0x14440;
	s2 =	simm.s32 $0x10440;
	s0 =	sshrl.u32 s0, $0x3  }
0x3b8: {  	s11 =	simm.s32 $0x40;
	s23 =	simm.s32 $0x0;
	s0 =	sadd.s32 s28, s0  }
0x3b9: {  	[tilespmem:s14], [sflag:$0x4] =	stream.strided.gather [hbm4b:s0+s21], $0x2000, s7, s21, $0x38;
	[tilespmem:$0x1A580] =	vst v63  }
.LBB2_55:
0x3ba: {  	v5 =	vld [tilespmem:s11+$0x30]  }
0x3bb: {  	v6 =	vld [tilespmem:s11+$0xFFFFFFD0]  }
0x3bc: {  	v7 =	vld [tilespmem:s11+$0xFFFFFFE0]  }
0x3bd: {  	v8 =	vld [tilespmem:s11+$0xFFFFFFF0]  }
0x3be: {  	v9 =	vld [tilespmem:s11+$0x0]  }
0x3bf: {  	v12 =	vld [tilespmem:s11+$0xFFFFFFC0]  }
0x3c0: {  	v10 =	vld [tilespmem:s11+$0x10]  }
0x3c1: {  	v11 =	vld [tilespmem:s11+$0x20]  }
0x3c2: {  	v13 =	vld.idx.msk [tilespmem:v5+s10+$0x0], $0xffff  }
0x3c3: {  	v5 =	vld.idx.msk [tilespmem:v5+s12+$0x0], $0xffff  }
0x3c4: {  	v14 =	vld.idx.msk [tilespmem:v6+s10+$0x0], $0xffff  }
0x3c5: {  	v15 =	vld.idx.msk [tilespmem:v7+s10+$0x0], $0xffff  }
0x3c6: {  	v16 =	vld.idx.msk [tilespmem:v8+s10+$0x0], $0xffff  }
0x3c7: {  	v62 =	vld.idx.msk [tilespmem:v12+s10+$0x0], $0xffff  }
0x3c8: {  	v6 =	vld.idx.msk [tilespmem:v6+s12+$0x0], $0xffff;
	[tilespmem:s2+$0x30] =	vst v13  }
0x3c9: {  	v7 =	vld.idx.msk [tilespmem:v7+s12+$0x0], $0xffff;
	[tilespmem:s2+$0xFFFFFFD0] =	vst v14  }
0x3ca: {  	v12 =	vld.idx.msk [tilespmem:v12+s12+$0x0], $0xffff;
	[tilespmem:s2+$0xFFFFFFE0] =	vst v15  }
0x3cb: {  	v63 =	vld.idx.msk [tilespmem:v8+s12+$0x0], $0xffff;
	[tilespmem:s2+$0xFFFFFFF0] =	vst v16  }
0x3cc: {  	v8 =	vld.idx.msk [tilespmem:v10+s12+$0x0], $0xffff;
	[tilespmem:s2+$0xFFFFFFC0] =	vst v62  }
0x3cd: {  	[tilespmem:s4+$0x30] =	vst v5;
	v5 =	vld.idx.msk [tilespmem:v9+s10+$0x0], $0xffff  }
0x3ce: {  	[tilespmem:s4+$0xFFFFFFD0] =	vst v6;
	v6 =	vld.idx.msk [tilespmem:v9+s12+$0x0], $0xffff  }
0x3cf: {  	[tilespmem:s4+$0xFFFFFFE0] =	vst v7;
	v7 =	vld.idx.msk [tilespmem:v10+s10+$0x0], $0xffff  }
0x3d0: {  	s0 =	simm.s32 $0x0;
	[tilespmem:s4+$0xFFFFFFC0] =	vst v12;
	v9 =	vld.idx.msk [tilespmem:v11+s10+$0x0], $0xffff  }
0x3d1: {  	s26 =	sadd.s32 $0x400, s11;
	s1 =	smov.u32 s2;
	s24 =	smov.u32 s4;
	[tilespmem:s4+$0xFFFFFFF0] =	vst v63;
	v10 =	vld.idx.msk [tilespmem:v11+s12+$0x0], $0xffff  }
.LBB2_56:
0x3d2: {  	v11 =	vld [tilespmem:s26+$0x30];
	[tilespmem:s1+$0x0] =	vst v5  }
0x3d3: {  	s0 =	sadd.s32 $0x80, s0;
	v5 =	vld [tilespmem:s26+$0xFFFFFFD0];
	[tilespmem:s24+$0x0] =	vst v6  }
0x3d4: {  	p1 =	slt.u32 s0, $0x380;
	v6 =	vld [tilespmem:s26+$0xFFFFFFE0];
	[tilespmem:s1+$0x10] =	vst v7  }
0x3d5: {  	v7 =	vld [tilespmem:s26+$0xFFFFFFF0];
	[tilespmem:s24+$0x10] =	vst v8  }
0x3d6: {  	v8 =	vld [tilespmem:s26+$0x0];
	[tilespmem:s1+$0x20] =	vst v9  }
0x3d7: {  	v9 =	vld [tilespmem:s26+$0x10];
	[tilespmem:s24+$0x20] =	vst v10  }
0x3d8: {  	v10 =	vld [tilespmem:s26+$0x20]  }
0x3d9: {  	v12 =	vld [tilespmem:s26+$0xFFFFFFC0]  }
0x3da: {  	v13 =	vld.idx.msk [tilespmem:v11+s10+$0x0], $0xffff  }
0x3db: {  	v11 =	vld.idx.msk [tilespmem:v11+s12+$0x0], $0xffff  }
0x3dc: {  	v14 =	vld.idx.msk [tilespmem:v5+s10+$0x0], $0xffff  }
0x3dd: {  	v5 =	vld.idx.msk [tilespmem:v5+s12+$0x0], $0xffff  }
0x3de: {  	v15 =	vld.idx.msk [tilespmem:v6+s10+$0x0], $0xffff  }
0x3df: {  	s1 =	sadd.s32 $0x400, s1;
	v6 =	vld.idx.msk [tilespmem:v6+s12+$0x0], $0xffff  }
0x3e0: {  	s24 =	sadd.s32 $0x400, s24;
	v16 =	vld.idx.msk [tilespmem:v7+s10+$0x0], $0xffff;
	[tilespmem:s1+$0x30] =	vst v13  }
0x3e1: {  	v13 =	vld.idx.msk [tilespmem:v12+s10+$0x0], $0xffff;
	[tilespmem:s24+$0x30] =	vst v11  }
0x3e2: {  	v11 =	vld.idx.msk [tilespmem:v12+s12+$0x0], $0xffff;
	[tilespmem:s1+$0xFFFFFFD0] =	vst v14  }
0x3e3: {  	[tilespmem:s24+$0xFFFFFFD0] =	vst v5;
	v12 =	vld.idx.msk [tilespmem:v7+s12+$0x0], $0xffff  }
0x3e4: {  	[tilespmem:s1+$0xFFFFFFE0] =	vst v15;
	v5 =	vld.idx.msk [tilespmem:v8+s10+$0x0], $0xffff  }
.Ltmp27:
0x3e5: {  	[tilespmem:s24+$0xFFFFFFE0] =	vst v6;
	v6 =	vld.idx.msk [tilespmem:v8+s12+$0x0], $0xffff;
	(pc) =	sbr.rel @p1 .LBB2_56-.Ltmp27, $4  }
0x3e6: {  	[tilespmem:s1+$0xFFFFFFF0] =	vst v16;
	v7 =	vld.idx.msk [tilespmem:v9+s10+$0x0], $0xffff  }
0x3e7: {  	[tilespmem:s1+$0xFFFFFFC0] =	vst v13;
	v8 =	vld.idx.msk [tilespmem:v9+s12+$0x0], $0xffff  }
0x3e8: {  	[tilespmem:s24+$0xFFFFFFC0] =	vst v11;
	v9 =	vld.idx.msk [tilespmem:v10+s10+$0x0], $0xffff  }
0x3e9: {  	s26 =	sadd.s32 $0x400, s26;
	[tilespmem:s24+$0xFFFFFFF0] =	vst v12;
	v10 =	vld.idx.msk [tilespmem:v10+s12+$0x0], $0xffff  }
0x3ea: {  	s23 =	sadd.s32 $0x1, s23  }
0x3eb: {  	[tilespmem:s1+$0x0] =	vst v5;
	p1 =	sne.s32 s23, $0x8  }
.Ltmp28:
0x3ec: {  	[tilespmem:s24+$0x0] =	vst v6;
	(pc) =	sbr.rel @p1 .LBB2_55-.Ltmp28, $4  }
0x3ed: {  	[tilespmem:s1+$0x10] =	vst v7  }
0x3ee: {  	[tilespmem:s24+$0x10] =	vst v8  }
0x3ef: {  	[tilespmem:s1+$0x20] =	vst v9  }
0x3f0: {  	s4 =	sadd.s32 $0x80, s4;
	s2 =	sadd.s32 $0x80, s2;
	s11 =	sadd.s32 $0x80, s11;
	[tilespmem:s24+$0x20] =	vst v10  }
0x3f1: {  	s0 =	sshll.u32 s3, $0x10  }
0x3f2: {  	s0 =	sadd.s32 s18, s0  }
0x3f3: {  	s28 =	sadd.s32 $0x4, s5;
	s11 =	sshrl.u32 s0, $0x3  }
0x3f4: {  	s4 =	simm.s32 $0x0;
	s30 =	sshll.u32 s28, $0x10;
	s0 =	sadd.s32 s11, s31  }
0x3f5: {  	[hbm4b:s0+s4] =	stream.linear.scatter [tilespmem:s8], [sflag:$0x1], $0x2000, $0x38;
	[tilespmem:$0x1A580] =	vst v63  }
0x3f6: {  	s0 =	sadd.s32 s18, s30  }
0x3f7: {  	s2 =	simm.s32 $0x16440;
	s3 =	sshrl.u32 s0, $0x3  }
0x3f8: {  	s23 =	simm.s32 $0x12440;
	s24 =	simm.s32 $0x2070;
	s0 =	sadd.s32 s3, s31  }
0x3f9: {  	[hbm4b:s0+s4] =	stream.linear.scatter [tilespmem:s20], [sflag:$0x1], $0x2000, $0x38;
	[tilespmem:$0x1A580] =	vst v63  }
.LBB2_59:
0x3fa: {  	v5 =	vld [tilespmem:s24+$0x0]  }
0x3fb: {  	v6 =	vld [tilespmem:s24+$0xFFFFFFA0]  }
0x3fc: {  	v7 =	vld [tilespmem:s24+$0xFFFFFFB0]  }
0x3fd: {  	v8 =	vld [tilespmem:s24+$0xFFFFFFC0]  }
0x3fe: {  	v9 =	vld [tilespmem:s24+$0xFFFFFFD0]  }
0x3ff: {  	v12 =	vld [tilespmem:s24+$0xFFFFFF90]  }
0x400: {  	v10 =	vld [tilespmem:s24+$0xFFFFFFE0]  }
0x401: {  	v11 =	vld [tilespmem:s24+$0xFFFFFFF0]  }
0x402: {  	v13 =	vld.idx.msk [tilespmem:v5+s10+$0x0], $0xffff  }
0x403: {  	v5 =	vld.idx.msk [tilespmem:v5+s12+$0x0], $0xffff  }
0x404: {  	v14 =	vld.idx.msk [tilespmem:v6+s10+$0x0], $0xffff  }
0x405: {  	v15 =	vld.idx.msk [tilespmem:v7+s10+$0x0], $0xffff  }
0x406: {  	v16 =	vld.idx.msk [tilespmem:v8+s10+$0x0], $0xffff  }
0x407: {  	v62 =	vld.idx.msk [tilespmem:v12+s10+$0x0], $0xffff  }
0x408: {  	v6 =	vld.idx.msk [tilespmem:v6+s12+$0x0], $0xffff;
	[tilespmem:s23+$0x30] =	vst v13  }
0x409: {  	v7 =	vld.idx.msk [tilespmem:v7+s12+$0x0], $0xffff;
	[tilespmem:s23+$0xFFFFFFD0] =	vst v14  }
0x40a: {  	v12 =	vld.idx.msk [tilespmem:v12+s12+$0x0], $0xffff;
	[tilespmem:s23+$0xFFFFFFE0] =	vst v15  }
0x40b: {  	v63 =	vld.idx.msk [tilespmem:v8+s12+$0x0], $0xffff;
	[tilespmem:s23+$0xFFFFFFF0] =	vst v16  }
0x40c: {  	v8 =	vld.idx.msk [tilespmem:v10+s12+$0x0], $0xffff;
	[tilespmem:s23+$0xFFFFFFC0] =	vst v62  }
0x40d: {  	[tilespmem:s2+$0x30] =	vst v5;
	v5 =	vld.idx.msk [tilespmem:v9+s10+$0x0], $0xffff  }
0x40e: {  	[tilespmem:s2+$0xFFFFFFD0] =	vst v6;
	v6 =	vld.idx.msk [tilespmem:v9+s12+$0x0], $0xffff  }
0x40f: {  	[tilespmem:s2+$0xFFFFFFE0] =	vst v7;
	v7 =	vld.idx.msk [tilespmem:v10+s10+$0x0], $0xffff  }
0x410: {  	s0 =	simm.s32 $0x0;
	[tilespmem:s2+$0xFFFFFFC0] =	vst v12;
	v9 =	vld.idx.msk [tilespmem:v11+s10+$0x0], $0xffff  }
0x411: {  	s30 =	sadd.s32 $0x400, s24;
	s1 =	smov.u32 s23;
	s26 =	smov.u32 s2;
	[tilespmem:s2+$0xFFFFFFF0] =	vst v63;
	v10 =	vld.idx.msk [tilespmem:v11+s12+$0x0], $0xffff  }
.LBB2_60:
0x412: {  	v11 =	vld [tilespmem:s30+$0x0];
	[tilespmem:s1+$0x0] =	vst v5  }
0x413: {  	s0 =	sadd.s32 $0x80, s0;
	v5 =	vld [tilespmem:s30+$0xFFFFFFA0];
	[tilespmem:s26+$0x0] =	vst v6  }
0x414: {  	p1 =	slt.u32 s0, $0x380;
	v6 =	vld [tilespmem:s30+$0xFFFFFFB0];
	[tilespmem:s1+$0x10] =	vst v7  }
0x415: {  	v7 =	vld [tilespmem:s30+$0xFFFFFFC0];
	[tilespmem:s26+$0x10] =	vst v8  }
0x416: {  	v8 =	vld [tilespmem:s30+$0xFFFFFFD0];
	[tilespmem:s1+$0x20] =	vst v9  }
0x417: {  	v9 =	vld [tilespmem:s30+$0xFFFFFFE0];
	[tilespmem:s26+$0x20] =	vst v10  }
0x418: {  	v10 =	vld [tilespmem:s30+$0xFFFFFFF0]  }
0x419: {  	v12 =	vld [tilespmem:s30+$0xFFFFFF90]  }
0x41a: {  	v13 =	vld.idx.msk [tilespmem:v11+s10+$0x0], $0xffff  }
0x41b: {  	v11 =	vld.idx.msk [tilespmem:v11+s12+$0x0], $0xffff  }
0x41c: {  	v14 =	vld.idx.msk [tilespmem:v5+s10+$0x0], $0xffff  }
0x41d: {  	v5 =	vld.idx.msk [tilespmem:v5+s12+$0x0], $0xffff  }
0x41e: {  	v15 =	vld.idx.msk [tilespmem:v6+s10+$0x0], $0xffff  }
0x41f: {  	s1 =	sadd.s32 $0x400, s1;
	v6 =	vld.idx.msk [tilespmem:v6+s12+$0x0], $0xffff  }
0x420: {  	s26 =	sadd.s32 $0x400, s26;
	v16 =	vld.idx.msk [tilespmem:v7+s10+$0x0], $0xffff;
	[tilespmem:s1+$0x30] =	vst v13  }
0x421: {  	v13 =	vld.idx.msk [tilespmem:v12+s10+$0x0], $0xffff;
	[tilespmem:s26+$0x30] =	vst v11  }
0x422: {  	v11 =	vld.idx.msk [tilespmem:v12+s12+$0x0], $0xffff;
	[tilespmem:s1+$0xFFFFFFD0] =	vst v14  }
0x423: {  	[tilespmem:s26+$0xFFFFFFD0] =	vst v5;
	v12 =	vld.idx.msk [tilespmem:v7+s12+$0x0], $0xffff  }
0x424: {  	[tilespmem:s1+$0xFFFFFFE0] =	vst v15;
	v5 =	vld.idx.msk [tilespmem:v8+s10+$0x0], $0xffff  }
.Ltmp29:
0x425: {  	[tilespmem:s26+$0xFFFFFFE0] =	vst v6;
	v6 =	vld.idx.msk [tilespmem:v8+s12+$0x0], $0xffff;
	(pc) =	sbr.rel @p1 .LBB2_60-.Ltmp29, $4  }
0x426: {  	[tilespmem:s1+$0xFFFFFFF0] =	vst v16;
	v7 =	vld.idx.msk [tilespmem:v9+s10+$0x0], $0xffff  }
0x427: {  	[tilespmem:s1+$0xFFFFFFC0] =	vst v13;
	v8 =	vld.idx.msk [tilespmem:v9+s12+$0x0], $0xffff  }
0x428: {  	[tilespmem:s26+$0xFFFFFFC0] =	vst v11;
	v9 =	vld.idx.msk [tilespmem:v10+s10+$0x0], $0xffff  }
0x429: {  	s30 =	sadd.s32 $0x400, s30;
	[tilespmem:s26+$0xFFFFFFF0] =	vst v12;
	v10 =	vld.idx.msk [tilespmem:v10+s12+$0x0], $0xffff  }
0x42a: {  	s4 =	sadd.s32 $0x1, s4  }
0x42b: {  	[tilespmem:s1+$0x0] =	vst v5;
	p1 =	sne.s32 s4, $0x8  }
.Ltmp30:
0x42c: {  	[tilespmem:s26+$0x0] =	vst v6;
	(pc) =	sbr.rel @p1 .LBB2_59-.Ltmp30, $4  }
0x42d: {  	[tilespmem:s1+$0x10] =	vst v7  }
0x42e: {  	[tilespmem:s26+$0x10] =	vst v8  }
0x42f: {  	[tilespmem:s1+$0x20] =	vst v9  }
0x430: {  	s2 =	sadd.s32 $0x80, s2;
	s23 =	sadd.s32 $0x80, s23;
	s24 =	sadd.s32 $0x80, s24;
	[tilespmem:s26+$0x20] =	vst v10  }
0x431: {  	s1 =	rddreg [dreg:$0x1a]  }
0x432: {  	s4 =	simm.s32 $0x0;
	s0 =	sadd.s32 s11, s1  }
0x433: {  	[hbm4b:s0+s4] =	stream.linear.scatter [tilespmem:s15], [sflag:$0x2], $0x2000, $0x38;
	[tilespmem:$0x1A580] =	vst v63  }
0x434: {  	s30 =	sadd.s32 s3, s1  }
0x435: {  	[hbm4b:s30+s4] =	stream.linear.scatter [tilespmem:s16], [sflag:$0x2], $0x2000, $0x38;
	[tilespmem:$0x1A580] =	vst v63  }
0x436: {  	_ =	swait.ge [sflag:s9], $0x2000  }
0x437: {  	[sflag:s9] =	ssyncset.done $0x0  }
0x438: {  	[sflag:s9] =	ssyncadd.s32 $0xFFFFE000  }
0x439: {  	_ =	swait.ge [sflag:s9], $0x2000  }
0x43a: {  	[sflag:s9] =	ssyncset.done $0x0  }
0x43b: {  	s2 =	simm.s32 $0x0;
	[sflag:s9] =	ssyncadd.s32 $0xFFFFE000  }
.LBB2_63:
0x43c: {  	s23 =	sshra.s32 s4, $0x2  }
0x43d: {  	v6 =	vld [tilespmem:s23+$0x4070]  }
0x43e: {  	v7 =	vld [tilespmem:s23+$0x4000]  }
0x43f: {  	v8 =	vld [tilespmem:s23+$0x4010]  }
0x440: {  	v9 =	vld [tilespmem:s23+$0x4020]  }
0x441: {  	v10 =	vld [tilespmem:s23+$0x4030]  }
0x442: {  	v11 =	vld [tilespmem:s23+$0x4040]  }
0x443: {  	v12 =	vld [tilespmem:s23+$0x4050]  }
0x444: {  	v5 =	vld [tilespmem:s23+$0x4060]  }
0x445: {  	v13 =	vld.idx.msk [tilespmem:v6+s12+$0x0], $0xffff  }
0x446: {  	v14 =	vld.idx.msk [tilespmem:v7+s10+$0x0], $0xffff  }
0x447: {  	v7 =	vld.idx.msk [tilespmem:v7+s12+$0x0], $0xffff  }
0x448: {  	v15 =	vld.idx.msk [tilespmem:v8+s10+$0x0], $0xffff  }
0x449: {  	v8 =	vld.idx.msk [tilespmem:v8+s12+$0x0], $0xffff  }
0x44a: {  	v16 =	vld.idx.msk [tilespmem:v6+s10+$0x0], $0xffff  }
0x44b: {  	v17 =	vld.idx.msk [tilespmem:v9+s10+$0x0], $0xffff;
	[tilespmem:s23+$0x14470] =	vst v13  }
0x44c: {  	v62 =	vld.idx.msk [tilespmem:v9+s12+$0x0], $0xffff;
	[tilespmem:s23+$0x10400] =	vst v14  }
0x44d: {  	v63 =	vld.idx.msk [tilespmem:v10+s10+$0x0], $0xffff;
	[tilespmem:s23+$0x14400] =	vst v7  }
0x44e: {  	v9 =	vld.idx.msk [tilespmem:v10+s12+$0x0], $0xffff;
	[tilespmem:s23+$0x10410] =	vst v15  }
0x44f: {  	v6 =	vld.idx.msk [tilespmem:v11+s10+$0x0], $0xffff;
	[tilespmem:s23+$0x14410] =	vst v8  }
0x450: {  	v10 =	vld.idx.msk [tilespmem:v12+s12+$0x0], $0xffff;
	[tilespmem:s23+$0x10420] =	vst v17  }
0x451: {  	v8 =	vld.idx.msk [tilespmem:v11+s12+$0x0], $0xffff;
	[tilespmem:s23+$0x10470] =	vst v16  }
0x452: {  	v7 =	vld.idx.msk [tilespmem:v12+s10+$0x0], $0xffff;
	[tilespmem:s23+$0x14420] =	vst v62  }
0x453: {  	s0 =	simm.s32 $0x0;
	s1 =	sadd.s32 $0x1000, s4;
	[tilespmem:s23+$0x10430] =	vst v63;
	v11 =	vld.idx.msk [tilespmem:v5+s10+$0x0], $0xffff  }
.LBB2_64:
0x454: {  	s24 =	sshra.s32 s1, $0x2;
	s0 =	sadd.s32 $0x80, s0;
	[tilespmem:s23+$0x14430] =	vst v9;
	v5 =	vld.idx.msk [tilespmem:v5+s12+$0x0], $0xffff  }
0x455: {  	v9 =	vld [tilespmem:s24+$0x4070];
	p1 =	slt.u32 s0, $0x380;
	[tilespmem:s23+$0x10440] =	vst v6  }
0x456: {  	v6 =	vld [tilespmem:s24+$0x4000];
	[tilespmem:s23+$0x14440] =	vst v8  }
0x457: {  	v8 =	vld [tilespmem:s24+$0x4010];
	[tilespmem:s23+$0x10450] =	vst v7  }
0x458: {  	v7 =	vld [tilespmem:s24+$0x4020];
	[tilespmem:s23+$0x14450] =	vst v10  }
0x459: {  	v10 =	vld [tilespmem:s24+$0x4030];
	[tilespmem:s23+$0x10460] =	vst v11  }
0x45a: {  	v11 =	vld [tilespmem:s24+$0x4040];
	[tilespmem:s23+$0x14460] =	vst v5;
	s23 =	smov.u32 s24  }
0x45b: {  	v12 =	vld [tilespmem:s23+$0x4050]  }
0x45c: {  	v5 =	vld [tilespmem:s23+$0x4060]  }
0x45d: {  	v13 =	vld.idx.msk [tilespmem:v9+s12+$0x0], $0xffff  }
0x45e: {  	v14 =	vld.idx.msk [tilespmem:v6+s10+$0x0], $0xffff  }
0x45f: {  	v6 =	vld.idx.msk [tilespmem:v6+s12+$0x0], $0xffff  }
0x460: {  	v15 =	vld.idx.msk [tilespmem:v8+s10+$0x0], $0xffff  }
0x461: {  	v8 =	vld.idx.msk [tilespmem:v8+s12+$0x0], $0xffff  }
0x462: {  	v16 =	vld.idx.msk [tilespmem:v7+s10+$0x0], $0xffff  }
0x463: {  	v17 =	vld.idx.msk [tilespmem:v9+s10+$0x0], $0xffff;
	[tilespmem:s23+$0x14470] =	vst v13  }
0x464: {  	[tilespmem:s23+$0x10400] =	vst v14;
	v13 =	vld.idx.msk [tilespmem:v7+s12+$0x0], $0xffff  }
0x465: {  	[tilespmem:s23+$0x14400] =	vst v6;
	v14 =	vld.idx.msk [tilespmem:v10+s10+$0x0], $0xffff  }
0x466: {  	[tilespmem:s23+$0x10410] =	vst v15;
	v9 =	vld.idx.msk [tilespmem:v10+s12+$0x0], $0xffff  }
.Ltmp31:
0x467: {  	[tilespmem:s23+$0x14410] =	vst v8;
	v6 =	vld.idx.msk [tilespmem:v11+s10+$0x0], $0xffff;
	(pc) =	sbr.rel @p1 .LBB2_64-.Ltmp31, $4  }
0x468: {  	[tilespmem:s23+$0x10420] =	vst v16;
	v8 =	vld.idx.msk [tilespmem:v11+s12+$0x0], $0xffff  }
0x469: {  	v7 =	vld.idx.msk [tilespmem:v12+s10+$0x0], $0xffff;
	[tilespmem:s23+$0x10470] =	vst v17  }
0x46a: {  	[tilespmem:s23+$0x14420] =	vst v13;
	v10 =	vld.idx.msk [tilespmem:v12+s12+$0x0], $0xffff  }
0x46b: {  	s1 =	sadd.s32 $0x1000, s1;
	[tilespmem:s23+$0x10430] =	vst v14;
	v11 =	vld.idx.msk [tilespmem:v5+s10+$0x0], $0xffff  }
0x46c: {  	_ =	sdelay $0x2  }
0x46d: {  	[tilespmem:s23+$0x14430] =	vst v9;
	s2 =	sadd.s32 $0x1, s2  }
0x46e: {  	v5 =	vld.idx.msk [tilespmem:v5+s12+$0x0], $0xffff;
	[tilespmem:s23+$0x10440] =	vst v6;
	p1 =	sne.s32 s2, $0x8  }
.Ltmp32:
0x46f: {  	[tilespmem:s23+$0x14440] =	vst v8;
	(pc) =	sbr.rel @p1 .LBB2_63-.Ltmp32, $4  }
0x470: {  	[tilespmem:s23+$0x10450] =	vst v7  }
0x471: {  	[tilespmem:s23+$0x14450] =	vst v10  }
0x472: {  	[tilespmem:s23+$0x10460] =	vst v11  }
0x473: {  	s4 =	sadd.s32 $0x200, s4;
	[tilespmem:s23+$0x14460] =	vst v5  }
0x474: {  	s1 =	rddreg [dreg:$0x1b]  }
0x475: {  	s4 =	simm.s32 $0x0;
	s0 =	sadd.s32 s11, s1  }
0x476: {  	[hbm4b:s0+s4] =	stream.linear.scatter [tilespmem:s8], [sflag:$0x1], $0x2000, $0x38;
	[tilespmem:$0x1A580] =	vst v63  }
0x477: {  	s30 =	sadd.s32 s3, s1  }
0x478: {  	[hbm4b:s30+s4] =	stream.linear.scatter [tilespmem:s20], [sflag:$0x1], $0x2000, $0x38;
	[tilespmem:$0x1A580] =	vst v63  }
0x479: {  	_ =	swait.ge [sflag:s29], $0x2000  }
0x47a: {  	[sflag:s29] =	ssyncset.done $0x0  }
0x47b: {  	[sflag:s29] =	ssyncadd.s32 $0xFFFFE000  }
0x47c: {  	_ =	swait.ge [sflag:s29], $0x2000  }
0x47d: {  	[sflag:s29] =	ssyncset.done $0x0  }
0x47e: {  	s2 =	simm.s32 $0x0;
	[sflag:s29] =	ssyncadd.s32 $0xFFFFE000  }
.LBB2_67:
0x47f: {  	s23 =	sshra.s32 s4, $0x2  }
0x480: {  	v6 =	vld [tilespmem:s23+$0x6070]  }
0x481: {  	v7 =	vld [tilespmem:s23+$0x6000]  }
0x482: {  	v8 =	vld [tilespmem:s23+$0x6010]  }
0x483: {  	v9 =	vld [tilespmem:s23+$0x6020]  }
0x484: {  	v10 =	vld [tilespmem:s23+$0x6030]  }
0x485: {  	v11 =	vld [tilespmem:s23+$0x6040]  }
0x486: {  	v12 =	vld [tilespmem:s23+$0x6050]  }
0x487: {  	v5 =	vld [tilespmem:s23+$0x6060]  }
0x488: {  	v13 =	vld.idx.msk [tilespmem:v6+s12+$0x0], $0xffff  }
0x489: {  	v14 =	vld.idx.msk [tilespmem:v7+s10+$0x0], $0xffff  }
0x48a: {  	v7 =	vld.idx.msk [tilespmem:v7+s12+$0x0], $0xffff  }
0x48b: {  	v15 =	vld.idx.msk [tilespmem:v8+s10+$0x0], $0xffff  }
0x48c: {  	v8 =	vld.idx.msk [tilespmem:v8+s12+$0x0], $0xffff  }
0x48d: {  	v16 =	vld.idx.msk [tilespmem:v6+s10+$0x0], $0xffff  }
0x48e: {  	v17 =	vld.idx.msk [tilespmem:v9+s10+$0x0], $0xffff;
	[tilespmem:s23+$0x16470] =	vst v13  }
0x48f: {  	v62 =	vld.idx.msk [tilespmem:v9+s12+$0x0], $0xffff;
	[tilespmem:s23+$0x12400] =	vst v14  }
0x490: {  	v63 =	vld.idx.msk [tilespmem:v10+s10+$0x0], $0xffff;
	[tilespmem:s23+$0x16400] =	vst v7  }
0x491: {  	v9 =	vld.idx.msk [tilespmem:v10+s12+$0x0], $0xffff;
	[tilespmem:s23+$0x12410] =	vst v15  }
0x492: {  	v6 =	vld.idx.msk [tilespmem:v11+s10+$0x0], $0xffff;
	[tilespmem:s23+$0x16410] =	vst v8  }
0x493: {  	v10 =	vld.idx.msk [tilespmem:v12+s12+$0x0], $0xffff;
	[tilespmem:s23+$0x12420] =	vst v17  }
0x494: {  	v8 =	vld.idx.msk [tilespmem:v11+s12+$0x0], $0xffff;
	[tilespmem:s23+$0x12470] =	vst v16  }
0x495: {  	v7 =	vld.idx.msk [tilespmem:v12+s10+$0x0], $0xffff;
	[tilespmem:s23+$0x16420] =	vst v62  }
0x496: {  	s0 =	simm.s32 $0x0;
	s1 =	sadd.s32 $0x1000, s4;
	[tilespmem:s23+$0x12430] =	vst v63;
	v11 =	vld.idx.msk [tilespmem:v5+s10+$0x0], $0xffff  }
.LBB2_68:
0x497: {  	s24 =	sshra.s32 s1, $0x2;
	s0 =	sadd.s32 $0x80, s0;
	[tilespmem:s23+$0x16430] =	vst v9;
	v5 =	vld.idx.msk [tilespmem:v5+s12+$0x0], $0xffff  }
0x498: {  	v9 =	vld [tilespmem:s24+$0x6070];
	p1 =	slt.u32 s0, $0x380;
	[tilespmem:s23+$0x12440] =	vst v6  }
0x499: {  	v6 =	vld [tilespmem:s24+$0x6000];
	[tilespmem:s23+$0x16440] =	vst v8  }
0x49a: {  	v8 =	vld [tilespmem:s24+$0x6010];
	[tilespmem:s23+$0x12450] =	vst v7  }
0x49b: {  	v7 =	vld [tilespmem:s24+$0x6020];
	[tilespmem:s23+$0x16450] =	vst v10  }
0x49c: {  	v10 =	vld [tilespmem:s24+$0x6030];
	[tilespmem:s23+$0x12460] =	vst v11  }
0x49d: {  	v11 =	vld [tilespmem:s24+$0x6040];
	[tilespmem:s23+$0x16460] =	vst v5;
	s23 =	smov.u32 s24  }
0x49e: {  	v12 =	vld [tilespmem:s23+$0x6050]  }
0x49f: {  	v5 =	vld [tilespmem:s23+$0x6060]  }
0x4a0: {  	v13 =	vld.idx.msk [tilespmem:v9+s12+$0x0], $0xffff  }
0x4a1: {  	v14 =	vld.idx.msk [tilespmem:v6+s10+$0x0], $0xffff  }
0x4a2: {  	v6 =	vld.idx.msk [tilespmem:v6+s12+$0x0], $0xffff  }
0x4a3: {  	v15 =	vld.idx.msk [tilespmem:v8+s10+$0x0], $0xffff  }
0x4a4: {  	v8 =	vld.idx.msk [tilespmem:v8+s12+$0x0], $0xffff  }
0x4a5: {  	v16 =	vld.idx.msk [tilespmem:v7+s10+$0x0], $0xffff  }
0x4a6: {  	v17 =	vld.idx.msk [tilespmem:v9+s10+$0x0], $0xffff;
	[tilespmem:s23+$0x16470] =	vst v13  }
0x4a7: {  	[tilespmem:s23+$0x12400] =	vst v14;
	v13 =	vld.idx.msk [tilespmem:v7+s12+$0x0], $0xffff  }
0x4a8: {  	[tilespmem:s23+$0x16400] =	vst v6;
	v14 =	vld.idx.msk [tilespmem:v10+s10+$0x0], $0xffff  }
0x4a9: {  	[tilespmem:s23+$0x12410] =	vst v15;
	v9 =	vld.idx.msk [tilespmem:v10+s12+$0x0], $0xffff  }
.Ltmp33:
0x4aa: {  	[tilespmem:s23+$0x16410] =	vst v8;
	v6 =	vld.idx.msk [tilespmem:v11+s10+$0x0], $0xffff;
	(pc) =	sbr.rel @p1 .LBB2_68-.Ltmp33, $4  }
0x4ab: {  	[tilespmem:s23+$0x12420] =	vst v16;
	v8 =	vld.idx.msk [tilespmem:v11+s12+$0x0], $0xffff  }
0x4ac: {  	v7 =	vld.idx.msk [tilespmem:v12+s10+$0x0], $0xffff;
	[tilespmem:s23+$0x12470] =	vst v17  }
0x4ad: {  	[tilespmem:s23+$0x16420] =	vst v13;
	v10 =	vld.idx.msk [tilespmem:v12+s12+$0x0], $0xffff  }
0x4ae: {  	s1 =	sadd.s32 $0x1000, s1;
	[tilespmem:s23+$0x12430] =	vst v14;
	v11 =	vld.idx.msk [tilespmem:v5+s10+$0x0], $0xffff  }
0x4af: {  	_ =	sdelay $0x2  }
0x4b0: {  	[tilespmem:s23+$0x16430] =	vst v9;
	s2 =	sadd.s32 $0x1, s2  }
0x4b1: {  	v5 =	vld.idx.msk [tilespmem:v5+s12+$0x0], $0xffff;
	[tilespmem:s23+$0x12440] =	vst v6;
	p1 =	sne.s32 s2, $0x8  }
.Ltmp34:
0x4b2: {  	[tilespmem:s23+$0x16440] =	vst v8;
	(pc) =	sbr.rel @p1 .LBB2_67-.Ltmp34, $4  }
0x4b3: {  	[tilespmem:s23+$0x12450] =	vst v7  }
0x4b4: {  	[tilespmem:s23+$0x16450] =	vst v10  }
0x4b5: {  	[tilespmem:s23+$0x12460] =	vst v11  }
0x4b6: {  	s4 =	sadd.s32 $0x200, s4;
	[tilespmem:s23+$0x16460] =	vst v5  }
0x4b7: {  	s1 =	rddreg [dreg:$0x1c]  }
0x4b8: {  	s0 =	sadd.s32 s11, s1;
	s11 =	simm.s32 $0x0  }
0x4b9: {  	[hbm4b:s0+s11] =	stream.linear.scatter [tilespmem:s15], [sflag:$0x2], $0x2000, $0x38;
	[tilespmem:$0x1A580] =	vst v63  }
0x4ba: {  	s24 =	sadd.s32 s3, s1  }
0x4bb: {  	[hbm4b:s24+s11] =	stream.linear.scatter [tilespmem:s16], [sflag:$0x2], $0x2000, $0x38;
	[tilespmem:$0x1A580] =	vst v63  }
0x4bc: {  	_ =	swait.ge [sflag:s9], $0x2000  }
0x4bd: {  	[sflag:s9] =	ssyncset.done $0x0  }
0x4be: {  	[sflag:s9] =	ssyncadd.s32 $0xFFFFE000  }
0x4bf: {  	_ =	swait.ge [sflag:s9], $0x2000  }
0x4c0: {  	[sflag:s9] =	ssyncset.done $0x0  }
0x4c1: {  	[sflag:s9] =	ssyncadd.s32 $0xFFFFE000  }
0x4c2: {  	_ =	swait.ge [sflag:s29], $0x2000  }
0x4c3: {  	[sflag:s29] =	ssyncset.done $0x0  }
0x4c4: {  	[sflag:s29] =	ssyncadd.s32 $0xFFFFE000  }
0x4c5: {  	_ =	swait.ge [sflag:s29], $0x2000  }
0x4c6: {  	[sflag:s29] =	ssyncset.done $0x0  }
0x4c7: {  	[sflag:s29] =	ssyncadd.s32 $0xFFFFE000  }
0x4c8: {  	s0 =	sadd.s32 s6, s28;
	_ =	swait.ge [sflag:s22], $0x2000  }
0x4c9: {  	p1 =	slt.s32 s0, $0x3FF;
	[sflag:s22] =	ssyncset.done $0x0  }
0x4ca: {  	s0 =	simm.s32 @!p1 $0x3FF;
	[sflag:s22] =	ssyncadd.s32 $0xFFFFE000  }
0x4cb: {  	s26 =	sshll.u32 s0, $0xD;
	s0 =	sshll.u32 s0, $0x7;
	_ =	swait.ge [sflag:s22], $0x2000  }
0x4cc: {  	s1 =	sand.u32 $0xFFFF0000, s26;
	s0 =	sand.u32 $0x380, s0;
	[sflag:s22] =	ssyncset.done $0x0  }
0x4cd: {  	s0 =	sor.u32 s0, s1;
	[sflag:s22] =	ssyncadd.s32 $0xFFFFE000  }
0x4ce: {  	s0 =	sshrl.u32 s0, $0x3;
	s28 =	rddreg [dreg:$0x1]  }
0x4cf: {  	s3 =	sadd.s32 $0x5, s5;
	s0 =	sadd.s32 s28, s0  }
0x4d0: {  	[tilespmem:s10], [sflag:$0x3] =	stream.strided.gather [hbm4b:s0+s21], $0x2000, s7, s21, $0x38;
	[tilespmem:$0x1A580] =	vst v63  }
0x4d1: {  	s0 =	sadd.s32 s6, s3  }
0x4d2: {  	p1 =	slt.s32 s0, $0x3FF  }
0x4d3: {  	s0 =	simm.s32 @!p1 $0x3FF  }
0x4d4: {  	s30 =	sshll.u32 s0, $0xD;
	s0 =	sshll.u32 s0, $0x7  }
0x4d5: {  	s1 =	sand.u32 $0xFFFF0000, s30;
	s0 =	sand.u32 $0x380, s0  }
0x4d6: {  	s0 =	sor.u32 s0, s1  }
0x4d7: {  	s2 =	simm.s32 $0x14440;
	s0 =	sshrl.u32 s0, $0x3  }
0x4d8: {  	s4 =	simm.s32 $0x10440;
	s23 =	simm.s32 $0x40;
	s0 =	sadd.s32 s28, s0  }
0x4d9: {  	[tilespmem:s12], [sflag:$0x3] =	stream.strided.gather [hbm4b:s0+s21], $0x2000, s7, s21, $0x38;
	[tilespmem:$0x1A580] =	vst v63  }
.LBB2_71:
0x4da: {  	v5 =	vld [tilespmem:s23+$0x30]  }
0x4db: {  	v6 =	vld [tilespmem:s23+$0xFFFFFFD0]  }
0x4dc: {  	v7 =	vld [tilespmem:s23+$0xFFFFFFE0]  }
0x4dd: {  	v8 =	vld [tilespmem:s23+$0xFFFFFFF0]  }
0x4de: {  	v9 =	vld [tilespmem:s23+$0x0]  }
0x4df: {  	v12 =	vld [tilespmem:s23+$0xFFFFFFC0]  }
0x4e0: {  	v10 =	vld [tilespmem:s23+$0x10]  }
0x4e1: {  	v11 =	vld [tilespmem:s23+$0x20]  }
0x4e2: {  	v13 =	vld.idx.msk [tilespmem:v5+s13+$0x0], $0xffff  }
0x4e3: {  	v5 =	vld.idx.msk [tilespmem:v5+s14+$0x0], $0xffff  }
0x4e4: {  	v14 =	vld.idx.msk [tilespmem:v6+s13+$0x0], $0xffff  }
0x4e5: {  	v15 =	vld.idx.msk [tilespmem:v7+s13+$0x0], $0xffff  }
0x4e6: {  	v16 =	vld.idx.msk [tilespmem:v8+s13+$0x0], $0xffff  }
0x4e7: {  	v62 =	vld.idx.msk [tilespmem:v12+s13+$0x0], $0xffff  }
0x4e8: {  	v6 =	vld.idx.msk [tilespmem:v6+s14+$0x0], $0xffff;
	[tilespmem:s4+$0x30] =	vst v13  }
0x4e9: {  	v7 =	vld.idx.msk [tilespmem:v7+s14+$0x0], $0xffff;
	[tilespmem:s4+$0xFFFFFFD0] =	vst v14  }
0x4ea: {  	v12 =	vld.idx.msk [tilespmem:v12+s14+$0x0], $0xffff;
	[tilespmem:s4+$0xFFFFFFE0] =	vst v15  }
0x4eb: {  	v63 =	vld.idx.msk [tilespmem:v8+s14+$0x0], $0xffff;
	[tilespmem:s4+$0xFFFFFFF0] =	vst v16  }
0x4ec: {  	v8 =	vld.idx.msk [tilespmem:v10+s14+$0x0], $0xffff;
	[tilespmem:s4+$0xFFFFFFC0] =	vst v62  }
0x4ed: {  	[tilespmem:s2+$0x30] =	vst v5;
	v5 =	vld.idx.msk [tilespmem:v9+s13+$0x0], $0xffff  }
0x4ee: {  	[tilespmem:s2+$0xFFFFFFD0] =	vst v6;
	v6 =	vld.idx.msk [tilespmem:v9+s14+$0x0], $0xffff  }
0x4ef: {  	[tilespmem:s2+$0xFFFFFFE0] =	vst v7;
	v7 =	vld.idx.msk [tilespmem:v10+s13+$0x0], $0xffff  }
0x4f0: {  	s0 =	simm.s32 $0x0;
	[tilespmem:s2+$0xFFFFFFC0] =	vst v12;
	v9 =	vld.idx.msk [tilespmem:v11+s13+$0x0], $0xffff  }
0x4f1: {  	s26 =	sadd.s32 $0x400, s23;
	s1 =	smov.u32 s4;
	s24 =	smov.u32 s2;
	[tilespmem:s2+$0xFFFFFFF0] =	vst v63;
	v10 =	vld.idx.msk [tilespmem:v11+s14+$0x0], $0xffff  }
.LBB2_72:
0x4f2: {  	v11 =	vld [tilespmem:s26+$0x30];
	[tilespmem:s1+$0x0] =	vst v5  }
0x4f3: {  	s0 =	sadd.s32 $0x80, s0;
	v5 =	vld [tilespmem:s26+$0xFFFFFFD0];
	[tilespmem:s24+$0x0] =	vst v6  }
0x4f4: {  	p1 =	slt.u32 s0, $0x380;
	v6 =	vld [tilespmem:s26+$0xFFFFFFE0];
	[tilespmem:s1+$0x10] =	vst v7  }
0x4f5: {  	v7 =	vld [tilespmem:s26+$0xFFFFFFF0];
	[tilespmem:s24+$0x10] =	vst v8  }
0x4f6: {  	v8 =	vld [tilespmem:s26+$0x0];
	[tilespmem:s1+$0x20] =	vst v9  }
0x4f7: {  	v9 =	vld [tilespmem:s26+$0x10];
	[tilespmem:s24+$0x20] =	vst v10  }
0x4f8: {  	v10 =	vld [tilespmem:s26+$0x20]  }
0x4f9: {  	v12 =	vld [tilespmem:s26+$0xFFFFFFC0]  }
0x4fa: {  	v13 =	vld.idx.msk [tilespmem:v11+s13+$0x0], $0xffff  }
0x4fb: {  	v11 =	vld.idx.msk [tilespmem:v11+s14+$0x0], $0xffff  }
0x4fc: {  	v14 =	vld.idx.msk [tilespmem:v5+s13+$0x0], $0xffff  }
0x4fd: {  	v5 =	vld.idx.msk [tilespmem:v5+s14+$0x0], $0xffff  }
0x4fe: {  	v15 =	vld.idx.msk [tilespmem:v6+s13+$0x0], $0xffff  }
0x4ff: {  	s1 =	sadd.s32 $0x400, s1;
	v6 =	vld.idx.msk [tilespmem:v6+s14+$0x0], $0xffff  }
0x500: {  	s24 =	sadd.s32 $0x400, s24;
	v16 =	vld.idx.msk [tilespmem:v7+s13+$0x0], $0xffff;
	[tilespmem:s1+$0x30] =	vst v13  }
0x501: {  	v13 =	vld.idx.msk [tilespmem:v12+s13+$0x0], $0xffff;
	[tilespmem:s24+$0x30] =	vst v11  }
0x502: {  	v11 =	vld.idx.msk [tilespmem:v12+s14+$0x0], $0xffff;
	[tilespmem:s1+$0xFFFFFFD0] =	vst v14  }
0x503: {  	[tilespmem:s24+$0xFFFFFFD0] =	vst v5;
	v12 =	vld.idx.msk [tilespmem:v7+s14+$0x0], $0xffff  }
0x504: {  	[tilespmem:s1+$0xFFFFFFE0] =	vst v15;
	v5 =	vld.idx.msk [tilespmem:v8+s13+$0x0], $0xffff  }
.Ltmp35:
0x505: {  	[tilespmem:s24+$0xFFFFFFE0] =	vst v6;
	v6 =	vld.idx.msk [tilespmem:v8+s14+$0x0], $0xffff;
	(pc) =	sbr.rel @p1 .LBB2_72-.Ltmp35, $4  }
0x506: {  	[tilespmem:s1+$0xFFFFFFF0] =	vst v16;
	v7 =	vld.idx.msk [tilespmem:v9+s13+$0x0], $0xffff  }
0x507: {  	[tilespmem:s1+$0xFFFFFFC0] =	vst v13;
	v8 =	vld.idx.msk [tilespmem:v9+s14+$0x0], $0xffff  }
0x508: {  	[tilespmem:s24+$0xFFFFFFC0] =	vst v11;
	v9 =	vld.idx.msk [tilespmem:v10+s13+$0x0], $0xffff  }
0x509: {  	s26 =	sadd.s32 $0x400, s26;
	[tilespmem:s24+$0xFFFFFFF0] =	vst v12;
	v10 =	vld.idx.msk [tilespmem:v10+s14+$0x0], $0xffff  }
0x50a: {  	s11 =	sadd.s32 $0x1, s11  }
0x50b: {  	[tilespmem:s1+$0x0] =	vst v5;
	p1 =	sne.s32 s11, $0x8  }
.Ltmp36:
0x50c: {  	[tilespmem:s24+$0x0] =	vst v6;
	(pc) =	sbr.rel @p1 .LBB2_71-.Ltmp36, $4  }
0x50d: {  	[tilespmem:s1+$0x10] =	vst v7  }
0x50e: {  	[tilespmem:s24+$0x10] =	vst v8  }
0x50f: {  	[tilespmem:s1+$0x20] =	vst v9  }
0x510: {  	s2 =	sadd.s32 $0x80, s2;
	s4 =	sadd.s32 $0x80, s4;
	s23 =	sadd.s32 $0x80, s23;
	[tilespmem:s24+$0x20] =	vst v10  }
0x511: {  	s0 =	sshll.u32 s3, $0x10  }
0x512: {  	s0 =	sadd.s32 s18, s0  }
0x513: {  	s4 =	simm.s32 $0x0;
	s11 =	sshrl.u32 s0, $0x3  }
0x514: {  	s30 =	sshll.u32 s5, $0x10;
	s1 =	rddreg [dreg:$0x17];
	s0 =	sadd.s32 s11, s31  }
0x515: {  	[hbm4b:s0+s4] =	stream.linear.scatter [tilespmem:s8], [sflag:$0x1], $0x2000, $0x38;
	[tilespmem:$0x1A580] =	vst v63  }
0x516: {  	s0 =	sadd.s32 s30, s1  }
0x517: {  	s2 =	simm.s32 $0x16440;
	s3 =	sshrl.u32 s0, $0x3  }
0x518: {  	s5 =	simm.s32 $0x12440;
	s23 =	simm.s32 $0x2070;
	s0 =	sadd.s32 s3, s31  }
0x519: {  	[hbm4b:s0+s4] =	stream.linear.scatter [tilespmem:s20], [sflag:$0x1], $0x2000, $0x38;
	[tilespmem:$0x1A580] =	vst v63  }
.LBB2_75:
0x51a: {  	v5 =	vld [tilespmem:s23+$0x0]  }
0x51b: {  	v6 =	vld [tilespmem:s23+$0xFFFFFFA0]  }
0x51c: {  	v7 =	vld [tilespmem:s23+$0xFFFFFFB0]  }
0x51d: {  	v8 =	vld [tilespmem:s23+$0xFFFFFFC0]  }
0x51e: {  	v9 =	vld [tilespmem:s23+$0xFFFFFFD0]  }
0x51f: {  	v12 =	vld [tilespmem:s23+$0xFFFFFF90]  }
0x520: {  	v10 =	vld [tilespmem:s23+$0xFFFFFFE0]  }
0x521: {  	v11 =	vld [tilespmem:s23+$0xFFFFFFF0]  }
0x522: {  	v13 =	vld.idx.msk [tilespmem:v5+s13+$0x0], $0xffff  }
0x523: {  	v5 =	vld.idx.msk [tilespmem:v5+s14+$0x0], $0xffff  }
0x524: {  	v14 =	vld.idx.msk [tilespmem:v6+s13+$0x0], $0xffff  }
0x525: {  	v15 =	vld.idx.msk [tilespmem:v7+s13+$0x0], $0xffff  }
0x526: {  	v16 =	vld.idx.msk [tilespmem:v8+s13+$0x0], $0xffff  }
0x527: {  	v62 =	vld.idx.msk [tilespmem:v12+s13+$0x0], $0xffff  }
0x528: {  	v6 =	vld.idx.msk [tilespmem:v6+s14+$0x0], $0xffff;
	[tilespmem:s5+$0x30] =	vst v13  }
0x529: {  	v7 =	vld.idx.msk [tilespmem:v7+s14+$0x0], $0xffff;
	[tilespmem:s5+$0xFFFFFFD0] =	vst v14  }
0x52a: {  	v12 =	vld.idx.msk [tilespmem:v12+s14+$0x0], $0xffff;
	[tilespmem:s5+$0xFFFFFFE0] =	vst v15  }
0x52b: {  	v63 =	vld.idx.msk [tilespmem:v8+s14+$0x0], $0xffff;
	[tilespmem:s5+$0xFFFFFFF0] =	vst v16  }
0x52c: {  	v8 =	vld.idx.msk [tilespmem:v10+s14+$0x0], $0xffff;
	[tilespmem:s5+$0xFFFFFFC0] =	vst v62  }
0x52d: {  	[tilespmem:s2+$0x30] =	vst v5;
	v5 =	vld.idx.msk [tilespmem:v9+s13+$0x0], $0xffff  }
0x52e: {  	[tilespmem:s2+$0xFFFFFFD0] =	vst v6;
	v6 =	vld.idx.msk [tilespmem:v9+s14+$0x0], $0xffff  }
0x52f: {  	[tilespmem:s2+$0xFFFFFFE0] =	vst v7;
	v7 =	vld.idx.msk [tilespmem:v10+s13+$0x0], $0xffff  }
0x530: {  	s0 =	simm.s32 $0x0;
	[tilespmem:s2+$0xFFFFFFC0] =	vst v12;
	v9 =	vld.idx.msk [tilespmem:v11+s13+$0x0], $0xffff  }
0x531: {  	s26 =	sadd.s32 $0x400, s23;
	s1 =	smov.u32 s5;
	s24 =	smov.u32 s2;
	[tilespmem:s2+$0xFFFFFFF0] =	vst v63;
	v10 =	vld.idx.msk [tilespmem:v11+s14+$0x0], $0xffff  }
.LBB2_76:
0x532: {  	v11 =	vld [tilespmem:s26+$0x0];
	[tilespmem:s1+$0x0] =	vst v5  }
0x533: {  	s0 =	sadd.s32 $0x80, s0;
	v5 =	vld [tilespmem:s26+$0xFFFFFFA0];
	[tilespmem:s24+$0x0] =	vst v6  }
0x534: {  	p1 =	slt.u32 s0, $0x380;
	v6 =	vld [tilespmem:s26+$0xFFFFFFB0];
	[tilespmem:s1+$0x10] =	vst v7  }
0x535: {  	v7 =	vld [tilespmem:s26+$0xFFFFFFC0];
	[tilespmem:s24+$0x10] =	vst v8  }
0x536: {  	v8 =	vld [tilespmem:s26+$0xFFFFFFD0];
	[tilespmem:s1+$0x20] =	vst v9  }
0x537: {  	v9 =	vld [tilespmem:s26+$0xFFFFFFE0];
	[tilespmem:s24+$0x20] =	vst v10  }
0x538: {  	v10 =	vld [tilespmem:s26+$0xFFFFFFF0]  }
0x539: {  	v12 =	vld [tilespmem:s26+$0xFFFFFF90]  }
0x53a: {  	v13 =	vld.idx.msk [tilespmem:v11+s13+$0x0], $0xffff  }
0x53b: {  	v11 =	vld.idx.msk [tilespmem:v11+s14+$0x0], $0xffff  }
0x53c: {  	v14 =	vld.idx.msk [tilespmem:v5+s13+$0x0], $0xffff  }
0x53d: {  	v5 =	vld.idx.msk [tilespmem:v5+s14+$0x0], $0xffff  }
0x53e: {  	v15 =	vld.idx.msk [tilespmem:v6+s13+$0x0], $0xffff  }
0x53f: {  	s1 =	sadd.s32 $0x400, s1;
	v6 =	vld.idx.msk [tilespmem:v6+s14+$0x0], $0xffff  }
0x540: {  	s24 =	sadd.s32 $0x400, s24;
	v16 =	vld.idx.msk [tilespmem:v7+s13+$0x0], $0xffff;
	[tilespmem:s1+$0x30] =	vst v13  }
0x541: {  	v13 =	vld.idx.msk [tilespmem:v12+s13+$0x0], $0xffff;
	[tilespmem:s24+$0x30] =	vst v11  }
0x542: {  	v11 =	vld.idx.msk [tilespmem:v12+s14+$0x0], $0xffff;
	[tilespmem:s1+$0xFFFFFFD0] =	vst v14  }
0x543: {  	[tilespmem:s24+$0xFFFFFFD0] =	vst v5;
	v12 =	vld.idx.msk [tilespmem:v7+s14+$0x0], $0xffff  }
0x544: {  	[tilespmem:s1+$0xFFFFFFE0] =	vst v15;
	v5 =	vld.idx.msk [tilespmem:v8+s13+$0x0], $0xffff  }
.Ltmp37:
0x545: {  	[tilespmem:s24+$0xFFFFFFE0] =	vst v6;
	v6 =	vld.idx.msk [tilespmem:v8+s14+$0x0], $0xffff;
	(pc) =	sbr.rel @p1 .LBB2_76-.Ltmp37, $4  }
0x546: {  	[tilespmem:s1+$0xFFFFFFF0] =	vst v16;
	v7 =	vld.idx.msk [tilespmem:v9+s13+$0x0], $0xffff  }
0x547: {  	[tilespmem:s1+$0xFFFFFFC0] =	vst v13;
	v8 =	vld.idx.msk [tilespmem:v9+s14+$0x0], $0xffff  }
0x548: {  	[tilespmem:s24+$0xFFFFFFC0] =	vst v11;
	v9 =	vld.idx.msk [tilespmem:v10+s13+$0x0], $0xffff  }
0x549: {  	s26 =	sadd.s32 $0x400, s26;
	[tilespmem:s24+$0xFFFFFFF0] =	vst v12;
	v10 =	vld.idx.msk [tilespmem:v10+s14+$0x0], $0xffff  }
0x54a: {  	s4 =	sadd.s32 $0x1, s4  }
0x54b: {  	[tilespmem:s1+$0x0] =	vst v5;
	p1 =	sne.s32 s4, $0x8  }
.Ltmp38:
0x54c: {  	[tilespmem:s24+$0x0] =	vst v6;
	(pc) =	sbr.rel @p1 .LBB2_75-.Ltmp38, $4  }
0x54d: {  	[tilespmem:s1+$0x10] =	vst v7  }
0x54e: {  	[tilespmem:s24+$0x10] =	vst v8  }
0x54f: {  	[tilespmem:s1+$0x20] =	vst v9  }
0x550: {  	s2 =	sadd.s32 $0x80, s2;
	s5 =	sadd.s32 $0x80, s5;
	s23 =	sadd.s32 $0x80, s23;
	[tilespmem:s24+$0x20] =	vst v10  }
0x551: {  	s1 =	rddreg [dreg:$0x1a]  }
0x552: {  	s4 =	simm.s32 $0x0;
	s0 =	sadd.s32 s11, s1  }
0x553: {  	[hbm4b:s0+s4] =	stream.linear.scatter [tilespmem:s15], [sflag:$0x2], $0x2000, $0x38;
	[tilespmem:$0x1A580] =	vst v63  }
0x554: {  	s30 =	sadd.s32 s3, s1  }
0x555: {  	[hbm4b:s30+s4] =	stream.linear.scatter [tilespmem:s16], [sflag:$0x2], $0x2000, $0x38;
	[tilespmem:$0x1A580] =	vst v63  }
0x556: {  	_ =	swait.ge [sflag:s9], $0x2000  }
0x557: {  	[sflag:s9] =	ssyncset.done $0x0  }
0x558: {  	[sflag:s9] =	ssyncadd.s32 $0xFFFFE000  }
0x559: {  	_ =	swait.ge [sflag:s9], $0x2000  }
0x55a: {  	[sflag:s9] =	ssyncset.done $0x0  }
0x55b: {  	s2 =	simm.s32 $0x0;
	[sflag:s9] =	ssyncadd.s32 $0xFFFFE000  }
.LBB2_79:
0x55c: {  	s5 =	sshra.s32 s4, $0x2  }
0x55d: {  	v6 =	vld [tilespmem:s5+$0x4070]  }
0x55e: {  	v7 =	vld [tilespmem:s5+$0x4000]  }
0x55f: {  	v8 =	vld [tilespmem:s5+$0x4010]  }
0x560: {  	v9 =	vld [tilespmem:s5+$0x4020]  }
0x561: {  	v10 =	vld [tilespmem:s5+$0x4030]  }
0x562: {  	v11 =	vld [tilespmem:s5+$0x4040]  }
0x563: {  	v12 =	vld [tilespmem:s5+$0x4050]  }
0x564: {  	v5 =	vld [tilespmem:s5+$0x4060]  }
0x565: {  	v13 =	vld.idx.msk [tilespmem:v6+s14+$0x0], $0xffff  }
0x566: {  	v14 =	vld.idx.msk [tilespmem:v7+s13+$0x0], $0xffff  }
0x567: {  	v7 =	vld.idx.msk [tilespmem:v7+s14+$0x0], $0xffff  }
0x568: {  	v15 =	vld.idx.msk [tilespmem:v8+s13+$0x0], $0xffff  }
0x569: {  	v8 =	vld.idx.msk [tilespmem:v8+s14+$0x0], $0xffff  }
0x56a: {  	v16 =	vld.idx.msk [tilespmem:v6+s13+$0x0], $0xffff  }
0x56b: {  	v17 =	vld.idx.msk [tilespmem:v9+s13+$0x0], $0xffff;
	[tilespmem:s5+$0x14470] =	vst v13  }
0x56c: {  	v62 =	vld.idx.msk [tilespmem:v9+s14+$0x0], $0xffff;
	[tilespmem:s5+$0x10400] =	vst v14  }
0x56d: {  	v63 =	vld.idx.msk [tilespmem:v10+s13+$0x0], $0xffff;
	[tilespmem:s5+$0x14400] =	vst v7  }
0x56e: {  	v9 =	vld.idx.msk [tilespmem:v10+s14+$0x0], $0xffff;
	[tilespmem:s5+$0x10410] =	vst v15  }
0x56f: {  	v6 =	vld.idx.msk [tilespmem:v11+s13+$0x0], $0xffff;
	[tilespmem:s5+$0x14410] =	vst v8  }
0x570: {  	v10 =	vld.idx.msk [tilespmem:v12+s14+$0x0], $0xffff;
	[tilespmem:s5+$0x10420] =	vst v17  }
0x571: {  	v8 =	vld.idx.msk [tilespmem:v11+s14+$0x0], $0xffff;
	[tilespmem:s5+$0x10470] =	vst v16  }
0x572: {  	v7 =	vld.idx.msk [tilespmem:v12+s13+$0x0], $0xffff;
	[tilespmem:s5+$0x14420] =	vst v62  }
0x573: {  	s0 =	simm.s32 $0x0;
	s1 =	sadd.s32 $0x1000, s4;
	[tilespmem:s5+$0x10430] =	vst v63;
	v11 =	vld.idx.msk [tilespmem:v5+s13+$0x0], $0xffff  }
.LBB2_80:
0x574: {  	s23 =	sshra.s32 s1, $0x2;
	s0 =	sadd.s32 $0x80, s0;
	[tilespmem:s5+$0x14430] =	vst v9;
	v5 =	vld.idx.msk [tilespmem:v5+s14+$0x0], $0xffff  }
0x575: {  	v9 =	vld [tilespmem:s23+$0x4070];
	p1 =	slt.u32 s0, $0x380;
	[tilespmem:s5+$0x10440] =	vst v6  }
0x576: {  	v6 =	vld [tilespmem:s23+$0x4000];
	[tilespmem:s5+$0x14440] =	vst v8  }
0x577: {  	v8 =	vld [tilespmem:s23+$0x4010];
	[tilespmem:s5+$0x10450] =	vst v7  }
0x578: {  	v7 =	vld [tilespmem:s23+$0x4020];
	[tilespmem:s5+$0x14450] =	vst v10  }
0x579: {  	v10 =	vld [tilespmem:s23+$0x4030];
	[tilespmem:s5+$0x10460] =	vst v11  }
0x57a: {  	v11 =	vld [tilespmem:s23+$0x4040];
	[tilespmem:s5+$0x14460] =	vst v5;
	s5 =	smov.u32 s23  }
0x57b: {  	v12 =	vld [tilespmem:s5+$0x4050]  }
0x57c: {  	v5 =	vld [tilespmem:s5+$0x4060]  }
0x57d: {  	v13 =	vld.idx.msk [tilespmem:v9+s14+$0x0], $0xffff  }
0x57e: {  	v14 =	vld.idx.msk [tilespmem:v6+s13+$0x0], $0xffff  }
0x57f: {  	v6 =	vld.idx.msk [tilespmem:v6+s14+$0x0], $0xffff  }
0x580: {  	v15 =	vld.idx.msk [tilespmem:v8+s13+$0x0], $0xffff  }
0x581: {  	v8 =	vld.idx.msk [tilespmem:v8+s14+$0x0], $0xffff  }
0x582: {  	v16 =	vld.idx.msk [tilespmem:v7+s13+$0x0], $0xffff  }
0x583: {  	v17 =	vld.idx.msk [tilespmem:v9+s13+$0x0], $0xffff;
	[tilespmem:s5+$0x14470] =	vst v13  }
0x584: {  	[tilespmem:s5+$0x10400] =	vst v14;
	v13 =	vld.idx.msk [tilespmem:v7+s14+$0x0], $0xffff  }
0x585: {  	[tilespmem:s5+$0x14400] =	vst v6;
	v14 =	vld.idx.msk [tilespmem:v10+s13+$0x0], $0xffff  }
0x586: {  	[tilespmem:s5+$0x10410] =	vst v15;
	v9 =	vld.idx.msk [tilespmem:v10+s14+$0x0], $0xffff  }
.Ltmp39:
0x587: {  	[tilespmem:s5+$0x14410] =	vst v8;
	v6 =	vld.idx.msk [tilespmem:v11+s13+$0x0], $0xffff;
	(pc) =	sbr.rel @p1 .LBB2_80-.Ltmp39, $4  }
0x588: {  	[tilespmem:s5+$0x10420] =	vst v16;
	v8 =	vld.idx.msk [tilespmem:v11+s14+$0x0], $0xffff  }
0x589: {  	v7 =	vld.idx.msk [tilespmem:v12+s13+$0x0], $0xffff;
	[tilespmem:s5+$0x10470] =	vst v17  }
0x58a: {  	[tilespmem:s5+$0x14420] =	vst v13;
	v10 =	vld.idx.msk [tilespmem:v12+s14+$0x0], $0xffff  }
0x58b: {  	s1 =	sadd.s32 $0x1000, s1;
	[tilespmem:s5+$0x10430] =	vst v14;
	v11 =	vld.idx.msk [tilespmem:v5+s13+$0x0], $0xffff  }
0x58c: {  	_ =	sdelay $0x2  }
0x58d: {  	[tilespmem:s5+$0x14430] =	vst v9;
	s2 =	sadd.s32 $0x1, s2  }
0x58e: {  	v5 =	vld.idx.msk [tilespmem:v5+s14+$0x0], $0xffff;
	[tilespmem:s5+$0x10440] =	vst v6;
	p1 =	sne.s32 s2, $0x8  }
.Ltmp40:
0x58f: {  	[tilespmem:s5+$0x14440] =	vst v8;
	(pc) =	sbr.rel @p1 .LBB2_79-.Ltmp40, $4  }
0x590: {  	[tilespmem:s5+$0x10450] =	vst v7  }
0x591: {  	[tilespmem:s5+$0x14450] =	vst v10  }
0x592: {  	[tilespmem:s5+$0x10460] =	vst v11  }
0x593: {  	s4 =	sadd.s32 $0x200, s4;
	[tilespmem:s5+$0x14460] =	vst v5  }
0x594: {  	s1 =	rddreg [dreg:$0x1b]  }
0x595: {  	s4 =	simm.s32 $0x0;
	s0 =	sadd.s32 s11, s1  }
0x596: {  	[hbm4b:s0+s4] =	stream.linear.scatter [tilespmem:s8], [sflag:$0x1], $0x2000, $0x38;
	[tilespmem:$0x1A580] =	vst v63  }
0x597: {  	s30 =	sadd.s32 s3, s1  }
0x598: {  	[hbm4b:s30+s4] =	stream.linear.scatter [tilespmem:s20], [sflag:$0x1], $0x2000, $0x38;
	[tilespmem:$0x1A580] =	vst v63  }
0x599: {  	_ =	swait.ge [sflag:s29], $0x2000  }
0x59a: {  	[sflag:s29] =	ssyncset.done $0x0  }
0x59b: {  	[sflag:s29] =	ssyncadd.s32 $0xFFFFE000  }
0x59c: {  	_ =	swait.ge [sflag:s29], $0x2000  }
0x59d: {  	[sflag:s29] =	ssyncset.done $0x0  }
0x59e: {  	s2 =	simm.s32 $0x0;
	[sflag:s29] =	ssyncadd.s32 $0xFFFFE000  }
.LBB2_83:
0x59f: {  	s5 =	sshra.s32 s4, $0x2  }
0x5a0: {  	v6 =	vld [tilespmem:s5+$0x6070]  }
0x5a1: {  	v7 =	vld [tilespmem:s5+$0x6000]  }
0x5a2: {  	v8 =	vld [tilespmem:s5+$0x6010]  }
0x5a3: {  	v9 =	vld [tilespmem:s5+$0x6020]  }
0x5a4: {  	v10 =	vld [tilespmem:s5+$0x6030]  }
0x5a5: {  	v11 =	vld [tilespmem:s5+$0x6040]  }
0x5a6: {  	v12 =	vld [tilespmem:s5+$0x6050]  }
0x5a7: {  	v5 =	vld [tilespmem:s5+$0x6060]  }
0x5a8: {  	v13 =	vld.idx.msk [tilespmem:v6+s14+$0x0], $0xffff  }
0x5a9: {  	v14 =	vld.idx.msk [tilespmem:v7+s13+$0x0], $0xffff  }
0x5aa: {  	v7 =	vld.idx.msk [tilespmem:v7+s14+$0x0], $0xffff  }
0x5ab: {  	v15 =	vld.idx.msk [tilespmem:v8+s13+$0x0], $0xffff  }
0x5ac: {  	v8 =	vld.idx.msk [tilespmem:v8+s14+$0x0], $0xffff  }
0x5ad: {  	v16 =	vld.idx.msk [tilespmem:v6+s13+$0x0], $0xffff  }
0x5ae: {  	v17 =	vld.idx.msk [tilespmem:v9+s13+$0x0], $0xffff;
	[tilespmem:s5+$0x16470] =	vst v13  }
0x5af: {  	v62 =	vld.idx.msk [tilespmem:v9+s14+$0x0], $0xffff;
	[tilespmem:s5+$0x12400] =	vst v14  }
0x5b0: {  	v63 =	vld.idx.msk [tilespmem:v10+s13+$0x0], $0xffff;
	[tilespmem:s5+$0x16400] =	vst v7  }
0x5b1: {  	v9 =	vld.idx.msk [tilespmem:v10+s14+$0x0], $0xffff;
	[tilespmem:s5+$0x12410] =	vst v15  }
0x5b2: {  	v6 =	vld.idx.msk [tilespmem:v11+s13+$0x0], $0xffff;
	[tilespmem:s5+$0x16410] =	vst v8  }
0x5b3: {  	v10 =	vld.idx.msk [tilespmem:v12+s14+$0x0], $0xffff;
	[tilespmem:s5+$0x12420] =	vst v17  }
0x5b4: {  	v8 =	vld.idx.msk [tilespmem:v11+s14+$0x0], $0xffff;
	[tilespmem:s5+$0x12470] =	vst v16  }
0x5b5: {  	v7 =	vld.idx.msk [tilespmem:v12+s13+$0x0], $0xffff;
	[tilespmem:s5+$0x16420] =	vst v62  }
0x5b6: {  	s0 =	simm.s32 $0x0;
	s1 =	sadd.s32 $0x1000, s4;
	[tilespmem:s5+$0x12430] =	vst v63;
	v11 =	vld.idx.msk [tilespmem:v5+s13+$0x0], $0xffff  }
.LBB2_84:
0x5b7: {  	s23 =	sshra.s32 s1, $0x2;
	s0 =	sadd.s32 $0x80, s0;
	[tilespmem:s5+$0x16430] =	vst v9;
	v5 =	vld.idx.msk [tilespmem:v5+s14+$0x0], $0xffff  }
0x5b8: {  	v9 =	vld [tilespmem:s23+$0x6070];
	p1 =	slt.u32 s0, $0x380;
	[tilespmem:s5+$0x12440] =	vst v6  }
0x5b9: {  	v6 =	vld [tilespmem:s23+$0x6000];
	[tilespmem:s5+$0x16440] =	vst v8  }
0x5ba: {  	v8 =	vld [tilespmem:s23+$0x6010];
	[tilespmem:s5+$0x12450] =	vst v7  }
0x5bb: {  	v7 =	vld [tilespmem:s23+$0x6020];
	[tilespmem:s5+$0x16450] =	vst v10  }
0x5bc: {  	v10 =	vld [tilespmem:s23+$0x6030];
	[tilespmem:s5+$0x12460] =	vst v11  }
0x5bd: {  	v11 =	vld [tilespmem:s23+$0x6040];
	[tilespmem:s5+$0x16460] =	vst v5;
	s5 =	smov.u32 s23  }
0x5be: {  	v12 =	vld [tilespmem:s5+$0x6050]  }
0x5bf: {  	v5 =	vld [tilespmem:s5+$0x6060]  }
0x5c0: {  	v13 =	vld.idx.msk [tilespmem:v9+s14+$0x0], $0xffff  }
0x5c1: {  	v14 =	vld.idx.msk [tilespmem:v6+s13+$0x0], $0xffff  }
0x5c2: {  	v6 =	vld.idx.msk [tilespmem:v6+s14+$0x0], $0xffff  }
0x5c3: {  	v15 =	vld.idx.msk [tilespmem:v8+s13+$0x0], $0xffff  }
0x5c4: {  	v8 =	vld.idx.msk [tilespmem:v8+s14+$0x0], $0xffff  }
0x5c5: {  	v16 =	vld.idx.msk [tilespmem:v7+s13+$0x0], $0xffff  }
0x5c6: {  	v17 =	vld.idx.msk [tilespmem:v9+s13+$0x0], $0xffff;
	[tilespmem:s5+$0x16470] =	vst v13  }
0x5c7: {  	[tilespmem:s5+$0x12400] =	vst v14;
	v13 =	vld.idx.msk [tilespmem:v7+s14+$0x0], $0xffff  }
0x5c8: {  	[tilespmem:s5+$0x16400] =	vst v6;
	v14 =	vld.idx.msk [tilespmem:v10+s13+$0x0], $0xffff  }
0x5c9: {  	[tilespmem:s5+$0x12410] =	vst v15;
	v9 =	vld.idx.msk [tilespmem:v10+s14+$0x0], $0xffff  }
.Ltmp41:
0x5ca: {  	[tilespmem:s5+$0x16410] =	vst v8;
	v6 =	vld.idx.msk [tilespmem:v11+s13+$0x0], $0xffff;
	(pc) =	sbr.rel @p1 .LBB2_84-.Ltmp41, $4  }
0x5cb: {  	[tilespmem:s5+$0x12420] =	vst v16;
	v8 =	vld.idx.msk [tilespmem:v11+s14+$0x0], $0xffff  }
0x5cc: {  	v7 =	vld.idx.msk [tilespmem:v12+s13+$0x0], $0xffff;
	[tilespmem:s5+$0x12470] =	vst v17  }
0x5cd: {  	[tilespmem:s5+$0x16420] =	vst v13;
	v10 =	vld.idx.msk [tilespmem:v12+s14+$0x0], $0xffff  }
0x5ce: {  	s1 =	sadd.s32 $0x1000, s1;
	[tilespmem:s5+$0x12430] =	vst v14;
	v11 =	vld.idx.msk [tilespmem:v5+s13+$0x0], $0xffff  }
0x5cf: {  	_ =	sdelay $0x2  }
0x5d0: {  	[tilespmem:s5+$0x16430] =	vst v9;
	s2 =	sadd.s32 $0x1, s2  }
0x5d1: {  	v5 =	vld.idx.msk [tilespmem:v5+s14+$0x0], $0xffff;
	[tilespmem:s5+$0x12440] =	vst v6;
	p1 =	sne.s32 s2, $0x8  }
.Ltmp42:
0x5d2: {  	[tilespmem:s5+$0x16440] =	vst v8;
	(pc) =	sbr.rel @p1 .LBB2_83-.Ltmp42, $4  }
0x5d3: {  	[tilespmem:s5+$0x12450] =	vst v7  }
0x5d4: {  	[tilespmem:s5+$0x16450] =	vst v10  }
0x5d5: {  	[tilespmem:s5+$0x12460] =	vst v11  }
0x5d6: {  	s4 =	sadd.s32 $0x200, s4;
	[tilespmem:s5+$0x16460] =	vst v5  }
0x5d7: {  	s2 =	rddreg [dreg:$0x1c]  }
0x5d8: {  	s1 =	simm.s32 $0x0;
	s0 =	sadd.s32 s11, s2  }
0x5d9: {  	[hbm4b:s0+s1] =	stream.linear.scatter [tilespmem:s15], [sflag:$0x2], $0x2000, $0x38;
	[tilespmem:$0x1A580] =	vst v63  }
0x5da: {  	s30 =	sadd.s32 s3, s2  }
0x5db: {  	[hbm4b:s30+s1] =	stream.linear.scatter [tilespmem:s16], [sflag:$0x2], $0x2000, $0x38;
	[tilespmem:$0x1A580] =	vst v63  }
0x5dc: {  	_ =	swait.ge [sflag:s9], $0x2000  }
0x5dd: {  	[sflag:s9] =	ssyncset.done $0x0  }
0x5de: {  	[sflag:s9] =	ssyncadd.s32 $0xFFFFE000  }
0x5df: {  	_ =	swait.ge [sflag:s9], $0x2000  }
0x5e0: {  	[sflag:s9] =	ssyncset.done $0x0  }
0x5e1: {  	s25 =	sadd.s32 $0x1, s25;
	[sflag:s9] =	ssyncadd.s32 $0xFFFFE000  }
0x5e2: {  	p1 =	sne.s32 s25, $0x8;
	_ =	swait.ge [sflag:s29], $0x2000  }
.Ltmp43:
0x5e3: {  	[sflag:s29] =	ssyncset.done $0x0;
	(pc) =	sbr.rel @p1 .LBB2_54-.Ltmp43, $4  }
0x5e4: {  	[sflag:s29] =	ssyncadd.s32 $0xFFFFE000  }
0x5e5: {  	_ =	swait.ge [sflag:s29], $0x2000  }
0x5e6: {  	[sflag:s29] =	ssyncset.done $0x0  }
0x5e7: {  	[sflag:s29] =	ssyncadd.s32 $0xFFFFE000  }
0x5e8: {  	_ =	swait.ge [sflag:s17], $0x2000  }
0x5e9: {  	[sflag:s17] =	ssyncset.done $0x0  }
0x5ea: {  	[sflag:s17] =	ssyncadd.s32 $0xFFFFE000  }
0x5eb: {  	_ =	swait.ge [sflag:s17], $0x2000  }
0x5ec: {  	s1 =	rddreg [dreg:$0x1d]  }
0x5ed: {  	s0 =	rddreg [dreg:$0x15];
	s1 =	sadd.s32 $0x1, s1  }
0x5ee: {  	p1 =	sne.s32 s1, s0  }
.Ltmp44:
0x5ef: {  	_ = 	snop;
	(pc) =	sbr.rel @p1 .LBB2_1-.Ltmp44, $3  }
0x5f0: {  	_ =	sdelay $0x1  }
0x5f1: {  	s23 =	simm.s32 $0xE100;
	[sflag:s17] =	ssyncset.done $0x0  }
0x5f2: {  	s24 =	simm.s32 $0xE200;
	s25 =	simm.s32 $0x18400;
	[sflag:s17] =	ssyncadd.s32 $0xFFFFE000  }
0x5f3: {  	_ =	sfence.sel $0x180000  }
0x5f4: {  	[bflag:$0x0] =	sbarrier.arrive $0xFFFF  }
0x5f5: {  	_ =	strace $0x90000047  }
0x5f6: {  	s0 =	stileid.u32;
	[bflag:$0x2] =	sbarrier.arrive $0xFFFF  }
0x5f7: {  	p0 =	sne.s32 s0, $0x0;
	s0 =	rddreg [dreg:$0x3]  }
0x5f8: {  	s0 =	sadd.s32 @!p0 $0x100000, s0  }
0x5f9: {  	[sflag:s0] =	ssyncadd.tile.s32 @!p0 $0x1;
	_ =	shalt  }
.Lfunc_end2:
_tile_overlayer_lowered:
.L_overlay_start_2:
0x5fa: {  	(tag) =	ssettag $0x2  }
0x5fb: {  	s0 =	rddreg [dreg:$0x0];
	s2 =	stileid.u32  }
0x5fc: {  	s1 =	rddreg [dreg:$0x1];
	p0 =	sne.s32 s2, $0x0  }
0x5fd: {  	s3 =	rddreg [dreg:$0x2];
	[bflag:$0x3] =	sbarrier.arrive $0xFFFF;
	s2 =	simm.s32 @!p0 $0x1C05  }
0x5fe: {  	[timem:s3], [sflag:s2] =	dma.local @!p0 [hbm:s0], s1  }
0x5ff: {  	s0 =	simm.s32 @!p0 $0x5  }
0x600: {  	_ =	swait.ge @!p0 [sflag:s0], s1  }
0x601: {  	s1 =	ssub.s32 @!p0 $0x0, s1;
	[sflag:s0] =	ssyncset.done @!p0 $0x0  }
0x602: {  	[sflag:s0] =	ssyncadd.s32 @!p0 s1  }
0x603: {  	[bflag:$0x3] =	sbarrier.arrive $0xFFFF  }
0x604: {  	_ =	shalt  }

</sc_bundles>
